<compile_context>
chip_gen: v7x
topology: tpu7x:2x2x1
jax: 0.10.2.dev20260603
libtpu: 0.0.44.dev20260713+nightly
codegen_flags: <defaults>
</compile_context>

<pallas_src>
import functools

import jax
import jax.numpy as jnp
from jax import lax
from jax.experimental import pallas as pl
from jax.experimental.pallas import tpu as pltpu
from jax.experimental.pallas import tpu_sc as plsc

N = 10000
E = 320000
C = 128
K = 16
WF = 4 * C

NC = 2
NS = 16
NW = NC * NS
CH = 80
EPW = E // NW
NCHUNK = EPW // CH
N2 = 10240
RPT = N2 // NS
ZB = 16

_LANES = C // 16


def _edge_kernel(kernel_basis, Wk, row_off, rows):
    eb = 16000
    off_blk = row_off // eb

    def body(a_ref, w_ref, o_ref):
        o_ref[...] = jnp.dot(a_ref[...], w_ref[...],
                             preferred_element_type=jnp.float32)

    return pl.pallas_call(
        body,
        grid=(rows // eb,),
        in_specs=[
            pl.BlockSpec((eb, K), lambda i: (i + off_blk, 0)),
            pl.BlockSpec((K, C), lambda i: (0, 0)),
        ],
        out_specs=pl.BlockSpec((eb, C), lambda i: (i, 0)),
        out_shape=jax.ShapeDtypeStruct((rows, C), jnp.float32),
    )(kernel_basis, Wk.T)


def _sc_segment(x, kern_half, eidx_flat, ebase, epw, nchunk):
    mesh = plsc.VectorSubcoreMesh(core_axis_name="c", subcore_axis_name="s")

    @functools.partial(
        pl.kernel,
        out_type=jax.ShapeDtypeStruct((NC, N2, C), jnp.float32),
        mesh=mesh,
        scratch_types=[
            pltpu.VMEM((4, CH), jnp.int32),
            pltpu.VMEM((4, CH), jnp.int32),
            pltpu.VMEM((2, CH, C), jnp.float32),
            pltpu.VMEM((2, CH, C), jnp.float32),
            pltpu.VMEM((ZB, C), jnp.float32),
            pltpu.VMEM_SHARED((N2, C), jnp.float32),
            pltpu.SemaphoreType.DMA((4,)),
            pltpu.SemaphoreType.DMA((2,)),
            pltpu.SemaphoreType.DMA((2,)),
            pltpu.SemaphoreType.DMA((2,)),
        ],
    )
    def sc(x_hbm, kern_hbm, eidx_hbm, out_hbm,
           src_v, dst_v, xs_v, kern_v, zero_v, acc_sh,
           sem_i, sem_k, sem_g, sem_s):
        cid = lax.axis_index("c")
        sid = lax.axis_index("s")
        wid = sid * NC + cid
        e0 = wid * epw
        s0 = ebase + e0
        d0 = E + ebase + e0

        z16 = jnp.zeros((16,), jnp.float32)
        for i in range(ZB):
            for c in range(_LANES):
                zero_v[i, pl.ds(c * 16, 16)] = z16
        for r in range(RPT // ZB):
            pltpu.sync_copy(zero_v, acc_sh.at[pl.ds(sid * RPT + r * ZB, ZB)])
        plsc.subcore_barrier()

        def issue_idx(t, ib):
            pltpu.async_copy(eidx_hbm.at[pl.ds(s0 + t * CH, CH)],
                             src_v.at[ib], sem_i.at[ib])
            pltpu.async_copy(eidx_hbm.at[pl.ds(d0 + t * CH, CH)],
                             dst_v.at[ib], sem_i.at[ib])

        def wait_idx(t, ib):
            pltpu.make_async_copy(eidx_hbm.at[pl.ds(s0 + t * CH, CH)],
                                  src_v.at[ib], sem_i.at[ib]).wait()
            pltpu.make_async_copy(eidx_hbm.at[pl.ds(d0 + t * CH, CH)],
                                  dst_v.at[ib], sem_i.at[ib]).wait()

        def issue_kern(t, b):
            pltpu.async_copy(kern_hbm.at[pl.ds(e0 + t * CH, CH)],
                             kern_v.at[b], sem_k.at[b])

        def wait_kern(t, b):
            pltpu.make_async_copy(kern_hbm.at[pl.ds(e0 + t * CH, CH)],
                                  kern_v.at[b], sem_k.at[b]).wait()

        def issue_gather(b, ib):
            pltpu.async_copy(x_hbm.at[src_v.at[ib]], xs_v.at[b], sem_g.at[b])

        def wait_gather(b, ib):
            pltpu.make_async_copy(x_hbm.at[src_v.at[ib]], xs_v.at[b],
                                  sem_g.at[b]).wait()

        def issue_scatter(b, ib):
            pltpu.async_copy(xs_v.at[b], acc_sh.at[dst_v.at[ib]],
                             sem_s.at[b], add=True)

        def wait_scatter(b, ib):
            pltpu.make_async_copy(xs_v.at[b], acc_sh.at[dst_v.at[ib]],
                                  sem_s.at[b]).wait()

        for t in (0, 1):
            issue_idx(t, t)
            issue_kern(t, t)
        wait_idx(0, 0)
        issue_gather(0, 0)

        def chunk(j, carry):
            b = lax.rem(j, 2)
            ib = lax.rem(j, 4)
            bn = lax.rem(j + 1, 2)
            ibn = lax.rem(j + 1, 4)

            @pl.when(j + 2 < nchunk)
            def _():
                issue_idx(j + 2, lax.rem(j + 2, 4))

            @pl.when(j + 1 < nchunk)
            def _():
                wait_idx(j + 1, ibn)

                @pl.when(j >= 1)
                def _():
                    wait_scatter(bn, lax.rem(j + 3, 4))

                issue_gather(bn, ibn)

            wait_kern(j, b)
            wait_gather(b, ib)

            @plsc.parallel_loop(0, CH, 1, unroll=4)
            def erow(e):
                for c in range(_LANES):
                    sl = pl.ds(c * 16, 16)
                    xs_v[b, e, sl] = xs_v[b, e, sl] * kern_v[b, e, sl]

            @pl.when(j + 2 < nchunk)
            def _():
                issue_kern(j + 2, b)

            issue_scatter(b, ib)
            return carry

        lax.fori_loop(0, nchunk, chunk, 0)
        for t in (nchunk - 2, nchunk - 1):
            wait_scatter(t % 2, t % 4)
        plsc.subcore_barrier()

        for r in range(RPT // ZB):
            off = sid * RPT + r * ZB
            pltpu.sync_copy(acc_sh.at[pl.ds(off, ZB)],
                            out_hbm.at[cid, pl.ds(off, ZB)])

    return sc(x, kern_half, eidx_flat)


def _ln_mlp(partials, x, conv_bias, ln_g, ln_b, W1T, b1, W2T, b2, layer_scale):
    nb = 2000

    def body(p_ref, x_ref, cb_ref, g_ref, b_ref, w1_ref, b1_ref,
             w2_ref, b2_ref, ls_ref, o_ref):
        x1 = p_ref[0] + p_ref[1] + cb_ref[...]
        mu = jnp.mean(x1, axis=-1, keepdims=True)
        xc = x1 - mu
        var = jnp.mean(xc * xc, axis=-1, keepdims=True)
        h = xc * lax.rsqrt(var + 1e-5) * g_ref[...] + b_ref[...]
        a = jnp.dot(h, w1_ref[...], preferred_element_type=jnp.float32)
        a = a + b1_ref[...]
        a = 0.5 * a * (1.0 + lax.erf(a * 0.7071067811865476))
        o = jnp.dot(a, w2_ref[...], preferred_element_type=jnp.float32)
        o = o + b2_ref[...]
        o_ref[...] = ls_ref[...] * o + x_ref[...]

    part_spec = pl.BlockSpec((NC, nb, C), lambda i: (0, i, 0))
    return pl.pallas_call(
        body,
        grid=(N // nb,),
        in_specs=[
            part_spec,
            pl.BlockSpec((nb, C), lambda i: (i, 0)),
            pl.BlockSpec((1, C), lambda i: (0, 0)),
            pl.BlockSpec((1, C), lambda i: (0, 0)),
            pl.BlockSpec((1, C), lambda i: (0, 0)),
            pl.BlockSpec((C, WF), lambda i: (0, 0)),
            pl.BlockSpec((1, WF), lambda i: (0, 0)),
            pl.BlockSpec((WF, C), lambda i: (0, 0)),
            pl.BlockSpec((1, C), lambda i: (0, 0)),
            pl.BlockSpec((1, C), lambda i: (0, 0)),
        ],
        out_specs=pl.BlockSpec((nb, C), lambda i: (i, 0)),
        out_shape=jax.ShapeDtypeStruct((N, C), jnp.float32),
    )(partials, x, conv_bias.reshape(1, C), ln_g.reshape(1, C),
      ln_b.reshape(1, C), W1T, b1.reshape(1, WF), W2T, b2.reshape(1, C),
      layer_scale.reshape(1, C))


def kernel(x, kernel_basis, fiber_kernel_basis, edge_index, Wk, conv_bias,
           ln_g, ln_b, W1, b1, W2, b2, layer_scale):
    eidx_flat = edge_index.reshape(2 * E)
    kern_full = _edge_kernel(kernel_basis, Wk, 0, E)
    partials = _sc_segment(x, kern_full, eidx_flat, 0, EPW, NCHUNK)
    return _ln_mlp(partials, x, conv_bias, ln_g, ln_b,
                   W1.T, b1, W2.T, b2, layer_scale)

# --- scband reference (transcript-rebuilt; emitter-appended) ---
"""Pipeline reference for scband-conv-next-85667417686339 (READ-ONLY COPY).

The authoritative reference and input builder live on the scoring server;
editing this copy changes nothing except your own understanding.
"""

import jax, jax.numpy as jnp
import numpy as np

N, E, C, K = 10000, 320000, 128, 16
WF = 4 * C

def setup_inputs(seed: int = 0) -> dict:
    key = jax.random.key(seed)
    ks = jax.random.split(key, 8)
    x = jax.random.normal(ks[0], (N, C), dtype=jnp.float32)
    kernel_basis = jax.random.normal(ks[1], (E, K), dtype=jnp.float32)
    fiber_kernel_basis = jnp.zeros((1, 1), dtype=jnp.float32)
    edge_index = jax.random.randint(ks[2], (2, E), 0, N, dtype=jnp.int32)
    # learned params
    Wk = jax.random.normal(ks[3], (C, K), dtype=jnp.float32) * (1.0 / np.sqrt(K))  # Conv.kernel (depthwise: out = C)
    conv_bias = jnp.zeros((C,), dtype=jnp.float32)
    ln_g = jnp.ones((C,), dtype=jnp.float32)
    ln_b = jnp.zeros((C,), dtype=jnp.float32)
    W1 = jax.random.normal(ks[4], (WF, C), dtype=jnp.float32) * (1.0 / np.sqrt(C))
    b1 = jnp.zeros((WF,), dtype=jnp.float32)
    W2 = jax.random.normal(ks[5], (C, WF), dtype=jnp.float32) * (1.0 / np.sqrt(WF))
    b2 = jnp.zeros((C,), dtype=jnp.float32)
    layer_scale = jnp.ones((C,), dtype=jnp.float32) * 1e-06
    return {"x": x, "kernel_basis": kernel_basis, "fiber_kernel_basis": fiber_kernel_basis,
            "edge_index": edge_index, "Wk": Wk, "conv_bias": conv_bias, "ln_g": ln_g, "ln_b": ln_b,
            "W1": W1, "b1": b1, "W2": W2, "b2": b2, "layer_scale": layer_scale}

def reference(x, kernel_basis, fiber_kernel_basis, edge_index, Wk, conv_bias, ln_g, ln_b, W1, b1, W2, b2, layer_scale):
    src = edge_index[0]
    dst = edge_index[1]
    # Conv (depthwise, edge_attr=None, add_attr=False, eval mode so no calibration)
    x_s = jnp.take(x, src, axis=0)                      # gather [E, C]
    kernel = kernel_basis @ Wk.T                        # [E, C]
    message = x_s * kernel                              # depthwise multiply
    num_seg = x.shape[0]                                # dim_size: indices drawn in [0, N)
    x1 = jax.ops.segment_sum(message, dst, num_segments=num_seg)
    x1 = x1 + conv_bias
    # LayerNorm (eps=1e-5, biased variance like torch)
    mu = jnp.mean(x1, axis=-1, keepdims=True)
    var = jnp.var(x1, axis=-1, keepdims=True)
    h = (x1 - mu) / jnp.sqrt(var + 1e-5) * ln_g + ln_b
    # MLP
    h = h @ W1.T + b1
    h = jax.nn.gelu(h, approximate=False)
    h = h @ W2.T + b2
    h = layer_scale * h
    if h.shape == x.shape:
        h = h + x
    return h

if __name__ == "__main__":
    import jax
    _d = setup_inputs()
    print(jax.jit(kernel)(*tuple(_d.values())))

</pallas_src>

<mosaic_0001>
#map = affine_map<(d0, d1) -> (0, 0)>
#map1 = affine_map<(d0, d1) -> (0)>
#map2 = affine_map<(d0, d1) -> (0, 0, 0)>
module attributes {stable_mosaic.version = 14 : i64} {
  func.func @sc(%arg0: i32, %arg1: i32, %arg2: memref<10000x128xf32, #tpu.memory_space<hbm>>, %arg3: memref<320000x128xf32, #tpu.memory_space<hbm>>, %arg4: memref<640000xi32, #tpu.memory_space<hbm>>, %arg5: memref<2x10240x128xf32, #tpu.memory_space<hbm>>, %arg6: memref<4x80xi32, #tpu.memory_space<vmem>>, %arg7: memref<4x80xi32, #tpu.memory_space<vmem>>, %arg8: memref<2x80x128xf32, #tpu.memory_space<vmem>>, %arg9: memref<2x80x128xf32, #tpu.memory_space<vmem>>, %arg10: memref<16x128xf32, #tpu.memory_space<vmem>>, %arg11: memref<10240x128xf32, #tpu.memory_space<vmem_shared>>, %arg12: memref<4x!tpu.dma_semaphore, #tpu.memory_space<semaphore_mem>>, %arg13: memref<2x!tpu.dma_semaphore, #tpu.memory_space<semaphore_mem>>, %arg14: memref<2x!tpu.dma_semaphore, #tpu.memory_space<semaphore_mem>>, %arg15: memref<2x!tpu.dma_semaphore, #tpu.memory_space<semaphore_mem>>) attributes {dimension_semantics = [#tpu.dimension_semantics<core_parallel>, #tpu.dimension_semantics<subcore_parallel>], iteration_bounds = array<i64: 2, 16>, scalar_prefetch = 0 : i64, scratch_operands = 10 : i64, tpu.core_type = #tpu.core_type<sc_vector_subcore>, window_params = [{transform_indices = #map}, {transform_indices = #map}, {transform_indices = #map1}, {transform_indices = #map2}]} {
    %mul3A = arith.constant 2 : i32
    %mul3A_0 = arith.muli %arg1, %mul3A : i32
    %add3A = arith.addi %mul3A_0, %arg0 : i32
    %mul3A_1 = arith.constant 10000 : i32
    %mul3A_2 = arith.muli %add3A, %mul3A_1 : i32
    %add3A_3 = arith.constant 0 : i32
    %add3A_4 = arith.addi %add3A_3, %mul3A_2 : i32
    %add3A_5 = arith.constant 320000 : i32
    %add3A_6 = arith.addi %add3A_5, %mul3A_2 : i32
    %broadcast_in_dim3A = arith.constant 0.000000e+00 : f32
    %broadcast_in_dim3A_7 = vector.broadcast %broadcast_in_dim3A : f32 to vector<16xf32>
    %swap3A = arith.constant 0 : i32
    %swap3A_8 = arith.index_cast %swap3A : i32 to index
    %swap3A_9 = arith.constant 0 : index
    %swap3A_10 = tpu.vector_load %arg10[%swap3A_8, %swap3A_9] {strides = array<i32>} : memref<16x128xf32, #tpu.memory_space<vmem>>, vector<1x16xf32>,
    %swap3A_11 = vector.shape_cast %swap3A_10 : vector<1x16xf32> to vector<16xf32>
    %swap3A_12 = vector.shape_cast %broadcast_in_dim3A_7 : vector<16xf32> to vector<1x16xf32>
    tpu.vector_store %arg10[%swap3A_8, %swap3A_9], %swap3A_12 {strides = array<i32>} : memref<16x128xf32, #tpu.memory_space<vmem>>, vector<1x16xf32>,
    %swap3A_13 = arith.constant 0 : i32
    %swap3A_14 = arith.index_cast %swap3A_13 : i32 to index
    %swap3A_15 = arith.constant 16 : index
    %swap3A_16 = tpu.vector_load %arg10[%swap3A_14, %swap3A_15] {strides = array<i32>} : memref<16x128xf32, #tpu.memory_space<vmem>>, vector<1x16xf32>,
    %swap3A_17 = vector.shape_cast %swap3A_16 : vector<1x16xf32> to vector<16xf32>
    %swap3A_18 = vector.shape_cast %broadcast_in_dim3A_7 : vector<16xf32> to vector<1x16xf32>
    tpu.vector_store %arg10[%swap3A_14, %swap3A_15], %swap3A_18 {strides = array<i32>} : memref<16x128xf32, #tpu.memory_space<vmem>>, vector<1x16xf32>,
    %swap3A_19 = arith.constant 0 : i32
    %swap3A_20 = arith.index_cast %swap3A_19 : i32 to index
    %swap3A_21 = arith.constant 32 : index
    %swap3A_22 = tpu.vector_load %arg10[%swap3A_20, %swap3A_21] {strides = array<i32>} : memref<16x128xf32, #tpu.memory_space<vmem>>, vector<1x16xf32>,
    %swap3A_23 = vector.shape_cast %swap3A_22 : vector<1x16xf32> to vector<16xf32>
    %swap3A_24 = vector.shape_cast %broadcast_in_dim3A_7 : vector<16xf32> to vector<1x16xf32>
    tpu.vector_store %arg10[%swap3A_20, %swap3A_21], %swap3A_24 {strides = array<i32>} : memref<16x128xf32, #tpu.memory_space<vmem>>, vector<1x16xf32>,
    %swap3A_25 = arith.constant 0 : i32
    %swap3A_26 = arith.index_cast %swap3A_25 : i32 to index
    %swap3A_27 = arith.constant 48 : index
    %swap3A_28 = tpu.vector_load %arg10[%swap3A_26, %swap3A_27] {strides = array<i32>} : memref<16x128xf32, #tpu.memory_space<vmem>>, vector<1x16xf32>,
    %swap3A_29 = vector.shape_cast %swap3A_28 : vector<1x16xf32> to vector<16xf32>
    %swap3A_30 = vector.shape_cast %broadcast_in_dim3A_7 : vector<16xf32> to vector<1x16xf32>
    tpu.vector_store %arg10[%swap3A_26, %swap3A_27], %swap3A_30 {strides = array<i32>} : memref<16x128xf32, #tpu.memory_space<vmem>>, vector<1x16xf32>,
    %swap3A_31 = arith.constant 0 : i32
    %swap3A_32 = arith.index_cast %swap3A_31 : i32 to index
    %swap3A_33 = arith.constant 64 : index
    %swap3A_34 = tpu.vector_load %arg10[%swap3A_32, %swap3A_33] {strides = array<i32>} : memref<16x128xf32, #tpu.memory_space<vmem>>, vector<1x16xf32>,
    %swap3A_35 = vector.shape_cast %swap3A_34 : vector<1x16xf32> to vector<16xf32>
    %swap3A_36 = vector.shape_cast %broadcast_in_dim3A_7 : vector<16xf32> to vector<1x16xf32>
    tpu.vector_store %arg10[%swap3A_32, %swap3A_33], %swap3A_36 {strides = array<i32>} : memref<16x128xf32, #tpu.memory_space<vmem>>, vector<1x16xf32>,
    %swap3A_37 = arith.constant 0 : i32
    %swap3A_38 = arith.index_cast %swap3A_37 : i32 to index
    %swap3A_39 = arith.constant 80 : index
    %swap3A_40 = tpu.vector_load %arg10[%swap3A_38, %swap3A_39] {strides = array<i32>} : memref<16x128xf32, #tpu.memory_space<vmem>>, vector<1x16xf32>,
    %swap3A_41 = vector.shape_cast %swap3A_40 : vector<1x16xf32> to vector<16xf32>
    %swap3A_42 = vector.shape_cast %broadcast_in_dim3A_7 : vector<16xf32> to vector<1x16xf32>
    tpu.vector_store %arg10[%swap3A_38, %swap3A_39], %swap3A_42 {strides = array<i32>} : memref<16x128xf32, #tpu.memory_space<vmem>>, vector<1x16xf32>,
    %swap3A_43 = arith.constant 0 : i32
    %swap3A_44 = arith.index_cast %swap3A_43 : i32 to index
    %swap3A_45 = arith.constant 96 : index
    %swap3A_46 = tpu.vector_load %arg10[%swap3A_44, %swap3A_45] {strides = array<i32>} : memref<16x128xf32, #tpu.memory_space<vmem>>, vector<1x16xf32>,
    %swap3A_47 = vector.shape_cast %swap3A_46 : vector<1x16xf32> to vector<16xf32>
    %swap3A_48 = vector.shape_cast %broadcast_in_dim3A_7 : vector<16xf32> to vector<1x16xf32>
    tpu.vector_store %arg10[%swap3A_44, %swap3A_45], %swap3A_48 {strides = array<i32>} : memref<16x128xf32, #tpu.memory_space<vmem>>, vector<1x16xf32>,
    %swap3A_49 = arith.constant 0 : i32
    %swap3A_50 = arith.index_cast %swap3A_49 : i32 to index
    %swap3A_51 = arith.constant 112 : index
    %swap3A_52 = tpu.vector_load %arg10[%swap3A_50, %swap3A_51] {strides = array<i32>} : memref<16x128xf32, #tpu.memory_space<vmem>>, vector<1x16xf32>,
    %swap3A_53 = vector.shape_cast %swap3A_52 : vector<1x16xf32> to vector<16xf32>
    %swap3A_54 = vector.shape_cast %broadcast_in_dim3A_7 : vector<16xf32> to vector<1x16xf32>
    tpu.vector_store %arg10[%swap3A_50, %swap3A_51], %swap3A_54 {strides = array<i32>} : memref<16x128xf32, #tpu.memory_space<vmem>>, vector<1x16xf32>,
    %swap3A_55 = arith.constant 1 : i32
    %swap3A_56 = arith.index_cast %swap3A_55 : i32 to index
    %swap3A_57 = arith.constant 0 : index
    %swap3A_58 = tpu.vector_load %arg10[%swap3A_56, %swap3A_57] {strides = array<i32>} : memref<16x128xf32, #tpu.memory_space<vmem>>, vector<1x16xf32>,
    %swap3A_59 = vector.shape_cast %swap3A_58 : vector<1x16xf32> to vector<16xf32>
    %swap3A_60 = vector.shape_cast %broadcast_in_dim3A_7 : vector<16xf32> to vector<1x16xf32>
    tpu.vector_store %arg10[%swap3A_56, %swap3A_57], %swap3A_60 {strides = array<i32>} : memref<16x128xf32, #tpu.memory_space<vmem>>, vector<1x16xf32>,
    %swap3A_61 = arith.constant 1 : i32
    %swap3A_62 = arith.index_cast %swap3A_61 : i32 to index
    %swap3A_63 = arith.constant 16 : index
    %swap3A_64 = tpu.vector_load %arg10[%swap3A_62, %swap3A_63] {strides = array<i32>} : memref<16x128xf32, #tpu.memory_space<vmem>>, vector<1x16xf32>,
    %swap3A_65 = vector.shape_cast %swap3A_64 : vector<1x16xf32> to vector<16xf32>
    %swap3A_66 = vector.shape_cast %broadcast_in_dim3A_7 : vector<16xf32> to vector<1x16xf32>
    tpu.vector_store %arg10[%swap3A_62, %swap3A_63], %swap3A_66 {strides = array<i32>} : memref<16x128xf32, #tpu.memory_space<vmem>>, vector<1x16xf32>,
    %swap3A_67 = arith.constant 1 : i32
    %swap3A_68 = arith.index_cast %swap3A_67 : i32 to index
    %swap3A_69 = arith.constant 32 : index
    %swap3A_70 = tpu.vector_load %arg10[%swap3A_68, %swap3A_69] {strides = array<i32>} : memref<16x128xf32, #tpu.memory_space<vmem>>, vector<1x16xf32>,
    %swap3A_71 = vector.shape_cast %swap3A_70 : vector<1x16xf32> to vector<16xf32>
    %swap3A_72 = vector.shape_cast %broadcast_in_dim3A_7 : vector<16xf32> to vector<1x16xf32>
    tpu.vector_store %arg10[%swap3A_68, %swap3A_69], %swap3A_72 {strides = array<i32>} : memref<16x128xf32, #tpu.memory_space<vmem>>, vector<1x16xf32>,
    %swap3A_73 = arith.constant 1 : i32
    %swap3A_74 = arith.index_cast %swap3A_73 : i32 to index
    %swap3A_75 = arith.constant 48 : index
    %swap3A_76 = tpu.vector_load %arg10[%swap3A_74, %swap3A_75] {strides = array<i32>} : memref<16x128xf32, #tpu.memory_space<vmem>>, vector<1x16xf32>,
    %swap3A_77 = vector.shape_cast %swap3A_76 : vector<1x16xf32> to vector<16xf32>
    %swap3A_78 = vector.shape_cast %broadcast_in_dim3A_7 : vector<16xf32> to vector<1x16xf32>
    tpu.vector_store %arg10[%swap3A_74, %swap3A_75], %swap3A_78 {strides = array<i32>} : memref<16x128xf32, #tpu.memory_space<vmem>>, vector<1x16xf32>,
    %swap3A_79 = arith.constant 1 : i32
    %swap3A_80 = arith.index_cast %swap3A_79 : i32 to index
    %swap3A_81 = arith.constant 64 : index
    %swap3A_82 = tpu.vector_load %arg10[%swap3A_80, %swap3A_81] {strides = array<i32>} : memref<16x128xf32, #tpu.memory_space<vmem>>, vector<1x16xf32>,
    %swap3A_83 = vector.shape_cast %swap3A_82 : vector<1x16xf32> to vector<16xf32>
    %swap3A_84 = vector.shape_cast %broadcast_in_dim3A_7 : vector<16xf32> to vector<1x16xf32>
    tpu.vector_store %arg10[%swap3A_80, %swap3A_81], %swap3A_84 {strides = array<i32>} : memref<16x128xf32, #tpu.memory_space<vmem>>, vector<1x16xf32>,
    %swap3A_85 = arith.constant 1 : i32
    %swap3A_86 = arith.index_cast %swap3A_85 : i32 to index
    %swap3A_87 = arith.constant 80 : index
    %swap3A_88 = tpu.vector_load %arg10[%swap3A_86, %swap3A_87] {strides = array<i32>} : memref<16x128xf32, #tpu.memory_space<vmem>>, vector<1x16xf32>,
    %swap3A_89 = vector.shape_cast %swap3A_88 : vector<1x16xf32> to vector<16xf32>
    %swap3A_90 = vector.shape_cast %broadcast_in_dim3A_7 : vector<16xf32> to vector<1x16xf32>
    tpu.vector_store %arg10[%swap3A_86, %swap3A_87], %swap3A_90 {strides = array<i32>} : memref<16x128xf32, #tpu.memory_space<vmem>>, vector<1x16xf32>,
    %swap3A_91 = arith.constant 1 : i32
    %swap3A_92 = arith.index_cast %swap3A_91 : i32 to index
    %swap3A_93 = arith.constant 96 : index
    %swap3A_94 = tpu.vector_load %arg10[%swap3A_92, %swap3A_93] {strides = array<i32>} : memref<16x128xf32, #tpu.memory_space<vmem>>, vector<1x16xf32>,
    %swap3A_95 = vector.shape_cast %swap3A_94 : vector<1x16xf32> to vector<16xf32>
    %swap3A_96 = vector.shape_cast %broadcast_in_dim3A_7 : vector<16xf32> to vector<1x16xf32>
    tpu.vector_store %arg10[%swap3A_92, %swap3A_93], %swap3A_96 {strides = array<i32>} : memref<16x128xf32, #tpu.memory_space<vmem>>, vector<1x16xf32>,
    %swap3A_97 = arith.constant 1 : i32
    %swap3A_98 = arith.index_cast %swap3A_97 : i32 to index
    %swap3A_99 = arith.constant 112 : index
    %swap3A_100 = tpu.vector_load %arg10[%swap3A_98, %swap3A_99] {strides = array<i32>} : memref<16x128xf32, #tpu.memory_space<vmem>>, vector<1x16xf32>,
    %swap3A_101 = vector.shape_cast %swap3A_100 : vector<1x16xf32> to vector<16xf32>
    %swap3A_102 = vector.shape_cast %broadcast_in_dim3A_7 : vector<16xf32> to vector<1x16xf32>
    tpu.vector_store %arg10[%swap3A_98, %swap3A_99], %swap3A_102 {strides = array<i32>} : memref<16x128xf32, #tpu.memory_space<vmem>>, vector<1x16xf32>,
    %swap3A_103 = arith.constant 2 : i32
    %swap3A_104 = arith.index_cast %swap3A_103 : i32 to index
    %swap3A_105 = arith.constant 0 : index
    %swap3A_106 = tpu.vector_load %arg10[%swap3A_104, %swap3A_105] {strides = array<i32>} : memref<16x128xf32, #tpu.memory_space<vmem>>, vector<1x16xf32>,
    %swap3A_107 = vector.shape_cast %swap3A_106 : vector<1x16xf32> to vector<16xf32>
    %swap3A_108 = vector.shape_cast %broadcast_in_dim3A_7 : vector<16xf32> to vector<1x16xf32>
    tpu.vector_store %arg10[%swap3A_104, %swap3A_105], %swap3A_108 {strides = array<i32>} : memref<16x128xf32, #tpu.memory_space<vmem>>, vector<1x16xf32>,
    %swap3A_109 = arith.constant 2 : i32
    %swap3A_110 = arith.index_cast %swap3A_109 : i32 to index
    %swap3A_111 = arith.constant 16 : index
    %swap3A_112 = tpu.vector_load %arg10[%swap3A_110, %swap3A_111] {strides = array<i32>} : memref<16x128xf32, #tpu.memory_space<vmem>>, vector<1x16xf32>,
    %swap3A_113 = vector.shape_cast %swap3A_112 : vector<1x16xf32> to vector<16xf32>
    %swap3A_114 = vector.shape_cast %broadcast_in_dim3A_7 : vector<16xf32> to vector<1x16xf32>
    tpu.vector_store %arg10[%swap3A_110, %swap3A_111], %swap3A_114 {strides = array<i32>} : memref<16x128xf32, #tpu.memory_space<vmem>>, vector<1x16xf32>,
    %swap3A_115 = arith.constant 2 : i32
    %swap3A_116 = arith.index_cast %swap3A_115 : i32 to index
    %swap3A_117 = arith.constant 32 : index
    %swap3A_118 = tpu.vector_load %arg10[%swap3A_116, %swap3A_117] {strides = array<i32>} : memref<16x128xf32, #tpu.memory_space<vmem>>, vector<1x16xf32>,
    %swap3A_119 = vector.shape_cast %swap3A_118 : vector<1x16xf32> to vector<16xf32>
    %swap3A_120 = vector.shape_cast %broadcast_in_dim3A_7 : vector<16xf32> to vector<1x16xf32>
    tpu.vector_store %arg10[%swap3A_116, %swap3A_117], %swap3A_120 {strides = array<i32>} : memref<16x128xf32, #tpu.memory_space<vmem>>, vector<1x16xf32>,
    %swap3A_121 = arith.constant 2 : i32
    %swap3A_122 = arith.index_cast %swap3A_121 : i32 to index
    %swap3A_123 = arith.constant 48 : index
    %swap3A_124 = tpu.vector_load %arg10[%swap3A_122, %swap3A_123] {strides = array<i32>} : memref<16x128xf32, #tpu.memory_space<vmem>>, vector<1x16xf32>,
    %swap3A_125 = vector.shape_cast %swap3A_124 : vector<1x16xf32> to vector<16xf32>
    %swap3A_126 = vector.shape_cast %broadcast_in_dim3A_7 : vector<16xf32> to vector<1x16xf32>
    tpu.vector_store %arg10[%swap3A_122, %swap3A_123], %swap3A_126 {strides = array<i32>} : memref<16x128xf32, #tpu.memory_space<vmem>>, vector<1x16xf32>,
    %swap3A_127 = arith.constant 2 : i32
    %swap3A_128 = arith.index_cast %swap3A_127 : i32 to index
    %swap3A_129 = arith.constant 64 : index
    %swap3A_130 = tpu.vector_load %arg10[%swap3A_128, %swap3A_129] {strides = array<i32>} : memref<16x128xf32, #tpu.memory_space<vmem>>, vector<1x16xf32>,
    %swap3A_131 = vector.shape_cast %swap3A_130 : vector<1x16xf32> to vector<16xf32>
    %swap3A_132 = vector.shape_cast %broadcast_in_dim3A_7 : vector<16xf32> to vector<1x16xf32>
    tpu.vector_store %arg10[%swap3A_128, %swap3A_129], %swap3A_132 {strides = array<i32>} : memref<16x128xf32, #tpu.memory_space<vmem>>, vector<1x16xf32>,
    %swap3A_133 = arith.constant 2 : i32
    %swap3A_134 = arith.index_cast %swap3A_133 : i32 to index
    %swap3A_135 = arith.constant 80 : index
    %swap3A_136 = tpu.vector_load %arg10[%swap3A_134, %swap3A_135] {strides = array<i32>} : memref<16x128xf32, #tpu.memory_space<vmem>>, vector<1x16xf32>,
    %swap3A_137 = vector.shape_cast %swap3A_136 : vector<1x16xf32> to vector<16xf32>
    %swap3A_138 = vector.shape_cast %broadcast_in_dim3A_7 : vector<16xf32> to vector<1x16xf32>
    tpu.vector_store %arg10[%swap3A_134, %swap3A_135], %swap3A_138 {strides = array<i32>} : memref<16x128xf32, #tpu.memory_space<vmem>>, vector<1x16xf32>,
    %swap3A_139 = arith.constant 2 : i32
    %swap3A_140 = arith.index_cast %swap3A_139 : i32 to index
    %swap3A_141 = arith.constant 96 : index
    %swap3A_142 = tpu.vector_load %arg10[%swap3A_140, %swap3A_141] {strides = array<i32>} : memref<16x128xf32, #tpu.memory_space<vmem>>, vector<1x16xf32>,
    %swap3A_143 = vector.shape_cast %swap3A_142 : vector<1x16xf32> to vector<16xf32>
    %swap3A_144 = vector.shape_cast %broadcast_in_dim3A_7 : vector<16xf32> to vector<1x16xf32>
    tpu.vector_store %arg10[%swap3A_140, %swap3A_141], %swap3A_144 {strides = array<i32>} : memref<16x128xf32, #tpu.memory_space<vmem>>, vector<1x16xf32>,
    %swap3A_145 = arith.constant 2 : i32
    %swap3A_146 = arith.index_cast %swap3A_145 : i32 to index
    %swap3A_147 = arith.constant 112 : index
    %swap3A_148 = tpu.vector_load %arg10[%swap3A_146, %swap3A_147] {strides = array<i32>} : memref<16x128xf32, #tpu.memory_space<vmem>>, vector<1x16xf32>,
    %swap3A_149 = vector.shape_cast %swap3A_148 : vector<1x16xf32> to vector<16xf32>
    %swap3A_150 = vector.shape_cast %broadcast_in_dim3A_7 : vector<16xf32> to vector<1x16xf32>
    tpu.vector_store %arg10[%swap3A_146, %swap3A_147], %swap3A_150 {strides = array<i32>} : memref<16x128xf32, #tpu.memory_space<vmem>>, vector<1x16xf32>,
    %swap3A_151 = arith.constant 3 : i32
    %swap3A_152 = arith.index_cast %swap3A_151 : i32 to index
    %swap3A_153 = arith.constant 0 : index
    %swap3A_154 = tpu.vector_load %arg10[%swap3A_152, %swap3A_153] {strides = array<i32>} : memref<16x128xf32, #tpu.memory_space<vmem>>, vector<1x16xf32>,
    %swap3A_155 = vector.shape_cast %swap3A_154 : vector<1x16xf32> to vector<16xf32>
    %swap3A_156 = vector.shape_cast %broadcast_in_dim3A_7 : vector<16xf32> to vector<1x16xf32>
    tpu.vector_store %arg10[%swap3A_152, %swap3A_153], %swap3A_156 {strides = array<i32>} : memref<16x128xf32, #tpu.memory_space<vmem>>, vector<1x16xf32>,
    %swap3A_157 = arith.constant 3 : i32
    %swap3A_158 = arith.index_cast %swap3A_157 : i32 to index
    %swap3A_159 = arith.constant 16 : index
    %swap3A_160 = tpu.vector_load %arg10[%swap3A_158, %swap3A_159] {strides = array<i32>} : memref<16x128xf32, #tpu.memory_space<vmem>>, vector<1x16xf32>,
    %swap3A_161 = vector.shape_cast %swap3A_160 : vector<1x16xf32> to vector<16xf32>
    %swap3A_162 = vector.shape_cast %broadcast_in_dim3A_7 : vector<16xf32> to vector<1x16xf32>
    tpu.vector_store %arg10[%swap3A_158, %swap3A_159], %swap3A_162 {strides = array<i32>} : memref<16x128xf32, #tpu.memory_space<vmem>>, vector<1x16xf32>,
    %swap3A_163 = arith.constant 3 : i32
    %swap3A_164 = arith.index_cast %swap3A_163 : i32 to index
    %swap3A_165 = arith.constant 32 : index
    %swap3A_166 = tpu.vector_load %arg10[%swap3A_164, %swap3A_165] {strides = array<i32>} : memref<16x128xf32, #tpu.memory_space<vmem>>, vector<1x16xf32>,
    %swap3A_167 = vector.shape_cast %swap3A_166 : vector<1x16xf32> to vector<16xf32>
    %swap3A_168 = vector.shape_cast %broadcast_in_dim3A_7 : vector<16xf32> to vector<1x16xf32>
    tpu.vector_store %arg10[%swap3A_164, %swap3A_165], %swap3A_168 {strides = array<i32>} : memref<16x128xf32, #tpu.memory_space<vmem>>, vector<1x16xf32>,
    %swap3A_169 = arith.constant 3 : i32
    %swap3A_170 = arith.index_cast %swap3A_169 : i32 to index
    %swap3A_171 = arith.constant 48 : index
    %swap3A_172 = tpu.vector_load %arg10[%swap3A_170, %swap3A_171] {strides = array<i32>} : memref<16x128xf32, #tpu.memory_space<vmem>>, vector<1x16xf32>,
    %swap3A_173 = vector.shape_cast %swap3A_172 : vector<1x16xf32> to vector<16xf32>
    %swap3A_174 = vector.shape_cast %broadcast_in_dim3A_7 : vector<16xf32> to vector<1x16xf32>
    tpu.vector_store %arg10[%swap3A_170, %swap3A_171], %swap3A_174 {strides = array<i32>} : memref<16x128xf32, #tpu.memory_space<vmem>>, vector<1x16xf32>,
    %swap3A_175 = arith.constant 3 : i32
    %swap3A_176 = arith.index_cast %swap3A_175 : i32 to index
    %swap3A_177 = arith.constant 64 : index
    %swap3A_178 = tpu.vector_load %arg10[%swap3A_176, %swap3A_177] {strides = array<i32>} : memref<16x128xf32, #tpu.memory_space<vmem>>, vector<1x16xf32>,
    %swap3A_179 = vector.shape_cast %swap3A_178 : vector<1x16xf32> to vector<16xf32>
    %swap3A_180 = vector.shape_cast %broadcast_in_dim3A_7 : vector<16xf32> to vector<1x16xf32>
    tpu.vector_store %arg10[%swap3A_176, %swap3A_177], %swap3A_180 {strides = array<i32>} : memref<16x128xf32, #tpu.memory_space<vmem>>, vector<1x16xf32>,
    %swap3A_181 = arith.constant 3 : i32
    %swap3A_182 = arith.index_cast %swap3A_181 : i32 to index
    %swap3A_183 = arith.constant 80 : index
    %swap3A_184 = tpu.vector_load %arg10[%swap3A_182, %swap3A_183] {strides = array<i32>} : memref<16x128xf32, #tpu.memory_space<vmem>>, vector<1x16xf32>,
    %swap3A_185 = vector.shape_cast %swap3A_184 : vector<1x16xf32> to vector<16xf32>
    %swap3A_186 = vector.shape_cast %broadcast_in_dim3A_7 : vector<16xf32> to vector<1x16xf32>
    tpu.vector_store %arg10[%swap3A_182, %swap3A_183], %swap3A_186 {strides = array<i32>} : memref<16x128xf32, #tpu.memory_space<vmem>>, vector<1x16xf32>,
    %swap3A_187 = arith.constant 3 : i32
    %swap3A_188 = arith.index_cast %swap3A_187 : i32 to index
    %swap3A_189 = arith.constant 96 : index
    %swap3A_190 = tpu.vector_load %arg10[%swap3A_188, %swap3A_189] {strides = array<i32>} : memref<16x128xf32, #tpu.memory_space<vmem>>, vector<1x16xf32>,
    %swap3A_191 = vector.shape_cast %swap3A_190 : vector<1x16xf32> to vector<16xf32>
    %swap3A_192 = vector.shape_cast %broadcast_in_dim3A_7 : vector<16xf32> to vector<1x16xf32>
    tpu.vector_store %arg10[%swap3A_188, %swap3A_189], %swap3A_192 {strides = array<i32>} : memref<16x128xf32, #tpu.memory_space<vmem>>, vector<1x16xf32>,
    %swap3A_193 = arith.constant 3 : i32
    %swap3A_194 = arith.index_cast %swap3A_193 : i32 to index
    %swap3A_195 = arith.constant 112 : index
    %swap3A_196 = tpu.vector_load %arg10[%swap3A_194, %swap3A_195] {strides = array<i32>} : memref<16x128xf32, #tpu.memory_space<vmem>>, vector<1x16xf32>,
    %swap3A_197 = vector.shape_cast %swap3A_196 : vector<1x16xf32> to vector<16xf32>
    %swap3A_198 = vector.shape_cast %broadcast_in_dim3A_7 : vector<16xf32> to vector<1x16xf32>
    tpu.vector_store %arg10[%swap3A_194, %swap3A_195], %swap3A_198 {strides = array<i32>} : memref<16x128xf32, #tpu.memory_space<vmem>>, vector<1x16xf32>,
    %swap3A_199 = arith.constant 4 : i32
    %swap3A_200 = arith.index_cast %swap3A_199 : i32 to index
    %swap3A_201 = arith.constant 0 : index
    %swap3A_202 = tpu.vector_load %arg10[%swap3A_200, %swap3A_201] {strides = array<i32>} : memref<16x128xf32, #tpu.memory_space<vmem>>, vector<1x16xf32>,
    %swap3A_203 = vector.shape_cast %swap3A_202 : vector<1x16xf32> to vector<16xf32>
    %swap3A_204 = vector.shape_cast %broadcast_in_dim3A_7 : vector<16xf32> to vector<1x16xf32>
    tpu.vector_store %arg10[%swap3A_200, %swap3A_201], %swap3A_204 {strides = array<i32>} : memref<16x128xf32, #tpu.memory_space<vmem>>, vector<1x16xf32>,
    %swap3A_205 = arith.constant 4 : i32
    %swap3A_206 = arith.index_cast %swap3A_205 : i32 to index
    %swap3A_207 = arith.constant 16 : index
    %swap3A_208 = tpu.vector_load %arg10[%swap3A_206, %swap3A_207] {strides = array<i32>} : memref<16x128xf32, #tpu.memory_space<vmem>>, vector<1x16xf32>,
    %swap3A_209 = vector.shape_cast %swap3A_208 : vector<1x16xf32> to vector<16xf32>
    %swap3A_210 = vector.shape_cast %broadcast_in_dim3A_7 : vector<16xf32> to vector<1x16xf32>
    tpu.vector_store %arg10[%swap3A_206, %swap3A_207], %swap3A_210 {strides = array<i32>} : memref<16x128xf32, #tpu.memory_space<vmem>>, vector<1x16xf32>,
    %swap3A_211 = arith.constant 4 : i32
    %swap3A_212 = arith.index_cast %swap3A_211 : i32 to index
    %swap3A_213 = arith.constant 32 : index
    %swap3A_214 = tpu.vector_load %arg10[%swap3A_212, %swap3A_213] {strides = array<i32>} : memref<16x128xf32, #tpu.memory_space<vmem>>, vector<1x16xf32>,
    %swap3A_215 = vector.shape_cast %swap3A_214 : vector<1x16xf32> to vector<16xf32>
    %swap3A_216 = vector.shape_cast %broadcast_in_dim3A_7 : vector<16xf32> to vector<1x16xf32>
    tpu.vector_store %arg10[%swap3A_212, %swap3A_213], %swap3A_216 {strides = array<i32>} : memref<16x128xf32, #tpu.memory_space<vmem>>, vector<1x16xf32>,
    %swap3A_217 = arith.constant 4 : i32
    %swap3A_218 = arith.index_cast %swap3A_217 : i32 to index
    %swap3A_219 = arith.constant 48 : index
    %swap3A_220 = tpu.vector_load %arg10[%swap3A_218, %swap3A_219] {strides = array<i32>} : memref<16x128xf32, #tpu.memory_space<vmem>>, vector<1x16xf32>,
    %swap3A_221 = vector.shape_cast %swap3A_220 : vector<1x16xf32> to vector<16xf32>
    %swap3A_222 = vector.shape_cast %broadcast_in_dim3A_7 : vector<16xf32> to vector<1x16xf32>
    tpu.vector_store %arg10[%swap3A_218, %swap3A_219], %swap3A_222 {strides = array<i32>} : memref<16x128xf32, #tpu.memory_space<vmem>>, vector<1x16xf32>,
    %swap3A_223 = arith.constant 4 : i32
    %swap3A_224 = arith.index_cast %swap3A_223 : i32 to index
    %swap3A_225 = arith.constant 64 : index
    %swap3A_226 = tpu.vector_load %arg10[%swap3A_224, %swap3A_225] {strides = array<i32>} : memref<16x128xf32, #tpu.memory_space<vmem>>, vector<1x16xf32>,
    %swap3A_227 = vector.shape_cast %swap3A_226 : vector<1x16xf32> to vector<16xf32>
    %swap3A_228 = vector.shape_cast %broadcast_in_dim3A_7 : vector<16xf32> to vector<1x16xf32>
    tpu.vector_store %arg10[%swap3A_224, %swap3A_225], %swap3A_228 {strides = array<i32>} : memref<16x128xf32, #tpu.memory_space<vmem>>, vector<1x16xf32>,
    %swap3A_229 = arith.constant 4 : i32
    %swap3A_230 = arith.index_cast %swap3A_229 : i32 to index
    %swap3A_231 = arith.constant 80 : index
    %swap3A_232 = tpu.vector_load %arg10[%swap3A_230, %swap3A_231] {strides = array<i32>} : memref<16x128xf32, #tpu.memory_space<vmem>>, vector<1x16xf32>,
    %swap3A_233 = vector.shape_cast %swap3A_232 : vector<1x16xf32> to vector<16xf32>
    %swap3A_234 = vector.shape_cast %broadcast_in_dim3A_7 : vector<16xf32> to vector<1x16xf32>
    tpu.vector_store %arg10[%swap3A_230, %swap3A_231], %swap3A_234 {strides = array<i32>} : memref<16x128xf32, #tpu.memory_space<vmem>>, vector<1x16xf32>,
    %swap3A_235 = arith.constant 4 : i32
    %swap3A_236 = arith.index_cast %swap3A_235 : i32 to index
    %swap3A_237 = arith.constant 96 : index
    %swap3A_238 = tpu.vector_load %arg10[%swap3A_236, %swap3A_237] {strides = array<i32>} : memref<16x128xf32, #tpu.memory_space<vmem>>, vector<1x16xf32>,
    %swap3A_239 = vector.shape_cast %swap3A_238 : vector<1x16xf32> to vector<16xf32>
    %swap3A_240 = vector.shape_cast %broadcast_in_dim3A_7 : vector<16xf32> to vector<1x16xf32>
    tpu.vector_store %arg10[%swap3A_236, %swap3A_237], %swap3A_240 {strides = array<i32>} : memref<16x128xf32, #tpu.memory_space<vmem>>, vector<1x16xf32>,
    %swap3A_241 = arith.constant 4 : i32
    %swap3A_242 = arith.index_cast %swap3A_241 : i32 to index
    %swap3A_243 = arith.constant 112 : index
    %swap3A_244 = tpu.vector_load %arg10[%swap3A_242, %swap3A_243] {strides = array<i32>} : memref<16x128xf32, #tpu.memory_space<vmem>>, vector<1x16xf32>,
    %swap3A_245 = vector.shape_cast %swap3A_244 : vector<1x16xf32> to vector<16xf32>
    %swap3A_246 = vector.shape_cast %broadcast_in_dim3A_7 : vector<16xf32> to vector<1x16xf32>
    tpu.vector_store %arg10[%swap3A_242, %swap3A_243], %swap3A_246 {strides = array<i32>} : memref<16x128xf32, #tpu.memory_space<vmem>>, vector<1x16xf32>,
    %swap3A_247 = arith.constant 5 : i32
    %swap3A_248 = arith.index_cast %swap3A_247 : i32 to index
    %swap3A_249 = arith.constant 0 : index
    %swap3A_250 = tpu.vector_load %arg10[%swap3A_248, %swap3A_249] {strides = array<i32>} : memref<16x128xf32, #tpu.memory_space<vmem>>, vector<1x16xf32>,
    %swap3A_251 = vector.shape_cast %swap3A_250 : vector<1x16xf32> to vector<16xf32>
    %swap3A_252 = vector.shape_cast %broadcast_in_dim3A_7 : vector<16xf32> to vector<1x16xf32>
    tpu.vector_store %arg10[%swap3A_248, %swap3A_249], %swap3A_252 {strides = array<i32>} : memref<16x128xf32, #tpu.memory_space<vmem>>, vector<1x16xf32>,
    %swap3A_253 = arith.constant 5 : i32
    %swap3A_254 = arith.index_cast %swap3A_253 : i32 to index
    %swap3A_255 = arith.constant 16 : index
    %swap3A_256 = tpu.vector_load %arg10[%swap3A_254, %swap3A_255] {strides = array<i32>} : memref<16x128xf32, #tpu.memory_space<vmem>>, vector<1x16xf32>,
    %swap3A_257 = vector.shape_cast %swap3A_256 : vector<1x16xf32> to vector<16xf32>
    %swap3A_258 = vector.shape_cast %broadcast_in_dim3A_7 : vector<16xf32> to vector<1x16xf32>
    tpu.vector_store %arg10[%swap3A_254, %swap3A_255], %swap3A_258 {strides = array<i32>} : memref<16x128xf32, #tpu.memory_space<vmem>>, vector<1x16xf32>,
    %swap3A_259 = arith.constant 5 : i32
    %swap3A_260 = arith.index_cast %swap3A_259 : i32 to index
    %swap3A_261 = arith.constant 32 : index
    %swap3A_262 = tpu.vector_load %arg10[%swap3A_260, %swap3A_261] {strides = array<i32>} : memref<16x128xf32, #tpu.memory_space<vmem>>, vector<1x16xf32>,
    %swap3A_263 = vector.shape_cast %swap3A_262 : vector<1x16xf32> to vector<16xf32>
    %swap3A_264 = vector.shape_cast %broadcast_in_dim3A_7 : vector<16xf32> to vector<1x16xf32>
    tpu.vector_store %arg10[%swap3A_260, %swap3A_261], %swap3A_264 {strides = array<i32>} : memref<16x128xf32, #tpu.memory_space<vmem>>, vector<1x16xf32>,
    %swap3A_265 = arith.constant 5 : i32
    %swap3A_266 = arith.index_cast %swap3A_265 : i32 to index
    %swap3A_267 = arith.constant 48 : index
    %swap3A_268 = tpu.vector_load %arg10[%swap3A_266, %swap3A_267] {strides = array<i32>} : memref<16x128xf32, #tpu.memory_space<vmem>>, vector<1x16xf32>,
    %swap3A_269 = vector.shape_cast %swap3A_268 : vector<1x16xf32> to vector<16xf32>
    %swap3A_270 = vector.shape_cast %broadcast_in_dim3A_7 : vector<16xf32> to vector<1x16xf32>
    tpu.vector_store %arg10[%swap3A_266, %swap3A_267], %swap3A_270 {strides = array<i32>} : memref<16x128xf32, #tpu.memory_space<vmem>>, vector<1x16xf32>,
    %swap3A_271 = arith.constant 5 : i32
    %swap3A_272 = arith.index_cast %swap3A_271 : i32 to index
    %swap3A_273 = arith.constant 64 : index
    %swap3A_274 = tpu.vector_load %arg10[%swap3A_272, %swap3A_273] {strides = array<i32>} : memref<16x128xf32, #tpu.memory_space<vmem>>, vector<1x16xf32>,
    %swap3A_275 = vector.shape_cast %swap3A_274 : vector<1x16xf32> to vector<16xf32>
    %swap3A_276 = vector.shape_cast %broadcast_in_dim3A_7 : vector<16xf32> to vector<1x16xf32>
    tpu.vector_store %arg10[%swap3A_272, %swap3A_273], %swap3A_276 {strides = array<i32>} : memref<16x128xf32, #tpu.memory_space<vmem>>, vector<1x16xf32>,
    %swap3A_277 = arith.constant 5 : i32
    %swap3A_278 = arith.index_cast %swap3A_277 : i32 to index
    %swap3A_279 = arith.constant 80 : index
    %swap3A_280 = tpu.vector_load %arg10[%swap3A_278, %swap3A_279] {strides = array<i32>} : memref<16x128xf32, #tpu.memory_space<vmem>>, vector<1x16xf32>,
    %swap3A_281 = vector.shape_cast %swap3A_280 : vector<1x16xf32> to vector<16xf32>
    %swap3A_282 = vector.shape_cast %broadcast_in_dim3A_7 : vector<16xf32> to vector<1x16xf32>
    tpu.vector_store %arg10[%swap3A_278, %swap3A_279], %swap3A_282 {strides = array<i32>} : memref<16x128xf32, #tpu.memory_space<vmem>>, vector<1x16xf32>,
    %swap3A_283 = arith.constant 5 : i32
    %swap3A_284 = arith.index_cast %swap3A_283 : i32 to index
    %swap3A_285 = arith.constant 96 : index
    %swap3A_286 = tpu.vector_load %arg10[%swap3A_284, %swap3A_285] {strides = array<i32>} : memref<16x128xf32, #tpu.memory_space<vmem>>, vector<1x16xf32>,
    %swap3A_287 = vector.shape_cast %swap3A_286 : vector<1x16xf32> to vector<16xf32>
    %swap3A_288 = vector.shape_cast %broadcast_in_dim3A_7 : vector<16xf32> to vector<1x16xf32>
    tpu.vector_store %arg10[%swap3A_284, %swap3A_285], %swap3A_288 {strides = array<i32>} : memref<16x128xf32, #tpu.memory_space<vmem>>, vector<1x16xf32>,
    %swap3A_289 = arith.constant 5 : i32
    %swap3A_290 = arith.index_cast %swap3A_289 : i32 to index
    %swap3A_291 = arith.constant 112 : index
    %swap3A_292 = tpu.vector_load %arg10[%swap3A_290, %swap3A_291] {strides = array<i32>} : memref<16x128xf32, #tpu.memory_space<vmem>>, vector<1x16xf32>,
    %swap3A_293 = vector.shape_cast %swap3A_292 : vector<1x16xf32> to vector<16xf32>
    %swap3A_294 = vector.shape_cast %broadcast_in_dim3A_7 : vector<16xf32> to vector<1x16xf32>
    tpu.vector_store %arg10[%swap3A_290, %swap3A_291], %swap3A_294 {strides = array<i32>} : memref<16x128xf32, #tpu.memory_space<vmem>>, vector<1x16xf32>,
    %swap3A_295 = arith.constant 6 : i32
    %swap3A_296 = arith.index_cast %swap3A_295 : i32 to index
    %swap3A_297 = arith.constant 0 : index
    %swap3A_298 = tpu.vector_load %arg10[%swap3A_296, %swap3A_297] {strides = array<i32>} : memref<16x128xf32, #tpu.memory_space<vmem>>, vector<1x16xf32>,
    %swap3A_299 = vector.shape_cast %swap3A_298 : vector<1x16xf32> to vector<16xf32>
    %swap3A_300 = vector.shape_cast %broadcast_in_dim3A_7 : vector<16xf32> to vector<1x16xf32>
    tpu.vector_store %arg10[%swap3A_296, %swap3A_297], %swap3A_300 {strides = array<i32>} : memref<16x128xf32, #tpu.memory_space<vmem>>, vector<1x16xf32>,
    %swap3A_301 = arith.constant 6 : i32
    %swap3A_302 = arith.index_cast %swap3A_301 : i32 to index
    %swap3A_303 = arith.constant 16 : index
    %swap3A_304 = tpu.vector_load %arg10[%swap3A_302, %swap3A_303] {strides = array<i32>} : memref<16x128xf32, #tpu.memory_space<vmem>>, vector<1x16xf32>,
    %swap3A_305 = vector.shape_cast %swap3A_304 : vector<1x16xf32> to vector<16xf32>
    %swap3A_306 = vector.shape_cast %broadcast_in_dim3A_7 : vector<16xf32> to vector<1x16xf32>
    tpu.vector_store %arg10[%swap3A_302, %swap3A_303], %swap3A_306 {strides = array<i32>} : memref<16x128xf32, #tpu.memory_space<vmem>>, vector<1x16xf32>,
    %swap3A_307 = arith.constant 6 : i32
    %swap3A_308 = arith.index_cast %swap3A_307 : i32 to index
    %swap3A_309 = arith.constant 32 : index
    %swap3A_310 = tpu.vector_load %arg10[%swap3A_308, %swap3A_309] {strides = array<i32>} : memref<16x128xf32, #tpu.memory_space<vmem>>, vector<1x16xf32>,
    %swap3A_311 = vector.shape_cast %swap3A_310 : vector<1x16xf32> to vector<16xf32>
    %swap3A_312 = vector.shape_cast %broadcast_in_dim3A_7 : vector<16xf32> to vector<1x16xf32>
    tpu.vector_store %arg10[%swap3A_308, %swap3A_309], %swap3A_312 {strides = array<i32>} : memref<16x128xf32, #tpu.memory_space<vmem>>, vector<1x16xf32>,
    %swap3A_313 = arith.constant 6 : i32
    %swap3A_314 = arith.index_cast %swap3A_313 : i32 to index
    %swap3A_315 = arith.constant 48 : index
    %swap3A_316 = tpu.vector_load %arg10[%swap3A_314, %swap3A_315] {strides = array<i32>} : memref<16x128xf32, #tpu.memory_space<vmem>>, vector<1x16xf32>,
    %swap3A_317 = vector.shape_cast %swap3A_316 : vector<1x16xf32> to vector<16xf32>
    %swap3A_318 = vector.shape_cast %broadcast_in_dim3A_7 : vector<16xf32> to vector<1x16xf32>
    tpu.vector_store %arg10[%swap3A_314, %swap3A_315], %swap3A_318 {strides = array<i32>} : memref<16x128xf32, #tpu.memory_space<vmem>>, vector<1x16xf32>,
    %swap3A_319 = arith.constant 6 : i32
    %swap3A_320 = arith.index_cast %swap3A_319 : i32 to index
    %swap3A_321 = arith.constant 64 : index
    %swap3A_322 = tpu.vector_load %arg10[%swap3A_320, %swap3A_321] {strides = array<i32>} : memref<16x128xf32, #tpu.memory_space<vmem>>, vector<1x16xf32>,
    %swap3A_323 = vector.shape_cast %swap3A_322 : vector<1x16xf32> to vector<16xf32>
    %swap3A_324 = vector.shape_cast %broadcast_in_dim3A_7 : vector<16xf32> to vector<1x16xf32>
    tpu.vector_store %arg10[%swap3A_320, %swap3A_321], %swap3A_324 {strides = array<i32>} : memref<16x128xf32, #tpu.memory_space<vmem>>, vector<1x16xf32>,
    %swap3A_325 = arith.constant 6 : i32
    %swap3A_326 = arith.index_cast %swap3A_325 : i32 to index
    %swap3A_327 = arith.constant 80 : index
    %swap3A_328 = tpu.vector_load %arg10[%swap3A_326, %swap3A_327] {strides = array<i32>} : memref<16x128xf32, #tpu.memory_space<vmem>>, vector<1x16xf32>,
    %swap3A_329 = vector.shape_cast %swap3A_328 : vector<1x16xf32> to vector<16xf32>
    %swap3A_330 = vector.shape_cast %broadcast_in_dim3A_7 : vector<16xf32> to vector<1x16xf32>
    tpu.vector_store %arg10[%swap3A_326, %swap3A_327], %swap3A_330 {strides = array<i32>} : memref<16x128xf32, #tpu.memory_space<vmem>>, vector<1x16xf32>,
    %swap3A_331 = arith.constant 6 : i32
    %swap3A_332 = arith.index_cast %swap3A_331 : i32 to index
    %swap3A_333 = arith.constant 96 : index
    %swap3A_334 = tpu.vector_load %arg10[%swap3A_332, %swap3A_333] {strides = array<i32>} : memref<16x128xf32, #tpu.memory_space<vmem>>, vector<1x16xf32>,
    %swap3A_335 = vector.shape_cast %swap3A_334 : vector<1x16xf32> to vector<16xf32>
    %swap3A_336 = vector.shape_cast %broadcast_in_dim3A_7 : vector<16xf32> to vector<1x16xf32>
    tpu.vector_store %arg10[%swap3A_332, %swap3A_333], %swap3A_336 {strides = array<i32>} : memref<16x128xf32, #tpu.memory_space<vmem>>, vector<1x16xf32>,
    %swap3A_337 = arith.constant 6 : i32
    %swap3A_338 = arith.index_cast %swap3A_337 : i32 to index
    %swap3A_339 = arith.constant 112 : index
    %swap3A_340 = tpu.vector_load %arg10[%swap3A_338, %swap3A_339] {strides = array<i32>} : memref<16x128xf32, #tpu.memory_space<vmem>>, vector<1x16xf32>,
    %swap3A_341 = vector.shape_cast %swap3A_340 : vector<1x16xf32> to vector<16xf32>
    %swap3A_342 = vector.shape_cast %broadcast_in_dim3A_7 : vector<16xf32> to vector<1x16xf32>
    tpu.vector_store %arg10[%swap3A_338, %swap3A_339], %swap3A_342 {strides = array<i32>} : memref<16x128xf32, #tpu.memory_space<vmem>>, vector<1x16xf32>,
    %swap3A_343 = arith.constant 7 : i32
    %swap3A_344 = arith.index_cast %swap3A_343 : i32 to index
    %swap3A_345 = arith.constant 0 : index
    %swap3A_346 = tpu.vector_load %arg10[%swap3A_344, %swap3A_345] {strides = array<i32>} : memref<16x128xf32, #tpu.memory_space<vmem>>, vector<1x16xf32>,
    %swap3A_347 = vector.shape_cast %swap3A_346 : vector<1x16xf32> to vector<16xf32>
    %swap3A_348 = vector.shape_cast %broadcast_in_dim3A_7 : vector<16xf32> to vector<1x16xf32>
    tpu.vector_store %arg10[%swap3A_344, %swap3A_345], %swap3A_348 {strides = array<i32>} : memref<16x128xf32, #tpu.memory_space<vmem>>, vector<1x16xf32>,
    %swap3A_349 = arith.constant 7 : i32
    %swap3A_350 = arith.index_cast %swap3A_349 : i32 to index
    %swap3A_351 = arith.constant 16 : index
    %swap3A_352 = tpu.vector_load %arg10[%swap3A_350, %swap3A_351] {strides = array<i32>} : memref<16x128xf32, #tpu.memory_space<vmem>>, vector<1x16xf32>,
    %swap3A_353 = vector.shape_cast %swap3A_352 : vector<1x16xf32> to vector<16xf32>
    %swap3A_354 = vector.shape_cast %broadcast_in_dim3A_7 : vector<16xf32> to vector<1x16xf32>
    tpu.vector_store %arg10[%swap3A_350, %swap3A_351], %swap3A_354 {strides = array<i32>} : memref<16x128xf32, #tpu.memory_space<vmem>>, vector<1x16xf32>,
    %swap3A_355 = arith.constant 7 : i32
    %swap3A_356 = arith.index_cast %swap3A_355 : i32 to index
    %swap3A_357 = arith.constant 32 : index
    %swap3A_358 = tpu.vector_load %arg10[%swap3A_356, %swap3A_357] {strides = array<i32>} : memref<16x128xf32, #tpu.memory_space<vmem>>, vector<1x16xf32>,
    %swap3A_359 = vector.shape_cast %swap3A_358 : vector<1x16xf32> to vector<16xf32>
    %swap3A_360 = vector.shape_cast %broadcast_in_dim3A_7 : vector<16xf32> to vector<1x16xf32>
    tpu.vector_store %arg10[%swap3A_356, %swap3A_357], %swap3A_360 {strides = array<i32>} : memref<16x128xf32, #tpu.memory_space<vmem>>, vector<1x16xf32>,
    %swap3A_361 = arith.constant 7 : i32
    %swap3A_362 = arith.index_cast %swap3A_361 : i32 to index
    %swap3A_363 = arith.constant 48 : index
    %swap3A_364 = tpu.vector_load %arg10[%swap3A_362, %swap3A_363] {strides = array<i32>} : memref<16x128xf32, #tpu.memory_space<vmem>>, vector<1x16xf32>,
    %swap3A_365 = vector.shape_cast %swap3A_364 : vector<1x16xf32> to vector<16xf32>
    %swap3A_366 = vector.shape_cast %broadcast_in_dim3A_7 : vector<16xf32> to vector<1x16xf32>
    tpu.vector_store %arg10[%swap3A_362, %swap3A_363], %swap3A_366 {strides = array<i32>} : memref<16x128xf32, #tpu.memory_space<vmem>>, vector<1x16xf32>,
    %swap3A_367 = arith.constant 7 : i32
    %swap3A_368 = arith.index_cast %swap3A_367 : i32 to index
    %swap3A_369 = arith.constant 64 : index
    %swap3A_370 = tpu.vector_load %arg10[%swap3A_368, %swap3A_369] {strides = array<i32>} : memref<16x128xf32, #tpu.memory_space<vmem>>, vector<1x16xf32>,
    %swap3A_371 = vector.shape_cast %swap3A_370 : vector<1x16xf32> to vector<16xf32>
    %swap3A_372 = vector.shape_cast %broadcast_in_dim3A_7 : vector<16xf32> to vector<1x16xf32>
    tpu.vector_store %arg10[%swap3A_368, %swap3A_369], %swap3A_372 {strides = array<i32>} : memref<16x128xf32, #tpu.memory_space<vmem>>, vector<1x16xf32>,
    %swap3A_373 = arith.constant 7 : i32
    %swap3A_374 = arith.index_cast %swap3A_373 : i32 to index
    %swap3A_375 = arith.constant 80 : index
    %swap3A_376 = tpu.vector_load %arg10[%swap3A_374, %swap3A_375] {strides = array<i32>} : memref<16x128xf32, #tpu.memory_space<vmem>>, vector<1x16xf32>,
    %swap3A_377 = vector.shape_cast %swap3A_376 : vector<1x16xf32> to vector<16xf32>
    %swap3A_378 = vector.shape_cast %broadcast_in_dim3A_7 : vector<16xf32> to vector<1x16xf32>
    tpu.vector_store %arg10[%swap3A_374, %swap3A_375], %swap3A_378 {strides = array<i32>} : memref<16x128xf32, #tpu.memory_space<vmem>>, vector<1x16xf32>,
    %swap3A_379 = arith.constant 7 : i32
    %swap3A_380 = arith.index_cast %swap3A_379 : i32 to index
    %swap3A_381 = arith.constant 96 : index
    %swap3A_382 = tpu.vector_load %arg10[%swap3A_380, %swap3A_381] {strides = array<i32>} : memref<16x128xf32, #tpu.memory_space<vmem>>, vector<1x16xf32>,
    %swap3A_383 = vector.shape_cast %swap3A_382 : vector<1x16xf32> to vector<16xf32>
    %swap3A_384 = vector.shape_cast %broadcast_in_dim3A_7 : vector<16xf32> to vector<1x16xf32>
    tpu.vector_store %arg10[%swap3A_380, %swap3A_381], %swap3A_384 {strides = array<i32>} : memref<16x128xf32, #tpu.memory_space<vmem>>, vector<1x16xf32>,
    %swap3A_385 = arith.constant 7 : i32
    %swap3A_386 = arith.index_cast %swap3A_385 : i32 to index
    %swap3A_387 = arith.constant 112 : index
    %swap3A_388 = tpu.vector_load %arg10[%swap3A_386, %swap3A_387] {strides = array<i32>} : memref<16x128xf32, #tpu.memory_space<vmem>>, vector<1x16xf32>,
    %swap3A_389 = vector.shape_cast %swap3A_388 : vector<1x16xf32> to vector<16xf32>
    %swap3A_390 = vector.shape_cast %broadcast_in_dim3A_7 : vector<16xf32> to vector<1x16xf32>
    tpu.vector_store %arg10[%swap3A_386, %swap3A_387], %swap3A_390 {strides = array<i32>} : memref<16x128xf32, #tpu.memory_space<vmem>>, vector<1x16xf32>,
    %swap3A_391 = arith.constant 8 : i32
    %swap3A_392 = arith.index_cast %swap3A_391 : i32 to index
    %swap3A_393 = arith.constant 0 : index
    %swap3A_394 = tpu.vector_load %arg10[%swap3A_392, %swap3A_393] {strides = array<i32>} : memref<16x128xf32, #tpu.memory_space<vmem>>, vector<1x16xf32>,
    %swap3A_395 = vector.shape_cast %swap3A_394 : vector<1x16xf32> to vector<16xf32>
    %swap3A_396 = vector.shape_cast %broadcast_in_dim3A_7 : vector<16xf32> to vector<1x16xf32>
    tpu.vector_store %arg10[%swap3A_392, %swap3A_393], %swap3A_396 {strides = array<i32>} : memref<16x128xf32, #tpu.memory_space<vmem>>, vector<1x16xf32>,
    %swap3A_397 = arith.constant 8 : i32
    %swap3A_398 = arith.index_cast %swap3A_397 : i32 to index
    %swap3A_399 = arith.constant 16 : index
    %swap3A_400 = tpu.vector_load %arg10[%swap3A_398, %swap3A_399] {strides = array<i32>} : memref<16x128xf32, #tpu.memory_space<vmem>>, vector<1x16xf32>,
    %swap3A_401 = vector.shape_cast %swap3A_400 : vector<1x16xf32> to vector<16xf32>
    %swap3A_402 = vector.shape_cast %broadcast_in_dim3A_7 : vector<16xf32> to vector<1x16xf32>
    tpu.vector_store %arg10[%swap3A_398, %swap3A_399], %swap3A_402 {strides = array<i32>} : memref<16x128xf32, #tpu.memory_space<vmem>>, vector<1x16xf32>,
    %swap3A_403 = arith.constant 8 : i32
    %swap3A_404 = arith.index_cast %swap3A_403 : i32 to index
    %swap3A_405 = arith.constant 32 : index
    %swap3A_406 = tpu.vector_load %arg10[%swap3A_404, %swap3A_405] {strides = array<i32>} : memref<16x128xf32, #tpu.memory_space<vmem>>, vector<1x16xf32>,
    %swap3A_407 = vector.shape_cast %swap3A_406 : vector<1x16xf32> to vector<16xf32>
    %swap3A_408 = vector.shape_cast %broadcast_in_dim3A_7 : vector<16xf32> to vector<1x16xf32>
    tpu.vector_store %arg10[%swap3A_404, %swap3A_405], %swap3A_408 {strides = array<i32>} : memref<16x128xf32, #tpu.memory_space<vmem>>, vector<1x16xf32>,
    %swap3A_409 = arith.constant 8 : i32
    %swap3A_410 = arith.index_cast %swap3A_409 : i32 to index
    %swap3A_411 = arith.constant 48 : index
    %swap3A_412 = tpu.vector_load %arg10[%swap3A_410, %swap3A_411] {strides = array<i32>} : memref<16x128xf32, #tpu.memory_space<vmem>>, vector<1x16xf32>,
    %swap3A_413 = vector.shape_cast %swap3A_412 : vector<1x16xf32> to vector<16xf32>
    %swap3A_414 = vector.shape_cast %broadcast_in_dim3A_7 : vector<16xf32> to vector<1x16xf32>
    tpu.vector_store %arg10[%swap3A_410, %swap3A_411], %swap3A_414 {strides = array<i32>} : memref<16x128xf32, #tpu.memory_space<vmem>>, vector<1x16xf32>,
    %swap3A_415 = arith.constant 8 : i32
    %swap3A_416 = arith.index_cast %swap3A_415 : i32 to index
    %swap3A_417 = arith.constant 64 : index
    %swap3A_418 = tpu.vector_load %arg10[%swap3A_416, %swap3A_417] {strides = array<i32>} : memref<16x128xf32, #tpu.memory_space<vmem>>, vector<1x16xf32>,
    %swap3A_419 = vector.shape_cast %swap3A_418 : vector<1x16xf32> to vector<16xf32>
    %swap3A_420 = vector.shape_cast %broadcast_in_dim3A_7 : vector<16xf32> to vector<1x16xf32>
    tpu.vector_store %arg10[%swap3A_416, %swap3A_417], %swap3A_420 {strides = array<i32>} : memref<16x128xf32, #tpu.memory_space<vmem>>, vector<1x16xf32>,
    %swap3A_421 = arith.constant 8 : i32
    %swap3A_422 = arith.index_cast %swap3A_421 : i32 to index
    %swap3A_423 = arith.constant 80 : index
    %swap3A_424 = tpu.vector_load %arg10[%swap3A_422, %swap3A_423] {strides = array<i32>} : memref<16x128xf32, #tpu.memory_space<vmem>>, vector<1x16xf32>,
    %swap3A_425 = vector.shape_cast %swap3A_424 : vector<1x16xf32> to vector<16xf32>
    %swap3A_426 = vector.shape_cast %broadcast_in_dim3A_7 : vector<16xf32> to vector<1x16xf32>
    tpu.vector_store %arg10[%swap3A_422, %swap3A_423], %swap3A_426 {strides = array<i32>} : memref<16x128xf32, #tpu.memory_space<vmem>>, vector<1x16xf32>,
    %swap3A_427 = arith.constant 8 : i32
    %swap3A_428 = arith.index_cast %swap3A_427 : i32 to index
    %swap3A_429 = arith.constant 96 : index
    %swap3A_430 = tpu.vector_load %arg10[%swap3A_428, %swap3A_429] {strides = array<i32>} : memref<16x128xf32, #tpu.memory_space<vmem>>, vector<1x16xf32>,
    %swap3A_431 = vector.shape_cast %swap3A_430 : vector<1x16xf32> to vector<16xf32>
    %swap3A_432 = vector.shape_cast %broadcast_in_dim3A_7 : vector<16xf32> to vector<1x16xf32>
    tpu.vector_store %arg10[%swap3A_428, %swap3A_429], %swap3A_432 {strides = array<i32>} : memref<16x128xf32, #tpu.memory_space<vmem>>, vector<1x16xf32>,
    %swap3A_433 = arith.constant 8 : i32
    %swap3A_434 = arith.index_cast %swap3A_433 : i32 to index
    %swap3A_435 = arith.constant 112 : index
    %swap3A_436 = tpu.vector_load %arg10[%swap3A_434, %swap3A_435] {strides = array<i32>} : memref<16x128xf32, #tpu.memory_space<vmem>>, vector<1x16xf32>,
    %swap3A_437 = vector.shape_cast %swap3A_436 : vector<1x16xf32> to vector<16xf32>
    %swap3A_438 = vector.shape_cast %broadcast_in_dim3A_7 : vector<16xf32> to vector<1x16xf32>
    tpu.vector_store %arg10[%swap3A_434, %swap3A_435], %swap3A_438 {strides = array<i32>} : memref<16x128xf32, #tpu.memory_space<vmem>>, vector<1x16xf32>,
    %swap3A_439 = arith.constant 9 : i32
    %swap3A_440 = arith.index_cast %swap3A_439 : i32 to index
    %swap3A_441 = arith.constant 0 : index
    %swap3A_442 = tpu.vector_load %arg10[%swap3A_440, %swap3A_441] {strides = array<i32>} : memref<16x128xf32, #tpu.memory_space<vmem>>, vector<1x16xf32>,
    %swap3A_443 = vector.shape_cast %swap3A_442 : vector<1x16xf32> to vector<16xf32>
    %swap3A_444 = vector.shape_cast %broadcast_in_dim3A_7 : vector<16xf32> to vector<1x16xf32>
    tpu.vector_store %arg10[%swap3A_440, %swap3A_441], %swap3A_444 {strides = array<i32>} : memref<16x128xf32, #tpu.memory_space<vmem>>, vector<1x16xf32>,
    %swap3A_445 = arith.constant 9 : i32
    %swap3A_446 = arith.index_cast %swap3A_445 : i32 to index
    %swap3A_447 = arith.constant 16 : index
    %swap3A_448 = tpu.vector_load %arg10[%swap3A_446, %swap3A_447] {strides = array<i32>} : memref<16x128xf32, #tpu.memory_space<vmem>>, vector<1x16xf32>,
    %swap3A_449 = vector.shape_cast %swap3A_448 : vector<1x16xf32> to vector<16xf32>
    %swap3A_450 = vector.shape_cast %broadcast_in_dim3A_7 : vector<16xf32> to vector<1x16xf32>
    tpu.vector_store %arg10[%swap3A_446, %swap3A_447], %swap3A_450 {strides = array<i32>} : memref<16x128xf32, #tpu.memory_space<vmem>>, vector<1x16xf32>,
    %swap3A_451 = arith.constant 9 : i32
    %swap3A_452 = arith.index_cast %swap3A_451 : i32 to index
    %swap3A_453 = arith.constant 32 : index
    %swap3A_454 = tpu.vector_load %arg10[%swap3A_452, %swap3A_453] {strides = array<i32>} : memref<16x128xf32, #tpu.memory_space<vmem>>, vector<1x16xf32>,
    %swap3A_455 = vector.shape_cast %swap3A_454 : vector<1x16xf32> to vector<16xf32>
    %swap3A_456 = vector.shape_cast %broadcast_in_dim3A_7 : vector<16xf32> to vector<1x16xf32>
    tpu.vector_store %arg10[%swap3A_452, %swap3A_453], %swap3A_456 {strides = array<i32>} : memref<16x128xf32, #tpu.memory_space<vmem>>, vector<1x16xf32>,
    %swap3A_457 = arith.constant 9 : i32
    %swap3A_458 = arith.index_cast %swap3A_457 : i32 to index
    %swap3A_459 = arith.constant 48 : index
    %swap3A_460 = tpu.vector_load %arg10[%swap3A_458, %swap3A_459] {strides = array<i32>} : memref<16x128xf32, #tpu.memory_space<vmem>>, vector<1x16xf32>,
    %swap3A_461 = vector.shape_cast %swap3A_460 : vector<1x16xf32> to vector<16xf32>
    %swap3A_462 = vector.shape_cast %broadcast_in_dim3A_7 : vector<16xf32> to vector<1x16xf32>
    tpu.vector_store %arg10[%swap3A_458, %swap3A_459], %swap3A_462 {strides = array<i32>} : memref<16x128xf32, #tpu.memory_space<vmem>>, vector<1x16xf32>,
    %swap3A_463 = arith.constant 9 : i32
    %swap3A_464 = arith.index_cast %swap3A_463 : i32 to index
    %swap3A_465 = arith.constant 64 : index
    %swap3A_466 = tpu.vector_load %arg10[%swap3A_464, %swap3A_465] {strides = array<i32>} : memref<16x128xf32, #tpu.memory_space<vmem>>, vector<1x16xf32>,
    %swap3A_467 = vector.shape_cast %swap3A_466 : vector<1x16xf32> to vector<16xf32>
    %swap3A_468 = vector.shape_cast %broadcast_in_dim3A_7 : vector<16xf32> to vector<1x16xf32>
    tpu.vector_store %arg10[%swap3A_464, %swap3A_465], %swap3A_468 {strides = array<i32>} : memref<16x128xf32, #tpu.memory_space<vmem>>, vector<1x16xf32>,
    %swap3A_469 = arith.constant 9 : i32
    %swap3A_470 = arith.index_cast %swap3A_469 : i32 to index
    %swap3A_471 = arith.constant 80 : index
    %swap3A_472 = tpu.vector_load %arg10[%swap3A_470, %swap3A_471] {strides = array<i32>} : memref<16x128xf32, #tpu.memory_space<vmem>>, vector<1x16xf32>,
    %swap3A_473 = vector.shape_cast %swap3A_472 : vector<1x16xf32> to vector<16xf32>
    %swap3A_474 = vector.shape_cast %broadcast_in_dim3A_7 : vector<16xf32> to vector<1x16xf32>
    tpu.vector_store %arg10[%swap3A_470, %swap3A_471], %swap3A_474 {strides = array<i32>} : memref<16x128xf32, #tpu.memory_space<vmem>>, vector<1x16xf32>,
    %swap3A_475 = arith.constant 9 : i32
    %swap3A_476 = arith.index_cast %swap3A_475 : i32 to index
    %swap3A_477 = arith.constant 96 : index
    %swap3A_478 = tpu.vector_load %arg10[%swap3A_476, %swap3A_477] {strides = array<i32>} : memref<16x128xf32, #tpu.memory_space<vmem>>, vector<1x16xf32>,
    %swap3A_479 = vector.shape_cast %swap3A_478 : vector<1x16xf32> to vector<16xf32>
    %swap3A_480 = vector.shape_cast %broadcast_in_dim3A_7 : vector<16xf32> to vector<1x16xf32>
    tpu.vector_store %arg10[%swap3A_476, %swap3A_477], %swap3A_480 {strides = array<i32>} : memref<16x128xf32, #tpu.memory_space<vmem>>, vector<1x16xf32>,
    %swap3A_481 = arith.constant 9 : i32
    %swap3A_482 = arith.index_cast %swap3A_481 : i32 to index
    %swap3A_483 = arith.constant 112 : index
    %swap3A_484 = tpu.vector_load %arg10[%swap3A_482, %swap3A_483] {strides = array<i32>} : memref<16x128xf32, #tpu.memory_space<vmem>>, vector<1x16xf32>,
    %swap3A_485 = vector.shape_cast %swap3A_484 : vector<1x16xf32> to vector<16xf32>
    %swap3A_486 = vector.shape_cast %broadcast_in_dim3A_7 : vector<16xf32> to vector<1x16xf32>
    tpu.vector_store %arg10[%swap3A_482, %swap3A_483], %swap3A_486 {strides = array<i32>} : memref<16x128xf32, #tpu.memory_space<vmem>>, vector<1x16xf32>,
    %swap3A_487 = arith.constant 10 : i32
    %swap3A_488 = arith.index_cast %swap3A_487 : i32 to index
    %swap3A_489 = arith.constant 0 : index
    %swap3A_490 = tpu.vector_load %arg10[%swap3A_488, %swap3A_489] {strides = array<i32>} : memref<16x128xf32, #tpu.memory_space<vmem>>, vector<1x16xf32>,
    %swap3A_491 = vector.shape_cast %swap3A_490 : vector<1x16xf32> to vector<16xf32>
    %swap3A_492 = vector.shape_cast %broadcast_in_dim3A_7 : vector<16xf32> to vector<1x16xf32>
    tpu.vector_store %arg10[%swap3A_488, %swap3A_489], %swap3A_492 {strides = array<i32>} : memref<16x128xf32, #tpu.memory_space<vmem>>, vector<1x16xf32>,
    %swap3A_493 = arith.constant 10 : i32
    %swap3A_494 = arith.index_cast %swap3A_493 : i32 to index
    %swap3A_495 = arith.constant 16 : index
    %swap3A_496 = tpu.vector_load %arg10[%swap3A_494, %swap3A_495] {strides = array<i32>} : memref<16x128xf32, #tpu.memory_space<vmem>>, vector<1x16xf32>,
    %swap3A_497 = vector.shape_cast %swap3A_496 : vector<1x16xf32> to vector<16xf32>
    %swap3A_498 = vector.shape_cast %broadcast_in_dim3A_7 : vector<16xf32> to vector<1x16xf32>
    tpu.vector_store %arg10[%swap3A_494, %swap3A_495], %swap3A_498 {strides = array<i32>} : memref<16x128xf32, #tpu.memory_space<vmem>>, vector<1x16xf32>,
    %swap3A_499 = arith.constant 10 : i32
    %swap3A_500 = arith.index_cast %swap3A_499 : i32 to index
    %swap3A_501 = arith.constant 32 : index
    %swap3A_502 = tpu.vector_load %arg10[%swap3A_500, %swap3A_501] {strides = array<i32>} : memref<16x128xf32, #tpu.memory_space<vmem>>, vector<1x16xf32>,
    %swap3A_503 = vector.shape_cast %swap3A_502 : vector<1x16xf32> to vector<16xf32>
    %swap3A_504 = vector.shape_cast %broadcast_in_dim3A_7 : vector<16xf32> to vector<1x16xf32>
    tpu.vector_store %arg10[%swap3A_500, %swap3A_501], %swap3A_504 {strides = array<i32>} : memref<16x128xf32, #tpu.memory_space<vmem>>, vector<1x16xf32>,
    %swap3A_505 = arith.constant 10 : i32
    %swap3A_506 = arith.index_cast %swap3A_505 : i32 to index
    %swap3A_507 = arith.constant 48 : index
    %swap3A_508 = tpu.vector_load %arg10[%swap3A_506, %swap3A_507] {strides = array<i32>} : memref<16x128xf32, #tpu.memory_space<vmem>>, vector<1x16xf32>,
    %swap3A_509 = vector.shape_cast %swap3A_508 : vector<1x16xf32> to vector<16xf32>
    %swap3A_510 = vector.shape_cast %broadcast_in_dim3A_7 : vector<16xf32> to vector<1x16xf32>
    tpu.vector_store %arg10[%swap3A_506, %swap3A_507], %swap3A_510 {strides = array<i32>} : memref<16x128xf32, #tpu.memory_space<vmem>>, vector<1x16xf32>,
    %swap3A_511 = arith.constant 10 : i32
    %swap3A_512 = arith.index_cast %swap3A_511 : i32 to index
    %swap3A_513 = arith.constant 64 : index
    %swap3A_514 = tpu.vector_load %arg10[%swap3A_512, %swap3A_513] {strides = array<i32>} : memref<16x128xf32, #tpu.memory_space<vmem>>, vector<1x16xf32>,
    %swap3A_515 = vector.shape_cast %swap3A_514 : vector<1x16xf32> to vector<16xf32>
    %swap3A_516 = vector.shape_cast %broadcast_in_dim3A_7 : vector<16xf32> to vector<1x16xf32>
    tpu.vector_store %arg10[%swap3A_512, %swap3A_513], %swap3A_516 {strides = array<i32>} : memref<16x128xf32, #tpu.memory_space<vmem>>, vector<1x16xf32>,
    %swap3A_517 = arith.constant 10 : i32
    %swap3A_518 = arith.index_cast %swap3A_517 : i32 to index
    %swap3A_519 = arith.constant 80 : index
    %swap3A_520 = tpu.vector_load %arg10[%swap3A_518, %swap3A_519] {strides = array<i32>} : memref<16x128xf32, #tpu.memory_space<vmem>>, vector<1x16xf32>,
    %swap3A_521 = vector.shape_cast %swap3A_520 : vector<1x16xf32> to vector<16xf32>
    %swap3A_522 = vector.shape_cast %broadcast_in_dim3A_7 : vector<16xf32> to vector<1x16xf32>
    tpu.vector_store %arg10[%swap3A_518, %swap3A_519], %swap3A_522 {strides = array<i32>} : memref<16x128xf32, #tpu.memory_space<vmem>>, vector<1x16xf32>,
    %swap3A_523 = arith.constant 10 : i32
    %swap3A_524 = arith.index_cast %swap3A_523 : i32 to index
    %swap3A_525 = arith.constant 96 : index
    %swap3A_526 = tpu.vector_load %arg10[%swap3A_524, %swap3A_525] {strides = array<i32>} : memref<16x128xf32, #tpu.memory_space<vmem>>, vector<1x16xf32>,
    %swap3A_527 = vector.shape_cast %swap3A_526 : vector<1x16xf32> to vector<16xf32>
    %swap3A_528 = vector.shape_cast %broadcast_in_dim3A_7 : vector<16xf32> to vector<1x16xf32>
    tpu.vector_store %arg10[%swap3A_524, %swap3A_525], %swap3A_528 {strides = array<i32>} : memref<16x128xf32, #tpu.memory_space<vmem>>, vector<1x16xf32>,
    %swap3A_529 = arith.constant 10 : i32
    %swap3A_530 = arith.index_cast %swap3A_529 : i32 to index
    %swap3A_531 = arith.constant 112 : index
    %swap3A_532 = tpu.vector_load %arg10[%swap3A_530, %swap3A_531] {strides = array<i32>} : memref<16x128xf32, #tpu.memory_space<vmem>>, vector<1x16xf32>,
    %swap3A_533 = vector.shape_cast %swap3A_532 : vector<1x16xf32> to vector<16xf32>
    %swap3A_534 = vector.shape_cast %broadcast_in_dim3A_7 : vector<16xf32> to vector<1x16xf32>
    tpu.vector_store %arg10[%swap3A_530, %swap3A_531], %swap3A_534 {strides = array<i32>} : memref<16x128xf32, #tpu.memory_space<vmem>>, vector<1x16xf32>,
    %swap3A_535 = arith.constant 11 : i32
    %swap3A_536 = arith.index_cast %swap3A_535 : i32 to index
    %swap3A_537 = arith.constant 0 : index
    %swap3A_538 = tpu.vector_load %arg10[%swap3A_536, %swap3A_537] {strides = array<i32>} : memref<16x128xf32, #tpu.memory_space<vmem>>, vector<1x16xf32>,
    %swap3A_539 = vector.shape_cast %swap3A_538 : vector<1x16xf32> to vector<16xf32>
    %swap3A_540 = vector.shape_cast %broadcast_in_dim3A_7 : vector<16xf32> to vector<1x16xf32>
    tpu.vector_store %arg10[%swap3A_536, %swap3A_537], %swap3A_540 {strides = array<i32>} : memref<16x128xf32, #tpu.memory_space<vmem>>, vector<1x16xf32>,
    %swap3A_541 = arith.constant 11 : i32
    %swap3A_542 = arith.index_cast %swap3A_541 : i32 to index
    %swap3A_543 = arith.constant 16 : index
    %swap3A_544 = tpu.vector_load %arg10[%swap3A_542, %swap3A_543] {strides = array<i32>} : memref<16x128xf32, #tpu.memory_space<vmem>>, vector<1x16xf32>,
    %swap3A_545 = vector.shape_cast %swap3A_544 : vector<1x16xf32> to vector<16xf32>
    %swap3A_546 = vector.shape_cast %broadcast_in_dim3A_7 : vector<16xf32> to vector<1x16xf32>
    tpu.vector_store %arg10[%swap3A_542, %swap3A_543], %swap3A_546 {strides = array<i32>} : memref<16x128xf32, #tpu.memory_space<vmem>>, vector<1x16xf32>,
    %swap3A_547 = arith.constant 11 : i32
    %swap3A_548 = arith.index_cast %swap3A_547 : i32 to index
    %swap3A_549 = arith.constant 32 : index
    %swap3A_550 = tpu.vector_load %arg10[%swap3A_548, %swap3A_549] {strides = array<i32>} : memref<16x128xf32, #tpu.memory_space<vmem>>, vector<1x16xf32>,
    %swap3A_551 = vector.shape_cast %swap3A_550 : vector<1x16xf32> to vector<16xf32>
    %swap3A_552 = vector.shape_cast %broadcast_in_dim3A_7 : vector<16xf32> to vector<1x16xf32>
    tpu.vector_store %arg10[%swap3A_548, %swap3A_549], %swap3A_552 {strides = array<i32>} : memref<16x128xf32, #tpu.memory_space<vmem>>, vector<1x16xf32>,
    %swap3A_553 = arith.constant 11 : i32
    %swap3A_554 = arith.index_cast %swap3A_553 : i32 to index
    %swap3A_555 = arith.constant 48 : index
    %swap3A_556 = tpu.vector_load %arg10[%swap3A_554, %swap3A_555] {strides = array<i32>} : memref<16x128xf32, #tpu.memory_space<vmem>>, vector<1x16xf32>,
    %swap3A_557 = vector.shape_cast %swap3A_556 : vector<1x16xf32> to vector<16xf32>
    %swap3A_558 = vector.shape_cast %broadcast_in_dim3A_7 : vector<16xf32> to vector<1x16xf32>
    tpu.vector_store %arg10[%swap3A_554, %swap3A_555], %swap3A_558 {strides = array<i32>} : memref<16x128xf32, #tpu.memory_space<vmem>>, vector<1x16xf32>,
    %swap3A_559 = arith.constant 11 : i32
    %swap3A_560 = arith.index_cast %swap3A_559 : i32 to index
    %swap3A_561 = arith.constant 64 : index
    %swap3A_562 = tpu.vector_load %arg10[%swap3A_560, %swap3A_561] {strides = array<i32>} : memref<16x128xf32, #tpu.memory_space<vmem>>, vector<1x16xf32>,
    %swap3A_563 = vector.shape_cast %swap3A_562 : vector<1x16xf32> to vector<16xf32>
    %swap3A_564 = vector.shape_cast %broadcast_in_dim3A_7 : vector<16xf32> to vector<1x16xf32>
    tpu.vector_store %arg10[%swap3A_560, %swap3A_561], %swap3A_564 {strides = array<i32>} : memref<16x128xf32, #tpu.memory_space<vmem>>, vector<1x16xf32>,
    %swap3A_565 = arith.constant 11 : i32
    %swap3A_566 = arith.index_cast %swap3A_565 : i32 to index
    %swap3A_567 = arith.constant 80 : index
    %swap3A_568 = tpu.vector_load %arg10[%swap3A_566, %swap3A_567] {strides = array<i32>} : memref<16x128xf32, #tpu.memory_space<vmem>>, vector<1x16xf32>,
    %swap3A_569 = vector.shape_cast %swap3A_568 : vector<1x16xf32> to vector<16xf32>
    %swap3A_570 = vector.shape_cast %broadcast_in_dim3A_7 : vector<16xf32> to vector<1x16xf32>
    tpu.vector_store %arg10[%swap3A_566, %swap3A_567], %swap3A_570 {strides = array<i32>} : memref<16x128xf32, #tpu.memory_space<vmem>>, vector<1x16xf32>,
    %swap3A_571 = arith.constant 11 : i32
    %swap3A_572 = arith.index_cast %swap3A_571 : i32 to index
    %swap3A_573 = arith.constant 96 : index
    %swap3A_574 = tpu.vector_load %arg10[%swap3A_572, %swap3A_573] {strides = array<i32>} : memref<16x128xf32, #tpu.memory_space<vmem>>, vector<1x16xf32>,
    %swap3A_575 = vector.shape_cast %swap3A_574 : vector<1x16xf32> to vector<16xf32>
    %swap3A_576 = vector.shape_cast %broadcast_in_dim3A_7 : vector<16xf32> to vector<1x16xf32>
    tpu.vector_store %arg10[%swap3A_572, %swap3A_573], %swap3A_576 {strides = array<i32>} : memref<16x128xf32, #tpu.memory_space<vmem>>, vector<1x16xf32>,
    %swap3A_577 = arith.constant 11 : i32
    %swap3A_578 = arith.index_cast %swap3A_577 : i32 to index
    %swap3A_579 = arith.constant 112 : index
    %swap3A_580 = tpu.vector_load %arg10[%swap3A_578, %swap3A_579] {strides = array<i32>} : memref<16x128xf32, #tpu.memory_space<vmem>>, vector<1x16xf32>,
    %swap3A_581 = vector.shape_cast %swap3A_580 : vector<1x16xf32> to vector<16xf32>
    %swap3A_582 = vector.shape_cast %broadcast_in_dim3A_7 : vector<16xf32> to vector<1x16xf32>
    tpu.vector_store %arg10[%swap3A_578, %swap3A_579], %swap3A_582 {strides = array<i32>} : memref<16x128xf32, #tpu.memory_space<vmem>>, vector<1x16xf32>,
    %swap3A_583 = arith.constant 12 : i32
    %swap3A_584 = arith.index_cast %swap3A_583 : i32 to index
    %swap3A_585 = arith.constant 0 : index
    %swap3A_586 = tpu.vector_load %arg10[%swap3A_584, %swap3A_585] {strides = array<i32>} : memref<16x128xf32, #tpu.memory_space<vmem>>, vector<1x16xf32>,
    %swap3A_587 = vector.shape_cast %swap3A_586 : vector<1x16xf32> to vector<16xf32>
    %swap3A_588 = vector.shape_cast %broadcast_in_dim3A_7 : vector<16xf32> to vector<1x16xf32>
    tpu.vector_store %arg10[%swap3A_584, %swap3A_585], %swap3A_588 {strides = array<i32>} : memref<16x128xf32, #tpu.memory_space<vmem>>, vector<1x16xf32>,
    %swap3A_589 = arith.constant 12 : i32
    %swap3A_590 = arith.index_cast %swap3A_589 : i32 to index
    %swap3A_591 = arith.constant 16 : index
    %swap3A_592 = tpu.vector_load %arg10[%swap3A_590, %swap3A_591] {strides = array<i32>} : memref<16x128xf32, #tpu.memory_space<vmem>>, vector<1x16xf32>,
    %swap3A_593 = vector.shape_cast %swap3A_592 : vector<1x16xf32> to vector<16xf32>
    %swap3A_594 = vector.shape_cast %broadcast_in_dim3A_7 : vector<16xf32> to vector<1x16xf32>
    tpu.vector_store %arg10[%swap3A_590, %swap3A_591], %swap3A_594 {strides = array<i32>} : memref<16x128xf32, #tpu.memory_space<vmem>>, vector<1x16xf32>,
    %swap3A_595 = arith.constant 12 : i32
    %swap3A_596 = arith.index_cast %swap3A_595 : i32 to index
    %swap3A_597 = arith.constant 32 : index
    %swap3A_598 = tpu.vector_load %arg10[%swap3A_596, %swap3A_597] {strides = array<i32>} : memref<16x128xf32, #tpu.memory_space<vmem>>, vector<1x16xf32>,
    %swap3A_599 = vector.shape_cast %swap3A_598 : vector<1x16xf32> to vector<16xf32>
    %swap3A_600 = vector.shape_cast %broadcast_in_dim3A_7 : vector<16xf32> to vector<1x16xf32>
    tpu.vector_store %arg10[%swap3A_596, %swap3A_597], %swap3A_600 {strides = array<i32>} : memref<16x128xf32, #tpu.memory_space<vmem>>, vector<1x16xf32>,
    %swap3A_601 = arith.constant 12 : i32
    %swap3A_602 = arith.index_cast %swap3A_601 : i32 to index
    %swap3A_603 = arith.constant 48 : index
    %swap3A_604 = tpu.vector_load %arg10[%swap3A_602, %swap3A_603] {strides = array<i32>} : memref<16x128xf32, #tpu.memory_space<vmem>>, vector<1x16xf32>,
    %swap3A_605 = vector.shape_cast %swap3A_604 : vector<1x16xf32> to vector<16xf32>
    %swap3A_606 = vector.shape_cast %broadcast_in_dim3A_7 : vector<16xf32> to vector<1x16xf32>
    tpu.vector_store %arg10[%swap3A_602, %swap3A_603], %swap3A_606 {strides = array<i32>} : memref<16x128xf32, #tpu.memory_space<vmem>>, vector<1x16xf32>,
    %swap3A_607 = arith.constant 12 : i32
    %swap3A_608 = arith.index_cast %swap3A_607 : i32 to index
    %swap3A_609 = arith.constant 64 : index
    %swap3A_610 = tpu.vector_load %arg10[%swap3A_608, %swap3A_609] {strides = array<i32>} : memref<16x128xf32, #tpu.memory_space<vmem>>, vector<1x16xf32>,
    %swap3A_611 = vector.shape_cast %swap3A_610 : vector<1x16xf32> to vector<16xf32>
    %swap3A_612 = vector.shape_cast %broadcast_in_dim3A_7 : vector<16xf32> to vector<1x16xf32>
    tpu.vector_store %arg10[%swap3A_608, %swap3A_609], %swap3A_612 {strides = array<i32>} : memref<16x128xf32, #tpu.memory_space<vmem>>, vector<1x16xf32>,
    %swap3A_613 = arith.constant 12 : i32
    %swap3A_614 = arith.index_cast %swap3A_613 : i32 to index
    %swap3A_615 = arith.constant 80 : index
    %swap3A_616 = tpu.vector_load %arg10[%swap3A_614, %swap3A_615] {strides = array<i32>} : memref<16x128xf32, #tpu.memory_space<vmem>>, vector<1x16xf32>,
    %swap3A_617 = vector.shape_cast %swap3A_616 : vector<1x16xf32> to vector<16xf32>
    %swap3A_618 = vector.shape_cast %broadcast_in_dim3A_7 : vector<16xf32> to vector<1x16xf32>
    tpu.vector_store %arg10[%swap3A_614, %swap3A_615], %swap3A_618 {strides = array<i32>} : memref<16x128xf32, #tpu.memory_space<vmem>>, vector<1x16xf32>,
    %swap3A_619 = arith.constant 12 : i32
    %swap3A_620 = arith.index_cast %swap3A_619 : i32 to index
    %swap3A_621 = arith.constant 96 : index
    %swap3A_622 = tpu.vector_load %arg10[%swap3A_620, %swap3A_621] {strides = array<i32>} : memref<16x128xf32, #tpu.memory_space<vmem>>, vector<1x16xf32>,
    %swap3A_623 = vector.shape_cast %swap3A_622 : vector<1x16xf32> to vector<16xf32>
    %swap3A_624 = vector.shape_cast %broadcast_in_dim3A_7 : vector<16xf32> to vector<1x16xf32>
    tpu.vector_store %arg10[%swap3A_620, %swap3A_621], %swap3A_624 {strides = array<i32>} : memref<16x128xf32, #tpu.memory_space<vmem>>, vector<1x16xf32>,
    %swap3A_625 = arith.constant 12 : i32
    %swap3A_626 = arith.index_cast %swap3A_625 : i32 to index
    %swap3A_627 = arith.constant 112 : index
    %swap3A_628 = tpu.vector_load %arg10[%swap3A_626, %swap3A_627] {strides = array<i32>} : memref<16x128xf32, #tpu.memory_space<vmem>>, vector<1x16xf32>,
    %swap3A_629 = vector.shape_cast %swap3A_628 : vector<1x16xf32> to vector<16xf32>
    %swap3A_630 = vector.shape_cast %broadcast_in_dim3A_7 : vector<16xf32> to vector<1x16xf32>
    tpu.vector_store %arg10[%swap3A_626, %swap3A_627], %swap3A_630 {strides = array<i32>} : memref<16x128xf32, #tpu.memory_space<vmem>>, vector<1x16xf32>,
    %swap3A_631 = arith.constant 13 : i32
    %swap3A_632 = arith.index_cast %swap3A_631 : i32 to index
    %swap3A_633 = arith.constant 0 : index
    %swap3A_634 = tpu.vector_load %arg10[%swap3A_632, %swap3A_633] {strides = array<i32>} : memref<16x128xf32, #tpu.memory_space<vmem>>, vector<1x16xf32>,
    %swap3A_635 = vector.shape_cast %swap3A_634 : vector<1x16xf32> to vector<16xf32>
    %swap3A_636 = vector.shape_cast %broadcast_in_dim3A_7 : vector<16xf32> to vector<1x16xf32>
    tpu.vector_store %arg10[%swap3A_632, %swap3A_633], %swap3A_636 {strides = array<i32>} : memref<16x128xf32, #tpu.memory_space<vmem>>, vector<1x16xf32>,
    %swap3A_637 = arith.constant 13 : i32
    %swap3A_638 = arith.index_cast %swap3A_637 : i32 to index
    %swap3A_639 = arith.constant 16 : index
    %swap3A_640 = tpu.vector_load %arg10[%swap3A_638, %swap3A_639] {strides = array<i32>} : memref<16x128xf32, #tpu.memory_space<vmem>>, vector<1x16xf32>,
    %swap3A_641 = vector.shape_cast %swap3A_640 : vector<1x16xf32> to vector<16xf32>
    %swap3A_642 = vector.shape_cast %broadcast_in_dim3A_7 : vector<16xf32> to vector<1x16xf32>
    tpu.vector_store %arg10[%swap3A_638, %swap3A_639], %swap3A_642 {strides = array<i32>} : memref<16x128xf32, #tpu.memory_space<vmem>>, vector<1x16xf32>,
    %swap3A_643 = arith.constant 13 : i32
    %swap3A_644 = arith.index_cast %swap3A_643 : i32 to index
    %swap3A_645 = arith.constant 32 : index
    %swap3A_646 = tpu.vector_load %arg10[%swap3A_644, %swap3A_645] {strides = array<i32>} : memref<16x128xf32, #tpu.memory_space<vmem>>, vector<1x16xf32>,
    %swap3A_647 = vector.shape_cast %swap3A_646 : vector<1x16xf32> to vector<16xf32>
    %swap3A_648 = vector.shape_cast %broadcast_in_dim3A_7 : vector<16xf32> to vector<1x16xf32>
    tpu.vector_store %arg10[%swap3A_644, %swap3A_645], %swap3A_648 {strides = array<i32>} : memref<16x128xf32, #tpu.memory_space<vmem>>, vector<1x16xf32>,
    %swap3A_649 = arith.constant 13 : i32
    %swap3A_650 = arith.index_cast %swap3A_649 : i32 to index
    %swap3A_651 = arith.constant 48 : index
    %swap3A_652 = tpu.vector_load %arg10[%swap3A_650, %swap3A_651] {strides = array<i32>} : memref<16x128xf32, #tpu.memory_space<vmem>>, vector<1x16xf32>,
    %swap3A_653 = vector.shape_cast %swap3A_652 : vector<1x16xf32> to vector<16xf32>
    %swap3A_654 = vector.shape_cast %broadcast_in_dim3A_7 : vector<16xf32> to vector<1x16xf32>
    tpu.vector_store %arg10[%swap3A_650, %swap3A_651], %swap3A_654 {strides = array<i32>} : memref<16x128xf32, #tpu.memory_space<vmem>>, vector<1x16xf32>,
    %swap3A_655 = arith.constant 13 : i32
    %swap3A_656 = arith.index_cast %swap3A_655 : i32 to index
    %swap3A_657 = arith.constant 64 : index
    %swap3A_658 = tpu.vector_load %arg10[%swap3A_656, %swap3A_657] {strides = array<i32>} : memref<16x128xf32, #tpu.memory_space<vmem>>, vector<1x16xf32>,
    %swap3A_659 = vector.shape_cast %swap3A_658 : vector<1x16xf32> to vector<16xf32>
    %swap3A_660 = vector.shape_cast %broadcast_in_dim3A_7 : vector<16xf32> to vector<1x16xf32>
    tpu.vector_store %arg10[%swap3A_656, %swap3A_657], %swap3A_660 {strides = array<i32>} : memref<16x128xf32, #tpu.memory_space<vmem>>, vector<1x16xf32>,
    %swap3A_661 = arith.constant 13 : i32
    %swap3A_662 = arith.index_cast %swap3A_661 : i32 to index
    %swap3A_663 = arith.constant 80 : index
    %swap3A_664 = tpu.vector_load %arg10[%swap3A_662, %swap3A_663] {strides = array<i32>} : memref<16x128xf32, #tpu.memory_space<vmem>>, vector<1x16xf32>,
    %swap3A_665 = vector.shape_cast %swap3A_664 : vector<1x16xf32> to vector<16xf32>
    %swap3A_666 = vector.shape_cast %broadcast_in_dim3A_7 : vector<16xf32> to vector<1x16xf32>
    tpu.vector_store %arg10[%swap3A_662, %swap3A_663], %swap3A_666 {strides = array<i32>} : memref<16x128xf32, #tpu.memory_space<vmem>>, vector<1x16xf32>,
    %swap3A_667 = arith.constant 13 : i32
    %swap3A_668 = arith.index_cast %swap3A_667 : i32 to index
    %swap3A_669 = arith.constant 96 : index
    %swap3A_670 = tpu.vector_load %arg10[%swap3A_668, %swap3A_669] {strides = array<i32>} : memref<16x128xf32, #tpu.memory_space<vmem>>, vector<1x16xf32>,
    %swap3A_671 = vector.shape_cast %swap3A_670 : vector<1x16xf32> to vector<16xf32>
    %swap3A_672 = vector.shape_cast %broadcast_in_dim3A_7 : vector<16xf32> to vector<1x16xf32>
    tpu.vector_store %arg10[%swap3A_668, %swap3A_669], %swap3A_672 {strides = array<i32>} : memref<16x128xf32, #tpu.memory_space<vmem>>, vector<1x16xf32>,
    %swap3A_673 = arith.constant 13 : i32
    %swap3A_674 = arith.index_cast %swap3A_673 : i32 to index
    %swap3A_675 = arith.constant 112 : index
    %swap3A_676 = tpu.vector_load %arg10[%swap3A_674, %swap3A_675] {strides = array<i32>} : memref<16x128xf32, #tpu.memory_space<vmem>>, vector<1x16xf32>,
    %swap3A_677 = vector.shape_cast %swap3A_676 : vector<1x16xf32> to vector<16xf32>
    %swap3A_678 = vector.shape_cast %broadcast_in_dim3A_7 : vector<16xf32> to vector<1x16xf32>
    tpu.vector_store %arg10[%swap3A_674, %swap3A_675], %swap3A_678 {strides = array<i32>} : memref<16x128xf32, #tpu.memory_space<vmem>>, vector<1x16xf32>,
    %swap3A_679 = arith.constant 14 : i32
    %swap3A_680 = arith.index_cast %swap3A_679 : i32 to index
    %swap3A_681 = arith.constant 0 : index
    %swap3A_682 = tpu.vector_load %arg10[%swap3A_680, %swap3A_681] {strides = array<i32>} : memref<16x128xf32, #tpu.memory_space<vmem>>, vector<1x16xf32>,
    %swap3A_683 = vector.shape_cast %swap3A_682 : vector<1x16xf32> to vector<16xf32>
    %swap3A_684 = vector.shape_cast %broadcast_in_dim3A_7 : vector<16xf32> to vector<1x16xf32>
    tpu.vector_store %arg10[%swap3A_680, %swap3A_681], %swap3A_684 {strides = array<i32>} : memref<16x128xf32, #tpu.memory_space<vmem>>, vector<1x16xf32>,
    %swap3A_685 = arith.constant 14 : i32
    %swap3A_686 = arith.index_cast %swap3A_685 : i32 to index
    %swap3A_687 = arith.constant 16 : index
    %swap3A_688 = tpu.vector_load %arg10[%swap3A_686, %swap3A_687] {strides = array<i32>} : memref<16x128xf32, #tpu.memory_space<vmem>>, vector<1x16xf32>,
    %swap3A_689 = vector.shape_cast %swap3A_688 : vector<1x16xf32> to vector<16xf32>
    %swap3A_690 = vector.shape_cast %broadcast_in_dim3A_7 : vector<16xf32> to vector<1x16xf32>
    tpu.vector_store %arg10[%swap3A_686, %swap3A_687], %swap3A_690 {strides = array<i32>} : memref<16x128xf32, #tpu.memory_space<vmem>>, vector<1x16xf32>,
    %swap3A_691 = arith.constant 14 : i32
    %swap3A_692 = arith.index_cast %swap3A_691 : i32 to index
    %swap3A_693 = arith.constant 32 : index
    %swap3A_694 = tpu.vector_load %arg10[%swap3A_692, %swap3A_693] {strides = array<i32>} : memref<16x128xf32, #tpu.memory_space<vmem>>, vector<1x16xf32>,
    %swap3A_695 = vector.shape_cast %swap3A_694 : vector<1x16xf32> to vector<16xf32>
    %swap3A_696 = vector.shape_cast %broadcast_in_dim3A_7 : vector<16xf32> to vector<1x16xf32>
    tpu.vector_store %arg10[%swap3A_692, %swap3A_693], %swap3A_696 {strides = array<i32>} : memref<16x128xf32, #tpu.memory_space<vmem>>, vector<1x16xf32>,
    %swap3A_697 = arith.constant 14 : i32
    %swap3A_698 = arith.index_cast %swap3A_697 : i32 to index
    %swap3A_699 = arith.constant 48 : index
    %swap3A_700 = tpu.vector_load %arg10[%swap3A_698, %swap3A_699] {strides = array<i32>} : memref<16x128xf32, #tpu.memory_space<vmem>>, vector<1x16xf32>,
    %swap3A_701 = vector.shape_cast %swap3A_700 : vector<1x16xf32> to vector<16xf32>
    %swap3A_702 = vector.shape_cast %broadcast_in_dim3A_7 : vector<16xf32> to vector<1x16xf32>
    tpu.vector_store %arg10[%swap3A_698, %swap3A_699], %swap3A_702 {strides = array<i32>} : memref<16x128xf32, #tpu.memory_space<vmem>>, vector<1x16xf32>,
    %swap3A_703 = arith.constant 14 : i32
    %swap3A_704 = arith.index_cast %swap3A_703 : i32 to index
    %swap3A_705 = arith.constant 64 : index
    %swap3A_706 = tpu.vector_load %arg10[%swap3A_704, %swap3A_705] {strides = array<i32>} : memref<16x128xf32, #tpu.memory_space<vmem>>, vector<1x16xf32>,
    %swap3A_707 = vector.shape_cast %swap3A_706 : vector<1x16xf32> to vector<16xf32>
    %swap3A_708 = vector.shape_cast %broadcast_in_dim3A_7 : vector<16xf32> to vector<1x16xf32>
    tpu.vector_store %arg10[%swap3A_704, %swap3A_705], %swap3A_708 {strides = array<i32>} : memref<16x128xf32, #tpu.memory_space<vmem>>, vector<1x16xf32>,
    %swap3A_709 = arith.constant 14 : i32
    %swap3A_710 = arith.index_cast %swap3A_709 : i32 to index
    %swap3A_711 = arith.constant 80 : index
    %swap3A_712 = tpu.vector_load %arg10[%swap3A_710, %swap3A_711] {strides = array<i32>} : memref<16x128xf32, #tpu.memory_space<vmem>>, vector<1x16xf32>,
    %swap3A_713 = vector.shape_cast %swap3A_712 : vector<1x16xf32> to vector<16xf32>
    %swap3A_714 = vector.shape_cast %broadcast_in_dim3A_7 : vector<16xf32> to vector<1x16xf32>
    tpu.vector_store %arg10[%swap3A_710, %swap3A_711], %swap3A_714 {strides = array<i32>} : memref<16x128xf32, #tpu.memory_space<vmem>>, vector<1x16xf32>,
    %swap3A_715 = arith.constant 14 : i32
    %swap3A_716 = arith.index_cast %swap3A_715 : i32 to index
    %swap3A_717 = arith.constant 96 : index
    %swap3A_718 = tpu.vector_load %arg10[%swap3A_716, %swap3A_717] {strides = array<i32>} : memref<16x128xf32, #tpu.memory_space<vmem>>, vector<1x16xf32>,
    %swap3A_719 = vector.shape_cast %swap3A_718 : vector<1x16xf32> to vector<16xf32>
    %swap3A_720 = vector.shape_cast %broadcast_in_dim3A_7 : vector<16xf32> to vector<1x16xf32>
    tpu.vector_store %arg10[%swap3A_716, %swap3A_717], %swap3A_720 {strides = array<i32>} : memref<16x128xf32, #tpu.memory_space<vmem>>, vector<1x16xf32>,
    %swap3A_721 = arith.constant 14 : i32
    %swap3A_722 = arith.index_cast %swap3A_721 : i32 to index
    %swap3A_723 = arith.constant 112 : index
    %swap3A_724 = tpu.vector_load %arg10[%swap3A_722, %swap3A_723] {strides = array<i32>} : memref<16x128xf32, #tpu.memory_space<vmem>>, vector<1x16xf32>,
    %swap3A_725 = vector.shape_cast %swap3A_724 : vector<1x16xf32> to vector<16xf32>
    %swap3A_726 = vector.shape_cast %broadcast_in_dim3A_7 : vector<16xf32> to vector<1x16xf32>
    tpu.vector_store %arg10[%swap3A_722, %swap3A_723], %swap3A_726 {strides = array<i32>} : memref<16x128xf32, #tpu.memory_space<vmem>>, vector<1x16xf32>,
    %swap3A_727 = arith.constant 15 : i32
    %swap3A_728 = arith.index_cast %swap3A_727 : i32 to index
    %swap3A_729 = arith.constant 0 : index
    %swap3A_730 = tpu.vector_load %arg10[%swap3A_728, %swap3A_729] {strides = array<i32>} : memref<16x128xf32, #tpu.memory_space<vmem>>, vector<1x16xf32>,
    %swap3A_731 = vector.shape_cast %swap3A_730 : vector<1x16xf32> to vector<16xf32>
    %swap3A_732 = vector.shape_cast %broadcast_in_dim3A_7 : vector<16xf32> to vector<1x16xf32>
    tpu.vector_store %arg10[%swap3A_728, %swap3A_729], %swap3A_732 {strides = array<i32>} : memref<16x128xf32, #tpu.memory_space<vmem>>, vector<1x16xf32>,
    %swap3A_733 = arith.constant 15 : i32
    %swap3A_734 = arith.index_cast %swap3A_733 : i32 to index
    %swap3A_735 = arith.constant 16 : index
    %swap3A_736 = tpu.vector_load %arg10[%swap3A_734, %swap3A_735] {strides = array<i32>} : memref<16x128xf32, #tpu.memory_space<vmem>>, vector<1x16xf32>,
    %swap3A_737 = vector.shape_cast %swap3A_736 : vector<1x16xf32> to vector<16xf32>
    %swap3A_738 = vector.shape_cast %broadcast_in_dim3A_7 : vector<16xf32> to vector<1x16xf32>
    tpu.vector_store %arg10[%swap3A_734, %swap3A_735], %swap3A_738 {strides = array<i32>} : memref<16x128xf32, #tpu.memory_space<vmem>>, vector<1x16xf32>,
    %swap3A_739 = arith.constant 15 : i32
    %swap3A_740 = arith.index_cast %swap3A_739 : i32 to index
    %swap3A_741 = arith.constant 32 : index
    %swap3A_742 = tpu.vector_load %arg10[%swap3A_740, %swap3A_741] {strides = array<i32>} : memref<16x128xf32, #tpu.memory_space<vmem>>, vector<1x16xf32>,
    %swap3A_743 = vector.shape_cast %swap3A_742 : vector<1x16xf32> to vector<16xf32>
    %swap3A_744 = vector.shape_cast %broadcast_in_dim3A_7 : vector<16xf32> to vector<1x16xf32>
    tpu.vector_store %arg10[%swap3A_740, %swap3A_741], %swap3A_744 {strides = array<i32>} : memref<16x128xf32, #tpu.memory_space<vmem>>, vector<1x16xf32>,
    %swap3A_745 = arith.constant 15 : i32
    %swap3A_746 = arith.index_cast %swap3A_745 : i32 to index
    %swap3A_747 = arith.constant 48 : index
    %swap3A_748 = tpu.vector_load %arg10[%swap3A_746, %swap3A_747] {strides = array<i32>} : memref<16x128xf32, #tpu.memory_space<vmem>>, vector<1x16xf32>,
    %swap3A_749 = vector.shape_cast %swap3A_748 : vector<1x16xf32> to vector<16xf32>
    %swap3A_750 = vector.shape_cast %broadcast_in_dim3A_7 : vector<16xf32> to vector<1x16xf32>
    tpu.vector_store %arg10[%swap3A_746, %swap3A_747], %swap3A_750 {strides = array<i32>} : memref<16x128xf32, #tpu.memory_space<vmem>>, vector<1x16xf32>,
    %swap3A_751 = arith.constant 15 : i32
    %swap3A_752 = arith.index_cast %swap3A_751 : i32 to index
    %swap3A_753 = arith.constant 64 : index
    %swap3A_754 = tpu.vector_load %arg10[%swap3A_752, %swap3A_753] {strides = array<i32>} : memref<16x128xf32, #tpu.memory_space<vmem>>, vector<1x16xf32>,
    %swap3A_755 = vector.shape_cast %swap3A_754 : vector<1x16xf32> to vector<16xf32>
    %swap3A_756 = vector.shape_cast %broadcast_in_dim3A_7 : vector<16xf32> to vector<1x16xf32>
    tpu.vector_store %arg10[%swap3A_752, %swap3A_753], %swap3A_756 {strides = array<i32>} : memref<16x128xf32, #tpu.memory_space<vmem>>, vector<1x16xf32>,
    %swap3A_757 = arith.constant 15 : i32
    %swap3A_758 = arith.index_cast %swap3A_757 : i32 to index
    %swap3A_759 = arith.constant 80 : index
    %swap3A_760 = tpu.vector_load %arg10[%swap3A_758, %swap3A_759] {strides = array<i32>} : memref<16x128xf32, #tpu.memory_space<vmem>>, vector<1x16xf32>,
    %swap3A_761 = vector.shape_cast %swap3A_760 : vector<1x16xf32> to vector<16xf32>
    %swap3A_762 = vector.shape_cast %broadcast_in_dim3A_7 : vector<16xf32> to vector<1x16xf32>
    tpu.vector_store %arg10[%swap3A_758, %swap3A_759], %swap3A_762 {strides = array<i32>} : memref<16x128xf32, #tpu.memory_space<vmem>>, vector<1x16xf32>,
    %swap3A_763 = arith.constant 15 : i32
    %swap3A_764 = arith.index_cast %swap3A_763 : i32 to index
    %swap3A_765 = arith.constant 96 : index
    %swap3A_766 = tpu.vector_load %arg10[%swap3A_764, %swap3A_765] {strides = array<i32>} : memref<16x128xf32, #tpu.memory_space<vmem>>, vector<1x16xf32>,
    %swap3A_767 = vector.shape_cast %swap3A_766 : vector<1x16xf32> to vector<16xf32>
    %swap3A_768 = vector.shape_cast %broadcast_in_dim3A_7 : vector<16xf32> to vector<1x16xf32>
    tpu.vector_store %arg10[%swap3A_764, %swap3A_765], %swap3A_768 {strides = array<i32>} : memref<16x128xf32, #tpu.memory_space<vmem>>, vector<1x16xf32>,
    %swap3A_769 = arith.constant 15 : i32
    %swap3A_770 = arith.index_cast %swap3A_769 : i32 to index
    %swap3A_771 = arith.constant 112 : index
    %swap3A_772 = tpu.vector_load %arg10[%swap3A_770, %swap3A_771] {strides = array<i32>} : memref<16x128xf32, #tpu.memory_space<vmem>>, vector<1x16xf32>,
    %swap3A_773 = vector.shape_cast %swap3A_772 : vector<1x16xf32> to vector<16xf32>
    %swap3A_774 = vector.shape_cast %broadcast_in_dim3A_7 : vector<16xf32> to vector<1x16xf32>
    tpu.vector_store %arg10[%swap3A_770, %swap3A_771], %swap3A_774 {strides = array<i32>} : memref<16x128xf32, #tpu.memory_space<vmem>>, vector<1x16xf32>,
    %mul3A_775 = arith.constant 640 : i32
    %mul3A_776 = arith.muli %arg1, %mul3A_775 : i32
    %add3A_777 = arith.constant 0 : i32
    %add3A_778 = arith.addi %mul3A_776, %add3A_777 : i32
    "tpu.region"() ({
      %run_scoped3A = tpu.sem_alloc : memref<!tpu.dma_semaphore, #tpu.memory_space<semaphore_mem>>
      %dma_start3A_1264 = arith.constant 0 : i32
      %dma_start3A_1265 = tpu.memref_slice %arg11[%add3A_778, %dma_start3A_1264] : memref<10240x128xf32, #tpu.memory_space<vmem_shared>> -> memref<16x128xf32, #tpu.memory_space<vmem_shared>>
      %dma_start3A_1266 = arith.constant 0 : i32
      %dma_start3A_1267 = tpu.memref_slice %arg11[%add3A_778, %dma_start3A_1266] : memref<10240x128xf32, #tpu.memory_space<vmem_shared>> -> memref<16x128xf32, #tpu.memory_space<vmem_shared>>
      tpu.enqueue_dma source(%arg10 : memref<16x128xf32, #tpu.memory_space<vmem>>) target(%dma_start3A_1267 : memref<16x128xf32, #tpu.memory_space<vmem_shared>>) target_semaphore(%run_scoped3A : memref<!tpu.dma_semaphore, #tpu.memory_space<semaphore_mem>>)
      %dma_wait3A_1268 = arith.constant 0 : i32
      %dma_wait3A_1269 = tpu.memref_slice %arg11[%add3A_778, %dma_wait3A_1268] : memref<10240x128xf32, #tpu.memory_space<vmem_shared>> -> memref<16x128xf32, #tpu.memory_space<vmem_shared>>
      %dma_wait3A_1270 = arith.constant 0 : i32
      %dma_wait3A_1271 = tpu.memref_slice %arg11[%add3A_778, %dma_wait3A_1270] : memref<10240x128xf32, #tpu.memory_space<vmem_shared>> -> memref<16x128xf32, #tpu.memory_space<vmem_shared>>
      tpu.wait_dma2 semaphore(%run_scoped3A : memref<!tpu.dma_semaphore, #tpu.memory_space<semaphore_mem>>) src(%arg10 : memref<16x128xf32, #tpu.memory_space<vmem>>) dst(%dma_wait3A_1271 : memref<16x128xf32, #tpu.memory_space<vmem_shared>>)
      tpu.yield
    }) : () -> ()
    %mul3A_779 = arith.constant 640 : i32
    %mul3A_780 = arith.muli %arg1, %mul3A_779 : i32
    %add3A_781 = arith.constant 16 : i32
    %add3A_782 = arith.addi %mul3A_780, %add3A_781 : i32
    "tpu.region"() ({
      %run_scoped3A = tpu.sem_alloc : memref<!tpu.dma_semaphore, #tpu.memory_space<semaphore_mem>>
      %dma_start3A_1264 = arith.constant 0 : i32
      %dma_start3A_1265 = tpu.memref_slice %arg11[%add3A_782, %dma_start3A_1264] : memref<10240x128xf32, #tpu.memory_space<vmem_shared>> -> memref<16x128xf32, #tpu.memory_space<vmem_shared>>
      %dma_start3A_1266 = arith.constant 0 : i32
      %dma_start3A_1267 = tpu.memref_slice %arg11[%add3A_782, %dma_start3A_1266] : memref<10240x128xf32, #tpu.memory_space<vmem_shared>> -> memref<16x128xf32, #tpu.memory_space<vmem_shared>>
      tpu.enqueue_dma source(%arg10 : memref<16x128xf32, #tpu.memory_space<vmem>>) target(%dma_start3A_1267 : memref<16x128xf32, #tpu.memory_space<vmem_shared>>) target_semaphore(%run_scoped3A : memref<!tpu.dma_semaphore, #tpu.memory_space<semaphore_mem>>)
      %dma_wait3A_1268 = arith.constant 0 : i32
      %dma_wait3A_1269 = tpu.memref_slice %arg11[%add3A_782, %dma_wait3A_1268] : memref<10240x128xf32, #tpu.memory_space<vmem_shared>> -> memref<16x128xf32, #tpu.memory_space<vmem_shared>>
      %dma_wait3A_1270 = arith.constant 0 : i32
      %dma_wait3A_1271 = tpu.memref_slice %arg11[%add3A_782, %dma_wait3A_1270] : memref<10240x128xf32, #tpu.memory_space<vmem_shared>> -> memref<16x128xf32, #tpu.memory_space<vmem_shared>>
      tpu.wait_dma2 semaphore(%run_scoped3A : memref<!tpu.dma_semaphore, #tpu.memory_space<semaphore_mem>>) src(%arg10 : memref<16x128xf32, #tpu.memory_space<vmem>>) dst(%dma_wait3A_1271 : memref<16x128xf32, #tpu.memory_space<vmem_shared>>)
      tpu.yield
    }) : () -> ()
    %mul3A_783 = arith.constant 640 : i32
    %mul3A_784 = arith.muli %arg1, %mul3A_783 : i32
    %add3A_785 = arith.constant 32 : i32
    %add3A_786 = arith.addi %mul3A_784, %add3A_785 : i32
    "tpu.region"() ({
      %run_scoped3A = tpu.sem_alloc : memref<!tpu.dma_semaphore, #tpu.memory_space<semaphore_mem>>
      %dma_start3A_1264 = arith.constant 0 : i32
      %dma_start3A_1265 = tpu.memref_slice %arg11[%add3A_786, %dma_start3A_1264] : memref<10240x128xf32, #tpu.memory_space<vmem_shared>> -> memref<16x128xf32, #tpu.memory_space<vmem_shared>>
      %dma_start3A_1266 = arith.constant 0 : i32
      %dma_start3A_1267 = tpu.memref_slice %arg11[%add3A_786, %dma_start3A_1266] : memref<10240x128xf32, #tpu.memory_space<vmem_shared>> -> memref<16x128xf32, #tpu.memory_space<vmem_shared>>
      tpu.enqueue_dma source(%arg10 : memref<16x128xf32, #tpu.memory_space<vmem>>) target(%dma_start3A_1267 : memref<16x128xf32, #tpu.memory_space<vmem_shared>>) target_semaphore(%run_scoped3A : memref<!tpu.dma_semaphore, #tpu.memory_space<semaphore_mem>>)
      %dma_wait3A_1268 = arith.constant 0 : i32
      %dma_wait3A_1269 = tpu.memref_slice %arg11[%add3A_786, %dma_wait3A_1268] : memref<10240x128xf32, #tpu.memory_space<vmem_shared>> -> memref<16x128xf32, #tpu.memory_space<vmem_shared>>
      %dma_wait3A_1270 = arith.constant 0 : i32
      %dma_wait3A_1271 = tpu.memref_slice %arg11[%add3A_786, %dma_wait3A_1270] : memref<10240x128xf32, #tpu.memory_space<vmem_shared>> -> memref<16x128xf32, #tpu.memory_space<vmem_shared>>
      tpu.wait_dma2 semaphore(%run_scoped3A : memref<!tpu.dma_semaphore, #tpu.memory_space<semaphore_mem>>) src(%arg10 : memref<16x128xf32, #tpu.memory_space<vmem>>) dst(%dma_wait3A_1271 : memref<16x128xf32, #tpu.memory_space<vmem_shared>>)
      tpu.yield
    }) : () -> ()
    %mul3A_787 = arith.constant 640 : i32
    %mul3A_788 = arith.muli %arg1, %mul3A_787 : i32
    %add3A_789 = arith.constant 48 : i32
    %add3A_790 = arith.addi %mul3A_788, %add3A_789 : i32
    "tpu.region"() ({
      %run_scoped3A = tpu.sem_alloc : memref<!tpu.dma_semaphore, #tpu.memory_space<semaphore_mem>>
      %dma_start3A_1264 = arith.constant 0 : i32
      %dma_start3A_1265 = tpu.memref_slice %arg11[%add3A_790, %dma_start3A_1264] : memref<10240x128xf32, #tpu.memory_space<vmem_shared>> -> memref<16x128xf32, #tpu.memory_space<vmem_shared>>
      %dma_start3A_1266 = arith.constant 0 : i32
      %dma_start3A_1267 = tpu.memref_slice %arg11[%add3A_790, %dma_start3A_1266] : memref<10240x128xf32, #tpu.memory_space<vmem_shared>> -> memref<16x128xf32, #tpu.memory_space<vmem_shared>>
      tpu.enqueue_dma source(%arg10 : memref<16x128xf32, #tpu.memory_space<vmem>>) target(%dma_start3A_1267 : memref<16x128xf32, #tpu.memory_space<vmem_shared>>) target_semaphore(%run_scoped3A : memref<!tpu.dma_semaphore, #tpu.memory_space<semaphore_mem>>)
      %dma_wait3A_1268 = arith.constant 0 : i32
      %dma_wait3A_1269 = tpu.memref_slice %arg11[%add3A_790, %dma_wait3A_1268] : memref<10240x128xf32, #tpu.memory_space<vmem_shared>> -> memref<16x128xf32, #tpu.memory_space<vmem_shared>>
      %dma_wait3A_1270 = arith.constant 0 : i32
      %dma_wait3A_1271 = tpu.memref_slice %arg11[%add3A_790, %dma_wait3A_1270] : memref<10240x128xf32, #tpu.memory_space<vmem_shared>> -> memref<16x128xf32, #tpu.memory_space<vmem_shared>>
      tpu.wait_dma2 semaphore(%run_scoped3A : memref<!tpu.dma_semaphore, #tpu.memory_space<semaphore_mem>>) src(%arg10 : memref<16x128xf32, #tpu.memory_space<vmem>>) dst(%dma_wait3A_1271 : memref<16x128xf32, #tpu.memory_space<vmem_shared>>)
      tpu.yield
    }) : () -> ()
    %mul3A_791 = arith.constant 640 : i32
    %mul3A_792 = arith.muli %arg1, %mul3A_791 : i32
    %add3A_793 = arith.constant 64 : i32
    %add3A_794 = arith.addi %mul3A_792, %add3A_793 : i32
    "tpu.region"() ({
      %run_scoped3A = tpu.sem_alloc : memref<!tpu.dma_semaphore, #tpu.memory_space<semaphore_mem>>
      %dma_start3A_1264 = arith.constant 0 : i32
      %dma_start3A_1265 = tpu.memref_slice %arg11[%add3A_794, %dma_start3A_1264] : memref<10240x128xf32, #tpu.memory_space<vmem_shared>> -> memref<16x128xf32, #tpu.memory_space<vmem_shared>>
      %dma_start3A_1266 = arith.constant 0 : i32
      %dma_start3A_1267 = tpu.memref_slice %arg11[%add3A_794, %dma_start3A_1266] : memref<10240x128xf32, #tpu.memory_space<vmem_shared>> -> memref<16x128xf32, #tpu.memory_space<vmem_shared>>
      tpu.enqueue_dma source(%arg10 : memref<16x128xf32, #tpu.memory_space<vmem>>) target(%dma_start3A_1267 : memref<16x128xf32, #tpu.memory_space<vmem_shared>>) target_semaphore(%run_scoped3A : memref<!tpu.dma_semaphore, #tpu.memory_space<semaphore_mem>>)
      %dma_wait3A_1268 = arith.constant 0 : i32
      %dma_wait3A_1269 = tpu.memref_slice %arg11[%add3A_794, %dma_wait3A_1268] : memref<10240x128xf32, #tpu.memory_space<vmem_shared>> -> memref<16x128xf32, #tpu.memory_space<vmem_shared>>
      %dma_wait3A_1270 = arith.constant 0 : i32
      %dma_wait3A_1271 = tpu.memref_slice %arg11[%add3A_794, %dma_wait3A_1270] : memref<10240x128xf32, #tpu.memory_space<vmem_shared>> -> memref<16x128xf32, #tpu.memory_space<vmem_shared>>
      tpu.wait_dma2 semaphore(%run_scoped3A : memref<!tpu.dma_semaphore, #tpu.memory_space<semaphore_mem>>) src(%arg10 : memref<16x128xf32, #tpu.memory_space<vmem>>) dst(%dma_wait3A_1271 : memref<16x128xf32, #tpu.memory_space<vmem_shared>>)
      tpu.yield
    }) : () -> ()
    %mul3A_795 = arith.constant 640 : i32
    %mul3A_796 = arith.muli %arg1, %mul3A_795 : i32
    %add3A_797 = arith.constant 80 : i32
    %add3A_798 = arith.addi %mul3A_796, %add3A_797 : i32
    "tpu.region"() ({
      %run_scoped3A = tpu.sem_alloc : memref<!tpu.dma_semaphore, #tpu.memory_space<semaphore_mem>>
      %dma_start3A_1264 = arith.constant 0 : i32
      %dma_start3A_1265 = tpu.memref_slice %arg11[%add3A_798, %dma_start3A_1264] : memref<10240x128xf32, #tpu.memory_space<vmem_shared>> -> memref<16x128xf32, #tpu.memory_space<vmem_shared>>
      %dma_start3A_1266 = arith.constant 0 : i32
      %dma_start3A_1267 = tpu.memref_slice %arg11[%add3A_798, %dma_start3A_1266] : memref<10240x128xf32, #tpu.memory_space<vmem_shared>> -> memref<16x128xf32, #tpu.memory_space<vmem_shared>>
      tpu.enqueue_dma source(%arg10 : memref<16x128xf32, #tpu.memory_space<vmem>>) target(%dma_start3A_1267 : memref<16x128xf32, #tpu.memory_space<vmem_shared>>) target_semaphore(%run_scoped3A : memref<!tpu.dma_semaphore, #tpu.memory_space<semaphore_mem>>)
      %dma_wait3A_1268 = arith.constant 0 : i32
      %dma_wait3A_1269 = tpu.memref_slice %arg11[%add3A_798, %dma_wait3A_1268] : memref<10240x128xf32, #tpu.memory_space<vmem_shared>> -> memref<16x128xf32, #tpu.memory_space<vmem_shared>>
      %dma_wait3A_1270 = arith.constant 0 : i32
      %dma_wait3A_1271 = tpu.memref_slice %arg11[%add3A_798, %dma_wait3A_1270] : memref<10240x128xf32, #tpu.memory_space<vmem_shared>> -> memref<16x128xf32, #tpu.memory_space<vmem_shared>>
      tpu.wait_dma2 semaphore(%run_scoped3A : memref<!tpu.dma_semaphore, #tpu.memory_space<semaphore_mem>>) src(%arg10 : memref<16x128xf32, #tpu.memory_space<vmem>>) dst(%dma_wait3A_1271 : memref<16x128xf32, #tpu.memory_space<vmem_shared>>)
      tpu.yield
    }) : () -> ()
    %mul3A_799 = arith.constant 640 : i32
    %mul3A_800 = arith.muli %arg1, %mul3A_799 : i32
    %add3A_801 = arith.constant 96 : i32
    %add3A_802 = arith.addi %mul3A_800, %add3A_801 : i32
    "tpu.region"() ({
      %run_scoped3A = tpu.sem_alloc : memref<!tpu.dma_semaphore, #tpu.memory_space<semaphore_mem>>
      %dma_start3A_1264 = arith.constant 0 : i32
      %dma_start3A_1265 = tpu.memref_slice %arg11[%add3A_802, %dma_start3A_1264] : memref<10240x128xf32, #tpu.memory_space<vmem_shared>> -> memref<16x128xf32, #tpu.memory_space<vmem_shared>>
      %dma_start3A_1266 = arith.constant 0 : i32
      %dma_start3A_1267 = tpu.memref_slice %arg11[%add3A_802, %dma_start3A_1266] : memref<10240x128xf32, #tpu.memory_space<vmem_shared>> -> memref<16x128xf32, #tpu.memory_space<vmem_shared>>
      tpu.enqueue_dma source(%arg10 : memref<16x128xf32, #tpu.memory_space<vmem>>) target(%dma_start3A_1267 : memref<16x128xf32, #tpu.memory_space<vmem_shared>>) target_semaphore(%run_scoped3A : memref<!tpu.dma_semaphore, #tpu.memory_space<semaphore_mem>>)
      %dma_wait3A_1268 = arith.constant 0 : i32
      %dma_wait3A_1269 = tpu.memref_slice %arg11[%add3A_802, %dma_wait3A_1268] : memref<10240x128xf32, #tpu.memory_space<vmem_shared>> -> memref<16x128xf32, #tpu.memory_space<vmem_shared>>
      %dma_wait3A_1270 = arith.constant 0 : i32
      %dma_wait3A_1271 = tpu.memref_slice %arg11[%add3A_802, %dma_wait3A_1270] : memref<10240x128xf32, #tpu.memory_space<vmem_shared>> -> memref<16x128xf32, #tpu.memory_space<vmem_shared>>
      tpu.wait_dma2 semaphore(%run_scoped3A : memref<!tpu.dma_semaphore, #tpu.memory_space<semaphore_mem>>) src(%arg10 : memref<16x128xf32, #tpu.memory_space<vmem>>) dst(%dma_wait3A_1271 : memref<16x128xf32, #tpu.memory_space<vmem_shared>>)
      tpu.yield
    }) : () -> ()
    %mul3A_803 = arith.constant 640 : i32
    %mul3A_804 = arith.muli %arg1, %mul3A_803 : i32
    %add3A_805 = arith.constant 112 : i32
    %add3A_806 = arith.addi %mul3A_804, %add3A_805 : i32
    "tpu.region"() ({
      %run_scoped3A = tpu.sem_alloc : memref<!tpu.dma_semaphore, #tpu.memory_space<semaphore_mem>>
      %dma_start3A_1264 = arith.constant 0 : i32
      %dma_start3A_1265 = tpu.memref_slice %arg11[%add3A_806, %dma_start3A_1264] : memref<10240x128xf32, #tpu.memory_space<vmem_shared>> -> memref<16x128xf32, #tpu.memory_space<vmem_shared>>
      %dma_start3A_1266 = arith.constant 0 : i32
      %dma_start3A_1267 = tpu.memref_slice %arg11[%add3A_806, %dma_start3A_1266] : memref<10240x128xf32, #tpu.memory_space<vmem_shared>> -> memref<16x128xf32, #tpu.memory_space<vmem_shared>>
      tpu.enqueue_dma source(%arg10 : memref<16x128xf32, #tpu.memory_space<vmem>>) target(%dma_start3A_1267 : memref<16x128xf32, #tpu.memory_space<vmem_shared>>) target_semaphore(%run_scoped3A : memref<!tpu.dma_semaphore, #tpu.memory_space<semaphore_mem>>)
      %dma_wait3A_1268 = arith.constant 0 : i32
      %dma_wait3A_1269 = tpu.memref_slice %arg11[%add3A_806, %dma_wait3A_1268] : memref<10240x128xf32, #tpu.memory_space<vmem_shared>> -> memref<16x128xf32, #tpu.memory_space<vmem_shared>>
      %dma_wait3A_1270 = arith.constant 0 : i32
      %dma_wait3A_1271 = tpu.memref_slice %arg11[%add3A_806, %dma_wait3A_1270] : memref<10240x128xf32, #tpu.memory_space<vmem_shared>> -> memref<16x128xf32, #tpu.memory_space<vmem_shared>>
      tpu.wait_dma2 semaphore(%run_scoped3A : memref<!tpu.dma_semaphore, #tpu.memory_space<semaphore_mem>>) src(%arg10 : memref<16x128xf32, #tpu.memory_space<vmem>>) dst(%dma_wait3A_1271 : memref<16x128xf32, #tpu.memory_space<vmem_shared>>)
      tpu.yield
    }) : () -> ()
    %mul3A_807 = arith.constant 640 : i32
    %mul3A_808 = arith.muli %arg1, %mul3A_807 : i32
    %add3A_809 = arith.constant 128 : i32
    %add3A_810 = arith.addi %mul3A_808, %add3A_809 : i32
    "tpu.region"() ({
      %run_scoped3A = tpu.sem_alloc : memref<!tpu.dma_semaphore, #tpu.memory_space<semaphore_mem>>
      %dma_start3A_1264 = arith.constant 0 : i32
      %dma_start3A_1265 = tpu.memref_slice %arg11[%add3A_810, %dma_start3A_1264] : memref<10240x128xf32, #tpu.memory_space<vmem_shared>> -> memref<16x128xf32, #tpu.memory_space<vmem_shared>>
      %dma_start3A_1266 = arith.constant 0 : i32
      %dma_start3A_1267 = tpu.memref_slice %arg11[%add3A_810, %dma_start3A_1266] : memref<10240x128xf32, #tpu.memory_space<vmem_shared>> -> memref<16x128xf32, #tpu.memory_space<vmem_shared>>
      tpu.enqueue_dma source(%arg10 : memref<16x128xf32, #tpu.memory_space<vmem>>) target(%dma_start3A_1267 : memref<16x128xf32, #tpu.memory_space<vmem_shared>>) target_semaphore(%run_scoped3A : memref<!tpu.dma_semaphore, #tpu.memory_space<semaphore_mem>>)
      %dma_wait3A_1268 = arith.constant 0 : i32
      %dma_wait3A_1269 = tpu.memref_slice %arg11[%add3A_810, %dma_wait3A_1268] : memref<10240x128xf32, #tpu.memory_space<vmem_shared>> -> memref<16x128xf32, #tpu.memory_space<vmem_shared>>
      %dma_wait3A_1270 = arith.constant 0 : i32
      %dma_wait3A_1271 = tpu.memref_slice %arg11[%add3A_810, %dma_wait3A_1270] : memref<10240x128xf32, #tpu.memory_space<vmem_shared>> -> memref<16x128xf32, #tpu.memory_space<vmem_shared>>
      tpu.wait_dma2 semaphore(%run_scoped3A : memref<!tpu.dma_semaphore, #tpu.memory_space<semaphore_mem>>) src(%arg10 : memref<16x128xf32, #tpu.memory_space<vmem>>) dst(%dma_wait3A_1271 : memref<16x128xf32, #tpu.memory_space<vmem_shared>>)
      tpu.yield
    }) : () -> ()
    %mul3A_811 = arith.constant 640 : i32
    %mul3A_812 = arith.muli %arg1, %mul3A_811 : i32
    %add3A_813 = arith.constant 144 : i32
    %add3A_814 = arith.addi %mul3A_812, %add3A_813 : i32
    "tpu.region"() ({
      %run_scoped3A = tpu.sem_alloc : memref<!tpu.dma_semaphore, #tpu.memory_space<semaphore_mem>>
      %dma_start3A_1264 = arith.constant 0 : i32
      %dma_start3A_1265 = tpu.memref_slice %arg11[%add3A_814, %dma_start3A_1264] : memref<10240x128xf32, #tpu.memory_space<vmem_shared>> -> memref<16x128xf32, #tpu.memory_space<vmem_shared>>
      %dma_start3A_1266 = arith.constant 0 : i32
      %dma_start3A_1267 = tpu.memref_slice %arg11[%add3A_814, %dma_start3A_1266] : memref<10240x128xf32, #tpu.memory_space<vmem_shared>> -> memref<16x128xf32, #tpu.memory_space<vmem_shared>>
      tpu.enqueue_dma source(%arg10 : memref<16x128xf32, #tpu.memory_space<vmem>>) target(%dma_start3A_1267 : memref<16x128xf32, #tpu.memory_space<vmem_shared>>) target_semaphore(%run_scoped3A : memref<!tpu.dma_semaphore, #tpu.memory_space<semaphore_mem>>)
      %dma_wait3A_1268 = arith.constant 0 : i32
      %dma_wait3A_1269 = tpu.memref_slice %arg11[%add3A_814, %dma_wait3A_1268] : memref<10240x128xf32, #tpu.memory_space<vmem_shared>> -> memref<16x128xf32, #tpu.memory_space<vmem_shared>>
      %dma_wait3A_1270 = arith.constant 0 : i32
      %dma_wait3A_1271 = tpu.memref_slice %arg11[%add3A_814, %dma_wait3A_1270] : memref<10240x128xf32, #tpu.memory_space<vmem_shared>> -> memref<16x128xf32, #tpu.memory_space<vmem_shared>>
      tpu.wait_dma2 semaphore(%run_scoped3A : memref<!tpu.dma_semaphore, #tpu.memory_space<semaphore_mem>>) src(%arg10 : memref<16x128xf32, #tpu.memory_space<vmem>>) dst(%dma_wait3A_1271 : memref<16x128xf32, #tpu.memory_space<vmem_shared>>)
      tpu.yield
    }) : () -> ()
    %mul3A_815 = arith.constant 640 : i32
    %mul3A_816 = arith.muli %arg1, %mul3A_815 : i32
    %add3A_817 = arith.constant 160 : i32
    %add3A_818 = arith.addi %mul3A_816, %add3A_817 : i32
    "tpu.region"() ({
      %run_scoped3A = tpu.sem_alloc : memref<!tpu.dma_semaphore, #tpu.memory_space<semaphore_mem>>
      %dma_start3A_1264 = arith.constant 0 : i32
      %dma_start3A_1265 = tpu.memref_slice %arg11[%add3A_818, %dma_start3A_1264] : memref<10240x128xf32, #tpu.memory_space<vmem_shared>> -> memref<16x128xf32, #tpu.memory_space<vmem_shared>>
      %dma_start3A_1266 = arith.constant 0 : i32
      %dma_start3A_1267 = tpu.memref_slice %arg11[%add3A_818, %dma_start3A_1266] : memref<10240x128xf32, #tpu.memory_space<vmem_shared>> -> memref<16x128xf32, #tpu.memory_space<vmem_shared>>
      tpu.enqueue_dma source(%arg10 : memref<16x128xf32, #tpu.memory_space<vmem>>) target(%dma_start3A_1267 : memref<16x128xf32, #tpu.memory_space<vmem_shared>>) target_semaphore(%run_scoped3A : memref<!tpu.dma_semaphore, #tpu.memory_space<semaphore_mem>>)
      %dma_wait3A_1268 = arith.constant 0 : i32
      %dma_wait3A_1269 = tpu.memref_slice %arg11[%add3A_818, %dma_wait3A_1268] : memref<10240x128xf32, #tpu.memory_space<vmem_shared>> -> memref<16x128xf32, #tpu.memory_space<vmem_shared>>
      %dma_wait3A_1270 = arith.constant 0 : i32
      %dma_wait3A_1271 = tpu.memref_slice %arg11[%add3A_818, %dma_wait3A_1270] : memref<10240x128xf32, #tpu.memory_space<vmem_shared>> -> memref<16x128xf32, #tpu.memory_space<vmem_shared>>
      tpu.wait_dma2 semaphore(%run_scoped3A : memref<!tpu.dma_semaphore, #tpu.memory_space<semaphore_mem>>) src(%arg10 : memref<16x128xf32, #tpu.memory_space<vmem>>) dst(%dma_wait3A_1271 : memref<16x128xf32, #tpu.memory_space<vmem_shared>>)
      tpu.yield
    }) : () -> ()
    %mul3A_819 = arith.constant 640 : i32
    %mul3A_820 = arith.muli %arg1, %mul3A_819 : i32
    %add3A_821 = arith.constant 176 : i32
    %add3A_822 = arith.addi %mul3A_820, %add3A_821 : i32
    "tpu.region"() ({
      %run_scoped3A = tpu.sem_alloc : memref<!tpu.dma_semaphore, #tpu.memory_space<semaphore_mem>>
      %dma_start3A_1264 = arith.constant 0 : i32
      %dma_start3A_1265 = tpu.memref_slice %arg11[%add3A_822, %dma_start3A_1264] : memref<10240x128xf32, #tpu.memory_space<vmem_shared>> -> memref<16x128xf32, #tpu.memory_space<vmem_shared>>
      %dma_start3A_1266 = arith.constant 0 : i32
      %dma_start3A_1267 = tpu.memref_slice %arg11[%add3A_822, %dma_start3A_1266] : memref<10240x128xf32, #tpu.memory_space<vmem_shared>> -> memref<16x128xf32, #tpu.memory_space<vmem_shared>>
      tpu.enqueue_dma source(%arg10 : memref<16x128xf32, #tpu.memory_space<vmem>>) target(%dma_start3A_1267 : memref<16x128xf32, #tpu.memory_space<vmem_shared>>) target_semaphore(%run_scoped3A : memref<!tpu.dma_semaphore, #tpu.memory_space<semaphore_mem>>)
      %dma_wait3A_1268 = arith.constant 0 : i32
      %dma_wait3A_1269 = tpu.memref_slice %arg11[%add3A_822, %dma_wait3A_1268] : memref<10240x128xf32, #tpu.memory_space<vmem_shared>> -> memref<16x128xf32, #tpu.memory_space<vmem_shared>>
      %dma_wait3A_1270 = arith.constant 0 : i32
      %dma_wait3A_1271 = tpu.memref_slice %arg11[%add3A_822, %dma_wait3A_1270] : memref<10240x128xf32, #tpu.memory_space<vmem_shared>> -> memref<16x128xf32, #tpu.memory_space<vmem_shared>>
      tpu.wait_dma2 semaphore(%run_scoped3A : memref<!tpu.dma_semaphore, #tpu.memory_space<semaphore_mem>>) src(%arg10 : memref<16x128xf32, #tpu.memory_space<vmem>>) dst(%dma_wait3A_1271 : memref<16x128xf32, #tpu.memory_space<vmem_shared>>)
      tpu.yield
    }) : () -> ()
    %mul3A_823 = arith.constant 640 : i32
    %mul3A_824 = arith.muli %arg1, %mul3A_823 : i32
    %add3A_825 = arith.constant 192 : i32
    %add3A_826 = arith.addi %mul3A_824, %add3A_825 : i32
    "tpu.region"() ({
      %run_scoped3A = tpu.sem_alloc : memref<!tpu.dma_semaphore, #tpu.memory_space<semaphore_mem>>
      %dma_start3A_1264 = arith.constant 0 : i32
      %dma_start3A_1265 = tpu.memref_slice %arg11[%add3A_826, %dma_start3A_1264] : memref<10240x128xf32, #tpu.memory_space<vmem_shared>> -> memref<16x128xf32, #tpu.memory_space<vmem_shared>>
      %dma_start3A_1266 = arith.constant 0 : i32
      %dma_start3A_1267 = tpu.memref_slice %arg11[%add3A_826, %dma_start3A_1266] : memref<10240x128xf32, #tpu.memory_space<vmem_shared>> -> memref<16x128xf32, #tpu.memory_space<vmem_shared>>
      tpu.enqueue_dma source(%arg10 : memref<16x128xf32, #tpu.memory_space<vmem>>) target(%dma_start3A_1267 : memref<16x128xf32, #tpu.memory_space<vmem_shared>>) target_semaphore(%run_scoped3A : memref<!tpu.dma_semaphore, #tpu.memory_space<semaphore_mem>>)
      %dma_wait3A_1268 = arith.constant 0 : i32
      %dma_wait3A_1269 = tpu.memref_slice %arg11[%add3A_826, %dma_wait3A_1268] : memref<10240x128xf32, #tpu.memory_space<vmem_shared>> -> memref<16x128xf32, #tpu.memory_space<vmem_shared>>
      %dma_wait3A_1270 = arith.constant 0 : i32
      %dma_wait3A_1271 = tpu.memref_slice %arg11[%add3A_826, %dma_wait3A_1270] : memref<10240x128xf32, #tpu.memory_space<vmem_shared>> -> memref<16x128xf32, #tpu.memory_space<vmem_shared>>
      tpu.wait_dma2 semaphore(%run_scoped3A : memref<!tpu.dma_semaphore, #tpu.memory_space<semaphore_mem>>) src(%arg10 : memref<16x128xf32, #tpu.memory_space<vmem>>) dst(%dma_wait3A_1271 : memref<16x128xf32, #tpu.memory_space<vmem_shared>>)
      tpu.yield
    }) : () -> ()
    %mul3A_827 = arith.constant 640 : i32
    %mul3A_828 = arith.muli %arg1, %mul3A_827 : i32
    %add3A_829 = arith.constant 208 : i32
    %add3A_830 = arith.addi %mul3A_828, %add3A_829 : i32
    "tpu.region"() ({
      %run_scoped3A = tpu.sem_alloc : memref<!tpu.dma_semaphore, #tpu.memory_space<semaphore_mem>>
      %dma_start3A_1264 = arith.constant 0 : i32
      %dma_start3A_1265 = tpu.memref_slice %arg11[%add3A_830, %dma_start3A_1264] : memref<10240x128xf32, #tpu.memory_space<vmem_shared>> -> memref<16x128xf32, #tpu.memory_space<vmem_shared>>
      %dma_start3A_1266 = arith.constant 0 : i32
      %dma_start3A_1267 = tpu.memref_slice %arg11[%add3A_830, %dma_start3A_1266] : memref<10240x128xf32, #tpu.memory_space<vmem_shared>> -> memref<16x128xf32, #tpu.memory_space<vmem_shared>>
      tpu.enqueue_dma source(%arg10 : memref<16x128xf32, #tpu.memory_space<vmem>>) target(%dma_start3A_1267 : memref<16x128xf32, #tpu.memory_space<vmem_shared>>) target_semaphore(%run_scoped3A : memref<!tpu.dma_semaphore, #tpu.memory_space<semaphore_mem>>)
      %dma_wait3A_1268 = arith.constant 0 : i32
      %dma_wait3A_1269 = tpu.memref_slice %arg11[%add3A_830, %dma_wait3A_1268] : memref<10240x128xf32, #tpu.memory_space<vmem_shared>> -> memref<16x128xf32, #tpu.memory_space<vmem_shared>>
      %dma_wait3A_1270 = arith.constant 0 : i32
      %dma_wait3A_1271 = tpu.memref_slice %arg11[%add3A_830, %dma_wait3A_1270] : memref<10240x128xf32, #tpu.memory_space<vmem_shared>> -> memref<16x128xf32, #tpu.memory_space<vmem_shared>>
      tpu.wait_dma2 semaphore(%run_scoped3A : memref<!tpu.dma_semaphore, #tpu.memory_space<semaphore_mem>>) src(%arg10 : memref<16x128xf32, #tpu.memory_space<vmem>>) dst(%dma_wait3A_1271 : memref<16x128xf32, #tpu.memory_space<vmem_shared>>)
      tpu.yield
    }) : () -> ()
    %mul3A_831 = arith.constant 640 : i32
    %mul3A_832 = arith.muli %arg1, %mul3A_831 : i32
    %add3A_833 = arith.constant 224 : i32
    %add3A_834 = arith.addi %mul3A_832, %add3A_833 : i32
    "tpu.region"() ({
      %run_scoped3A = tpu.sem_alloc : memref<!tpu.dma_semaphore, #tpu.memory_space<semaphore_mem>>
      %dma_start3A_1264 = arith.constant 0 : i32
      %dma_start3A_1265 = tpu.memref_slice %arg11[%add3A_834, %dma_start3A_1264] : memref<10240x128xf32, #tpu.memory_space<vmem_shared>> -> memref<16x128xf32, #tpu.memory_space<vmem_shared>>
      %dma_start3A_1266 = arith.constant 0 : i32
      %dma_start3A_1267 = tpu.memref_slice %arg11[%add3A_834, %dma_start3A_1266] : memref<10240x128xf32, #tpu.memory_space<vmem_shared>> -> memref<16x128xf32, #tpu.memory_space<vmem_shared>>
      tpu.enqueue_dma source(%arg10 : memref<16x128xf32, #tpu.memory_space<vmem>>) target(%dma_start3A_1267 : memref<16x128xf32, #tpu.memory_space<vmem_shared>>) target_semaphore(%run_scoped3A : memref<!tpu.dma_semaphore, #tpu.memory_space<semaphore_mem>>)
      %dma_wait3A_1268 = arith.constant 0 : i32
      %dma_wait3A_1269 = tpu.memref_slice %arg11[%add3A_834, %dma_wait3A_1268] : memref<10240x128xf32, #tpu.memory_space<vmem_shared>> -> memref<16x128xf32, #tpu.memory_space<vmem_shared>>
      %dma_wait3A_1270 = arith.constant 0 : i32
      %dma_wait3A_1271 = tpu.memref_slice %arg11[%add3A_834, %dma_wait3A_1270] : memref<10240x128xf32, #tpu.memory_space<vmem_shared>> -> memref<16x128xf32, #tpu.memory_space<vmem_shared>>
      tpu.wait_dma2 semaphore(%run_scoped3A : memref<!tpu.dma_semaphore, #tpu.memory_space<semaphore_mem>>) src(%arg10 : memref<16x128xf32, #tpu.memory_space<vmem>>) dst(%dma_wait3A_1271 : memref<16x128xf32, #tpu.memory_space<vmem_shared>>)
      tpu.yield
    }) : () -> ()
    %mul3A_835 = arith.constant 640 : i32
    %mul3A_836 = arith.muli %arg1, %mul3A_835 : i32
    %add3A_837 = arith.constant 240 : i32
    %add3A_838 = arith.addi %mul3A_836, %add3A_837 : i32
    "tpu.region"() ({
      %run_scoped3A = tpu.sem_alloc : memref<!tpu.dma_semaphore, #tpu.memory_space<semaphore_mem>>
      %dma_start3A_1264 = arith.constant 0 : i32
      %dma_start3A_1265 = tpu.memref_slice %arg11[%add3A_838, %dma_start3A_1264] : memref<10240x128xf32, #tpu.memory_space<vmem_shared>> -> memref<16x128xf32, #tpu.memory_space<vmem_shared>>
      %dma_start3A_1266 = arith.constant 0 : i32
      %dma_start3A_1267 = tpu.memref_slice %arg11[%add3A_838, %dma_start3A_1266] : memref<10240x128xf32, #tpu.memory_space<vmem_shared>> -> memref<16x128xf32, #tpu.memory_space<vmem_shared>>
      tpu.enqueue_dma source(%arg10 : memref<16x128xf32, #tpu.memory_space<vmem>>) target(%dma_start3A_1267 : memref<16x128xf32, #tpu.memory_space<vmem_shared>>) target_semaphore(%run_scoped3A : memref<!tpu.dma_semaphore, #tpu.memory_space<semaphore_mem>>)
      %dma_wait3A_1268 = arith.constant 0 : i32
      %dma_wait3A_1269 = tpu.memref_slice %arg11[%add3A_838, %dma_wait3A_1268] : memref<10240x128xf32, #tpu.memory_space<vmem_shared>> -> memref<16x128xf32, #tpu.memory_space<vmem_shared>>
      %dma_wait3A_1270 = arith.constant 0 : i32
      %dma_wait3A_1271 = tpu.memref_slice %arg11[%add3A_838, %dma_wait3A_1270] : memref<10240x128xf32, #tpu.memory_space<vmem_shared>> -> memref<16x128xf32, #tpu.memory_space<vmem_shared>>
      tpu.wait_dma2 semaphore(%run_scoped3A : memref<!tpu.dma_semaphore, #tpu.memory_space<semaphore_mem>>) src(%arg10 : memref<16x128xf32, #tpu.memory_space<vmem>>) dst(%dma_wait3A_1271 : memref<16x128xf32, #tpu.memory_space<vmem_shared>>)
      tpu.yield
    }) : () -> ()
    %mul3A_839 = arith.constant 640 : i32
    %mul3A_840 = arith.muli %arg1, %mul3A_839 : i32
    %add3A_841 = arith.constant 256 : i32
    %add3A_842 = arith.addi %mul3A_840, %add3A_841 : i32
    "tpu.region"() ({
      %run_scoped3A = tpu.sem_alloc : memref<!tpu.dma_semaphore, #tpu.memory_space<semaphore_mem>>
      %dma_start3A_1264 = arith.constant 0 : i32
      %dma_start3A_1265 = tpu.memref_slice %arg11[%add3A_842, %dma_start3A_1264] : memref<10240x128xf32, #tpu.memory_space<vmem_shared>> -> memref<16x128xf32, #tpu.memory_space<vmem_shared>>
      %dma_start3A_1266 = arith.constant 0 : i32
      %dma_start3A_1267 = tpu.memref_slice %arg11[%add3A_842, %dma_start3A_1266] : memref<10240x128xf32, #tpu.memory_space<vmem_shared>> -> memref<16x128xf32, #tpu.memory_space<vmem_shared>>
      tpu.enqueue_dma source(%arg10 : memref<16x128xf32, #tpu.memory_space<vmem>>) target(%dma_start3A_1267 : memref<16x128xf32, #tpu.memory_space<vmem_shared>>) target_semaphore(%run_scoped3A : memref<!tpu.dma_semaphore, #tpu.memory_space<semaphore_mem>>)
      %dma_wait3A_1268 = arith.constant 0 : i32
      %dma_wait3A_1269 = tpu.memref_slice %arg11[%add3A_842, %dma_wait3A_1268] : memref<10240x128xf32, #tpu.memory_space<vmem_shared>> -> memref<16x128xf32, #tpu.memory_space<vmem_shared>>
      %dma_wait3A_1270 = arith.constant 0 : i32
      %dma_wait3A_1271 = tpu.memref_slice %arg11[%add3A_842, %dma_wait3A_1270] : memref<10240x128xf32, #tpu.memory_space<vmem_shared>> -> memref<16x128xf32, #tpu.memory_space<vmem_shared>>
      tpu.wait_dma2 semaphore(%run_scoped3A : memref<!tpu.dma_semaphore, #tpu.memory_space<semaphore_mem>>) src(%arg10 : memref<16x128xf32, #tpu.memory_space<vmem>>) dst(%dma_wait3A_1271 : memref<16x128xf32, #tpu.memory_space<vmem_shared>>)
      tpu.yield
    }) : () -> ()
    %mul3A_843 = arith.constant 640 : i32
    %mul3A_844 = arith.muli %arg1, %mul3A_843 : i32
    %add3A_845 = arith.constant 272 : i32
    %add3A_846 = arith.addi %mul3A_844, %add3A_845 : i32
    "tpu.region"() ({
      %run_scoped3A = tpu.sem_alloc : memref<!tpu.dma_semaphore, #tpu.memory_space<semaphore_mem>>
      %dma_start3A_1264 = arith.constant 0 : i32
      %dma_start3A_1265 = tpu.memref_slice %arg11[%add3A_846, %dma_start3A_1264] : memref<10240x128xf32, #tpu.memory_space<vmem_shared>> -> memref<16x128xf32, #tpu.memory_space<vmem_shared>>
      %dma_start3A_1266 = arith.constant 0 : i32
      %dma_start3A_1267 = tpu.memref_slice %arg11[%add3A_846, %dma_start3A_1266] : memref<10240x128xf32, #tpu.memory_space<vmem_shared>> -> memref<16x128xf32, #tpu.memory_space<vmem_shared>>
      tpu.enqueue_dma source(%arg10 : memref<16x128xf32, #tpu.memory_space<vmem>>) target(%dma_start3A_1267 : memref<16x128xf32, #tpu.memory_space<vmem_shared>>) target_semaphore(%run_scoped3A : memref<!tpu.dma_semaphore, #tpu.memory_space<semaphore_mem>>)
      %dma_wait3A_1268 = arith.constant 0 : i32
      %dma_wait3A_1269 = tpu.memref_slice %arg11[%add3A_846, %dma_wait3A_1268] : memref<10240x128xf32, #tpu.memory_space<vmem_shared>> -> memref<16x128xf32, #tpu.memory_space<vmem_shared>>
      %dma_wait3A_1270 = arith.constant 0 : i32
      %dma_wait3A_1271 = tpu.memref_slice %arg11[%add3A_846, %dma_wait3A_1270] : memref<10240x128xf32, #tpu.memory_space<vmem_shared>> -> memref<16x128xf32, #tpu.memory_space<vmem_shared>>
      tpu.wait_dma2 semaphore(%run_scoped3A : memref<!tpu.dma_semaphore, #tpu.memory_space<semaphore_mem>>) src(%arg10 : memref<16x128xf32, #tpu.memory_space<vmem>>) dst(%dma_wait3A_1271 : memref<16x128xf32, #tpu.memory_space<vmem_shared>>)
      tpu.yield
    }) : () -> ()
    %mul3A_847 = arith.constant 640 : i32
    %mul3A_848 = arith.muli %arg1, %mul3A_847 : i32
    %add3A_849 = arith.constant 288 : i32
    %add3A_850 = arith.addi %mul3A_848, %add3A_849 : i32
    "tpu.region"() ({
      %run_scoped3A = tpu.sem_alloc : memref<!tpu.dma_semaphore, #tpu.memory_space<semaphore_mem>>
      %dma_start3A_1264 = arith.constant 0 : i32
      %dma_start3A_1265 = tpu.memref_slice %arg11[%add3A_850, %dma_start3A_1264] : memref<10240x128xf32, #tpu.memory_space<vmem_shared>> -> memref<16x128xf32, #tpu.memory_space<vmem_shared>>
      %dma_start3A_1266 = arith.constant 0 : i32
      %dma_start3A_1267 = tpu.memref_slice %arg11[%add3A_850, %dma_start3A_1266] : memref<10240x128xf32, #tpu.memory_space<vmem_shared>> -> memref<16x128xf32, #tpu.memory_space<vmem_shared>>
      tpu.enqueue_dma source(%arg10 : memref<16x128xf32, #tpu.memory_space<vmem>>) target(%dma_start3A_1267 : memref<16x128xf32, #tpu.memory_space<vmem_shared>>) target_semaphore(%run_scoped3A : memref<!tpu.dma_semaphore, #tpu.memory_space<semaphore_mem>>)
      %dma_wait3A_1268 = arith.constant 0 : i32
      %dma_wait3A_1269 = tpu.memref_slice %arg11[%add3A_850, %dma_wait3A_1268] : memref<10240x128xf32, #tpu.memory_space<vmem_shared>> -> memref<16x128xf32, #tpu.memory_space<vmem_shared>>
      %dma_wait3A_1270 = arith.constant 0 : i32
      %dma_wait3A_1271 = tpu.memref_slice %arg11[%add3A_850, %dma_wait3A_1270] : memref<10240x128xf32, #tpu.memory_space<vmem_shared>> -> memref<16x128xf32, #tpu.memory_space<vmem_shared>>
      tpu.wait_dma2 semaphore(%run_scoped3A : memref<!tpu.dma_semaphore, #tpu.memory_space<semaphore_mem>>) src(%arg10 : memref<16x128xf32, #tpu.memory_space<vmem>>) dst(%dma_wait3A_1271 : memref<16x128xf32, #tpu.memory_space<vmem_shared>>)
      tpu.yield
    }) : () -> ()
    %mul3A_851 = arith.constant 640 : i32
    %mul3A_852 = arith.muli %arg1, %mul3A_851 : i32
    %add3A_853 = arith.constant 304 : i32
    %add3A_854 = arith.addi %mul3A_852, %add3A_853 : i32
    "tpu.region"() ({
      %run_scoped3A = tpu.sem_alloc : memref<!tpu.dma_semaphore, #tpu.memory_space<semaphore_mem>>
      %dma_start3A_1264 = arith.constant 0 : i32
      %dma_start3A_1265 = tpu.memref_slice %arg11[%add3A_854, %dma_start3A_1264] : memref<10240x128xf32, #tpu.memory_space<vmem_shared>> -> memref<16x128xf32, #tpu.memory_space<vmem_shared>>
      %dma_start3A_1266 = arith.constant 0 : i32
      %dma_start3A_1267 = tpu.memref_slice %arg11[%add3A_854, %dma_start3A_1266] : memref<10240x128xf32, #tpu.memory_space<vmem_shared>> -> memref<16x128xf32, #tpu.memory_space<vmem_shared>>
      tpu.enqueue_dma source(%arg10 : memref<16x128xf32, #tpu.memory_space<vmem>>) target(%dma_start3A_1267 : memref<16x128xf32, #tpu.memory_space<vmem_shared>>) target_semaphore(%run_scoped3A : memref<!tpu.dma_semaphore, #tpu.memory_space<semaphore_mem>>)
      %dma_wait3A_1268 = arith.constant 0 : i32
      %dma_wait3A_1269 = tpu.memref_slice %arg11[%add3A_854, %dma_wait3A_1268] : memref<10240x128xf32, #tpu.memory_space<vmem_shared>> -> memref<16x128xf32, #tpu.memory_space<vmem_shared>>
      %dma_wait3A_1270 = arith.constant 0 : i32
      %dma_wait3A_1271 = tpu.memref_slice %arg11[%add3A_854, %dma_wait3A_1270] : memref<10240x128xf32, #tpu.memory_space<vmem_shared>> -> memref<16x128xf32, #tpu.memory_space<vmem_shared>>
      tpu.wait_dma2 semaphore(%run_scoped3A : memref<!tpu.dma_semaphore, #tpu.memory_space<semaphore_mem>>) src(%arg10 : memref<16x128xf32, #tpu.memory_space<vmem>>) dst(%dma_wait3A_1271 : memref<16x128xf32, #tpu.memory_space<vmem_shared>>)
      tpu.yield
    }) : () -> ()
    %mul3A_855 = arith.constant 640 : i32
    %mul3A_856 = arith.muli %arg1, %mul3A_855 : i32
    %add3A_857 = arith.constant 320 : i32
    %add3A_858 = arith.addi %mul3A_856, %add3A_857 : i32
    "tpu.region"() ({
      %run_scoped3A = tpu.sem_alloc : memref<!tpu.dma_semaphore, #tpu.memory_space<semaphore_mem>>
      %dma_start3A_1264 = arith.constant 0 : i32
      %dma_start3A_1265 = tpu.memref_slice %arg11[%add3A_858, %dma_start3A_1264] : memref<10240x128xf32, #tpu.memory_space<vmem_shared>> -> memref<16x128xf32, #tpu.memory_space<vmem_shared>>
      %dma_start3A_1266 = arith.constant 0 : i32
      %dma_start3A_1267 = tpu.memref_slice %arg11[%add3A_858, %dma_start3A_1266] : memref<10240x128xf32, #tpu.memory_space<vmem_shared>> -> memref<16x128xf32, #tpu.memory_space<vmem_shared>>
      tpu.enqueue_dma source(%arg10 : memref<16x128xf32, #tpu.memory_space<vmem>>) target(%dma_start3A_1267 : memref<16x128xf32, #tpu.memory_space<vmem_shared>>) target_semaphore(%run_scoped3A : memref<!tpu.dma_semaphore, #tpu.memory_space<semaphore_mem>>)
      %dma_wait3A_1268 = arith.constant 0 : i32
      %dma_wait3A_1269 = tpu.memref_slice %arg11[%add3A_858, %dma_wait3A_1268] : memref<10240x128xf32, #tpu.memory_space<vmem_shared>> -> memref<16x128xf32, #tpu.memory_space<vmem_shared>>
      %dma_wait3A_1270 = arith.constant 0 : i32
      %dma_wait3A_1271 = tpu.memref_slice %arg11[%add3A_858, %dma_wait3A_1270] : memref<10240x128xf32, #tpu.memory_space<vmem_shared>> -> memref<16x128xf32, #tpu.memory_space<vmem_shared>>
      tpu.wait_dma2 semaphore(%run_scoped3A : memref<!tpu.dma_semaphore, #tpu.memory_space<semaphore_mem>>) src(%arg10 : memref<16x128xf32, #tpu.memory_space<vmem>>) dst(%dma_wait3A_1271 : memref<16x128xf32, #tpu.memory_space<vmem_shared>>)
      tpu.yield
    }) : () -> ()
    %mul3A_859 = arith.constant 640 : i32
    %mul3A_860 = arith.muli %arg1, %mul3A_859 : i32
    %add3A_861 = arith.constant 336 : i32
    %add3A_862 = arith.addi %mul3A_860, %add3A_861 : i32
    "tpu.region"() ({
      %run_scoped3A = tpu.sem_alloc : memref<!tpu.dma_semaphore, #tpu.memory_space<semaphore_mem>>
      %dma_start3A_1264 = arith.constant 0 : i32
      %dma_start3A_1265 = tpu.memref_slice %arg11[%add3A_862, %dma_start3A_1264] : memref<10240x128xf32, #tpu.memory_space<vmem_shared>> -> memref<16x128xf32, #tpu.memory_space<vmem_shared>>
      %dma_start3A_1266 = arith.constant 0 : i32
      %dma_start3A_1267 = tpu.memref_slice %arg11[%add3A_862, %dma_start3A_1266] : memref<10240x128xf32, #tpu.memory_space<vmem_shared>> -> memref<16x128xf32, #tpu.memory_space<vmem_shared>>
      tpu.enqueue_dma source(%arg10 : memref<16x128xf32, #tpu.memory_space<vmem>>) target(%dma_start3A_1267 : memref<16x128xf32, #tpu.memory_space<vmem_shared>>) target_semaphore(%run_scoped3A : memref<!tpu.dma_semaphore, #tpu.memory_space<semaphore_mem>>)
      %dma_wait3A_1268 = arith.constant 0 : i32
      %dma_wait3A_1269 = tpu.memref_slice %arg11[%add3A_862, %dma_wait3A_1268] : memref<10240x128xf32, #tpu.memory_space<vmem_shared>> -> memref<16x128xf32, #tpu.memory_space<vmem_shared>>
      %dma_wait3A_1270 = arith.constant 0 : i32
      %dma_wait3A_1271 = tpu.memref_slice %arg11[%add3A_862, %dma_wait3A_1270] : memref<10240x128xf32, #tpu.memory_space<vmem_shared>> -> memref<16x128xf32, #tpu.memory_space<vmem_shared>>
      tpu.wait_dma2 semaphore(%run_scoped3A : memref<!tpu.dma_semaphore, #tpu.memory_space<semaphore_mem>>) src(%arg10 : memref<16x128xf32, #tpu.memory_space<vmem>>) dst(%dma_wait3A_1271 : memref<16x128xf32, #tpu.memory_space<vmem_shared>>)
      tpu.yield
    }) : () -> ()
    %mul3A_863 = arith.constant 640 : i32
    %mul3A_864 = arith.muli %arg1, %mul3A_863 : i32
    %add3A_865 = arith.constant 352 : i32
    %add3A_866 = arith.addi %mul3A_864, %add3A_865 : i32
    "tpu.region"() ({
      %run_scoped3A = tpu.sem_alloc : memref<!tpu.dma_semaphore, #tpu.memory_space<semaphore_mem>>
      %dma_start3A_1264 = arith.constant 0 : i32
      %dma_start3A_1265 = tpu.memref_slice %arg11[%add3A_866, %dma_start3A_1264] : memref<10240x128xf32, #tpu.memory_space<vmem_shared>> -> memref<16x128xf32, #tpu.memory_space<vmem_shared>>
      %dma_start3A_1266 = arith.constant 0 : i32
      %dma_start3A_1267 = tpu.memref_slice %arg11[%add3A_866, %dma_start3A_1266] : memref<10240x128xf32, #tpu.memory_space<vmem_shared>> -> memref<16x128xf32, #tpu.memory_space<vmem_shared>>
      tpu.enqueue_dma source(%arg10 : memref<16x128xf32, #tpu.memory_space<vmem>>) target(%dma_start3A_1267 : memref<16x128xf32, #tpu.memory_space<vmem_shared>>) target_semaphore(%run_scoped3A : memref<!tpu.dma_semaphore, #tpu.memory_space<semaphore_mem>>)
      %dma_wait3A_1268 = arith.constant 0 : i32
      %dma_wait3A_1269 = tpu.memref_slice %arg11[%add3A_866, %dma_wait3A_1268] : memref<10240x128xf32, #tpu.memory_space<vmem_shared>> -> memref<16x128xf32, #tpu.memory_space<vmem_shared>>
      %dma_wait3A_1270 = arith.constant 0 : i32
      %dma_wait3A_1271 = tpu.memref_slice %arg11[%add3A_866, %dma_wait3A_1270] : memref<10240x128xf32, #tpu.memory_space<vmem_shared>> -> memref<16x128xf32, #tpu.memory_space<vmem_shared>>
      tpu.wait_dma2 semaphore(%run_scoped3A : memref<!tpu.dma_semaphore, #tpu.memory_space<semaphore_mem>>) src(%arg10 : memref<16x128xf32, #tpu.memory_space<vmem>>) dst(%dma_wait3A_1271 : memref<16x128xf32, #tpu.memory_space<vmem_shared>>)
      tpu.yield
    }) : () -> ()
    %mul3A_867 = arith.constant 640 : i32
    %mul3A_868 = arith.muli %arg1, %mul3A_867 : i32
    %add3A_869 = arith.constant 368 : i32
    %add3A_870 = arith.addi %mul3A_868, %add3A_869 : i32
    "tpu.region"() ({
      %run_scoped3A = tpu.sem_alloc : memref<!tpu.dma_semaphore, #tpu.memory_space<semaphore_mem>>
      %dma_start3A_1264 = arith.constant 0 : i32
      %dma_start3A_1265 = tpu.memref_slice %arg11[%add3A_870, %dma_start3A_1264] : memref<10240x128xf32, #tpu.memory_space<vmem_shared>> -> memref<16x128xf32, #tpu.memory_space<vmem_shared>>
      %dma_start3A_1266 = arith.constant 0 : i32
      %dma_start3A_1267 = tpu.memref_slice %arg11[%add3A_870, %dma_start3A_1266] : memref<10240x128xf32, #tpu.memory_space<vmem_shared>> -> memref<16x128xf32, #tpu.memory_space<vmem_shared>>
      tpu.enqueue_dma source(%arg10 : memref<16x128xf32, #tpu.memory_space<vmem>>) target(%dma_start3A_1267 : memref<16x128xf32, #tpu.memory_space<vmem_shared>>) target_semaphore(%run_scoped3A : memref<!tpu.dma_semaphore, #tpu.memory_space<semaphore_mem>>)
      %dma_wait3A_1268 = arith.constant 0 : i32
      %dma_wait3A_1269 = tpu.memref_slice %arg11[%add3A_870, %dma_wait3A_1268] : memref<10240x128xf32, #tpu.memory_space<vmem_shared>> -> memref<16x128xf32, #tpu.memory_space<vmem_shared>>
      %dma_wait3A_1270 = arith.constant 0 : i32
      %dma_wait3A_1271 = tpu.memref_slice %arg11[%add3A_870, %dma_wait3A_1270] : memref<10240x128xf32, #tpu.memory_space<vmem_shared>> -> memref<16x128xf32, #tpu.memory_space<vmem_shared>>
      tpu.wait_dma2 semaphore(%run_scoped3A : memref<!tpu.dma_semaphore, #tpu.memory_space<semaphore_mem>>) src(%arg10 : memref<16x128xf32, #tpu.memory_space<vmem>>) dst(%dma_wait3A_1271 : memref<16x128xf32, #tpu.memory_space<vmem_shared>>)
      tpu.yield
    }) : () -> ()
    %mul3A_871 = arith.constant 640 : i32
    %mul3A_872 = arith.muli %arg1, %mul3A_871 : i32
    %add3A_873 = arith.constant 384 : i32
    %add3A_874 = arith.addi %mul3A_872, %add3A_873 : i32
    "tpu.region"() ({
      %run_scoped3A = tpu.sem_alloc : memref<!tpu.dma_semaphore, #tpu.memory_space<semaphore_mem>>
      %dma_start3A_1264 = arith.constant 0 : i32
      %dma_start3A_1265 = tpu.memref_slice %arg11[%add3A_874, %dma_start3A_1264] : memref<10240x128xf32, #tpu.memory_space<vmem_shared>> -> memref<16x128xf32, #tpu.memory_space<vmem_shared>>
      %dma_start3A_1266 = arith.constant 0 : i32
      %dma_start3A_1267 = tpu.memref_slice %arg11[%add3A_874, %dma_start3A_1266] : memref<10240x128xf32, #tpu.memory_space<vmem_shared>> -> memref<16x128xf32, #tpu.memory_space<vmem_shared>>
      tpu.enqueue_dma source(%arg10 : memref<16x128xf32, #tpu.memory_space<vmem>>) target(%dma_start3A_1267 : memref<16x128xf32, #tpu.memory_space<vmem_shared>>) target_semaphore(%run_scoped3A : memref<!tpu.dma_semaphore, #tpu.memory_space<semaphore_mem>>)
      %dma_wait3A_1268 = arith.constant 0 : i32
      %dma_wait3A_1269 = tpu.memref_slice %arg11[%add3A_874, %dma_wait3A_1268] : memref<10240x128xf32, #tpu.memory_space<vmem_shared>> -> memref<16x128xf32, #tpu.memory_space<vmem_shared>>
      %dma_wait3A_1270 = arith.constant 0 : i32
      %dma_wait3A_1271 = tpu.memref_slice %arg11[%add3A_874, %dma_wait3A_1270] : memref<10240x128xf32, #tpu.memory_space<vmem_shared>> -> memref<16x128xf32, #tpu.memory_space<vmem_shared>>
      tpu.wait_dma2 semaphore(%run_scoped3A : memref<!tpu.dma_semaphore, #tpu.memory_space<semaphore_mem>>) src(%arg10 : memref<16x128xf32, #tpu.memory_space<vmem>>) dst(%dma_wait3A_1271 : memref<16x128xf32, #tpu.memory_space<vmem_shared>>)
      tpu.yield
    }) : () -> ()
    %mul3A_875 = arith.constant 640 : i32
    %mul3A_876 = arith.muli %arg1, %mul3A_875 : i32
    %add3A_877 = arith.constant 400 : i32
    %add3A_878 = arith.addi %mul3A_876, %add3A_877 : i32
    "tpu.region"() ({
      %run_scoped3A = tpu.sem_alloc : memref<!tpu.dma_semaphore, #tpu.memory_space<semaphore_mem>>
      %dma_start3A_1264 = arith.constant 0 : i32
      %dma_start3A_1265 = tpu.memref_slice %arg11[%add3A_878, %dma_start3A_1264] : memref<10240x128xf32, #tpu.memory_space<vmem_shared>> -> memref<16x128xf32, #tpu.memory_space<vmem_shared>>
      %dma_start3A_1266 = arith.constant 0 : i32
      %dma_start3A_1267 = tpu.memref_slice %arg11[%add3A_878, %dma_start3A_1266] : memref<10240x128xf32, #tpu.memory_space<vmem_shared>> -> memref<16x128xf32, #tpu.memory_space<vmem_shared>>
      tpu.enqueue_dma source(%arg10 : memref<16x128xf32, #tpu.memory_space<vmem>>) target(%dma_start3A_1267 : memref<16x128xf32, #tpu.memory_space<vmem_shared>>) target_semaphore(%run_scoped3A : memref<!tpu.dma_semaphore, #tpu.memory_space<semaphore_mem>>)
      %dma_wait3A_1268 = arith.constant 0 : i32
      %dma_wait3A_1269 = tpu.memref_slice %arg11[%add3A_878, %dma_wait3A_1268] : memref<10240x128xf32, #tpu.memory_space<vmem_shared>> -> memref<16x128xf32, #tpu.memory_space<vmem_shared>>
      %dma_wait3A_1270 = arith.constant 0 : i32
      %dma_wait3A_1271 = tpu.memref_slice %arg11[%add3A_878, %dma_wait3A_1270] : memref<10240x128xf32, #tpu.memory_space<vmem_shared>> -> memref<16x128xf32, #tpu.memory_space<vmem_shared>>
      tpu.wait_dma2 semaphore(%run_scoped3A : memref<!tpu.dma_semaphore, #tpu.memory_space<semaphore_mem>>) src(%arg10 : memref<16x128xf32, #tpu.memory_space<vmem>>) dst(%dma_wait3A_1271 : memref<16x128xf32, #tpu.memory_space<vmem_shared>>)
      tpu.yield
    }) : () -> ()
    %mul3A_879 = arith.constant 640 : i32
    %mul3A_880 = arith.muli %arg1, %mul3A_879 : i32
    %add3A_881 = arith.constant 416 : i32
    %add3A_882 = arith.addi %mul3A_880, %add3A_881 : i32
    "tpu.region"() ({
      %run_scoped3A = tpu.sem_alloc : memref<!tpu.dma_semaphore, #tpu.memory_space<semaphore_mem>>
      %dma_start3A_1264 = arith.constant 0 : i32
      %dma_start3A_1265 = tpu.memref_slice %arg11[%add3A_882, %dma_start3A_1264] : memref<10240x128xf32, #tpu.memory_space<vmem_shared>> -> memref<16x128xf32, #tpu.memory_space<vmem_shared>>
      %dma_start3A_1266 = arith.constant 0 : i32
      %dma_start3A_1267 = tpu.memref_slice %arg11[%add3A_882, %dma_start3A_1266] : memref<10240x128xf32, #tpu.memory_space<vmem_shared>> -> memref<16x128xf32, #tpu.memory_space<vmem_shared>>
      tpu.enqueue_dma source(%arg10 : memref<16x128xf32, #tpu.memory_space<vmem>>) target(%dma_start3A_1267 : memref<16x128xf32, #tpu.memory_space<vmem_shared>>) target_semaphore(%run_scoped3A : memref<!tpu.dma_semaphore, #tpu.memory_space<semaphore_mem>>)
      %dma_wait3A_1268 = arith.constant 0 : i32
      %dma_wait3A_1269 = tpu.memref_slice %arg11[%add3A_882, %dma_wait3A_1268] : memref<10240x128xf32, #tpu.memory_space<vmem_shared>> -> memref<16x128xf32, #tpu.memory_space<vmem_shared>>
      %dma_wait3A_1270 = arith.constant 0 : i32
      %dma_wait3A_1271 = tpu.memref_slice %arg11[%add3A_882, %dma_wait3A_1270] : memref<10240x128xf32, #tpu.memory_space<vmem_shared>> -> memref<16x128xf32, #tpu.memory_space<vmem_shared>>
      tpu.wait_dma2 semaphore(%run_scoped3A : memref<!tpu.dma_semaphore, #tpu.memory_space<semaphore_mem>>) src(%arg10 : memref<16x128xf32, #tpu.memory_space<vmem>>) dst(%dma_wait3A_1271 : memref<16x128xf32, #tpu.memory_space<vmem_shared>>)
      tpu.yield
    }) : () -> ()
    %mul3A_883 = arith.constant 640 : i32
    %mul3A_884 = arith.muli %arg1, %mul3A_883 : i32
    %add3A_885 = arith.constant 432 : i32
    %add3A_886 = arith.addi %mul3A_884, %add3A_885 : i32
    "tpu.region"() ({
      %run_scoped3A = tpu.sem_alloc : memref<!tpu.dma_semaphore, #tpu.memory_space<semaphore_mem>>
      %dma_start3A_1264 = arith.constant 0 : i32
      %dma_start3A_1265 = tpu.memref_slice %arg11[%add3A_886, %dma_start3A_1264] : memref<10240x128xf32, #tpu.memory_space<vmem_shared>> -> memref<16x128xf32, #tpu.memory_space<vmem_shared>>
      %dma_start3A_1266 = arith.constant 0 : i32
      %dma_start3A_1267 = tpu.memref_slice %arg11[%add3A_886, %dma_start3A_1266] : memref<10240x128xf32, #tpu.memory_space<vmem_shared>> -> memref<16x128xf32, #tpu.memory_space<vmem_shared>>
      tpu.enqueue_dma source(%arg10 : memref<16x128xf32, #tpu.memory_space<vmem>>) target(%dma_start3A_1267 : memref<16x128xf32, #tpu.memory_space<vmem_shared>>) target_semaphore(%run_scoped3A : memref<!tpu.dma_semaphore, #tpu.memory_space<semaphore_mem>>)
      %dma_wait3A_1268 = arith.constant 0 : i32
      %dma_wait3A_1269 = tpu.memref_slice %arg11[%add3A_886, %dma_wait3A_1268] : memref<10240x128xf32, #tpu.memory_space<vmem_shared>> -> memref<16x128xf32, #tpu.memory_space<vmem_shared>>
      %dma_wait3A_1270 = arith.constant 0 : i32
      %dma_wait3A_1271 = tpu.memref_slice %arg11[%add3A_886, %dma_wait3A_1270] : memref<10240x128xf32, #tpu.memory_space<vmem_shared>> -> memref<16x128xf32, #tpu.memory_space<vmem_shared>>
      tpu.wait_dma2 semaphore(%run_scoped3A : memref<!tpu.dma_semaphore, #tpu.memory_space<semaphore_mem>>) src(%arg10 : memref<16x128xf32, #tpu.memory_space<vmem>>) dst(%dma_wait3A_1271 : memref<16x128xf32, #tpu.memory_space<vmem_shared>>)
      tpu.yield
    }) : () -> ()
    %mul3A_887 = arith.constant 640 : i32
    %mul3A_888 = arith.muli %arg1, %mul3A_887 : i32
    %add3A_889 = arith.constant 448 : i32
    %add3A_890 = arith.addi %mul3A_888, %add3A_889 : i32
    "tpu.region"() ({
      %run_scoped3A = tpu.sem_alloc : memref<!tpu.dma_semaphore, #tpu.memory_space<semaphore_mem>>
      %dma_start3A_1264 = arith.constant 0 : i32
      %dma_start3A_1265 = tpu.memref_slice %arg11[%add3A_890, %dma_start3A_1264] : memref<10240x128xf32, #tpu.memory_space<vmem_shared>> -> memref<16x128xf32, #tpu.memory_space<vmem_shared>>
      %dma_start3A_1266 = arith.constant 0 : i32
      %dma_start3A_1267 = tpu.memref_slice %arg11[%add3A_890, %dma_start3A_1266] : memref<10240x128xf32, #tpu.memory_space<vmem_shared>> -> memref<16x128xf32, #tpu.memory_space<vmem_shared>>
      tpu.enqueue_dma source(%arg10 : memref<16x128xf32, #tpu.memory_space<vmem>>) target(%dma_start3A_1267 : memref<16x128xf32, #tpu.memory_space<vmem_shared>>) target_semaphore(%run_scoped3A : memref<!tpu.dma_semaphore, #tpu.memory_space<semaphore_mem>>)
      %dma_wait3A_1268 = arith.constant 0 : i32
      %dma_wait3A_1269 = tpu.memref_slice %arg11[%add3A_890, %dma_wait3A_1268] : memref<10240x128xf32, #tpu.memory_space<vmem_shared>> -> memref<16x128xf32, #tpu.memory_space<vmem_shared>>
      %dma_wait3A_1270 = arith.constant 0 : i32
      %dma_wait3A_1271 = tpu.memref_slice %arg11[%add3A_890, %dma_wait3A_1270] : memref<10240x128xf32, #tpu.memory_space<vmem_shared>> -> memref<16x128xf32, #tpu.memory_space<vmem_shared>>
      tpu.wait_dma2 semaphore(%run_scoped3A : memref<!tpu.dma_semaphore, #tpu.memory_space<semaphore_mem>>) src(%arg10 : memref<16x128xf32, #tpu.memory_space<vmem>>) dst(%dma_wait3A_1271 : memref<16x128xf32, #tpu.memory_space<vmem_shared>>)
      tpu.yield
    }) : () -> ()
    %mul3A_891 = arith.constant 640 : i32
    %mul3A_892 = arith.muli %arg1, %mul3A_891 : i32
    %add3A_893 = arith.constant 464 : i32
    %add3A_894 = arith.addi %mul3A_892, %add3A_893 : i32
    "tpu.region"() ({
      %run_scoped3A = tpu.sem_alloc : memref<!tpu.dma_semaphore, #tpu.memory_space<semaphore_mem>>
      %dma_start3A_1264 = arith.constant 0 : i32
      %dma_start3A_1265 = tpu.memref_slice %arg11[%add3A_894, %dma_start3A_1264] : memref<10240x128xf32, #tpu.memory_space<vmem_shared>> -> memref<16x128xf32, #tpu.memory_space<vmem_shared>>
      %dma_start3A_1266 = arith.constant 0 : i32
      %dma_start3A_1267 = tpu.memref_slice %arg11[%add3A_894, %dma_start3A_1266] : memref<10240x128xf32, #tpu.memory_space<vmem_shared>> -> memref<16x128xf32, #tpu.memory_space<vmem_shared>>
      tpu.enqueue_dma source(%arg10 : memref<16x128xf32, #tpu.memory_space<vmem>>) target(%dma_start3A_1267 : memref<16x128xf32, #tpu.memory_space<vmem_shared>>) target_semaphore(%run_scoped3A : memref<!tpu.dma_semaphore, #tpu.memory_space<semaphore_mem>>)
      %dma_wait3A_1268 = arith.constant 0 : i32
      %dma_wait3A_1269 = tpu.memref_slice %arg11[%add3A_894, %dma_wait3A_1268] : memref<10240x128xf32, #tpu.memory_space<vmem_shared>> -> memref<16x128xf32, #tpu.memory_space<vmem_shared>>
      %dma_wait3A_1270 = arith.constant 0 : i32
      %dma_wait3A_1271 = tpu.memref_slice %arg11[%add3A_894, %dma_wait3A_1270] : memref<10240x128xf32, #tpu.memory_space<vmem_shared>> -> memref<16x128xf32, #tpu.memory_space<vmem_shared>>
      tpu.wait_dma2 semaphore(%run_scoped3A : memref<!tpu.dma_semaphore, #tpu.memory_space<semaphore_mem>>) src(%arg10 : memref<16x128xf32, #tpu.memory_space<vmem>>) dst(%dma_wait3A_1271 : memref<16x128xf32, #tpu.memory_space<vmem_shared>>)
      tpu.yield
    }) : () -> ()
    %mul3A_895 = arith.constant 640 : i32
    %mul3A_896 = arith.muli %arg1, %mul3A_895 : i32
    %add3A_897 = arith.constant 480 : i32
    %add3A_898 = arith.addi %mul3A_896, %add3A_897 : i32
    "tpu.region"() ({
      %run_scoped3A = tpu.sem_alloc : memref<!tpu.dma_semaphore, #tpu.memory_space<semaphore_mem>>
      %dma_start3A_1264 = arith.constant 0 : i32
      %dma_start3A_1265 = tpu.memref_slice %arg11[%add3A_898, %dma_start3A_1264] : memref<10240x128xf32, #tpu.memory_space<vmem_shared>> -> memref<16x128xf32, #tpu.memory_space<vmem_shared>>
      %dma_start3A_1266 = arith.constant 0 : i32
      %dma_start3A_1267 = tpu.memref_slice %arg11[%add3A_898, %dma_start3A_1266] : memref<10240x128xf32, #tpu.memory_space<vmem_shared>> -> memref<16x128xf32, #tpu.memory_space<vmem_shared>>
      tpu.enqueue_dma source(%arg10 : memref<16x128xf32, #tpu.memory_space<vmem>>) target(%dma_start3A_1267 : memref<16x128xf32, #tpu.memory_space<vmem_shared>>) target_semaphore(%run_scoped3A : memref<!tpu.dma_semaphore, #tpu.memory_space<semaphore_mem>>)
      %dma_wait3A_1268 = arith.constant 0 : i32
      %dma_wait3A_1269 = tpu.memref_slice %arg11[%add3A_898, %dma_wait3A_1268] : memref<10240x128xf32, #tpu.memory_space<vmem_shared>> -> memref<16x128xf32, #tpu.memory_space<vmem_shared>>
      %dma_wait3A_1270 = arith.constant 0 : i32
      %dma_wait3A_1271 = tpu.memref_slice %arg11[%add3A_898, %dma_wait3A_1270] : memref<10240x128xf32, #tpu.memory_space<vmem_shared>> -> memref<16x128xf32, #tpu.memory_space<vmem_shared>>
      tpu.wait_dma2 semaphore(%run_scoped3A : memref<!tpu.dma_semaphore, #tpu.memory_space<semaphore_mem>>) src(%arg10 : memref<16x128xf32, #tpu.memory_space<vmem>>) dst(%dma_wait3A_1271 : memref<16x128xf32, #tpu.memory_space<vmem_shared>>)
      tpu.yield
    }) : () -> ()
    %mul3A_899 = arith.constant 640 : i32
    %mul3A_900 = arith.muli %arg1, %mul3A_899 : i32
    %add3A_901 = arith.constant 496 : i32
    %add3A_902 = arith.addi %mul3A_900, %add3A_901 : i32
    "tpu.region"() ({
      %run_scoped3A = tpu.sem_alloc : memref<!tpu.dma_semaphore, #tpu.memory_space<semaphore_mem>>
      %dma_start3A_1264 = arith.constant 0 : i32
      %dma_start3A_1265 = tpu.memref_slice %arg11[%add3A_902, %dma_start3A_1264] : memref<10240x128xf32, #tpu.memory_space<vmem_shared>> -> memref<16x128xf32, #tpu.memory_space<vmem_shared>>
      %dma_start3A_1266 = arith.constant 0 : i32
      %dma_start3A_1267 = tpu.memref_slice %arg11[%add3A_902, %dma_start3A_1266] : memref<10240x128xf32, #tpu.memory_space<vmem_shared>> -> memref<16x128xf32, #tpu.memory_space<vmem_shared>>
      tpu.enqueue_dma source(%arg10 : memref<16x128xf32, #tpu.memory_space<vmem>>) target(%dma_start3A_1267 : memref<16x128xf32, #tpu.memory_space<vmem_shared>>) target_semaphore(%run_scoped3A : memref<!tpu.dma_semaphore, #tpu.memory_space<semaphore_mem>>)
      %dma_wait3A_1268 = arith.constant 0 : i32
      %dma_wait3A_1269 = tpu.memref_slice %arg11[%add3A_902, %dma_wait3A_1268] : memref<10240x128xf32, #tpu.memory_space<vmem_shared>> -> memref<16x128xf32, #tpu.memory_space<vmem_shared>>
      %dma_wait3A_1270 = arith.constant 0 : i32
      %dma_wait3A_1271 = tpu.memref_slice %arg11[%add3A_902, %dma_wait3A_1270] : memref<10240x128xf32, #tpu.memory_space<vmem_shared>> -> memref<16x128xf32, #tpu.memory_space<vmem_shared>>
      tpu.wait_dma2 semaphore(%run_scoped3A : memref<!tpu.dma_semaphore, #tpu.memory_space<semaphore_mem>>) src(%arg10 : memref<16x128xf32, #tpu.memory_space<vmem>>) dst(%dma_wait3A_1271 : memref<16x128xf32, #tpu.memory_space<vmem_shared>>)
      tpu.yield
    }) : () -> ()
    %mul3A_903 = arith.constant 640 : i32
    %mul3A_904 = arith.muli %arg1, %mul3A_903 : i32
    %add3A_905 = arith.constant 512 : i32
    %add3A_906 = arith.addi %mul3A_904, %add3A_905 : i32
    "tpu.region"() ({
      %run_scoped3A = tpu.sem_alloc : memref<!tpu.dma_semaphore, #tpu.memory_space<semaphore_mem>>
      %dma_start3A_1264 = arith.constant 0 : i32
      %dma_start3A_1265 = tpu.memref_slice %arg11[%add3A_906, %dma_start3A_1264] : memref<10240x128xf32, #tpu.memory_space<vmem_shared>> -> memref<16x128xf32, #tpu.memory_space<vmem_shared>>
      %dma_start3A_1266 = arith.constant 0 : i32
      %dma_start3A_1267 = tpu.memref_slice %arg11[%add3A_906, %dma_start3A_1266] : memref<10240x128xf32, #tpu.memory_space<vmem_shared>> -> memref<16x128xf32, #tpu.memory_space<vmem_shared>>
      tpu.enqueue_dma source(%arg10 : memref<16x128xf32, #tpu.memory_space<vmem>>) target(%dma_start3A_1267 : memref<16x128xf32, #tpu.memory_space<vmem_shared>>) target_semaphore(%run_scoped3A : memref<!tpu.dma_semaphore, #tpu.memory_space<semaphore_mem>>)
      %dma_wait3A_1268 = arith.constant 0 : i32
      %dma_wait3A_1269 = tpu.memref_slice %arg11[%add3A_906, %dma_wait3A_1268] : memref<10240x128xf32, #tpu.memory_space<vmem_shared>> -> memref<16x128xf32, #tpu.memory_space<vmem_shared>>
      %dma_wait3A_1270 = arith.constant 0 : i32
      %dma_wait3A_1271 = tpu.memref_slice %arg11[%add3A_906, %dma_wait3A_1270] : memref<10240x128xf32, #tpu.memory_space<vmem_shared>> -> memref<16x128xf32, #tpu.memory_space<vmem_shared>>
      tpu.wait_dma2 semaphore(%run_scoped3A : memref<!tpu.dma_semaphore, #tpu.memory_space<semaphore_mem>>) src(%arg10 : memref<16x128xf32, #tpu.memory_space<vmem>>) dst(%dma_wait3A_1271 : memref<16x128xf32, #tpu.memory_space<vmem_shared>>)
      tpu.yield
    }) : () -> ()
    %mul3A_907 = arith.constant 640 : i32
    %mul3A_908 = arith.muli %arg1, %mul3A_907 : i32
    %add3A_909 = arith.constant 528 : i32
    %add3A_910 = arith.addi %mul3A_908, %add3A_909 : i32
    "tpu.region"() ({
      %run_scoped3A = tpu.sem_alloc : memref<!tpu.dma_semaphore, #tpu.memory_space<semaphore_mem>>
      %dma_start3A_1264 = arith.constant 0 : i32
      %dma_start3A_1265 = tpu.memref_slice %arg11[%add3A_910, %dma_start3A_1264] : memref<10240x128xf32, #tpu.memory_space<vmem_shared>> -> memref<16x128xf32, #tpu.memory_space<vmem_shared>>
      %dma_start3A_1266 = arith.constant 0 : i32
      %dma_start3A_1267 = tpu.memref_slice %arg11[%add3A_910, %dma_start3A_1266] : memref<10240x128xf32, #tpu.memory_space<vmem_shared>> -> memref<16x128xf32, #tpu.memory_space<vmem_shared>>
      tpu.enqueue_dma source(%arg10 : memref<16x128xf32, #tpu.memory_space<vmem>>) target(%dma_start3A_1267 : memref<16x128xf32, #tpu.memory_space<vmem_shared>>) target_semaphore(%run_scoped3A : memref<!tpu.dma_semaphore, #tpu.memory_space<semaphore_mem>>)
      %dma_wait3A_1268 = arith.constant 0 : i32
      %dma_wait3A_1269 = tpu.memref_slice %arg11[%add3A_910, %dma_wait3A_1268] : memref<10240x128xf32, #tpu.memory_space<vmem_shared>> -> memref<16x128xf32, #tpu.memory_space<vmem_shared>>
      %dma_wait3A_1270 = arith.constant 0 : i32
      %dma_wait3A_1271 = tpu.memref_slice %arg11[%add3A_910, %dma_wait3A_1270] : memref<10240x128xf32, #tpu.memory_space<vmem_shared>> -> memref<16x128xf32, #tpu.memory_space<vmem_shared>>
      tpu.wait_dma2 semaphore(%run_scoped3A : memref<!tpu.dma_semaphore, #tpu.memory_space<semaphore_mem>>) src(%arg10 : memref<16x128xf32, #tpu.memory_space<vmem>>) dst(%dma_wait3A_1271 : memref<16x128xf32, #tpu.memory_space<vmem_shared>>)
      tpu.yield
    }) : () -> ()
    %mul3A_911 = arith.constant 640 : i32
    %mul3A_912 = arith.muli %arg1, %mul3A_911 : i32
    %add3A_913 = arith.constant 544 : i32
    %add3A_914 = arith.addi %mul3A_912, %add3A_913 : i32
    "tpu.region"() ({
      %run_scoped3A = tpu.sem_alloc : memref<!tpu.dma_semaphore, #tpu.memory_space<semaphore_mem>>
      %dma_start3A_1264 = arith.constant 0 : i32
      %dma_start3A_1265 = tpu.memref_slice %arg11[%add3A_914, %dma_start3A_1264] : memref<10240x128xf32, #tpu.memory_space<vmem_shared>> -> memref<16x128xf32, #tpu.memory_space<vmem_shared>>
      %dma_start3A_1266 = arith.constant 0 : i32
      %dma_start3A_1267 = tpu.memref_slice %arg11[%add3A_914, %dma_start3A_1266] : memref<10240x128xf32, #tpu.memory_space<vmem_shared>> -> memref<16x128xf32, #tpu.memory_space<vmem_shared>>
      tpu.enqueue_dma source(%arg10 : memref<16x128xf32, #tpu.memory_space<vmem>>) target(%dma_start3A_1267 : memref<16x128xf32, #tpu.memory_space<vmem_shared>>) target_semaphore(%run_scoped3A : memref<!tpu.dma_semaphore, #tpu.memory_space<semaphore_mem>>)
      %dma_wait3A_1268 = arith.constant 0 : i32
      %dma_wait3A_1269 = tpu.memref_slice %arg11[%add3A_914, %dma_wait3A_1268] : memref<10240x128xf32, #tpu.memory_space<vmem_shared>> -> memref<16x128xf32, #tpu.memory_space<vmem_shared>>
      %dma_wait3A_1270 = arith.constant 0 : i32
      %dma_wait3A_1271 = tpu.memref_slice %arg11[%add3A_914, %dma_wait3A_1270] : memref<10240x128xf32, #tpu.memory_space<vmem_shared>> -> memref<16x128xf32, #tpu.memory_space<vmem_shared>>
      tpu.wait_dma2 semaphore(%run_scoped3A : memref<!tpu.dma_semaphore, #tpu.memory_space<semaphore_mem>>) src(%arg10 : memref<16x128xf32, #tpu.memory_space<vmem>>) dst(%dma_wait3A_1271 : memref<16x128xf32, #tpu.memory_space<vmem_shared>>)
      tpu.yield
    }) : () -> ()
    %mul3A_915 = arith.constant 640 : i32
    %mul3A_916 = arith.muli %arg1, %mul3A_915 : i32
    %add3A_917 = arith.constant 560 : i32
    %add3A_918 = arith.addi %mul3A_916, %add3A_917 : i32
    "tpu.region"() ({
      %run_scoped3A = tpu.sem_alloc : memref<!tpu.dma_semaphore, #tpu.memory_space<semaphore_mem>>
      %dma_start3A_1264 = arith.constant 0 : i32
      %dma_start3A_1265 = tpu.memref_slice %arg11[%add3A_918, %dma_start3A_1264] : memref<10240x128xf32, #tpu.memory_space<vmem_shared>> -> memref<16x128xf32, #tpu.memory_space<vmem_shared>>
      %dma_start3A_1266 = arith.constant 0 : i32
      %dma_start3A_1267 = tpu.memref_slice %arg11[%add3A_918, %dma_start3A_1266] : memref<10240x128xf32, #tpu.memory_space<vmem_shared>> -> memref<16x128xf32, #tpu.memory_space<vmem_shared>>
      tpu.enqueue_dma source(%arg10 : memref<16x128xf32, #tpu.memory_space<vmem>>) target(%dma_start3A_1267 : memref<16x128xf32, #tpu.memory_space<vmem_shared>>) target_semaphore(%run_scoped3A : memref<!tpu.dma_semaphore, #tpu.memory_space<semaphore_mem>>)
      %dma_wait3A_1268 = arith.constant 0 : i32
      %dma_wait3A_1269 = tpu.memref_slice %arg11[%add3A_918, %dma_wait3A_1268] : memref<10240x128xf32, #tpu.memory_space<vmem_shared>> -> memref<16x128xf32, #tpu.memory_space<vmem_shared>>
      %dma_wait3A_1270 = arith.constant 0 : i32
      %dma_wait3A_1271 = tpu.memref_slice %arg11[%add3A_918, %dma_wait3A_1270] : memref<10240x128xf32, #tpu.memory_space<vmem_shared>> -> memref<16x128xf32, #tpu.memory_space<vmem_shared>>
      tpu.wait_dma2 semaphore(%run_scoped3A : memref<!tpu.dma_semaphore, #tpu.memory_space<semaphore_mem>>) src(%arg10 : memref<16x128xf32, #tpu.memory_space<vmem>>) dst(%dma_wait3A_1271 : memref<16x128xf32, #tpu.memory_space<vmem_shared>>)
      tpu.yield
    }) : () -> ()
    %mul3A_919 = arith.constant 640 : i32
    %mul3A_920 = arith.muli %arg1, %mul3A_919 : i32
    %add3A_921 = arith.constant 576 : i32
    %add3A_922 = arith.addi %mul3A_920, %add3A_921 : i32
    "tpu.region"() ({
      %run_scoped3A = tpu.sem_alloc : memref<!tpu.dma_semaphore, #tpu.memory_space<semaphore_mem>>
      %dma_start3A_1264 = arith.constant 0 : i32
      %dma_start3A_1265 = tpu.memref_slice %arg11[%add3A_922, %dma_start3A_1264] : memref<10240x128xf32, #tpu.memory_space<vmem_shared>> -> memref<16x128xf32, #tpu.memory_space<vmem_shared>>
      %dma_start3A_1266 = arith.constant 0 : i32
      %dma_start3A_1267 = tpu.memref_slice %arg11[%add3A_922, %dma_start3A_1266] : memref<10240x128xf32, #tpu.memory_space<vmem_shared>> -> memref<16x128xf32, #tpu.memory_space<vmem_shared>>
      tpu.enqueue_dma source(%arg10 : memref<16x128xf32, #tpu.memory_space<vmem>>) target(%dma_start3A_1267 : memref<16x128xf32, #tpu.memory_space<vmem_shared>>) target_semaphore(%run_scoped3A : memref<!tpu.dma_semaphore, #tpu.memory_space<semaphore_mem>>)
      %dma_wait3A_1268 = arith.constant 0 : i32
      %dma_wait3A_1269 = tpu.memref_slice %arg11[%add3A_922, %dma_wait3A_1268] : memref<10240x128xf32, #tpu.memory_space<vmem_shared>> -> memref<16x128xf32, #tpu.memory_space<vmem_shared>>
      %dma_wait3A_1270 = arith.constant 0 : i32
      %dma_wait3A_1271 = tpu.memref_slice %arg11[%add3A_922, %dma_wait3A_1270] : memref<10240x128xf32, #tpu.memory_space<vmem_shared>> -> memref<16x128xf32, #tpu.memory_space<vmem_shared>>
      tpu.wait_dma2 semaphore(%run_scoped3A : memref<!tpu.dma_semaphore, #tpu.memory_space<semaphore_mem>>) src(%arg10 : memref<16x128xf32, #tpu.memory_space<vmem>>) dst(%dma_wait3A_1271 : memref<16x128xf32, #tpu.memory_space<vmem_shared>>)
      tpu.yield
    }) : () -> ()
    %mul3A_923 = arith.constant 640 : i32
    %mul3A_924 = arith.muli %arg1, %mul3A_923 : i32
    %add3A_925 = arith.constant 592 : i32
    %add3A_926 = arith.addi %mul3A_924, %add3A_925 : i32
    "tpu.region"() ({
      %run_scoped3A = tpu.sem_alloc : memref<!tpu.dma_semaphore, #tpu.memory_space<semaphore_mem>>
      %dma_start3A_1264 = arith.constant 0 : i32
      %dma_start3A_1265 = tpu.memref_slice %arg11[%add3A_926, %dma_start3A_1264] : memref<10240x128xf32, #tpu.memory_space<vmem_shared>> -> memref<16x128xf32, #tpu.memory_space<vmem_shared>>
      %dma_start3A_1266 = arith.constant 0 : i32
      %dma_start3A_1267 = tpu.memref_slice %arg11[%add3A_926, %dma_start3A_1266] : memref<10240x128xf32, #tpu.memory_space<vmem_shared>> -> memref<16x128xf32, #tpu.memory_space<vmem_shared>>
      tpu.enqueue_dma source(%arg10 : memref<16x128xf32, #tpu.memory_space<vmem>>) target(%dma_start3A_1267 : memref<16x128xf32, #tpu.memory_space<vmem_shared>>) target_semaphore(%run_scoped3A : memref<!tpu.dma_semaphore, #tpu.memory_space<semaphore_mem>>)
      %dma_wait3A_1268 = arith.constant 0 : i32
      %dma_wait3A_1269 = tpu.memref_slice %arg11[%add3A_926, %dma_wait3A_1268] : memref<10240x128xf32, #tpu.memory_space<vmem_shared>> -> memref<16x128xf32, #tpu.memory_space<vmem_shared>>
      %dma_wait3A_1270 = arith.constant 0 : i32
      %dma_wait3A_1271 = tpu.memref_slice %arg11[%add3A_926, %dma_wait3A_1270] : memref<10240x128xf32, #tpu.memory_space<vmem_shared>> -> memref<16x128xf32, #tpu.memory_space<vmem_shared>>
      tpu.wait_dma2 semaphore(%run_scoped3A : memref<!tpu.dma_semaphore, #tpu.memory_space<semaphore_mem>>) src(%arg10 : memref<16x128xf32, #tpu.memory_space<vmem>>) dst(%dma_wait3A_1271 : memref<16x128xf32, #tpu.memory_space<vmem_shared>>)
      tpu.yield
    }) : () -> ()
    %mul3A_927 = arith.constant 640 : i32
    %mul3A_928 = arith.muli %arg1, %mul3A_927 : i32
    %add3A_929 = arith.constant 608 : i32
    %add3A_930 = arith.addi %mul3A_928, %add3A_929 : i32
    "tpu.region"() ({
      %run_scoped3A = tpu.sem_alloc : memref<!tpu.dma_semaphore, #tpu.memory_space<semaphore_mem>>
      %dma_start3A_1264 = arith.constant 0 : i32
      %dma_start3A_1265 = tpu.memref_slice %arg11[%add3A_930, %dma_start3A_1264] : memref<10240x128xf32, #tpu.memory_space<vmem_shared>> -> memref<16x128xf32, #tpu.memory_space<vmem_shared>>
      %dma_start3A_1266 = arith.constant 0 : i32
      %dma_start3A_1267 = tpu.memref_slice %arg11[%add3A_930, %dma_start3A_1266] : memref<10240x128xf32, #tpu.memory_space<vmem_shared>> -> memref<16x128xf32, #tpu.memory_space<vmem_shared>>
      tpu.enqueue_dma source(%arg10 : memref<16x128xf32, #tpu.memory_space<vmem>>) target(%dma_start3A_1267 : memref<16x128xf32, #tpu.memory_space<vmem_shared>>) target_semaphore(%run_scoped3A : memref<!tpu.dma_semaphore, #tpu.memory_space<semaphore_mem>>)
      %dma_wait3A_1268 = arith.constant 0 : i32
      %dma_wait3A_1269 = tpu.memref_slice %arg11[%add3A_930, %dma_wait3A_1268] : memref<10240x128xf32, #tpu.memory_space<vmem_shared>> -> memref<16x128xf32, #tpu.memory_space<vmem_shared>>
      %dma_wait3A_1270 = arith.constant 0 : i32
      %dma_wait3A_1271 = tpu.memref_slice %arg11[%add3A_930, %dma_wait3A_1270] : memref<10240x128xf32, #tpu.memory_space<vmem_shared>> -> memref<16x128xf32, #tpu.memory_space<vmem_shared>>
      tpu.wait_dma2 semaphore(%run_scoped3A : memref<!tpu.dma_semaphore, #tpu.memory_space<semaphore_mem>>) src(%arg10 : memref<16x128xf32, #tpu.memory_space<vmem>>) dst(%dma_wait3A_1271 : memref<16x128xf32, #tpu.memory_space<vmem_shared>>)
      tpu.yield
    }) : () -> ()
    %mul3A_931 = arith.constant 640 : i32
    %mul3A_932 = arith.muli %arg1, %mul3A_931 : i32
    %add3A_933 = arith.constant 624 : i32
    %add3A_934 = arith.addi %mul3A_932, %add3A_933 : i32
    "tpu.region"() ({
      %run_scoped3A = tpu.sem_alloc : memref<!tpu.dma_semaphore, #tpu.memory_space<semaphore_mem>>
      %dma_start3A_1264 = arith.constant 0 : i32
      %dma_start3A_1265 = tpu.memref_slice %arg11[%add3A_934, %dma_start3A_1264] : memref<10240x128xf32, #tpu.memory_space<vmem_shared>> -> memref<16x128xf32, #tpu.memory_space<vmem_shared>>
      %dma_start3A_1266 = arith.constant 0 : i32
      %dma_start3A_1267 = tpu.memref_slice %arg11[%add3A_934, %dma_start3A_1266] : memref<10240x128xf32, #tpu.memory_space<vmem_shared>> -> memref<16x128xf32, #tpu.memory_space<vmem_shared>>
      tpu.enqueue_dma source(%arg10 : memref<16x128xf32, #tpu.memory_space<vmem>>) target(%dma_start3A_1267 : memref<16x128xf32, #tpu.memory_space<vmem_shared>>) target_semaphore(%run_scoped3A : memref<!tpu.dma_semaphore, #tpu.memory_space<semaphore_mem>>)
      %dma_wait3A_1268 = arith.constant 0 : i32
      %dma_wait3A_1269 = tpu.memref_slice %arg11[%add3A_934, %dma_wait3A_1268] : memref<10240x128xf32, #tpu.memory_space<vmem_shared>> -> memref<16x128xf32, #tpu.memory_space<vmem_shared>>
      %dma_wait3A_1270 = arith.constant 0 : i32
      %dma_wait3A_1271 = tpu.memref_slice %arg11[%add3A_934, %dma_wait3A_1270] : memref<10240x128xf32, #tpu.memory_space<vmem_shared>> -> memref<16x128xf32, #tpu.memory_space<vmem_shared>>
      tpu.wait_dma2 semaphore(%run_scoped3A : memref<!tpu.dma_semaphore, #tpu.memory_space<semaphore_mem>>) src(%arg10 : memref<16x128xf32, #tpu.memory_space<vmem>>) dst(%dma_wait3A_1271 : memref<16x128xf32, #tpu.memory_space<vmem_shared>>)
      tpu.yield
    }) : () -> ()
    %barrier3A = arith.constant 0 : index
    tpu.barrier barrier_id(%barrier3A)
    %add3A_935 = arith.constant 0 : i32
    %add3A_936 = arith.addi %add3A_4, %add3A_935 : i32
    %dma_start3A = arith.constant 0 : i32
    %dma_start3A_937 = arith.constant 0 : i32
    %dma_start3A_938 = arith.constant 0 : i32
    %dma_start3A_939 = tpu.memref_slice %arg6[%dma_start3A, %dma_start3A_938] : memref<4x80xi32, #tpu.memory_space<vmem>> -> memref<1x80xi32, #tpu.memory_space<vmem>>
    %dma_start3A_940 = tpu.memref_squeeze %dma_start3A_939 : memref<1x80xi32, #tpu.memory_space<vmem>> -> memref<80xi32, #tpu.memory_space<vmem>>
    %dma_start3A_941 = tpu.memref_slice %arg4[%add3A_936] : memref<640000xi32, #tpu.memory_space<hbm>> -> memref<80xi32, #tpu.memory_space<hbm>>
    %dma_start3A_942 = tpu.memref_slice %arg12[%dma_start3A_937] : memref<4x!tpu.dma_semaphore, #tpu.memory_space<semaphore_mem>> -> memref<1x!tpu.dma_semaphore, #tpu.memory_space<semaphore_mem>>
    %dma_start3A_943 = tpu.memref_squeeze %dma_start3A_942 : memref<1x!tpu.dma_semaphore, #tpu.memory_space<semaphore_mem>> -> memref<!tpu.dma_semaphore, #tpu.memory_space<semaphore_mem>>
    %dma_start3A_944 = arith.constant 0 : i32
    %dma_start3A_945 = tpu.memref_slice %arg6[%dma_start3A, %dma_start3A_944] : memref<4x80xi32, #tpu.memory_space<vmem>> -> memref<1x80xi32, #tpu.memory_space<vmem>>
    %dma_start3A_946 = tpu.memref_squeeze %dma_start3A_945 : memref<1x80xi32, #tpu.memory_space<vmem>> -> memref<80xi32, #tpu.memory_space<vmem>>
    %dma_start3A_947 = tpu.memref_slice %arg4[%add3A_936] : memref<640000xi32, #tpu.memory_space<hbm>> -> memref<80xi32, #tpu.memory_space<hbm>>
    tpu.enqueue_dma source(%dma_start3A_947 : memref<80xi32, #tpu.memory_space<hbm>>) target(%dma_start3A_946 : memref<80xi32, #tpu.memory_space<vmem>>) target_semaphore(%dma_start3A_943 : memref<!tpu.dma_semaphore, #tpu.memory_space<semaphore_mem>>)
    %add3A_948 = arith.constant 0 : i32
    %add3A_949 = arith.addi %add3A_6, %add3A_948 : i32
    %dma_start3A_950 = arith.constant 0 : i32
    %dma_start3A_951 = arith.constant 0 : i32
    %dma_start3A_952 = arith.constant 0 : i32
    %dma_start3A_953 = tpu.memref_slice %arg7[%dma_start3A_950, %dma_start3A_952] : memref<4x80xi32, #tpu.memory_space<vmem>> -> memref<1x80xi32, #tpu.memory_space<vmem>>
    %dma_start3A_954 = tpu.memref_squeeze %dma_start3A_953 : memref<1x80xi32, #tpu.memory_space<vmem>> -> memref<80xi32, #tpu.memory_space<vmem>>
    %dma_start3A_955 = tpu.memref_slice %arg4[%add3A_949] : memref<640000xi32, #tpu.memory_space<hbm>> -> memref<80xi32, #tpu.memory_space<hbm>>
    %dma_start3A_956 = tpu.memref_slice %arg12[%dma_start3A_951] : memref<4x!tpu.dma_semaphore, #tpu.memory_space<semaphore_mem>> -> memref<1x!tpu.dma_semaphore, #tpu.memory_space<semaphore_mem>>
    %dma_start3A_957 = tpu.memref_squeeze %dma_start3A_956 : memref<1x!tpu.dma_semaphore, #tpu.memory_space<semaphore_mem>> -> memref<!tpu.dma_semaphore, #tpu.memory_space<semaphore_mem>>
    %dma_start3A_958 = arith.constant 0 : i32
    %dma_start3A_959 = tpu.memref_slice %arg7[%dma_start3A_950, %dma_start3A_958] : memref<4x80xi32, #tpu.memory_space<vmem>> -> memref<1x80xi32, #tpu.memory_space<vmem>>
    %dma_start3A_960 = tpu.memref_squeeze %dma_start3A_959 : memref<1x80xi32, #tpu.memory_space<vmem>> -> memref<80xi32, #tpu.memory_space<vmem>>
    %dma_start3A_961 = tpu.memref_slice %arg4[%add3A_949] : memref<640000xi32, #tpu.memory_space<hbm>> -> memref<80xi32, #tpu.memory_space<hbm>>
    tpu.enqueue_dma source(%dma_start3A_961 : memref<80xi32, #tpu.memory_space<hbm>>) target(%dma_start3A_960 : memref<80xi32, #tpu.memory_space<vmem>>) target_semaphore(%dma_start3A_957 : memref<!tpu.dma_semaphore, #tpu.memory_space<semaphore_mem>>)
    %add3A_962 = arith.constant 0 : i32
    %add3A_963 = arith.addi %mul3A_2, %add3A_962 : i32
    %dma_start3A_964 = arith.constant 0 : i32
    %dma_start3A_965 = arith.constant 0 : i32
    %dma_start3A_966 = arith.constant 0 : i32
    %dma_start3A_967 = arith.constant 0 : i32
    %dma_start3A_968 = tpu.memref_slice %arg9[%dma_start3A_964, %dma_start3A_966, %dma_start3A_967] : memref<2x80x128xf32, #tpu.memory_space<vmem>> -> memref<1x80x128xf32, #tpu.memory_space<vmem>>
    %dma_start3A_969 = tpu.memref_squeeze %dma_start3A_968 : memref<1x80x128xf32, #tpu.memory_space<vmem>> -> memref<80x128xf32, #tpu.memory_space<vmem>>
    %dma_start3A_970 = arith.constant 0 : i32
    %dma_start3A_971 = tpu.memref_slice %arg3[%add3A_963, %dma_start3A_970] : memref<320000x128xf32, #tpu.memory_space<hbm>> -> memref<80x128xf32, #tpu.memory_space<hbm>>
    %dma_start3A_972 = tpu.memref_slice %arg13[%dma_start3A_965] : memref<2x!tpu.dma_semaphore, #tpu.memory_space<semaphore_mem>> -> memref<1x!tpu.dma_semaphore, #tpu.memory_space<semaphore_mem>>
    %dma_start3A_973 = tpu.memref_squeeze %dma_start3A_972 : memref<1x!tpu.dma_semaphore, #tpu.memory_space<semaphore_mem>> -> memref<!tpu.dma_semaphore, #tpu.memory_space<semaphore_mem>>
    %dma_start3A_974 = arith.constant 0 : i32
    %dma_start3A_975 = arith.constant 0 : i32
    %dma_start3A_976 = tpu.memref_slice %arg9[%dma_start3A_964, %dma_start3A_974, %dma_start3A_975] : memref<2x80x128xf32, #tpu.memory_space<vmem>> -> memref<1x80x128xf32, #tpu.memory_space<vmem>>
    %dma_start3A_977 = tpu.memref_squeeze %dma_start3A_976 : memref<1x80x128xf32, #tpu.memory_space<vmem>> -> memref<80x128xf32, #tpu.memory_space<vmem>>
    %dma_start3A_978 = arith.constant 0 : i32
    %dma_start3A_979 = tpu.memref_slice %arg3[%add3A_963, %dma_start3A_978] : memref<320000x128xf32, #tpu.memory_space<hbm>> -> memref<80x128xf32, #tpu.memory_space<hbm>>
    tpu.enqueue_dma source(%dma_start3A_979 : memref<80x128xf32, #tpu.memory_space<hbm>>) target(%dma_start3A_977 : memref<80x128xf32, #tpu.memory_space<vmem>>) target_semaphore(%dma_start3A_973 : memref<!tpu.dma_semaphore, #tpu.memory_space<semaphore_mem>>)
    %add3A_980 = arith.constant 80 : i32
    %add3A_981 = arith.addi %add3A_4, %add3A_980 : i32
    %dma_start3A_982 = arith.constant 1 : i32
    %dma_start3A_983 = arith.constant 1 : i32
    %dma_start3A_984 = arith.constant 0 : i32
    %dma_start3A_985 = tpu.memref_slice %arg6[%dma_start3A_982, %dma_start3A_984] : memref<4x80xi32, #tpu.memory_space<vmem>> -> memref<1x80xi32, #tpu.memory_space<vmem>>
    %dma_start3A_986 = tpu.memref_squeeze %dma_start3A_985 : memref<1x80xi32, #tpu.memory_space<vmem>> -> memref<80xi32, #tpu.memory_space<vmem>>
    %dma_start3A_987 = tpu.memref_slice %arg4[%add3A_981] : memref<640000xi32, #tpu.memory_space<hbm>> -> memref<80xi32, #tpu.memory_space<hbm>>
    %dma_start3A_988 = tpu.memref_slice %arg12[%dma_start3A_983] : memref<4x!tpu.dma_semaphore, #tpu.memory_space<semaphore_mem>> -> memref<1x!tpu.dma_semaphore, #tpu.memory_space<semaphore_mem>>
    %dma_start3A_989 = tpu.memref_squeeze %dma_start3A_988 : memref<1x!tpu.dma_semaphore, #tpu.memory_space<semaphore_mem>> -> memref<!tpu.dma_semaphore, #tpu.memory_space<semaphore_mem>>
    %dma_start3A_990 = arith.constant 0 : i32
    %dma_start3A_991 = tpu.memref_slice %arg6[%dma_start3A_982, %dma_start3A_990] : memref<4x80xi32, #tpu.memory_space<vmem>> -> memref<1x80xi32, #tpu.memory_space<vmem>>
    %dma_start3A_992 = tpu.memref_squeeze %dma_start3A_991 : memref<1x80xi32, #tpu.memory_space<vmem>> -> memref<80xi32, #tpu.memory_space<vmem>>
    %dma_start3A_993 = tpu.memref_slice %arg4[%add3A_981] : memref<640000xi32, #tpu.memory_space<hbm>> -> memref<80xi32, #tpu.memory_space<hbm>>
    tpu.enqueue_dma source(%dma_start3A_993 : memref<80xi32, #tpu.memory_space<hbm>>) target(%dma_start3A_992 : memref<80xi32, #tpu.memory_space<vmem>>) target_semaphore(%dma_start3A_989 : memref<!tpu.dma_semaphore, #tpu.memory_space<semaphore_mem>>)
    %add3A_994 = arith.constant 80 : i32
    %add3A_995 = arith.addi %add3A_6, %add3A_994 : i32
    %dma_start3A_996 = arith.constant 1 : i32
    %dma_start3A_997 = arith.constant 1 : i32
    %dma_start3A_998 = arith.constant 0 : i32
    %dma_start3A_999 = tpu.memref_slice %arg7[%dma_start3A_996, %dma_start3A_998] : memref<4x80xi32, #tpu.memory_space<vmem>> -> memref<1x80xi32, #tpu.memory_space<vmem>>
    %dma_start3A_1000 = tpu.memref_squeeze %dma_start3A_999 : memref<1x80xi32, #tpu.memory_space<vmem>> -> memref<80xi32, #tpu.memory_space<vmem>>
    %dma_start3A_1001 = tpu.memref_slice %arg4[%add3A_995] : memref<640000xi32, #tpu.memory_space<hbm>> -> memref<80xi32, #tpu.memory_space<hbm>>
    %dma_start3A_1002 = tpu.memref_slice %arg12[%dma_start3A_997] : memref<4x!tpu.dma_semaphore, #tpu.memory_space<semaphore_mem>> -> memref<1x!tpu.dma_semaphore, #tpu.memory_space<semaphore_mem>>
    %dma_start3A_1003 = tpu.memref_squeeze %dma_start3A_1002 : memref<1x!tpu.dma_semaphore, #tpu.memory_space<semaphore_mem>> -> memref<!tpu.dma_semaphore, #tpu.memory_space<semaphore_mem>>
    %dma_start3A_1004 = arith.constant 0 : i32
    %dma_start3A_1005 = tpu.memref_slice %arg7[%dma_start3A_996, %dma_start3A_1004] : memref<4x80xi32, #tpu.memory_space<vmem>> -> memref<1x80xi32, #tpu.memory_space<vmem>>
    %dma_start3A_1006 = tpu.memref_squeeze %dma_start3A_1005 : memref<1x80xi32, #tpu.memory_space<vmem>> -> memref<80xi32, #tpu.memory_space<vmem>>
    %dma_start3A_1007 = tpu.memref_slice %arg4[%add3A_995] : memref<640000xi32, #tpu.memory_space<hbm>> -> memref<80xi32, #tpu.memory_space<hbm>>
    tpu.enqueue_dma source(%dma_start3A_1007 : memref<80xi32, #tpu.memory_space<hbm>>) target(%dma_start3A_1006 : memref<80xi32, #tpu.memory_space<vmem>>) target_semaphore(%dma_start3A_1003 : memref<!tpu.dma_semaphore, #tpu.memory_space<semaphore_mem>>)
    %add3A_1008 = arith.constant 80 : i32
    %add3A_1009 = arith.addi %mul3A_2, %add3A_1008 : i32
    %dma_start3A_1010 = arith.constant 1 : i32
    %dma_start3A_1011 = arith.constant 1 : i32
    %dma_start3A_1012 = arith.constant 0 : i32
    %dma_start3A_1013 = arith.constant 0 : i32
    %dma_start3A_1014 = tpu.memref_slice %arg9[%dma_start3A_1010, %dma_start3A_1012, %dma_start3A_1013] : memref<2x80x128xf32, #tpu.memory_space<vmem>> -> memref<1x80x128xf32, #tpu.memory_space<vmem>>
    %dma_start3A_1015 = tpu.memref_squeeze %dma_start3A_1014 : memref<1x80x128xf32, #tpu.memory_space<vmem>> -> memref<80x128xf32, #tpu.memory_space<vmem>>
    %dma_start3A_1016 = arith.constant 0 : i32
    %dma_start3A_1017 = tpu.memref_slice %arg3[%add3A_1009, %dma_start3A_1016] : memref<320000x128xf32, #tpu.memory_space<hbm>> -> memref<80x128xf32, #tpu.memory_space<hbm>>
    %dma_start3A_1018 = tpu.memref_slice %arg13[%dma_start3A_1011] : memref<2x!tpu.dma_semaphore, #tpu.memory_space<semaphore_mem>> -> memref<1x!tpu.dma_semaphore, #tpu.memory_space<semaphore_mem>>
    %dma_start3A_1019 = tpu.memref_squeeze %dma_start3A_1018 : memref<1x!tpu.dma_semaphore, #tpu.memory_space<semaphore_mem>> -> memref<!tpu.dma_semaphore, #tpu.memory_space<semaphore_mem>>
    %dma_start3A_1020 = arith.constant 0 : i32
    %dma_start3A_1021 = arith.constant 0 : i32
    %dma_start3A_1022 = tpu.memref_slice %arg9[%dma_start3A_1010, %dma_start3A_1020, %dma_start3A_1021] : memref<2x80x128xf32, #tpu.memory_space<vmem>> -> memref<1x80x128xf32, #tpu.memory_space<vmem>>
    %dma_start3A_1023 = tpu.memref_squeeze %dma_start3A_1022 : memref<1x80x128xf32, #tpu.memory_space<vmem>> -> memref<80x128xf32, #tpu.memory_space<vmem>>
    %dma_start3A_1024 = arith.constant 0 : i32
    %dma_start3A_1025 = tpu.memref_slice %arg3[%add3A_1009, %dma_start3A_1024] : memref<320000x128xf32, #tpu.memory_space<hbm>> -> memref<80x128xf32, #tpu.memory_space<hbm>>
    tpu.enqueue_dma source(%dma_start3A_1025 : memref<80x128xf32, #tpu.memory_space<hbm>>) target(%dma_start3A_1023 : memref<80x128xf32, #tpu.memory_space<vmem>>) target_semaphore(%dma_start3A_1019 : memref<!tpu.dma_semaphore, #tpu.memory_space<semaphore_mem>>)
    %add3A_1026 = arith.constant 0 : i32
    %add3A_1027 = arith.addi %add3A_4, %add3A_1026 : i32
    %dma_wait3A = arith.constant 0 : i32
    %dma_wait3A_1028 = arith.constant 0 : i32
    %dma_wait3A_1029 = arith.constant 0 : i32
    %dma_wait3A_1030 = tpu.memref_slice %arg6[%dma_wait3A, %dma_wait3A_1029] : memref<4x80xi32, #tpu.memory_space<vmem>> -> memref<1x80xi32, #tpu.memory_space<vmem>>
    %dma_wait3A_1031 = tpu.memref_squeeze %dma_wait3A_1030 : memref<1x80xi32, #tpu.memory_space<vmem>> -> memref<80xi32, #tpu.memory_space<vmem>>
    %dma_wait3A_1032 = tpu.memref_slice %arg4[%add3A_1027] : memref<640000xi32, #tpu.memory_space<hbm>> -> memref<80xi32, #tpu.memory_space<hbm>>
    %dma_wait3A_1033 = tpu.memref_slice %arg12[%dma_wait3A_1028] : memref<4x!tpu.dma_semaphore, #tpu.memory_space<semaphore_mem>> -> memref<1x!tpu.dma_semaphore, #tpu.memory_space<semaphore_mem>>
    %dma_wait3A_1034 = tpu.memref_squeeze %dma_wait3A_1033 : memref<1x!tpu.dma_semaphore, #tpu.memory_space<semaphore_mem>> -> memref<!tpu.dma_semaphore, #tpu.memory_space<semaphore_mem>>
    %dma_wait3A_1035 = arith.constant 0 : i32
    %dma_wait3A_1036 = tpu.memref_slice %arg6[%dma_wait3A, %dma_wait3A_1035] : memref<4x80xi32, #tpu.memory_space<vmem>> -> memref<1x80xi32, #tpu.memory_space<vmem>>
    %dma_wait3A_1037 = tpu.memref_squeeze %dma_wait3A_1036 : memref<1x80xi32, #tpu.memory_space<vmem>> -> memref<80xi32, #tpu.memory_space<vmem>>
    %dma_wait3A_1038 = tpu.memref_slice %arg4[%add3A_1027] : memref<640000xi32, #tpu.memory_space<hbm>> -> memref<80xi32, #tpu.memory_space<hbm>>
    tpu.wait_dma2 semaphore(%dma_wait3A_1034 : memref<!tpu.dma_semaphore, #tpu.memory_space<semaphore_mem>>) src(%dma_wait3A_1038 : memref<80xi32, #tpu.memory_space<hbm>>) dst(%dma_wait3A_1037 : memref<80xi32, #tpu.memory_space<vmem>>)
    %add3A_1039 = arith.constant 0 : i32
    %add3A_1040 = arith.addi %add3A_6, %add3A_1039 : i32
    %dma_wait3A_1041 = arith.constant 0 : i32
    %dma_wait3A_1042 = arith.constant 0 : i32
    %dma_wait3A_1043 = arith.constant 0 : i32
    %dma_wait3A_1044 = tpu.memref_slice %arg7[%dma_wait3A_1041, %dma_wait3A_1043] : memref<4x80xi32, #tpu.memory_space<vmem>> -> memref<1x80xi32, #tpu.memory_space<vmem>>
    %dma_wait3A_1045 = tpu.memref_squeeze %dma_wait3A_1044 : memref<1x80xi32, #tpu.memory_space<vmem>> -> memref<80xi32, #tpu.memory_space<vmem>>
    %dma_wait3A_1046 = tpu.memref_slice %arg4[%add3A_1040] : memref<640000xi32, #tpu.memory_space<hbm>> -> memref<80xi32, #tpu.memory_space<hbm>>
    %dma_wait3A_1047 = tpu.memref_slice %arg12[%dma_wait3A_1042] : memref<4x!tpu.dma_semaphore, #tpu.memory_space<semaphore_mem>> -> memref<1x!tpu.dma_semaphore, #tpu.memory_space<semaphore_mem>>
    %dma_wait3A_1048 = tpu.memref_squeeze %dma_wait3A_1047 : memref<1x!tpu.dma_semaphore, #tpu.memory_space<semaphore_mem>> -> memref<!tpu.dma_semaphore, #tpu.memory_space<semaphore_mem>>
    %dma_wait3A_1049 = arith.constant 0 : i32
    %dma_wait3A_1050 = tpu.memref_slice %arg7[%dma_wait3A_1041, %dma_wait3A_1049] : memref<4x80xi32, #tpu.memory_space<vmem>> -> memref<1x80xi32, #tpu.memory_space<vmem>>
    %dma_wait3A_1051 = tpu.memref_squeeze %dma_wait3A_1050 : memref<1x80xi32, #tpu.memory_space<vmem>> -> memref<80xi32, #tpu.memory_space<vmem>>
    %dma_wait3A_1052 = tpu.memref_slice %arg4[%add3A_1040] : memref<640000xi32, #tpu.memory_space<hbm>> -> memref<80xi32, #tpu.memory_space<hbm>>
    tpu.wait_dma2 semaphore(%dma_wait3A_1048 : memref<!tpu.dma_semaphore, #tpu.memory_space<semaphore_mem>>) src(%dma_wait3A_1052 : memref<80xi32, #tpu.memory_space<hbm>>) dst(%dma_wait3A_1051 : memref<80xi32, #tpu.memory_space<vmem>>)
    %dma_start3A_1053 = arith.constant 0 : i32
    %dma_start3A_1054 = arith.constant 0 : i32
    %dma_start3A_1055 = arith.constant 0 : i32
    %dma_start3A_1056 = arith.constant 0 : i32
    %dma_start3A_1057 = arith.constant 0 : i32
    %dma_start3A_1058 = tpu.memref_slice %arg8[%dma_start3A_1054, %dma_start3A_1056, %dma_start3A_1057] : memref<2x80x128xf32, #tpu.memory_space<vmem>> -> memref<1x80x128xf32, #tpu.memory_space<vmem>>
    %dma_start3A_1059 = tpu.memref_squeeze %dma_start3A_1058 : memref<1x80x128xf32, #tpu.memory_space<vmem>> -> memref<80x128xf32, #tpu.memory_space<vmem>>
    %dma_start3A_1060 = arith.constant 0 : i32
    %dma_start3A_1061 = tpu.memref_slice %arg6[%dma_start3A_1053, %dma_start3A_1060] : memref<4x80xi32, #tpu.memory_space<vmem>> -> memref<1x80xi32, #tpu.memory_space<vmem>>
    %dma_start3A_1062 = tpu.memref_squeeze %dma_start3A_1061 : memref<1x80xi32, #tpu.memory_space<vmem>> -> memref<80xi32, #tpu.memory_space<vmem>>
    %dma_start3A_1063 = arith.constant 0 : i32
    %dma_start3A_1064 = arith.constant 0 : i32
    %dma_start3A_1065 = tpu.memref_slice %arg2[%dma_start3A_1063, %dma_start3A_1064] : memref<10000x128xf32, #tpu.memory_space<hbm>> -> memref<10000x128xf32, #tpu.memory_space<hbm>>
    %dma_start3A_1066 = tpu.memref_slice %arg14[%dma_start3A_1055] : memref<2x!tpu.dma_semaphore, #tpu.memory_space<semaphore_mem>> -> memref<1x!tpu.dma_semaphore, #tpu.memory_space<semaphore_mem>>
    %dma_start3A_1067 = tpu.memref_squeeze %dma_start3A_1066 : memref<1x!tpu.dma_semaphore, #tpu.memory_space<semaphore_mem>> -> memref<!tpu.dma_semaphore, #tpu.memory_space<semaphore_mem>>
    tpu.enqueue_indirect_dma source(%dma_start3A_1065 : memref<10000x128xf32, #tpu.memory_space<hbm>>) target(%dma_start3A_1059 : memref<80x128xf32, #tpu.memory_space<vmem>>) offsets(%dma_start3A_1062 : memref<80xi32, #tpu.memory_space<vmem>>) semaphore(%dma_start3A_1067 : memref<!tpu.dma_semaphore, #tpu.memory_space<semaphore_mem>>)
    %scan3A = arith.constant 0 : i32
    %scan3A_1068 = arith.constant 0 : i32
    %scan3A_1069 = arith.constant 125 : i32
    %scan3A_1070 = arith.addi %scan3A_1068, %scan3A_1069 : i32
    %scan3A_1071 = arith.constant 1 : i32
    scf.for %scan3A_1264 = %scan3A_1068 to %scan3A_1070 step %scan3A_1071  : i32 {
      %rem3A = arith.constant 2 : i32
      %rem3A_1265 = arith.remsi %scan3A_1264, %rem3A : i32
      %rem3A_1266 = arith.constant 4 : i32
      %rem3A_1267 = arith.remsi %scan3A_1264, %rem3A_1266 : i32
      %add3A_1268 = arith.constant 1 : i32
      %add3A_1269 = arith.addi %scan3A_1264, %add3A_1268 : i32
      %rem3A_1270 = arith.constant 2 : i32
      %rem3A_1271 = arith.remsi %add3A_1269, %rem3A_1270 : i32
      %add3A_1272 = arith.constant 1 : i32
      %add3A_1273 = arith.addi %scan3A_1264, %add3A_1272 : i32
      %rem3A_1274 = arith.constant 4 : i32
      %rem3A_1275 = arith.remsi %add3A_1273, %rem3A_1274 : i32
      %add3A_1276 = arith.constant 2 : i32
      %add3A_1277 = arith.addi %scan3A_1264, %add3A_1276 : i32
      %lt3A = arith.constant 125 : i32
      %lt3A_1278 = arith.cmpi slt, %add3A_1277, %lt3A : i32
      %convert_element_type3A = arith.extui %lt3A_1278 : i1 to i32
      %cond3A = arith.constant 0 : i32
      %cond3A_1279 = arith.cmpi ne, %convert_element_type3A, %cond3A : i32
      scf.if %cond3A_1279 {
        %add3A_1337 = arith.constant 2 : i32
        %add3A_1338 = arith.addi %scan3A_1264, %add3A_1337 : i32
        %add3A_1339 = arith.constant 2 : i32
        %add3A_1340 = arith.addi %scan3A_1264, %add3A_1339 : i32
        %rem3A_1341 = arith.constant 4 : i32
        %rem3A_1342 = arith.remsi %add3A_1340, %rem3A_1341 : i32
        %mul3A_1343 = arith.constant 80 : i32
        %mul3A_1344 = arith.muli %add3A_1338, %mul3A_1343 : i32
        %add3A_1345 = arith.addi %add3A_4, %mul3A_1344 : i32
        %dma_start3A_1346 = arith.constant 0 : i32
        %dma_start3A_1347 = tpu.memref_slice %arg6[%rem3A_1342, %dma_start3A_1346] : memref<4x80xi32, #tpu.memory_space<vmem>> -> memref<1x80xi32, #tpu.memory_space<vmem>>
        %dma_start3A_1348 = tpu.memref_squeeze %dma_start3A_1347 : memref<1x80xi32, #tpu.memory_space<vmem>> -> memref<80xi32, #tpu.memory_space<vmem>>
        %dma_start3A_1349 = tpu.memref_slice %arg4[%add3A_1345] : memref<640000xi32, #tpu.memory_space<hbm>> -> memref<80xi32, #tpu.memory_space<hbm>>
        %dma_start3A_1350 = tpu.memref_slice %arg12[%rem3A_1342] : memref<4x!tpu.dma_semaphore, #tpu.memory_space<semaphore_mem>> -> memref<1x!tpu.dma_semaphore, #tpu.memory_space<semaphore_mem>>
        %dma_start3A_1351 = tpu.memref_squeeze %dma_start3A_1350 : memref<1x!tpu.dma_semaphore, #tpu.memory_space<semaphore_mem>> -> memref<!tpu.dma_semaphore, #tpu.memory_space<semaphore_mem>>
        %dma_start3A_1352 = arith.constant 0 : i32
        %dma_start3A_1353 = tpu.memref_slice %arg6[%rem3A_1342, %dma_start3A_1352] : memref<4x80xi32, #tpu.memory_space<vmem>> -> memref<1x80xi32, #tpu.memory_space<vmem>>
        %dma_start3A_1354 = tpu.memref_squeeze %dma_start3A_1353 : memref<1x80xi32, #tpu.memory_space<vmem>> -> memref<80xi32, #tpu.memory_space<vmem>>
        %dma_start3A_1355 = tpu.memref_slice %arg4[%add3A_1345] : memref<640000xi32, #tpu.memory_space<hbm>> -> memref<80xi32, #tpu.memory_space<hbm>>
        tpu.enqueue_dma source(%dma_start3A_1355 : memref<80xi32, #tpu.memory_space<hbm>>) target(%dma_start3A_1354 : memref<80xi32, #tpu.memory_space<vmem>>) target_semaphore(%dma_start3A_1351 : memref<!tpu.dma_semaphore, #tpu.memory_space<semaphore_mem>>)
        %mul3A_1356 = arith.constant 80 : i32
        %mul3A_1357 = arith.muli %add3A_1338, %mul3A_1356 : i32
        %add3A_1358 = arith.addi %add3A_6, %mul3A_1357 : i32
        %dma_start3A_1359 = arith.constant 0 : i32
        %dma_start3A_1360 = tpu.memref_slice %arg7[%rem3A_1342, %dma_start3A_1359] : memref<4x80xi32, #tpu.memory_space<vmem>> -> memref<1x80xi32, #tpu.memory_space<vmem>>
        %dma_start3A_1361 = tpu.memref_squeeze %dma_start3A_1360 : memref<1x80xi32, #tpu.memory_space<vmem>> -> memref<80xi32, #tpu.memory_space<vmem>>
        %dma_start3A_1362 = tpu.memref_slice %arg4[%add3A_1358] : memref<640000xi32, #tpu.memory_space<hbm>> -> memref<80xi32, #tpu.memory_space<hbm>>
        %dma_start3A_1363 = tpu.memref_slice %arg12[%rem3A_1342] : memref<4x!tpu.dma_semaphore, #tpu.memory_space<semaphore_mem>> -> memref<1x!tpu.dma_semaphore, #tpu.memory_space<semaphore_mem>>
        %dma_start3A_1364 = tpu.memref_squeeze %dma_start3A_1363 : memref<1x!tpu.dma_semaphore, #tpu.memory_space<semaphore_mem>> -> memref<!tpu.dma_semaphore, #tpu.memory_space<semaphore_mem>>
        %dma_start3A_1365 = arith.constant 0 : i32
        %dma_start3A_1366 = tpu.memref_slice %arg7[%rem3A_1342, %dma_start3A_1365] : memref<4x80xi32, #tpu.memory_space<vmem>> -> memref<1x80xi32, #tpu.memory_space<vmem>>
        %dma_start3A_1367 = tpu.memref_squeeze %dma_start3A_1366 : memref<1x80xi32, #tpu.memory_space<vmem>> -> memref<80xi32, #tpu.memory_space<vmem>>
        %dma_start3A_1368 = tpu.memref_slice %arg4[%add3A_1358] : memref<640000xi32, #tpu.memory_space<hbm>> -> memref<80xi32, #tpu.memory_space<hbm>>
        tpu.enqueue_dma source(%dma_start3A_1368 : memref<80xi32, #tpu.memory_space<hbm>>) target(%dma_start3A_1367 : memref<80xi32, #tpu.memory_space<vmem>>) target_semaphore(%dma_start3A_1364 : memref<!tpu.dma_semaphore, #tpu.memory_space<semaphore_mem>>)
      } else {
      }
      %add3A_1280 = arith.constant 1 : i32
      %add3A_1281 = arith.addi %scan3A_1264, %add3A_1280 : i32
      %lt3A_1282 = arith.constant 125 : i32
      %lt3A_1283 = arith.cmpi slt, %add3A_1281, %lt3A_1282 : i32
      %convert_element_type3A_1284 = arith.extui %lt3A_1283 : i1 to i32
      %cond3A_1285 = arith.constant 0 : i32
      %cond3A_1286 = arith.cmpi ne, %convert_element_type3A_1284, %cond3A_1285 : i32
      scf.if %cond3A_1286 {
        %add3A_1337 = arith.constant 1 : i32
        %add3A_1338 = arith.addi %scan3A_1264, %add3A_1337 : i32
        %mul3A_1339 = arith.constant 80 : i32
        %mul3A_1340 = arith.muli %add3A_1338, %mul3A_1339 : i32
        %add3A_1341 = arith.addi %add3A_4, %mul3A_1340 : i32
        %dma_wait3A_1342 = arith.constant 0 : i32
        %dma_wait3A_1343 = tpu.memref_slice %arg6[%rem3A_1275, %dma_wait3A_1342] : memref<4x80xi32, #tpu.memory_space<vmem>> -> memref<1x80xi32, #tpu.memory_space<vmem>>
        %dma_wait3A_1344 = tpu.memref_squeeze %dma_wait3A_1343 : memref<1x80xi32, #tpu.memory_space<vmem>> -> memref<80xi32, #tpu.memory_space<vmem>>
        %dma_wait3A_1345 = tpu.memref_slice %arg4[%add3A_1341] : memref<640000xi32, #tpu.memory_space<hbm>> -> memref<80xi32, #tpu.memory_space<hbm>>
        %dma_wait3A_1346 = tpu.memref_slice %arg12[%rem3A_1275] : memref<4x!tpu.dma_semaphore, #tpu.memory_space<semaphore_mem>> -> memref<1x!tpu.dma_semaphore, #tpu.memory_space<semaphore_mem>>
        %dma_wait3A_1347 = tpu.memref_squeeze %dma_wait3A_1346 : memref<1x!tpu.dma_semaphore, #tpu.memory_space<semaphore_mem>> -> memref<!tpu.dma_semaphore, #tpu.memory_space<semaphore_mem>>
        %dma_wait3A_1348 = arith.constant 0 : i32
        %dma_wait3A_1349 = tpu.memref_slice %arg6[%rem3A_1275, %dma_wait3A_1348] : memref<4x80xi32, #tpu.memory_space<vmem>> -> memref<1x80xi32, #tpu.memory_space<vmem>>
        %dma_wait3A_1350 = tpu.memref_squeeze %dma_wait3A_1349 : memref<1x80xi32, #tpu.memory_space<vmem>> -> memref<80xi32, #tpu.memory_space<vmem>>
        %dma_wait3A_1351 = tpu.memref_slice %arg4[%add3A_1341] : memref<640000xi32, #tpu.memory_space<hbm>> -> memref<80xi32, #tpu.memory_space<hbm>>
        tpu.wait_dma2 semaphore(%dma_wait3A_1347 : memref<!tpu.dma_semaphore, #tpu.memory_space<semaphore_mem>>) src(%dma_wait3A_1351 : memref<80xi32, #tpu.memory_space<hbm>>) dst(%dma_wait3A_1350 : memref<80xi32, #tpu.memory_space<vmem>>)
        %mul3A_1352 = arith.constant 80 : i32
        %mul3A_1353 = arith.muli %add3A_1338, %mul3A_1352 : i32
        %add3A_1354 = arith.addi %add3A_6, %mul3A_1353 : i32
        %dma_wait3A_1355 = arith.constant 0 : i32
        %dma_wait3A_1356 = tpu.memref_slice %arg7[%rem3A_1275, %dma_wait3A_1355] : memref<4x80xi32, #tpu.memory_space<vmem>> -> memref<1x80xi32, #tpu.memory_space<vmem>>
        %dma_wait3A_1357 = tpu.memref_squeeze %dma_wait3A_1356 : memref<1x80xi32, #tpu.memory_space<vmem>> -> memref<80xi32, #tpu.memory_space<vmem>>
        %dma_wait3A_1358 = tpu.memref_slice %arg4[%add3A_1354] : memref<640000xi32, #tpu.memory_space<hbm>> -> memref<80xi32, #tpu.memory_space<hbm>>
        %dma_wait3A_1359 = tpu.memref_slice %arg12[%rem3A_1275] : memref<4x!tpu.dma_semaphore, #tpu.memory_space<semaphore_mem>> -> memref<1x!tpu.dma_semaphore, #tpu.memory_space<semaphore_mem>>
        %dma_wait3A_1360 = tpu.memref_squeeze %dma_wait3A_1359 : memref<1x!tpu.dma_semaphore, #tpu.memory_space<semaphore_mem>> -> memref<!tpu.dma_semaphore, #tpu.memory_space<semaphore_mem>>
        %dma_wait3A_1361 = arith.constant 0 : i32
        %dma_wait3A_1362 = tpu.memref_slice %arg7[%rem3A_1275, %dma_wait3A_1361] : memref<4x80xi32, #tpu.memory_space<vmem>> -> memref<1x80xi32, #tpu.memory_space<vmem>>
        %dma_wait3A_1363 = tpu.memref_squeeze %dma_wait3A_1362 : memref<1x80xi32, #tpu.memory_space<vmem>> -> memref<80xi32, #tpu.memory_space<vmem>>
        %dma_wait3A_1364 = tpu.memref_slice %arg4[%add3A_1354] : memref<640000xi32, #tpu.memory_space<hbm>> -> memref<80xi32, #tpu.memory_space<hbm>>
        tpu.wait_dma2 semaphore(%dma_wait3A_1360 : memref<!tpu.dma_semaphore, #tpu.memory_space<semaphore_mem>>) src(%dma_wait3A_1364 : memref<80xi32, #tpu.memory_space<hbm>>) dst(%dma_wait3A_1363 : memref<80xi32, #tpu.memory_space<vmem>>)
        %ge3A = arith.constant 1 : i32
        %ge3A_1365 = arith.cmpi sge, %scan3A_1264, %ge3A : i32
        %convert_element_type3A_1366 = arith.extui %ge3A_1365 : i1 to i32
        %cond3A_1367 = arith.constant 0 : i32
        %cond3A_1368 = arith.cmpi ne, %convert_element_type3A_1366, %cond3A_1367 : i32
        scf.if %cond3A_1368 {
          %add3A_1381 = arith.constant 3 : i32
          %add3A_1382 = arith.addi %scan3A_1264, %add3A_1381 : i32
          %rem3A_1383 = arith.constant 4 : i32
          %rem3A_1384 = arith.remsi %add3A_1382, %rem3A_1383 : i32
          %dma_wait3A_1385 = arith.constant 0 : i32
          %dma_wait3A_1386 = arith.constant 0 : i32
          %dma_wait3A_1387 = tpu.memref_slice %arg8[%rem3A_1271, %dma_wait3A_1385, %dma_wait3A_1386] : memref<2x80x128xf32, #tpu.memory_space<vmem>> -> memref<1x80x128xf32, #tpu.memory_space<vmem>>
          %dma_wait3A_1388 = tpu.memref_squeeze %dma_wait3A_1387 : memref<1x80x128xf32, #tpu.memory_space<vmem>> -> memref<80x128xf32, #tpu.memory_space<vmem>>
          %dma_wait3A_1389 = arith.constant 0 : i32
          %dma_wait3A_1390 = tpu.memref_slice %arg7[%rem3A_1384, %dma_wait3A_1389] : memref<4x80xi32, #tpu.memory_space<vmem>> -> memref<1x80xi32, #tpu.memory_space<vmem>>
          %dma_wait3A_1391 = tpu.memref_squeeze %dma_wait3A_1390 : memref<1x80xi32, #tpu.memory_space<vmem>> -> memref<80xi32, #tpu.memory_space<vmem>>
          %dma_wait3A_1392 = arith.constant 0 : i32
          %dma_wait3A_1393 = arith.constant 0 : i32
          %dma_wait3A_1394 = tpu.memref_slice %arg11[%dma_wait3A_1392, %dma_wait3A_1393] : memref<10240x128xf32, #tpu.memory_space<vmem_shared>> -> memref<10240x128xf32, #tpu.memory_space<vmem_shared>>
          %dma_wait3A_1395 = tpu.memref_slice %arg15[%rem3A_1271] : memref<2x!tpu.dma_semaphore, #tpu.memory_space<semaphore_mem>> -> memref<1x!tpu.dma_semaphore, #tpu.memory_space<semaphore_mem>>
          %dma_wait3A_1396 = tpu.memref_squeeze %dma_wait3A_1395 : memref<1x!tpu.dma_semaphore, #tpu.memory_space<semaphore_mem>> -> memref<!tpu.dma_semaphore, #tpu.memory_space<semaphore_mem>>
          tpu.wait_indirect_dma semaphore(%dma_wait3A_1396 : memref<!tpu.dma_semaphore, #tpu.memory_space<semaphore_mem>>) src(%dma_wait3A_1388 : memref<80x128xf32, #tpu.memory_space<vmem>>) dst(%dma_wait3A_1394 : memref<10240x128xf32, #tpu.memory_space<vmem_shared>>)
        } else {
        }
        %dma_start3A_1369 = arith.constant 0 : i32
        %dma_start3A_1370 = arith.constant 0 : i32
        %dma_start3A_1371 = tpu.memref_slice %arg8[%rem3A_1271, %dma_start3A_1369, %dma_start3A_1370] : memref<2x80x128xf32, #tpu.memory_space<vmem>> -> memref<1x80x128xf32, #tpu.memory_space<vmem>>
        %dma_start3A_1372 = tpu.memref_squeeze %dma_start3A_1371 : memref<1x80x128xf32, #tpu.memory_space<vmem>> -> memref<80x128xf32, #tpu.memory_space<vmem>>
        %dma_start3A_1373 = arith.constant 0 : i32
        %dma_start3A_1374 = tpu.memref_slice %arg6[%rem3A_1275, %dma_start3A_1373] : memref<4x80xi32, #tpu.memory_space<vmem>> -> memref<1x80xi32, #tpu.memory_space<vmem>>
        %dma_start3A_1375 = tpu.memref_squeeze %dma_start3A_1374 : memref<1x80xi32, #tpu.memory_space<vmem>> -> memref<80xi32, #tpu.memory_space<vmem>>
        %dma_start3A_1376 = arith.constant 0 : i32
        %dma_start3A_1377 = arith.constant 0 : i32
        %dma_start3A_1378 = tpu.memref_slice %arg2[%dma_start3A_1376, %dma_start3A_1377] : memref<10000x128xf32, #tpu.memory_space<hbm>> -> memref<10000x128xf32, #tpu.memory_space<hbm>>
        %dma_start3A_1379 = tpu.memref_slice %arg14[%rem3A_1271] : memref<2x!tpu.dma_semaphore, #tpu.memory_space<semaphore_mem>> -> memref<1x!tpu.dma_semaphore, #tpu.memory_space<semaphore_mem>>
        %dma_start3A_1380 = tpu.memref_squeeze %dma_start3A_1379 : memref<1x!tpu.dma_semaphore, #tpu.memory_space<semaphore_mem>> -> memref<!tpu.dma_semaphore, #tpu.memory_space<semaphore_mem>>
        tpu.enqueue_indirect_dma source(%dma_start3A_1378 : memref<10000x128xf32, #tpu.memory_space<hbm>>) target(%dma_start3A_1372 : memref<80x128xf32, #tpu.memory_space<vmem>>) offsets(%dma_start3A_1375 : memref<80xi32, #tpu.memory_space<vmem>>) semaphore(%dma_start3A_1380 : memref<!tpu.dma_semaphore, #tpu.memory_space<semaphore_mem>>)
      } else {
      }
      %mul3A_1287 = arith.constant 80 : i32
      %mul3A_1288 = arith.muli %scan3A_1264, %mul3A_1287 : i32
      %add3A_1289 = arith.addi %mul3A_2, %mul3A_1288 : i32
      %dma_wait3A_1290 = arith.constant 0 : i32
      %dma_wait3A_1291 = arith.constant 0 : i32
      %dma_wait3A_1292 = tpu.memref_slice %arg9[%rem3A_1265, %dma_wait3A_1290, %dma_wait3A_1291] : memref<2x80x128xf32, #tpu.memory_space<vmem>> -> memref<1x80x128xf32, #tpu.memory_space<vmem>>
      %dma_wait3A_1293 = tpu.memref_squeeze %dma_wait3A_1292 : memref<1x80x128xf32, #tpu.memory_space<vmem>> -> memref<80x128xf32, #tpu.memory_space<vmem>>
      %dma_wait3A_1294 = arith.constant 0 : i32
      %dma_wait3A_1295 = tpu.memref_slice %arg3[%add3A_1289, %dma_wait3A_1294] : memref<320000x128xf32, #tpu.memory_space<hbm>> -> memref<80x128xf32, #tpu.memory_space<hbm>>
      %dma_wait3A_1296 = tpu.memref_slice %arg13[%rem3A_1265] : memref<2x!tpu.dma_semaphore, #tpu.memory_space<semaphore_mem>> -> memref<1x!tpu.dma_semaphore, #tpu.memory_space<semaphore_mem>>
      %dma_wait3A_1297 = tpu.memref_squeeze %dma_wait3A_1296 : memref<1x!tpu.dma_semaphore, #tpu.memory_space<semaphore_mem>> -> memref<!tpu.dma_semaphore, #tpu.memory_space<semaphore_mem>>
      %dma_wait3A_1298 = arith.constant 0 : i32
      %dma_wait3A_1299 = arith.constant 0 : i32
      %dma_wait3A_1300 = tpu.memref_slice %arg9[%rem3A_1265, %dma_wait3A_1298, %dma_wait3A_1299] : memref<2x80x128xf32, #tpu.memory_space<vmem>> -> memref<1x80x128xf32, #tpu.memory_space<vmem>>
      %dma_wait3A_1301 = tpu.memref_squeeze %dma_wait3A_1300 : memref<1x80x128xf32, #tpu.memory_space<vmem>> -> memref<80x128xf32, #tpu.memory_space<vmem>>
      %dma_wait3A_1302 = arith.constant 0 : i32
      %dma_wait3A_1303 = tpu.memref_slice %arg3[%add3A_1289, %dma_wait3A_1302] : memref<320000x128xf32, #tpu.memory_space<hbm>> -> memref<80x128xf32, #tpu.memory_space<hbm>>
      tpu.wait_dma2 semaphore(%dma_wait3A_1297 : memref<!tpu.dma_semaphore, #tpu.memory_space<semaphore_mem>>) src(%dma_wait3A_1303 : memref<80x128xf32, #tpu.memory_space<hbm>>) dst(%dma_wait3A_1301 : memref<80x128xf32, #tpu.memory_space<vmem>>)
      %dma_wait3A_1304 = arith.constant 0 : i32
      %dma_wait3A_1305 = arith.constant 0 : i32
      %dma_wait3A_1306 = tpu.memref_slice %arg8[%rem3A_1265, %dma_wait3A_1304, %dma_wait3A_1305] : memref<2x80x128xf32, #tpu.memory_space<vmem>> -> memref<1x80x128xf32, #tpu.memory_space<vmem>>
      %dma_wait3A_1307 = tpu.memref_squeeze %dma_wait3A_1306 : memref<1x80x128xf32, #tpu.memory_space<vmem>> -> memref<80x128xf32, #tpu.memory_space<vmem>>
      %dma_wait3A_1308 = arith.constant 0 : i32
      %dma_wait3A_1309 = tpu.memref_slice %arg6[%rem3A_1267, %dma_wait3A_1308] : memref<4x80xi32, #tpu.memory_space<vmem>> -> memref<1x80xi32, #tpu.memory_space<vmem>>
      %dma_wait3A_1310 = tpu.memref_squeeze %dma_wait3A_1309 : memref<1x80xi32, #tpu.memory_space<vmem>> -> memref<80xi32, #tpu.memory_space<vmem>>
      %dma_wait3A_1311 = arith.constant 0 : i32
      %dma_wait3A_1312 = arith.constant 0 : i32
      %dma_wait3A_1313 = tpu.memref_slice %arg2[%dma_wait3A_1311, %dma_wait3A_1312] : memref<10000x128xf32, #tpu.memory_space<hbm>> -> memref<10000x128xf32, #tpu.memory_space<hbm>>
      %dma_wait3A_1314 = tpu.memref_slice %arg14[%rem3A_1265] : memref<2x!tpu.dma_semaphore, #tpu.memory_space<semaphore_mem>> -> memref<1x!tpu.dma_semaphore, #tpu.memory_space<semaphore_mem>>
      %dma_wait3A_1315 = tpu.memref_squeeze %dma_wait3A_1314 : memref<1x!tpu.dma_semaphore, #tpu.memory_space<semaphore_mem>> -> memref<!tpu.dma_semaphore, #tpu.memory_space<semaphore_mem>>
      tpu.wait_indirect_dma semaphore(%dma_wait3A_1315 : memref<!tpu.dma_semaphore, #tpu.memory_space<semaphore_mem>>) src(%dma_wait3A_1313 : memref<10000x128xf32, #tpu.memory_space<hbm>>) dst(%dma_wait3A_1307 : memref<80x128xf32, #tpu.memory_space<vmem>>)
      %parallel_loop3A = arith.constant 0 : i32
      %parallel_loop3A_1316 = arith.constant 80 : i32
      %parallel_loop3A_1317 = arith.constant 1 : i32
      scf.for %parallel_loop3A_1337 = %parallel_loop3A to %parallel_loop3A_1316 step %parallel_loop3A_1317  : i32 {
        %parallel_loop3A_1338 = arith.index_cast %rem3A_1265 : i32 to index
        %parallel_loop3A_1339 = arith.index_cast %parallel_loop3A_1337 : i32 to index
        %parallel_loop3A_1340 = arith.constant 0 : index
        %parallel_loop3A_1341 = tpu.vector_load %arg8[%parallel_loop3A_1338, %parallel_loop3A_1339, %parallel_loop3A_1340] {strides = array<i32>} : memref<2x80x128xf32, #tpu.memory_space<vmem>>, vector<1x1x16xf32>,
        %parallel_loop3A_1342 = vector.shape_cast %parallel_loop3A_1341 : vector<1x1x16xf32> to vector<16xf32>
        %parallel_loop3A_1343 = arith.index_cast %rem3A_1265 : i32 to index
        %parallel_loop3A_1344 = arith.index_cast %parallel_loop3A_1337 : i32 to index
        %parallel_loop3A_1345 = arith.constant 0 : index
        %parallel_loop3A_1346 = tpu.vector_load %arg9[%parallel_loop3A_1343, %parallel_loop3A_1344, %parallel_loop3A_1345] {strides = array<i32>} : memref<2x80x128xf32, #tpu.memory_space<vmem>>, vector<1x1x16xf32>,
        %parallel_loop3A_1347 = vector.shape_cast %parallel_loop3A_1346 : vector<1x1x16xf32> to vector<16xf32>
        %parallel_loop3A_1348 = arith.mulf %parallel_loop3A_1342, %parallel_loop3A_1347 : vector<16xf32>
        %parallel_loop3A_1349 = arith.index_cast %rem3A_1265 : i32 to index
        %parallel_loop3A_1350 = arith.index_cast %parallel_loop3A_1337 : i32 to index
        %parallel_loop3A_1351 = arith.constant 0 : index
        %parallel_loop3A_1352 = tpu.vector_load %arg8[%parallel_loop3A_1349, %parallel_loop3A_1350, %parallel_loop3A_1351] {strides = array<i32>} : memref<2x80x128xf32, #tpu.memory_space<vmem>>, vector<1x1x16xf32>,
        %parallel_loop3A_1353 = vector.shape_cast %parallel_loop3A_1352 : vector<1x1x16xf32> to vector<16xf32>
        %parallel_loop3A_1354 = vector.shape_cast %parallel_loop3A_1348 : vector<16xf32> to vector<1x1x16xf32>
        tpu.vector_store %arg8[%parallel_loop3A_1349, %parallel_loop3A_1350, %parallel_loop3A_1351], %parallel_loop3A_1354 {strides = array<i32>} : memref<2x80x128xf32, #tpu.memory_space<vmem>>, vector<1x1x16xf32>,
        %parallel_loop3A_1355 = arith.index_cast %rem3A_1265 : i32 to index
        %parallel_loop3A_1356 = arith.index_cast %parallel_loop3A_1337 : i32 to index
        %parallel_loop3A_1357 = arith.constant 16 : index
        %parallel_loop3A_1358 = tpu.vector_load %arg8[%parallel_loop3A_1355, %parallel_loop3A_1356, %parallel_loop3A_1357] {strides = array<i32>} : memref<2x80x128xf32, #tpu.memory_space<vmem>>, vector<1x1x16xf32>,
        %parallel_loop3A_1359 = vector.shape_cast %parallel_loop3A_1358 : vector<1x1x16xf32> to vector<16xf32>
        %parallel_loop3A_1360 = arith.index_cast %rem3A_1265 : i32 to index
        %parallel_loop3A_1361 = arith.index_cast %parallel_loop3A_1337 : i32 to index
        %parallel_loop3A_1362 = arith.constant 16 : index
        %parallel_loop3A_1363 = tpu.vector_load %arg9[%parallel_loop3A_1360, %parallel_loop3A_1361, %parallel_loop3A_1362] {strides = array<i32>} : memref<2x80x128xf32, #tpu.memory_space<vmem>>, vector<1x1x16xf32>,
        %parallel_loop3A_1364 = vector.shape_cast %parallel_loop3A_1363 : vector<1x1x16xf32> to vector<16xf32>
        %parallel_loop3A_1365 = arith.mulf %parallel_loop3A_1359, %parallel_loop3A_1364 : vector<16xf32>
        %parallel_loop3A_1366 = arith.index_cast %rem3A_1265 : i32 to index
        %parallel_loop3A_1367 = arith.index_cast %parallel_loop3A_1337 : i32 to index
        %parallel_loop3A_1368 = arith.constant 16 : index
        %parallel_loop3A_1369 = tpu.vector_load %arg8[%parallel_loop3A_1366, %parallel_loop3A_1367, %parallel_loop3A_1368] {strides = array<i32>} : memref<2x80x128xf32, #tpu.memory_space<vmem>>, vector<1x1x16xf32>,
        %parallel_loop3A_1370 = vector.shape_cast %parallel_loop3A_1369 : vector<1x1x16xf32> to vector<16xf32>
        %parallel_loop3A_1371 = vector.shape_cast %parallel_loop3A_1365 : vector<16xf32> to vector<1x1x16xf32>
        tpu.vector_store %arg8[%parallel_loop3A_1366, %parallel_loop3A_1367, %parallel_loop3A_1368], %parallel_loop3A_1371 {strides = array<i32>} : memref<2x80x128xf32, #tpu.memory_space<vmem>>, vector<1x1x16xf32>,
        %parallel_loop3A_1372 = arith.index_cast %rem3A_1265 : i32 to index
        %parallel_loop3A_1373 = arith.index_cast %parallel_loop3A_1337 : i32 to index
        %parallel_loop3A_1374 = arith.constant 32 : index
        %parallel_loop3A_1375 = tpu.vector_load %arg8[%parallel_loop3A_1372, %parallel_loop3A_1373, %parallel_loop3A_1374] {strides = array<i32>} : memref<2x80x128xf32, #tpu.memory_space<vmem>>, vector<1x1x16xf32>,
        %parallel_loop3A_1376 = vector.shape_cast %parallel_loop3A_1375 : vector<1x1x16xf32> to vector<16xf32>
        %parallel_loop3A_1377 = arith.index_cast %rem3A_1265 : i32 to index
        %parallel_loop3A_1378 = arith.index_cast %parallel_loop3A_1337 : i32 to index
        %parallel_loop3A_1379 = arith.constant 32 : index
        %parallel_loop3A_1380 = tpu.vector_load %arg9[%parallel_loop3A_1377, %parallel_loop3A_1378, %parallel_loop3A_1379] {strides = array<i32>} : memref<2x80x128xf32, #tpu.memory_space<vmem>>, vector<1x1x16xf32>,
        %parallel_loop3A_1381 = vector.shape_cast %parallel_loop3A_1380 : vector<1x1x16xf32> to vector<16xf32>
        %parallel_loop3A_1382 = arith.mulf %parallel_loop3A_1376, %parallel_loop3A_1381 : vector<16xf32>
        %parallel_loop3A_1383 = arith.index_cast %rem3A_1265 : i32 to index
        %parallel_loop3A_1384 = arith.index_cast %parallel_loop3A_1337 : i32 to index
        %parallel_loop3A_1385 = arith.constant 32 : index
        %parallel_loop3A_1386 = tpu.vector_load %arg8[%parallel_loop3A_1383, %parallel_loop3A_1384, %parallel_loop3A_1385] {strides = array<i32>} : memref<2x80x128xf32, #tpu.memory_space<vmem>>, vector<1x1x16xf32>,
        %parallel_loop3A_1387 = vector.shape_cast %parallel_loop3A_1386 : vector<1x1x16xf32> to vector<16xf32>
        %parallel_loop3A_1388 = vector.shape_cast %parallel_loop3A_1382 : vector<16xf32> to vector<1x1x16xf32>
        tpu.vector_store %arg8[%parallel_loop3A_1383, %parallel_loop3A_1384, %parallel_loop3A_1385], %parallel_loop3A_1388 {strides = array<i32>} : memref<2x80x128xf32, #tpu.memory_space<vmem>>, vector<1x1x16xf32>,
        %parallel_loop3A_1389 = arith.index_cast %rem3A_1265 : i32 to index
        %parallel_loop3A_1390 = arith.index_cast %parallel_loop3A_1337 : i32 to index
        %parallel_loop3A_1391 = arith.constant 48 : index
        %parallel_loop3A_1392 = tpu.vector_load %arg8[%parallel_loop3A_1389, %parallel_loop3A_1390, %parallel_loop3A_1391] {strides = array<i32>} : memref<2x80x128xf32, #tpu.memory_space<vmem>>, vector<1x1x16xf32>,
        %parallel_loop3A_1393 = vector.shape_cast %parallel_loop3A_1392 : vector<1x1x16xf32> to vector<16xf32>
        %parallel_loop3A_1394 = arith.index_cast %rem3A_1265 : i32 to index
        %parallel_loop3A_1395 = arith.index_cast %parallel_loop3A_1337 : i32 to index
        %parallel_loop3A_1396 = arith.constant 48 : index
        %parallel_loop3A_1397 = tpu.vector_load %arg9[%parallel_loop3A_1394, %parallel_loop3A_1395, %parallel_loop3A_1396] {strides = array<i32>} : memref<2x80x128xf32, #tpu.memory_space<vmem>>, vector<1x1x16xf32>,
        %parallel_loop3A_1398 = vector.shape_cast %parallel_loop3A_1397 : vector<1x1x16xf32> to vector<16xf32>
        %parallel_loop3A_1399 = arith.mulf %parallel_loop3A_1393, %parallel_loop3A_1398 : vector<16xf32>
        %parallel_loop3A_1400 = arith.index_cast %rem3A_1265 : i32 to index
        %parallel_loop3A_1401 = arith.index_cast %parallel_loop3A_1337 : i32 to index
        %parallel_loop3A_1402 = arith.constant 48 : index
        %parallel_loop3A_1403 = tpu.vector_load %arg8[%parallel_loop3A_1400, %parallel_loop3A_1401, %parallel_loop3A_1402] {strides = array<i32>} : memref<2x80x128xf32, #tpu.memory_space<vmem>>, vector<1x1x16xf32>,
        %parallel_loop3A_1404 = vector.shape_cast %parallel_loop3A_1403 : vector<1x1x16xf32> to vector<16xf32>
        %parallel_loop3A_1405 = vector.shape_cast %parallel_loop3A_1399 : vector<16xf32> to vector<1x1x16xf32>
        tpu.vector_store %arg8[%parallel_loop3A_1400, %parallel_loop3A_1401, %parallel_loop3A_1402], %parallel_loop3A_1405 {strides = array<i32>} : memref<2x80x128xf32, #tpu.memory_space<vmem>>, vector<1x1x16xf32>,
        %parallel_loop3A_1406 = arith.index_cast %rem3A_1265 : i32 to index
        %parallel_loop3A_1407 = arith.index_cast %parallel_loop3A_1337 : i32 to index
        %parallel_loop3A_1408 = arith.constant 64 : index
        %parallel_loop3A_1409 = tpu.vector_load %arg8[%parallel_loop3A_1406, %parallel_loop3A_1407, %parallel_loop3A_1408] {strides = array<i32>} : memref<2x80x128xf32, #tpu.memory_space<vmem>>, vector<1x1x16xf32>,
        %parallel_loop3A_1410 = vector.shape_cast %parallel_loop3A_1409 : vector<1x1x16xf32> to vector<16xf32>
        %parallel_loop3A_1411 = arith.index_cast %rem3A_1265 : i32 to index
        %parallel_loop3A_1412 = arith.index_cast %parallel_loop3A_1337 : i32 to index
        %parallel_loop3A_1413 = arith.constant 64 : index
        %parallel_loop3A_1414 = tpu.vector_load %arg9[%parallel_loop3A_1411, %parallel_loop3A_1412, %parallel_loop3A_1413] {strides = array<i32>} : memref<2x80x128xf32, #tpu.memory_space<vmem>>, vector<1x1x16xf32>,
        %parallel_loop3A_1415 = vector.shape_cast %parallel_loop3A_1414 : vector<1x1x16xf32> to vector<16xf32>
        %parallel_loop3A_1416 = arith.mulf %parallel_loop3A_1410, %parallel_loop3A_1415 : vector<16xf32>
        %parallel_loop3A_1417 = arith.index_cast %rem3A_1265 : i32 to index
        %parallel_loop3A_1418 = arith.index_cast %parallel_loop3A_1337 : i32 to index
        %parallel_loop3A_1419 = arith.constant 64 : index
        %parallel_loop3A_1420 = tpu.vector_load %arg8[%parallel_loop3A_1417, %parallel_loop3A_1418, %parallel_loop3A_1419] {strides = array<i32>} : memref<2x80x128xf32, #tpu.memory_space<vmem>>, vector<1x1x16xf32>,
        %parallel_loop3A_1421 = vector.shape_cast %parallel_loop3A_1420 : vector<1x1x16xf32> to vector<16xf32>
        %parallel_loop3A_1422 = vector.shape_cast %parallel_loop3A_1416 : vector<16xf32> to vector<1x1x16xf32>
        tpu.vector_store %arg8[%parallel_loop3A_1417, %parallel_loop3A_1418, %parallel_loop3A_1419], %parallel_loop3A_1422 {strides = array<i32>} : memref<2x80x128xf32, #tpu.memory_space<vmem>>, vector<1x1x16xf32>,
        %parallel_loop3A_1423 = arith.index_cast %rem3A_1265 : i32 to index
        %parallel_loop3A_1424 = arith.index_cast %parallel_loop3A_1337 : i32 to index
        %parallel_loop3A_1425 = arith.constant 80 : index
        %parallel_loop3A_1426 = tpu.vector_load %arg8[%parallel_loop3A_1423, %parallel_loop3A_1424, %parallel_loop3A_1425] {strides = array<i32>} : memref<2x80x128xf32, #tpu.memory_space<vmem>>, vector<1x1x16xf32>,
        %parallel_loop3A_1427 = vector.shape_cast %parallel_loop3A_1426 : vector<1x1x16xf32> to vector<16xf32>
        %parallel_loop3A_1428 = arith.index_cast %rem3A_1265 : i32 to index
        %parallel_loop3A_1429 = arith.index_cast %parallel_loop3A_1337 : i32 to index
        %parallel_loop3A_1430 = arith.constant 80 : index
        %parallel_loop3A_1431 = tpu.vector_load %arg9[%parallel_loop3A_1428, %parallel_loop3A_1429, %parallel_loop3A_1430] {strides = array<i32>} : memref<2x80x128xf32, #tpu.memory_space<vmem>>, vector<1x1x16xf32>,
        %parallel_loop3A_1432 = vector.shape_cast %parallel_loop3A_1431 : vector<1x1x16xf32> to vector<16xf32>
        %parallel_loop3A_1433 = arith.mulf %parallel_loop3A_1427, %parallel_loop3A_1432 : vector<16xf32>
        %parallel_loop3A_1434 = arith.index_cast %rem3A_1265 : i32 to index
        %parallel_loop3A_1435 = arith.index_cast %parallel_loop3A_1337 : i32 to index
        %parallel_loop3A_1436 = arith.constant 80 : index
        %parallel_loop3A_1437 = tpu.vector_load %arg8[%parallel_loop3A_1434, %parallel_loop3A_1435, %parallel_loop3A_1436] {strides = array<i32>} : memref<2x80x128xf32, #tpu.memory_space<vmem>>, vector<1x1x16xf32>,
        %parallel_loop3A_1438 = vector.shape_cast %parallel_loop3A_1437 : vector<1x1x16xf32> to vector<16xf32>
        %parallel_loop3A_1439 = vector.shape_cast %parallel_loop3A_1433 : vector<16xf32> to vector<1x1x16xf32>
        tpu.vector_store %arg8[%parallel_loop3A_1434, %parallel_loop3A_1435, %parallel_loop3A_1436], %parallel_loop3A_1439 {strides = array<i32>} : memref<2x80x128xf32, #tpu.memory_space<vmem>>, vector<1x1x16xf32>,
        %parallel_loop3A_1440 = arith.index_cast %rem3A_1265 : i32 to index
        %parallel_loop3A_1441 = arith.index_cast %parallel_loop3A_1337 : i32 to index
        %parallel_loop3A_1442 = arith.constant 96 : index
        %parallel_loop3A_1443 = tpu.vector_load %arg8[%parallel_loop3A_1440, %parallel_loop3A_1441, %parallel_loop3A_1442] {strides = array<i32>} : memref<2x80x128xf32, #tpu.memory_space<vmem>>, vector<1x1x16xf32>,
        %parallel_loop3A_1444 = vector.shape_cast %parallel_loop3A_1443 : vector<1x1x16xf32> to vector<16xf32>
        %parallel_loop3A_1445 = arith.index_cast %rem3A_1265 : i32 to index
        %parallel_loop3A_1446 = arith.index_cast %parallel_loop3A_1337 : i32 to index
        %parallel_loop3A_1447 = arith.constant 96 : index
        %parallel_loop3A_1448 = tpu.vector_load %arg9[%parallel_loop3A_1445, %parallel_loop3A_1446, %parallel_loop3A_1447] {strides = array<i32>} : memref<2x80x128xf32, #tpu.memory_space<vmem>>, vector<1x1x16xf32>,
        %parallel_loop3A_1449 = vector.shape_cast %parallel_loop3A_1448 : vector<1x1x16xf32> to vector<16xf32>
        %parallel_loop3A_1450 = arith.mulf %parallel_loop3A_1444, %parallel_loop3A_1449 : vector<16xf32>
        %parallel_loop3A_1451 = arith.index_cast %rem3A_1265 : i32 to index
        %parallel_loop3A_1452 = arith.index_cast %parallel_loop3A_1337 : i32 to index
        %parallel_loop3A_1453 = arith.constant 96 : index
        %parallel_loop3A_1454 = tpu.vector_load %arg8[%parallel_loop3A_1451, %parallel_loop3A_1452, %parallel_loop3A_1453] {strides = array<i32>} : memref<2x80x128xf32, #tpu.memory_space<vmem>>, vector<1x1x16xf32>,
        %parallel_loop3A_1455 = vector.shape_cast %parallel_loop3A_1454 : vector<1x1x16xf32> to vector<16xf32>
        %parallel_loop3A_1456 = vector.shape_cast %parallel_loop3A_1450 : vector<16xf32> to vector<1x1x16xf32>
        tpu.vector_store %arg8[%parallel_loop3A_1451, %parallel_loop3A_1452, %parallel_loop3A_1453], %parallel_loop3A_1456 {strides = array<i32>} : memref<2x80x128xf32, #tpu.memory_space<vmem>>, vector<1x1x16xf32>,
        %parallel_loop3A_1457 = arith.index_cast %rem3A_1265 : i32 to index
        %parallel_loop3A_1458 = arith.index_cast %parallel_loop3A_1337 : i32 to index
        %parallel_loop3A_1459 = arith.constant 112 : index
        %parallel_loop3A_1460 = tpu.vector_load %arg8[%parallel_loop3A_1457, %parallel_loop3A_1458, %parallel_loop3A_1459] {strides = array<i32>} : memref<2x80x128xf32, #tpu.memory_space<vmem>>, vector<1x1x16xf32>,
        %parallel_loop3A_1461 = vector.shape_cast %parallel_loop3A_1460 : vector<1x1x16xf32> to vector<16xf32>
        %parallel_loop3A_1462 = arith.index_cast %rem3A_1265 : i32 to index
        %parallel_loop3A_1463 = arith.index_cast %parallel_loop3A_1337 : i32 to index
        %parallel_loop3A_1464 = arith.constant 112 : index
        %parallel_loop3A_1465 = tpu.vector_load %arg9[%parallel_loop3A_1462, %parallel_loop3A_1463, %parallel_loop3A_1464] {strides = array<i32>} : memref<2x80x128xf32, #tpu.memory_space<vmem>>, vector<1x1x16xf32>,
        %parallel_loop3A_1466 = vector.shape_cast %parallel_loop3A_1465 : vector<1x1x16xf32> to vector<16xf32>
        %parallel_loop3A_1467 = arith.mulf %parallel_loop3A_1461, %parallel_loop3A_1466 : vector<16xf32>
        %parallel_loop3A_1468 = arith.index_cast %rem3A_1265 : i32 to index
        %parallel_loop3A_1469 = arith.index_cast %parallel_loop3A_1337 : i32 to index
        %parallel_loop3A_1470 = arith.constant 112 : index
        %parallel_loop3A_1471 = tpu.vector_load %arg8[%parallel_loop3A_1468, %parallel_loop3A_1469, %parallel_loop3A_1470] {strides = array<i32>} : memref<2x80x128xf32, #tpu.memory_space<vmem>>, vector<1x1x16xf32>,
        %parallel_loop3A_1472 = vector.shape_cast %parallel_loop3A_1471 : vector<1x1x16xf32> to vector<16xf32>
        %parallel_loop3A_1473 = vector.shape_cast %parallel_loop3A_1467 : vector<16xf32> to vector<1x1x16xf32>
        tpu.vector_store %arg8[%parallel_loop3A_1468, %parallel_loop3A_1469, %parallel_loop3A_1470], %parallel_loop3A_1473 {strides = array<i32>} : memref<2x80x128xf32, #tpu.memory_space<vmem>>, vector<1x1x16xf32>,
      } {sc.loop_unroll_factor = 4 : i64, sc.parallel_access}
      %add3A_1318 = arith.constant 2 : i32
      %add3A_1319 = arith.addi %scan3A_1264, %add3A_1318 : i32
      %lt3A_1320 = arith.constant 125 : i32
      %lt3A_1321 = arith.cmpi slt, %add3A_1319, %lt3A_1320 : i32
      %convert_element_type3A_1322 = arith.extui %lt3A_1321 : i1 to i32
      %cond3A_1323 = arith.constant 0 : i32
      %cond3A_1324 = arith.cmpi ne, %convert_element_type3A_1322, %cond3A_1323 : i32
      scf.if %cond3A_1324 {
        %add3A_1337 = arith.constant 2 : i32
        %add3A_1338 = arith.addi %scan3A_1264, %add3A_1337 : i32
        %mul3A_1339 = arith.constant 80 : i32
        %mul3A_1340 = arith.muli %add3A_1338, %mul3A_1339 : i32
        %add3A_1341 = arith.addi %mul3A_2, %mul3A_1340 : i32
        %dma_start3A_1342 = arith.constant 0 : i32
        %dma_start3A_1343 = arith.constant 0 : i32
        %dma_start3A_1344 = tpu.memref_slice %arg9[%rem3A_1265, %dma_start3A_1342, %dma_start3A_1343] : memref<2x80x128xf32, #tpu.memory_space<vmem>> -> memref<1x80x128xf32, #tpu.memory_space<vmem>>
        %dma_start3A_1345 = tpu.memref_squeeze %dma_start3A_1344 : memref<1x80x128xf32, #tpu.memory_space<vmem>> -> memref<80x128xf32, #tpu.memory_space<vmem>>
        %dma_start3A_1346 = arith.constant 0 : i32
        %dma_start3A_1347 = tpu.memref_slice %arg3[%add3A_1341, %dma_start3A_1346] : memref<320000x128xf32, #tpu.memory_space<hbm>> -> memref<80x128xf32, #tpu.memory_space<hbm>>
        %dma_start3A_1348 = tpu.memref_slice %arg13[%rem3A_1265] : memref<2x!tpu.dma_semaphore, #tpu.memory_space<semaphore_mem>> -> memref<1x!tpu.dma_semaphore, #tpu.memory_space<semaphore_mem>>
        %dma_start3A_1349 = tpu.memref_squeeze %dma_start3A_1348 : memref<1x!tpu.dma_semaphore, #tpu.memory_space<semaphore_mem>> -> memref<!tpu.dma_semaphore, #tpu.memory_space<semaphore_mem>>
        %dma_start3A_1350 = arith.constant 0 : i32
        %dma_start3A_1351 = arith.constant 0 : i32
        %dma_start3A_1352 = tpu.memref_slice %arg9[%rem3A_1265, %dma_start3A_1350, %dma_start3A_1351] : memref<2x80x128xf32, #tpu.memory_space<vmem>> -> memref<1x80x128xf32, #tpu.memory_space<vmem>>
        %dma_start3A_1353 = tpu.memref_squeeze %dma_start3A_1352 : memref<1x80x128xf32, #tpu.memory_space<vmem>> -> memref<80x128xf32, #tpu.memory_space<vmem>>
        %dma_start3A_1354 = arith.constant 0 : i32
        %dma_start3A_1355 = tpu.memref_slice %arg3[%add3A_1341, %dma_start3A_1354] : memref<320000x128xf32, #tpu.memory_space<hbm>> -> memref<80x128xf32, #tpu.memory_space<hbm>>
        tpu.enqueue_dma source(%dma_start3A_1355 : memref<80x128xf32, #tpu.memory_space<hbm>>) target(%dma_start3A_1353 : memref<80x128xf32, #tpu.memory_space<vmem>>) target_semaphore(%dma_start3A_1349 : memref<!tpu.dma_semaphore, #tpu.memory_space<semaphore_mem>>)
      } else {
      }
      %dma_start3A_1325 = arith.constant 0 : i32
      %dma_start3A_1326 = arith.constant 0 : i32
      %dma_start3A_1327 = tpu.memref_slice %arg8[%rem3A_1265, %dma_start3A_1325, %dma_start3A_1326] : memref<2x80x128xf32, #tpu.memory_space<vmem>> -> memref<1x80x128xf32, #tpu.memory_space<vmem>>
      %dma_start3A_1328 = tpu.memref_squeeze %dma_start3A_1327 : memref<1x80x128xf32, #tpu.memory_space<vmem>> -> memref<80x128xf32, #tpu.memory_space<vmem>>
      %dma_start3A_1329 = arith.constant 0 : i32
      %dma_start3A_1330 = tpu.memref_slice %arg7[%rem3A_1267, %dma_start3A_1329] : memref<4x80xi32, #tpu.memory_space<vmem>> -> memref<1x80xi32, #tpu.memory_space<vmem>>
      %dma_start3A_1331 = tpu.memref_squeeze %dma_start3A_1330 : memref<1x80xi32, #tpu.memory_space<vmem>> -> memref<80xi32, #tpu.memory_space<vmem>>
      %dma_start3A_1332 = arith.constant 0 : i32
      %dma_start3A_1333 = arith.constant 0 : i32
      %dma_start3A_1334 = tpu.memref_slice %arg11[%dma_start3A_1332, %dma_start3A_1333] : memref<10240x128xf32, #tpu.memory_space<vmem_shared>> -> memref<10240x128xf32, #tpu.memory_space<vmem_shared>>
      %dma_start3A_1335 = tpu.memref_slice %arg15[%rem3A_1265] : memref<2x!tpu.dma_semaphore, #tpu.memory_space<semaphore_mem>> -> memref<1x!tpu.dma_semaphore, #tpu.memory_space<semaphore_mem>>
      %dma_start3A_1336 = tpu.memref_squeeze %dma_start3A_1335 : memref<1x!tpu.dma_semaphore, #tpu.memory_space<semaphore_mem>> -> memref<!tpu.dma_semaphore, #tpu.memory_space<semaphore_mem>>
      tpu.enqueue_indirect_dma source(%dma_start3A_1328 : memref<80x128xf32, #tpu.memory_space<vmem>>) target(%dma_start3A_1334 : memref<10240x128xf32, #tpu.memory_space<vmem_shared>>) offsets(%dma_start3A_1331 : memref<80xi32, #tpu.memory_space<vmem>>) semaphore(%dma_start3A_1336 : memref<!tpu.dma_semaphore, #tpu.memory_space<semaphore_mem>>) {add = true}
    }
    %scan3A_1072 = arith.constant 125 : i32
    %dma_wait3A_1073 = arith.constant 1 : i32
    %dma_wait3A_1074 = arith.constant 3 : i32
    %dma_wait3A_1075 = arith.constant 1 : i32
    %dma_wait3A_1076 = arith.constant 0 : i32
    %dma_wait3A_1077 = arith.constant 0 : i32
    %dma_wait3A_1078 = tpu.memref_slice %arg8[%dma_wait3A_1073, %dma_wait3A_1076, %dma_wait3A_1077] : memref<2x80x128xf32, #tpu.memory_space<vmem>> -> memref<1x80x128xf32, #tpu.memory_space<vmem>>
    %dma_wait3A_1079 = tpu.memref_squeeze %dma_wait3A_1078 : memref<1x80x128xf32, #tpu.memory_space<vmem>> -> memref<80x128xf32, #tpu.memory_space<vmem>>
    %dma_wait3A_1080 = arith.constant 0 : i32
    %dma_wait3A_1081 = tpu.memref_slice %arg7[%dma_wait3A_1074, %dma_wait3A_1080] : memref<4x80xi32, #tpu.memory_space<vmem>> -> memref<1x80xi32, #tpu.memory_space<vmem>>
    %dma_wait3A_1082 = tpu.memref_squeeze %dma_wait3A_1081 : memref<1x80xi32, #tpu.memory_space<vmem>> -> memref<80xi32, #tpu.memory_space<vmem>>
    %dma_wait3A_1083 = arith.constant 0 : i32
    %dma_wait3A_1084 = arith.constant 0 : i32
    %dma_wait3A_1085 = tpu.memref_slice %arg11[%dma_wait3A_1083, %dma_wait3A_1084] : memref<10240x128xf32, #tpu.memory_space<vmem_shared>> -> memref<10240x128xf32, #tpu.memory_space<vmem_shared>>
    %dma_wait3A_1086 = tpu.memref_slice %arg15[%dma_wait3A_1075] : memref<2x!tpu.dma_semaphore, #tpu.memory_space<semaphore_mem>> -> memref<1x!tpu.dma_semaphore, #tpu.memory_space<semaphore_mem>>
    %dma_wait3A_1087 = tpu.memref_squeeze %dma_wait3A_1086 : memref<1x!tpu.dma_semaphore, #tpu.memory_space<semaphore_mem>> -> memref<!tpu.dma_semaphore, #tpu.memory_space<semaphore_mem>>
    tpu.wait_indirect_dma semaphore(%dma_wait3A_1087 : memref<!tpu.dma_semaphore, #tpu.memory_space<semaphore_mem>>) src(%dma_wait3A_1079 : memref<80x128xf32, #tpu.memory_space<vmem>>) dst(%dma_wait3A_1085 : memref<10240x128xf32, #tpu.memory_space<vmem_shared>>)
    %dma_wait3A_1088 = arith.constant 0 : i32
    %dma_wait3A_1089 = arith.constant 0 : i32
    %dma_wait3A_1090 = arith.constant 0 : i32
    %dma_wait3A_1091 = arith.constant 0 : i32
    %dma_wait3A_1092 = arith.constant 0 : i32
    %dma_wait3A_1093 = tpu.memref_slice %arg8[%dma_wait3A_1088, %dma_wait3A_1091, %dma_wait3A_1092] : memref<2x80x128xf32, #tpu.memory_space<vmem>> -> memref<1x80x128xf32, #tpu.memory_space<vmem>>
    %dma_wait3A_1094 = tpu.memref_squeeze %dma_wait3A_1093 : memref<1x80x128xf32, #tpu.memory_space<vmem>> -> memref<80x128xf32, #tpu.memory_space<vmem>>
    %dma_wait3A_1095 = arith.constant 0 : i32
    %dma_wait3A_1096 = tpu.memref_slice %arg7[%dma_wait3A_1089, %dma_wait3A_1095] : memref<4x80xi32, #tpu.memory_space<vmem>> -> memref<1x80xi32, #tpu.memory_space<vmem>>
    %dma_wait3A_1097 = tpu.memref_squeeze %dma_wait3A_1096 : memref<1x80xi32, #tpu.memory_space<vmem>> -> memref<80xi32, #tpu.memory_space<vmem>>
    %dma_wait3A_1098 = arith.constant 0 : i32
    %dma_wait3A_1099 = arith.constant 0 : i32
    %dma_wait3A_1100 = tpu.memref_slice %arg11[%dma_wait3A_1098, %dma_wait3A_1099] : memref<10240x128xf32, #tpu.memory_space<vmem_shared>> -> memref<10240x128xf32, #tpu.memory_space<vmem_shared>>
    %dma_wait3A_1101 = tpu.memref_slice %arg15[%dma_wait3A_1090] : memref<2x!tpu.dma_semaphore, #tpu.memory_space<semaphore_mem>> -> memref<1x!tpu.dma_semaphore, #tpu.memory_space<semaphore_mem>>
    %dma_wait3A_1102 = tpu.memref_squeeze %dma_wait3A_1101 : memref<1x!tpu.dma_semaphore, #tpu.memory_space<semaphore_mem>> -> memref<!tpu.dma_semaphore, #tpu.memory_space<semaphore_mem>>
    tpu.wait_indirect_dma semaphore(%dma_wait3A_1102 : memref<!tpu.dma_semaphore, #tpu.memory_space<semaphore_mem>>) src(%dma_wait3A_1094 : memref<80x128xf32, #tpu.memory_space<vmem>>) dst(%dma_wait3A_1100 : memref<10240x128xf32, #tpu.memory_space<vmem_shared>>)
    %barrier3A_1103 = arith.constant 0 : index
    tpu.barrier barrier_id(%barrier3A_1103)
    %mul3A_1104 = arith.constant 640 : i32
    %mul3A_1105 = arith.muli %arg1, %mul3A_1104 : i32
    %add3A_1106 = arith.constant 0 : i32
    %add3A_1107 = arith.addi %mul3A_1105, %add3A_1106 : i32
    "tpu.region"() ({
      %run_scoped3A = tpu.sem_alloc : memref<!tpu.dma_semaphore, #tpu.memory_space<semaphore_mem>>
      %dma_start3A_1264 = arith.constant 0 : i32
      %dma_start3A_1265 = tpu.memref_slice %arg5[%arg0, %add3A_1107, %dma_start3A_1264] : memref<2x10240x128xf32, #tpu.memory_space<hbm>> -> memref<1x16x128xf32, #tpu.memory_space<hbm>>
      %dma_start3A_1266 = tpu.memref_squeeze %dma_start3A_1265 : memref<1x16x128xf32, #tpu.memory_space<hbm>> -> memref<16x128xf32, #tpu.memory_space<hbm>>
      %dma_start3A_1267 = arith.constant 0 : i32
      %dma_start3A_1268 = tpu.memref_slice %arg11[%add3A_1107, %dma_start3A_1267] : memref<10240x128xf32, #tpu.memory_space<vmem_shared>> -> memref<16x128xf32, #tpu.memory_space<vmem_shared>>
      tpu.enqueue_dma source(%dma_start3A_1268 : memref<16x128xf32, #tpu.memory_space<vmem_shared>>) target(%dma_start3A_1266 : memref<16x128xf32, #tpu.memory_space<hbm>>) target_semaphore(%run_scoped3A : memref<!tpu.dma_semaphore, #tpu.memory_space<semaphore_mem>>)
      %dma_wait3A_1269 = arith.constant 0 : i32
      %dma_wait3A_1270 = tpu.memref_slice %arg5[%arg0, %add3A_1107, %dma_wait3A_1269] : memref<2x10240x128xf32, #tpu.memory_space<hbm>> -> memref<1x16x128xf32, #tpu.memory_space<hbm>>
      %dma_wait3A_1271 = tpu.memref_squeeze %dma_wait3A_1270 : memref<1x16x128xf32, #tpu.memory_space<hbm>> -> memref<16x128xf32, #tpu.memory_space<hbm>>
      %dma_wait3A_1272 = arith.constant 0 : i32
      %dma_wait3A_1273 = tpu.memref_slice %arg11[%add3A_1107, %dma_wait3A_1272] : memref<10240x128xf32, #tpu.memory_space<vmem_shared>> -> memref<16x128xf32, #tpu.memory_space<vmem_shared>>
      tpu.wait_dma2 semaphore(%run_scoped3A : memref<!tpu.dma_semaphore, #tpu.memory_space<semaphore_mem>>) src(%dma_wait3A_1273 : memref<16x128xf32, #tpu.memory_space<vmem_shared>>) dst(%dma_wait3A_1271 : memref<16x128xf32, #tpu.memory_space<hbm>>)
      tpu.yield
    }) : () -> ()
    %mul3A_1108 = arith.constant 640 : i32
    %mul3A_1109 = arith.muli %arg1, %mul3A_1108 : i32
    %add3A_1110 = arith.constant 16 : i32
    %add3A_1111 = arith.addi %mul3A_1109, %add3A_1110 : i32
    "tpu.region"() ({
      %run_scoped3A = tpu.sem_alloc : memref<!tpu.dma_semaphore, #tpu.memory_space<semaphore_mem>>
      %dma_start3A_1264 = arith.constant 0 : i32
      %dma_start3A_1265 = tpu.memref_slice %arg5[%arg0, %add3A_1111, %dma_start3A_1264] : memref<2x10240x128xf32, #tpu.memory_space<hbm>> -> memref<1x16x128xf32, #tpu.memory_space<hbm>>
      %dma_start3A_1266 = tpu.memref_squeeze %dma_start3A_1265 : memref<1x16x128xf32, #tpu.memory_space<hbm>> -> memref<16x128xf32, #tpu.memory_space<hbm>>
      %dma_start3A_1267 = arith.constant 0 : i32
      %dma_start3A_1268 = tpu.memref_slice %arg11[%add3A_1111, %dma_start3A_1267] : memref<10240x128xf32, #tpu.memory_space<vmem_shared>> -> memref<16x128xf32, #tpu.memory_space<vmem_shared>>
      tpu.enqueue_dma source(%dma_start3A_1268 : memref<16x128xf32, #tpu.memory_space<vmem_shared>>) target(%dma_start3A_1266 : memref<16x128xf32, #tpu.memory_space<hbm>>) target_semaphore(%run_scoped3A : memref<!tpu.dma_semaphore, #tpu.memory_space<semaphore_mem>>)
      %dma_wait3A_1269 = arith.constant 0 : i32
      %dma_wait3A_1270 = tpu.memref_slice %arg5[%arg0, %add3A_1111, %dma_wait3A_1269] : memref<2x10240x128xf32, #tpu.memory_space<hbm>> -> memref<1x16x128xf32, #tpu.memory_space<hbm>>
      %dma_wait3A_1271 = tpu.memref_squeeze %dma_wait3A_1270 : memref<1x16x128xf32, #tpu.memory_space<hbm>> -> memref<16x128xf32, #tpu.memory_space<hbm>>
      %dma_wait3A_1272 = arith.constant 0 : i32
      %dma_wait3A_1273 = tpu.memref_slice %arg11[%add3A_1111, %dma_wait3A_1272] : memref<10240x128xf32, #tpu.memory_space<vmem_shared>> -> memref<16x128xf32, #tpu.memory_space<vmem_shared>>
      tpu.wait_dma2 semaphore(%run_scoped3A : memref<!tpu.dma_semaphore, #tpu.memory_space<semaphore_mem>>) src(%dma_wait3A_1273 : memref<16x128xf32, #tpu.memory_space<vmem_shared>>) dst(%dma_wait3A_1271 : memref<16x128xf32, #tpu.memory_space<hbm>>)
      tpu.yield
    }) : () -> ()
    %mul3A_1112 = arith.constant 640 : i32
    %mul3A_1113 = arith.muli %arg1, %mul3A_1112 : i32
    %add3A_1114 = arith.constant 32 : i32
    %add3A_1115 = arith.addi %mul3A_1113, %add3A_1114 : i32
    "tpu.region"() ({
      %run_scoped3A = tpu.sem_alloc : memref<!tpu.dma_semaphore, #tpu.memory_space<semaphore_mem>>
      %dma_start3A_1264 = arith.constant 0 : i32
      %dma_start3A_1265 = tpu.memref_slice %arg5[%arg0, %add3A_1115, %dma_start3A_1264] : memref<2x10240x128xf32, #tpu.memory_space<hbm>> -> memref<1x16x128xf32, #tpu.memory_space<hbm>>
      %dma_start3A_1266 = tpu.memref_squeeze %dma_start3A_1265 : memref<1x16x128xf32, #tpu.memory_space<hbm>> -> memref<16x128xf32, #tpu.memory_space<hbm>>
      %dma_start3A_1267 = arith.constant 0 : i32
      %dma_start3A_1268 = tpu.memref_slice %arg11[%add3A_1115, %dma_start3A_1267] : memref<10240x128xf32, #tpu.memory_space<vmem_shared>> -> memref<16x128xf32, #tpu.memory_space<vmem_shared>>
      tpu.enqueue_dma source(%dma_start3A_1268 : memref<16x128xf32, #tpu.memory_space<vmem_shared>>) target(%dma_start3A_1266 : memref<16x128xf32, #tpu.memory_space<hbm>>) target_semaphore(%run_scoped3A : memref<!tpu.dma_semaphore, #tpu.memory_space<semaphore_mem>>)
      %dma_wait3A_1269 = arith.constant 0 : i32
      %dma_wait3A_1270 = tpu.memref_slice %arg5[%arg0, %add3A_1115, %dma_wait3A_1269] : memref<2x10240x128xf32, #tpu.memory_space<hbm>> -> memref<1x16x128xf32, #tpu.memory_space<hbm>>
      %dma_wait3A_1271 = tpu.memref_squeeze %dma_wait3A_1270 : memref<1x16x128xf32, #tpu.memory_space<hbm>> -> memref<16x128xf32, #tpu.memory_space<hbm>>
      %dma_wait3A_1272 = arith.constant 0 : i32
      %dma_wait3A_1273 = tpu.memref_slice %arg11[%add3A_1115, %dma_wait3A_1272] : memref<10240x128xf32, #tpu.memory_space<vmem_shared>> -> memref<16x128xf32, #tpu.memory_space<vmem_shared>>
      tpu.wait_dma2 semaphore(%run_scoped3A : memref<!tpu.dma_semaphore, #tpu.memory_space<semaphore_mem>>) src(%dma_wait3A_1273 : memref<16x128xf32, #tpu.memory_space<vmem_shared>>) dst(%dma_wait3A_1271 : memref<16x128xf32, #tpu.memory_space<hbm>>)
      tpu.yield
    }) : () -> ()
    %mul3A_1116 = arith.constant 640 : i32
    %mul3A_1117 = arith.muli %arg1, %mul3A_1116 : i32
    %add3A_1118 = arith.constant 48 : i32
    %add3A_1119 = arith.addi %mul3A_1117, %add3A_1118 : i32
    "tpu.region"() ({
      %run_scoped3A = tpu.sem_alloc : memref<!tpu.dma_semaphore, #tpu.memory_space<semaphore_mem>>
      %dma_start3A_1264 = arith.constant 0 : i32
      %dma_start3A_1265 = tpu.memref_slice %arg5[%arg0, %add3A_1119, %dma_start3A_1264] : memref<2x10240x128xf32, #tpu.memory_space<hbm>> -> memref<1x16x128xf32, #tpu.memory_space<hbm>>
      %dma_start3A_1266 = tpu.memref_squeeze %dma_start3A_1265 : memref<1x16x128xf32, #tpu.memory_space<hbm>> -> memref<16x128xf32, #tpu.memory_space<hbm>>
      %dma_start3A_1267 = arith.constant 0 : i32
      %dma_start3A_1268 = tpu.memref_slice %arg11[%add3A_1119, %dma_start3A_1267] : memref<10240x128xf32, #tpu.memory_space<vmem_shared>> -> memref<16x128xf32, #tpu.memory_space<vmem_shared>>
      tpu.enqueue_dma source(%dma_start3A_1268 : memref<16x128xf32, #tpu.memory_space<vmem_shared>>) target(%dma_start3A_1266 : memref<16x128xf32, #tpu.memory_space<hbm>>) target_semaphore(%run_scoped3A : memref<!tpu.dma_semaphore, #tpu.memory_space<semaphore_mem>>)
      %dma_wait3A_1269 = arith.constant 0 : i32
      %dma_wait3A_1270 = tpu.memref_slice %arg5[%arg0, %add3A_1119, %dma_wait3A_1269] : memref<2x10240x128xf32, #tpu.memory_space<hbm>> -> memref<1x16x128xf32, #tpu.memory_space<hbm>>
      %dma_wait3A_1271 = tpu.memref_squeeze %dma_wait3A_1270 : memref<1x16x128xf32, #tpu.memory_space<hbm>> -> memref<16x128xf32, #tpu.memory_space<hbm>>
      %dma_wait3A_1272 = arith.constant 0 : i32
      %dma_wait3A_1273 = tpu.memref_slice %arg11[%add3A_1119, %dma_wait3A_1272] : memref<10240x128xf32, #tpu.memory_space<vmem_shared>> -> memref<16x128xf32, #tpu.memory_space<vmem_shared>>
      tpu.wait_dma2 semaphore(%run_scoped3A : memref<!tpu.dma_semaphore, #tpu.memory_space<semaphore_mem>>) src(%dma_wait3A_1273 : memref<16x128xf32, #tpu.memory_space<vmem_shared>>) dst(%dma_wait3A_1271 : memref<16x128xf32, #tpu.memory_space<hbm>>)
      tpu.yield
    }) : () -> ()
    %mul3A_1120 = arith.constant 640 : i32
    %mul3A_1121 = arith.muli %arg1, %mul3A_1120 : i32
    %add3A_1122 = arith.constant 64 : i32
    %add3A_1123 = arith.addi %mul3A_1121, %add3A_1122 : i32
    "tpu.region"() ({
      %run_scoped3A = tpu.sem_alloc : memref<!tpu.dma_semaphore, #tpu.memory_space<semaphore_mem>>
      %dma_start3A_1264 = arith.constant 0 : i32
      %dma_start3A_1265 = tpu.memref_slice %arg5[%arg0, %add3A_1123, %dma_start3A_1264] : memref<2x10240x128xf32, #tpu.memory_space<hbm>> -> memref<1x16x128xf32, #tpu.memory_space<hbm>>
      %dma_start3A_1266 = tpu.memref_squeeze %dma_start3A_1265 : memref<1x16x128xf32, #tpu.memory_space<hbm>> -> memref<16x128xf32, #tpu.memory_space<hbm>>
      %dma_start3A_1267 = arith.constant 0 : i32
      %dma_start3A_1268 = tpu.memref_slice %arg11[%add3A_1123, %dma_start3A_1267] : memref<10240x128xf32, #tpu.memory_space<vmem_shared>> -> memref<16x128xf32, #tpu.memory_space<vmem_shared>>
      tpu.enqueue_dma source(%dma_start3A_1268 : memref<16x128xf32, #tpu.memory_space<vmem_shared>>) target(%dma_start3A_1266 : memref<16x128xf32, #tpu.memory_space<hbm>>) target_semaphore(%run_scoped3A : memref<!tpu.dma_semaphore, #tpu.memory_space<semaphore_mem>>)
      %dma_wait3A_1269 = arith.constant 0 : i32
      %dma_wait3A_1270 = tpu.memref_slice %arg5[%arg0, %add3A_1123, %dma_wait3A_1269] : memref<2x10240x128xf32, #tpu.memory_space<hbm>> -> memref<1x16x128xf32, #tpu.memory_space<hbm>>
      %dma_wait3A_1271 = tpu.memref_squeeze %dma_wait3A_1270 : memref<1x16x128xf32, #tpu.memory_space<hbm>> -> memref<16x128xf32, #tpu.memory_space<hbm>>
      %dma_wait3A_1272 = arith.constant 0 : i32
      %dma_wait3A_1273 = tpu.memref_slice %arg11[%add3A_1123, %dma_wait3A_1272] : memref<10240x128xf32, #tpu.memory_space<vmem_shared>> -> memref<16x128xf32, #tpu.memory_space<vmem_shared>>
      tpu.wait_dma2 semaphore(%run_scoped3A : memref<!tpu.dma_semaphore, #tpu.memory_space<semaphore_mem>>) src(%dma_wait3A_1273 : memref<16x128xf32, #tpu.memory_space<vmem_shared>>) dst(%dma_wait3A_1271 : memref<16x128xf32, #tpu.memory_space<hbm>>)
      tpu.yield
    }) : () -> ()
    %mul3A_1124 = arith.constant 640 : i32
    %mul3A_1125 = arith.muli %arg1, %mul3A_1124 : i32
    %add3A_1126 = arith.constant 80 : i32
    %add3A_1127 = arith.addi %mul3A_1125, %add3A_1126 : i32
    "tpu.region"() ({
      %run_scoped3A = tpu.sem_alloc : memref<!tpu.dma_semaphore, #tpu.memory_space<semaphore_mem>>
      %dma_start3A_1264 = arith.constant 0 : i32
      %dma_start3A_1265 = tpu.memref_slice %arg5[%arg0, %add3A_1127, %dma_start3A_1264] : memref<2x10240x128xf32, #tpu.memory_space<hbm>> -> memref<1x16x128xf32, #tpu.memory_space<hbm>>
      %dma_start3A_1266 = tpu.memref_squeeze %dma_start3A_1265 : memref<1x16x128xf32, #tpu.memory_space<hbm>> -> memref<16x128xf32, #tpu.memory_space<hbm>>
      %dma_start3A_1267 = arith.constant 0 : i32
      %dma_start3A_1268 = tpu.memref_slice %arg11[%add3A_1127, %dma_start3A_1267] : memref<10240x128xf32, #tpu.memory_space<vmem_shared>> -> memref<16x128xf32, #tpu.memory_space<vmem_shared>>
      tpu.enqueue_dma source(%dma_start3A_1268 : memref<16x128xf32, #tpu.memory_space<vmem_shared>>) target(%dma_start3A_1266 : memref<16x128xf32, #tpu.memory_space<hbm>>) target_semaphore(%run_scoped3A : memref<!tpu.dma_semaphore, #tpu.memory_space<semaphore_mem>>)
      %dma_wait3A_1269 = arith.constant 0 : i32
      %dma_wait3A_1270 = tpu.memref_slice %arg5[%arg0, %add3A_1127, %dma_wait3A_1269] : memref<2x10240x128xf32, #tpu.memory_space<hbm>> -> memref<1x16x128xf32, #tpu.memory_space<hbm>>
      %dma_wait3A_1271 = tpu.memref_squeeze %dma_wait3A_1270 : memref<1x16x128xf32, #tpu.memory_space<hbm>> -> memref<16x128xf32, #tpu.memory_space<hbm>>
      %dma_wait3A_1272 = arith.constant 0 : i32
      %dma_wait3A_1273 = tpu.memref_slice %arg11[%add3A_1127, %dma_wait3A_1272] : memref<10240x128xf32, #tpu.memory_space<vmem_shared>> -> memref<16x128xf32, #tpu.memory_space<vmem_shared>>
      tpu.wait_dma2 semaphore(%run_scoped3A : memref<!tpu.dma_semaphore, #tpu.memory_space<semaphore_mem>>) src(%dma_wait3A_1273 : memref<16x128xf32, #tpu.memory_space<vmem_shared>>) dst(%dma_wait3A_1271 : memref<16x128xf32, #tpu.memory_space<hbm>>)
      tpu.yield
    }) : () -> ()
    %mul3A_1128 = arith.constant 640 : i32
    %mul3A_1129 = arith.muli %arg1, %mul3A_1128 : i32
    %add3A_1130 = arith.constant 96 : i32
    %add3A_1131 = arith.addi %mul3A_1129, %add3A_1130 : i32
    "tpu.region"() ({
      %run_scoped3A = tpu.sem_alloc : memref<!tpu.dma_semaphore, #tpu.memory_space<semaphore_mem>>
      %dma_start3A_1264 = arith.constant 0 : i32
      %dma_start3A_1265 = tpu.memref_slice %arg5[%arg0, %add3A_1131, %dma_start3A_1264] : memref<2x10240x128xf32, #tpu.memory_space<hbm>> -> memref<1x16x128xf32, #tpu.memory_space<hbm>>
      %dma_start3A_1266 = tpu.memref_squeeze %dma_start3A_1265 : memref<1x16x128xf32, #tpu.memory_space<hbm>> -> memref<16x128xf32, #tpu.memory_space<hbm>>
      %dma_start3A_1267 = arith.constant 0 : i32
      %dma_start3A_1268 = tpu.memref_slice %arg11[%add3A_1131, %dma_start3A_1267] : memref<10240x128xf32, #tpu.memory_space<vmem_shared>> -> memref<16x128xf32, #tpu.memory_space<vmem_shared>>
      tpu.enqueue_dma source(%dma_start3A_1268 : memref<16x128xf32, #tpu.memory_space<vmem_shared>>) target(%dma_start3A_1266 : memref<16x128xf32, #tpu.memory_space<hbm>>) target_semaphore(%run_scoped3A : memref<!tpu.dma_semaphore, #tpu.memory_space<semaphore_mem>>)
      %dma_wait3A_1269 = arith.constant 0 : i32
      %dma_wait3A_1270 = tpu.memref_slice %arg5[%arg0, %add3A_1131, %dma_wait3A_1269] : memref<2x10240x128xf32, #tpu.memory_space<hbm>> -> memref<1x16x128xf32, #tpu.memory_space<hbm>>
      %dma_wait3A_1271 = tpu.memref_squeeze %dma_wait3A_1270 : memref<1x16x128xf32, #tpu.memory_space<hbm>> -> memref<16x128xf32, #tpu.memory_space<hbm>>
      %dma_wait3A_1272 = arith.constant 0 : i32
      %dma_wait3A_1273 = tpu.memref_slice %arg11[%add3A_1131, %dma_wait3A_1272] : memref<10240x128xf32, #tpu.memory_space<vmem_shared>> -> memref<16x128xf32, #tpu.memory_space<vmem_shared>>
      tpu.wait_dma2 semaphore(%run_scoped3A : memref<!tpu.dma_semaphore, #tpu.memory_space<semaphore_mem>>) src(%dma_wait3A_1273 : memref<16x128xf32, #tpu.memory_space<vmem_shared>>) dst(%dma_wait3A_1271 : memref<16x128xf32, #tpu.memory_space<hbm>>)
      tpu.yield
    }) : () -> ()
    %mul3A_1132 = arith.constant 640 : i32
    %mul3A_1133 = arith.muli %arg1, %mul3A_1132 : i32
    %add3A_1134 = arith.constant 112 : i32
    %add3A_1135 = arith.addi %mul3A_1133, %add3A_1134 : i32
    "tpu.region"() ({
      %run_scoped3A = tpu.sem_alloc : memref<!tpu.dma_semaphore, #tpu.memory_space<semaphore_mem>>
      %dma_start3A_1264 = arith.constant 0 : i32
      %dma_start3A_1265 = tpu.memref_slice %arg5[%arg0, %add3A_1135, %dma_start3A_1264] : memref<2x10240x128xf32, #tpu.memory_space<hbm>> -> memref<1x16x128xf32, #tpu.memory_space<hbm>>
      %dma_start3A_1266 = tpu.memref_squeeze %dma_start3A_1265 : memref<1x16x128xf32, #tpu.memory_space<hbm>> -> memref<16x128xf32, #tpu.memory_space<hbm>>
      %dma_start3A_1267 = arith.constant 0 : i32
      %dma_start3A_1268 = tpu.memref_slice %arg11[%add3A_1135, %dma_start3A_1267] : memref<10240x128xf32, #tpu.memory_space<vmem_shared>> -> memref<16x128xf32, #tpu.memory_space<vmem_shared>>
      tpu.enqueue_dma source(%dma_start3A_1268 : memref<16x128xf32, #tpu.memory_space<vmem_shared>>) target(%dma_start3A_1266 : memref<16x128xf32, #tpu.memory_space<hbm>>) target_semaphore(%run_scoped3A : memref<!tpu.dma_semaphore, #tpu.memory_space<semaphore_mem>>)
      %dma_wait3A_1269 = arith.constant 0 : i32
      %dma_wait3A_1270 = tpu.memref_slice %arg5[%arg0, %add3A_1135, %dma_wait3A_1269] : memref<2x10240x128xf32, #tpu.memory_space<hbm>> -> memref<1x16x128xf32, #tpu.memory_space<hbm>>
      %dma_wait3A_1271 = tpu.memref_squeeze %dma_wait3A_1270 : memref<1x16x128xf32, #tpu.memory_space<hbm>> -> memref<16x128xf32, #tpu.memory_space<hbm>>
      %dma_wait3A_1272 = arith.constant 0 : i32
      %dma_wait3A_1273 = tpu.memref_slice %arg11[%add3A_1135, %dma_wait3A_1272] : memref<10240x128xf32, #tpu.memory_space<vmem_shared>> -> memref<16x128xf32, #tpu.memory_space<vmem_shared>>
      tpu.wait_dma2 semaphore(%run_scoped3A : memref<!tpu.dma_semaphore, #tpu.memory_space<semaphore_mem>>) src(%dma_wait3A_1273 : memref<16x128xf32, #tpu.memory_space<vmem_shared>>) dst(%dma_wait3A_1271 : memref<16x128xf32, #tpu.memory_space<hbm>>)
      tpu.yield
    }) : () -> ()
    %mul3A_1136 = arith.constant 640 : i32
    %mul3A_1137 = arith.muli %arg1, %mul3A_1136 : i32
    %add3A_1138 = arith.constant 128 : i32
    %add3A_1139 = arith.addi %mul3A_1137, %add3A_1138 : i32
    "tpu.region"() ({
      %run_scoped3A = tpu.sem_alloc : memref<!tpu.dma_semaphore, #tpu.memory_space<semaphore_mem>>
      %dma_start3A_1264 = arith.constant 0 : i32
      %dma_start3A_1265 = tpu.memref_slice %arg5[%arg0, %add3A_1139, %dma_start3A_1264] : memref<2x10240x128xf32, #tpu.memory_space<hbm>> -> memref<1x16x128xf32, #tpu.memory_space<hbm>>
      %dma_start3A_1266 = tpu.memref_squeeze %dma_start3A_1265 : memref<1x16x128xf32, #tpu.memory_space<hbm>> -> memref<16x128xf32, #tpu.memory_space<hbm>>
      %dma_start3A_1267 = arith.constant 0 : i32
      %dma_start3A_1268 = tpu.memref_slice %arg11[%add3A_1139, %dma_start3A_1267] : memref<10240x128xf32, #tpu.memory_space<vmem_shared>> -> memref<16x128xf32, #tpu.memory_space<vmem_shared>>
      tpu.enqueue_dma source(%dma_start3A_1268 : memref<16x128xf32, #tpu.memory_space<vmem_shared>>) target(%dma_start3A_1266 : memref<16x128xf32, #tpu.memory_space<hbm>>) target_semaphore(%run_scoped3A : memref<!tpu.dma_semaphore, #tpu.memory_space<semaphore_mem>>)
      %dma_wait3A_1269 = arith.constant 0 : i32
      %dma_wait3A_1270 = tpu.memref_slice %arg5[%arg0, %add3A_1139, %dma_wait3A_1269] : memref<2x10240x128xf32, #tpu.memory_space<hbm>> -> memref<1x16x128xf32, #tpu.memory_space<hbm>>
      %dma_wait3A_1271 = tpu.memref_squeeze %dma_wait3A_1270 : memref<1x16x128xf32, #tpu.memory_space<hbm>> -> memref<16x128xf32, #tpu.memory_space<hbm>>
      %dma_wait3A_1272 = arith.constant 0 : i32
      %dma_wait3A_1273 = tpu.memref_slice %arg11[%add3A_1139, %dma_wait3A_1272] : memref<10240x128xf32, #tpu.memory_space<vmem_shared>> -> memref<16x128xf32, #tpu.memory_space<vmem_shared>>
      tpu.wait_dma2 semaphore(%run_scoped3A : memref<!tpu.dma_semaphore, #tpu.memory_space<semaphore_mem>>) src(%dma_wait3A_1273 : memref<16x128xf32, #tpu.memory_space<vmem_shared>>) dst(%dma_wait3A_1271 : memref<16x128xf32, #tpu.memory_space<hbm>>)
      tpu.yield
    }) : () -> ()
    %mul3A_1140 = arith.constant 640 : i32
    %mul3A_1141 = arith.muli %arg1, %mul3A_1140 : i32
    %add3A_1142 = arith.constant 144 : i32
    %add3A_1143 = arith.addi %mul3A_1141, %add3A_1142 : i32
    "tpu.region"() ({
      %run_scoped3A = tpu.sem_alloc : memref<!tpu.dma_semaphore, #tpu.memory_space<semaphore_mem>>
      %dma_start3A_1264 = arith.constant 0 : i32
      %dma_start3A_1265 = tpu.memref_slice %arg5[%arg0, %add3A_1143, %dma_start3A_1264] : memref<2x10240x128xf32, #tpu.memory_space<hbm>> -> memref<1x16x128xf32, #tpu.memory_space<hbm>>
      %dma_start3A_1266 = tpu.memref_squeeze %dma_start3A_1265 : memref<1x16x128xf32, #tpu.memory_space<hbm>> -> memref<16x128xf32, #tpu.memory_space<hbm>>
      %dma_start3A_1267 = arith.constant 0 : i32
      %dma_start3A_1268 = tpu.memref_slice %arg11[%add3A_1143, %dma_start3A_1267] : memref<10240x128xf32, #tpu.memory_space<vmem_shared>> -> memref<16x128xf32, #tpu.memory_space<vmem_shared>>
      tpu.enqueue_dma source(%dma_start3A_1268 : memref<16x128xf32, #tpu.memory_space<vmem_shared>>) target(%dma_start3A_1266 : memref<16x128xf32, #tpu.memory_space<hbm>>) target_semaphore(%run_scoped3A : memref<!tpu.dma_semaphore, #tpu.memory_space<semaphore_mem>>)
      %dma_wait3A_1269 = arith.constant 0 : i32
      %dma_wait3A_1270 = tpu.memref_slice %arg5[%arg0, %add3A_1143, %dma_wait3A_1269] : memref<2x10240x128xf32, #tpu.memory_space<hbm>> -> memref<1x16x128xf32, #tpu.memory_space<hbm>>
      %dma_wait3A_1271 = tpu.memref_squeeze %dma_wait3A_1270 : memref<1x16x128xf32, #tpu.memory_space<hbm>> -> memref<16x128xf32, #tpu.memory_space<hbm>>
      %dma_wait3A_1272 = arith.constant 0 : i32
      %dma_wait3A_1273 = tpu.memref_slice %arg11[%add3A_1143, %dma_wait3A_1272] : memref<10240x128xf32, #tpu.memory_space<vmem_shared>> -> memref<16x128xf32, #tpu.memory_space<vmem_shared>>
      tpu.wait_dma2 semaphore(%run_scoped3A : memref<!tpu.dma_semaphore, #tpu.memory_space<semaphore_mem>>) src(%dma_wait3A_1273 : memref<16x128xf32, #tpu.memory_space<vmem_shared>>) dst(%dma_wait3A_1271 : memref<16x128xf32, #tpu.memory_space<hbm>>)
      tpu.yield
    }) : () -> ()
    %mul3A_1144 = arith.constant 640 : i32
    %mul3A_1145 = arith.muli %arg1, %mul3A_1144 : i32
    %add3A_1146 = arith.constant 160 : i32
    %add3A_1147 = arith.addi %mul3A_1145, %add3A_1146 : i32
    "tpu.region"() ({
      %run_scoped3A = tpu.sem_alloc : memref<!tpu.dma_semaphore, #tpu.memory_space<semaphore_mem>>
      %dma_start3A_1264 = arith.constant 0 : i32
      %dma_start3A_1265 = tpu.memref_slice %arg5[%arg0, %add3A_1147, %dma_start3A_1264] : memref<2x10240x128xf32, #tpu.memory_space<hbm>> -> memref<1x16x128xf32, #tpu.memory_space<hbm>>
      %dma_start3A_1266 = tpu.memref_squeeze %dma_start3A_1265 : memref<1x16x128xf32, #tpu.memory_space<hbm>> -> memref<16x128xf32, #tpu.memory_space<hbm>>
      %dma_start3A_1267 = arith.constant 0 : i32
      %dma_start3A_1268 = tpu.memref_slice %arg11[%add3A_1147, %dma_start3A_1267] : memref<10240x128xf32, #tpu.memory_space<vmem_shared>> -> memref<16x128xf32, #tpu.memory_space<vmem_shared>>
      tpu.enqueue_dma source(%dma_start3A_1268 : memref<16x128xf32, #tpu.memory_space<vmem_shared>>) target(%dma_start3A_1266 : memref<16x128xf32, #tpu.memory_space<hbm>>) target_semaphore(%run_scoped3A : memref<!tpu.dma_semaphore, #tpu.memory_space<semaphore_mem>>)
      %dma_wait3A_1269 = arith.constant 0 : i32
      %dma_wait3A_1270 = tpu.memref_slice %arg5[%arg0, %add3A_1147, %dma_wait3A_1269] : memref<2x10240x128xf32, #tpu.memory_space<hbm>> -> memref<1x16x128xf32, #tpu.memory_space<hbm>>
      %dma_wait3A_1271 = tpu.memref_squeeze %dma_wait3A_1270 : memref<1x16x128xf32, #tpu.memory_space<hbm>> -> memref<16x128xf32, #tpu.memory_space<hbm>>
      %dma_wait3A_1272 = arith.constant 0 : i32
      %dma_wait3A_1273 = tpu.memref_slice %arg11[%add3A_1147, %dma_wait3A_1272] : memref<10240x128xf32, #tpu.memory_space<vmem_shared>> -> memref<16x128xf32, #tpu.memory_space<vmem_shared>>
      tpu.wait_dma2 semaphore(%run_scoped3A : memref<!tpu.dma_semaphore, #tpu.memory_space<semaphore_mem>>) src(%dma_wait3A_1273 : memref<16x128xf32, #tpu.memory_space<vmem_shared>>) dst(%dma_wait3A_1271 : memref<16x128xf32, #tpu.memory_space<hbm>>)
      tpu.yield
    }) : () -> ()
    %mul3A_1148 = arith.constant 640 : i32
    %mul3A_1149 = arith.muli %arg1, %mul3A_1148 : i32
    %add3A_1150 = arith.constant 176 : i32
    %add3A_1151 = arith.addi %mul3A_1149, %add3A_1150 : i32
    "tpu.region"() ({
      %run_scoped3A = tpu.sem_alloc : memref<!tpu.dma_semaphore, #tpu.memory_space<semaphore_mem>>
      %dma_start3A_1264 = arith.constant 0 : i32
      %dma_start3A_1265 = tpu.memref_slice %arg5[%arg0, %add3A_1151, %dma_start3A_1264] : memref<2x10240x128xf32, #tpu.memory_space<hbm>> -> memref<1x16x128xf32, #tpu.memory_space<hbm>>
      %dma_start3A_1266 = tpu.memref_squeeze %dma_start3A_1265 : memref<1x16x128xf32, #tpu.memory_space<hbm>> -> memref<16x128xf32, #tpu.memory_space<hbm>>
      %dma_start3A_1267 = arith.constant 0 : i32
      %dma_start3A_1268 = tpu.memref_slice %arg11[%add3A_1151, %dma_start3A_1267] : memref<10240x128xf32, #tpu.memory_space<vmem_shared>> -> memref<16x128xf32, #tpu.memory_space<vmem_shared>>
      tpu.enqueue_dma source(%dma_start3A_1268 : memref<16x128xf32, #tpu.memory_space<vmem_shared>>) target(%dma_start3A_1266 : memref<16x128xf32, #tpu.memory_space<hbm>>) target_semaphore(%run_scoped3A : memref<!tpu.dma_semaphore, #tpu.memory_space<semaphore_mem>>)
      %dma_wait3A_1269 = arith.constant 0 : i32
      %dma_wait3A_1270 = tpu.memref_slice %arg5[%arg0, %add3A_1151, %dma_wait3A_1269] : memref<2x10240x128xf32, #tpu.memory_space<hbm>> -> memref<1x16x128xf32, #tpu.memory_space<hbm>>
      %dma_wait3A_1271 = tpu.memref_squeeze %dma_wait3A_1270 : memref<1x16x128xf32, #tpu.memory_space<hbm>> -> memref<16x128xf32, #tpu.memory_space<hbm>>
      %dma_wait3A_1272 = arith.constant 0 : i32
      %dma_wait3A_1273 = tpu.memref_slice %arg11[%add3A_1151, %dma_wait3A_1272] : memref<10240x128xf32, #tpu.memory_space<vmem_shared>> -> memref<16x128xf32, #tpu.memory_space<vmem_shared>>
      tpu.wait_dma2 semaphore(%run_scoped3A : memref<!tpu.dma_semaphore, #tpu.memory_space<semaphore_mem>>) src(%dma_wait3A_1273 : memref<16x128xf32, #tpu.memory_space<vmem_shared>>) dst(%dma_wait3A_1271 : memref<16x128xf32, #tpu.memory_space<hbm>>)
      tpu.yield
    }) : () -> ()
    %mul3A_1152 = arith.constant 640 : i32
    %mul3A_1153 = arith.muli %arg1, %mul3A_1152 : i32
    %add3A_1154 = arith.constant 192 : i32
    %add3A_1155 = arith.addi %mul3A_1153, %add3A_1154 : i32
    "tpu.region"() ({
      %run_scoped3A = tpu.sem_alloc : memref<!tpu.dma_semaphore, #tpu.memory_space<semaphore_mem>>
      %dma_start3A_1264 = arith.constant 0 : i32
      %dma_start3A_1265 = tpu.memref_slice %arg5[%arg0, %add3A_1155, %dma_start3A_1264] : memref<2x10240x128xf32, #tpu.memory_space<hbm>> -> memref<1x16x128xf32, #tpu.memory_space<hbm>>
      %dma_start3A_1266 = tpu.memref_squeeze %dma_start3A_1265 : memref<1x16x128xf32, #tpu.memory_space<hbm>> -> memref<16x128xf32, #tpu.memory_space<hbm>>
      %dma_start3A_1267 = arith.constant 0 : i32
      %dma_start3A_1268 = tpu.memref_slice %arg11[%add3A_1155, %dma_start3A_1267] : memref<10240x128xf32, #tpu.memory_space<vmem_shared>> -> memref<16x128xf32, #tpu.memory_space<vmem_shared>>
      tpu.enqueue_dma source(%dma_start3A_1268 : memref<16x128xf32, #tpu.memory_space<vmem_shared>>) target(%dma_start3A_1266 : memref<16x128xf32, #tpu.memory_space<hbm>>) target_semaphore(%run_scoped3A : memref<!tpu.dma_semaphore, #tpu.memory_space<semaphore_mem>>)
      %dma_wait3A_1269 = arith.constant 0 : i32
      %dma_wait3A_1270 = tpu.memref_slice %arg5[%arg0, %add3A_1155, %dma_wait3A_1269] : memref<2x10240x128xf32, #tpu.memory_space<hbm>> -> memref<1x16x128xf32, #tpu.memory_space<hbm>>
      %dma_wait3A_1271 = tpu.memref_squeeze %dma_wait3A_1270 : memref<1x16x128xf32, #tpu.memory_space<hbm>> -> memref<16x128xf32, #tpu.memory_space<hbm>>
      %dma_wait3A_1272 = arith.constant 0 : i32
      %dma_wait3A_1273 = tpu.memref_slice %arg11[%add3A_1155, %dma_wait3A_1272] : memref<10240x128xf32, #tpu.memory_space<vmem_shared>> -> memref<16x128xf32, #tpu.memory_space<vmem_shared>>
      tpu.wait_dma2 semaphore(%run_scoped3A : memref<!tpu.dma_semaphore, #tpu.memory_space<semaphore_mem>>) src(%dma_wait3A_1273 : memref<16x128xf32, #tpu.memory_space<vmem_shared>>) dst(%dma_wait3A_1271 : memref<16x128xf32, #tpu.memory_space<hbm>>)
      tpu.yield
    }) : () -> ()
    %mul3A_1156 = arith.constant 640 : i32
    %mul3A_1157 = arith.muli %arg1, %mul3A_1156 : i32
    %add3A_1158 = arith.constant 208 : i32
    %add3A_1159 = arith.addi %mul3A_1157, %add3A_1158 : i32
    "tpu.region"() ({
      %run_scoped3A = tpu.sem_alloc : memref<!tpu.dma_semaphore, #tpu.memory_space<semaphore_mem>>
      %dma_start3A_1264 = arith.constant 0 : i32
      %dma_start3A_1265 = tpu.memref_slice %arg5[%arg0, %add3A_1159, %dma_start3A_1264] : memref<2x10240x128xf32, #tpu.memory_space<hbm>> -> memref<1x16x128xf32, #tpu.memory_space<hbm>>
      %dma_start3A_1266 = tpu.memref_squeeze %dma_start3A_1265 : memref<1x16x128xf32, #tpu.memory_space<hbm>> -> memref<16x128xf32, #tpu.memory_space<hbm>>
      %dma_start3A_1267 = arith.constant 0 : i32
      %dma_start3A_1268 = tpu.memref_slice %arg11[%add3A_1159, %dma_start3A_1267] : memref<10240x128xf32, #tpu.memory_space<vmem_shared>> -> memref<16x128xf32, #tpu.memory_space<vmem_shared>>
      tpu.enqueue_dma source(%dma_start3A_1268 : memref<16x128xf32, #tpu.memory_space<vmem_shared>>) target(%dma_start3A_1266 : memref<16x128xf32, #tpu.memory_space<hbm>>) target_semaphore(%run_scoped3A : memref<!tpu.dma_semaphore, #tpu.memory_space<semaphore_mem>>)
      %dma_wait3A_1269 = arith.constant 0 : i32
      %dma_wait3A_1270 = tpu.memref_slice %arg5[%arg0, %add3A_1159, %dma_wait3A_1269] : memref<2x10240x128xf32, #tpu.memory_space<hbm>> -> memref<1x16x128xf32, #tpu.memory_space<hbm>>
      %dma_wait3A_1271 = tpu.memref_squeeze %dma_wait3A_1270 : memref<1x16x128xf32, #tpu.memory_space<hbm>> -> memref<16x128xf32, #tpu.memory_space<hbm>>
      %dma_wait3A_1272 = arith.constant 0 : i32
      %dma_wait3A_1273 = tpu.memref_slice %arg11[%add3A_1159, %dma_wait3A_1272] : memref<10240x128xf32, #tpu.memory_space<vmem_shared>> -> memref<16x128xf32, #tpu.memory_space<vmem_shared>>
      tpu.wait_dma2 semaphore(%run_scoped3A : memref<!tpu.dma_semaphore, #tpu.memory_space<semaphore_mem>>) src(%dma_wait3A_1273 : memref<16x128xf32, #tpu.memory_space<vmem_shared>>) dst(%dma_wait3A_1271 : memref<16x128xf32, #tpu.memory_space<hbm>>)
      tpu.yield
    }) : () -> ()
    %mul3A_1160 = arith.constant 640 : i32
    %mul3A_1161 = arith.muli %arg1, %mul3A_1160 : i32
    %add3A_1162 = arith.constant 224 : i32
    %add3A_1163 = arith.addi %mul3A_1161, %add3A_1162 : i32
    "tpu.region"() ({
      %run_scoped3A = tpu.sem_alloc : memref<!tpu.dma_semaphore, #tpu.memory_space<semaphore_mem>>
      %dma_start3A_1264 = arith.constant 0 : i32
      %dma_start3A_1265 = tpu.memref_slice %arg5[%arg0, %add3A_1163, %dma_start3A_1264] : memref<2x10240x128xf32, #tpu.memory_space<hbm>> -> memref<1x16x128xf32, #tpu.memory_space<hbm>>
      %dma_start3A_1266 = tpu.memref_squeeze %dma_start3A_1265 : memref<1x16x128xf32, #tpu.memory_space<hbm>> -> memref<16x128xf32, #tpu.memory_space<hbm>>
      %dma_start3A_1267 = arith.constant 0 : i32
      %dma_start3A_1268 = tpu.memref_slice %arg11[%add3A_1163, %dma_start3A_1267] : memref<10240x128xf32, #tpu.memory_space<vmem_shared>> -> memref<16x128xf32, #tpu.memory_space<vmem_shared>>
      tpu.enqueue_dma source(%dma_start3A_1268 : memref<16x128xf32, #tpu.memory_space<vmem_shared>>) target(%dma_start3A_1266 : memref<16x128xf32, #tpu.memory_space<hbm>>) target_semaphore(%run_scoped3A : memref<!tpu.dma_semaphore, #tpu.memory_space<semaphore_mem>>)
      %dma_wait3A_1269 = arith.constant 0 : i32
      %dma_wait3A_1270 = tpu.memref_slice %arg5[%arg0, %add3A_1163, %dma_wait3A_1269] : memref<2x10240x128xf32, #tpu.memory_space<hbm>> -> memref<1x16x128xf32, #tpu.memory_space<hbm>>
      %dma_wait3A_1271 = tpu.memref_squeeze %dma_wait3A_1270 : memref<1x16x128xf32, #tpu.memory_space<hbm>> -> memref<16x128xf32, #tpu.memory_space<hbm>>
      %dma_wait3A_1272 = arith.constant 0 : i32
      %dma_wait3A_1273 = tpu.memref_slice %arg11[%add3A_1163, %dma_wait3A_1272] : memref<10240x128xf32, #tpu.memory_space<vmem_shared>> -> memref<16x128xf32, #tpu.memory_space<vmem_shared>>
      tpu.wait_dma2 semaphore(%run_scoped3A : memref<!tpu.dma_semaphore, #tpu.memory_space<semaphore_mem>>) src(%dma_wait3A_1273 : memref<16x128xf32, #tpu.memory_space<vmem_shared>>) dst(%dma_wait3A_1271 : memref<16x128xf32, #tpu.memory_space<hbm>>)
      tpu.yield
    }) : () -> ()
    %mul3A_1164 = arith.constant 640 : i32
    %mul3A_1165 = arith.muli %arg1, %mul3A_1164 : i32
    %add3A_1166 = arith.constant 240 : i32
    %add3A_1167 = arith.addi %mul3A_1165, %add3A_1166 : i32
    "tpu.region"() ({
      %run_scoped3A = tpu.sem_alloc : memref<!tpu.dma_semaphore, #tpu.memory_space<semaphore_mem>>
      %dma_start3A_1264 = arith.constant 0 : i32
      %dma_start3A_1265 = tpu.memref_slice %arg5[%arg0, %add3A_1167, %dma_start3A_1264] : memref<2x10240x128xf32, #tpu.memory_space<hbm>> -> memref<1x16x128xf32, #tpu.memory_space<hbm>>
      %dma_start3A_1266 = tpu.memref_squeeze %dma_start3A_1265 : memref<1x16x128xf32, #tpu.memory_space<hbm>> -> memref<16x128xf32, #tpu.memory_space<hbm>>
      %dma_start3A_1267 = arith.constant 0 : i32
      %dma_start3A_1268 = tpu.memref_slice %arg11[%add3A_1167, %dma_start3A_1267] : memref<10240x128xf32, #tpu.memory_space<vmem_shared>> -> memref<16x128xf32, #tpu.memory_space<vmem_shared>>
      tpu.enqueue_dma source(%dma_start3A_1268 : memref<16x128xf32, #tpu.memory_space<vmem_shared>>) target(%dma_start3A_1266 : memref<16x128xf32, #tpu.memory_space<hbm>>) target_semaphore(%run_scoped3A : memref<!tpu.dma_semaphore, #tpu.memory_space<semaphore_mem>>)
      %dma_wait3A_1269 = arith.constant 0 : i32
      %dma_wait3A_1270 = tpu.memref_slice %arg5[%arg0, %add3A_1167, %dma_wait3A_1269] : memref<2x10240x128xf32, #tpu.memory_space<hbm>> -> memref<1x16x128xf32, #tpu.memory_space<hbm>>
      %dma_wait3A_1271 = tpu.memref_squeeze %dma_wait3A_1270 : memref<1x16x128xf32, #tpu.memory_space<hbm>> -> memref<16x128xf32, #tpu.memory_space<hbm>>
      %dma_wait3A_1272 = arith.constant 0 : i32
      %dma_wait3A_1273 = tpu.memref_slice %arg11[%add3A_1167, %dma_wait3A_1272] : memref<10240x128xf32, #tpu.memory_space<vmem_shared>> -> memref<16x128xf32, #tpu.memory_space<vmem_shared>>
      tpu.wait_dma2 semaphore(%run_scoped3A : memref<!tpu.dma_semaphore, #tpu.memory_space<semaphore_mem>>) src(%dma_wait3A_1273 : memref<16x128xf32, #tpu.memory_space<vmem_shared>>) dst(%dma_wait3A_1271 : memref<16x128xf32, #tpu.memory_space<hbm>>)
      tpu.yield
    }) : () -> ()
    %mul3A_1168 = arith.constant 640 : i32
    %mul3A_1169 = arith.muli %arg1, %mul3A_1168 : i32
    %add3A_1170 = arith.constant 256 : i32
    %add3A_1171 = arith.addi %mul3A_1169, %add3A_1170 : i32
    "tpu.region"() ({
      %run_scoped3A = tpu.sem_alloc : memref<!tpu.dma_semaphore, #tpu.memory_space<semaphore_mem>>
      %dma_start3A_1264 = arith.constant 0 : i32
      %dma_start3A_1265 = tpu.memref_slice %arg5[%arg0, %add3A_1171, %dma_start3A_1264] : memref<2x10240x128xf32, #tpu.memory_space<hbm>> -> memref<1x16x128xf32, #tpu.memory_space<hbm>>
      %dma_start3A_1266 = tpu.memref_squeeze %dma_start3A_1265 : memref<1x16x128xf32, #tpu.memory_space<hbm>> -> memref<16x128xf32, #tpu.memory_space<hbm>>
      %dma_start3A_1267 = arith.constant 0 : i32
      %dma_start3A_1268 = tpu.memref_slice %arg11[%add3A_1171, %dma_start3A_1267] : memref<10240x128xf32, #tpu.memory_space<vmem_shared>> -> memref<16x128xf32, #tpu.memory_space<vmem_shared>>
      tpu.enqueue_dma source(%dma_start3A_1268 : memref<16x128xf32, #tpu.memory_space<vmem_shared>>) target(%dma_start3A_1266 : memref<16x128xf32, #tpu.memory_space<hbm>>) target_semaphore(%run_scoped3A : memref<!tpu.dma_semaphore, #tpu.memory_space<semaphore_mem>>)
      %dma_wait3A_1269 = arith.constant 0 : i32
      %dma_wait3A_1270 = tpu.memref_slice %arg5[%arg0, %add3A_1171, %dma_wait3A_1269] : memref<2x10240x128xf32, #tpu.memory_space<hbm>> -> memref<1x16x128xf32, #tpu.memory_space<hbm>>
      %dma_wait3A_1271 = tpu.memref_squeeze %dma_wait3A_1270 : memref<1x16x128xf32, #tpu.memory_space<hbm>> -> memref<16x128xf32, #tpu.memory_space<hbm>>
      %dma_wait3A_1272 = arith.constant 0 : i32
      %dma_wait3A_1273 = tpu.memref_slice %arg11[%add3A_1171, %dma_wait3A_1272] : memref<10240x128xf32, #tpu.memory_space<vmem_shared>> -> memref<16x128xf32, #tpu.memory_space<vmem_shared>>
      tpu.wait_dma2 semaphore(%run_scoped3A : memref<!tpu.dma_semaphore, #tpu.memory_space<semaphore_mem>>) src(%dma_wait3A_1273 : memref<16x128xf32, #tpu.memory_space<vmem_shared>>) dst(%dma_wait3A_1271 : memref<16x128xf32, #tpu.memory_space<hbm>>)
      tpu.yield
    }) : () -> ()
    %mul3A_1172 = arith.constant 640 : i32
    %mul3A_1173 = arith.muli %arg1, %mul3A_1172 : i32
    %add3A_1174 = arith.constant 272 : i32
    %add3A_1175 = arith.addi %mul3A_1173, %add3A_1174 : i32
    "tpu.region"() ({
      %run_scoped3A = tpu.sem_alloc : memref<!tpu.dma_semaphore, #tpu.memory_space<semaphore_mem>>
      %dma_start3A_1264 = arith.constant 0 : i32
      %dma_start3A_1265 = tpu.memref_slice %arg5[%arg0, %add3A_1175, %dma_start3A_1264] : memref<2x10240x128xf32, #tpu.memory_space<hbm>> -> memref<1x16x128xf32, #tpu.memory_space<hbm>>
      %dma_start3A_1266 = tpu.memref_squeeze %dma_start3A_1265 : memref<1x16x128xf32, #tpu.memory_space<hbm>> -> memref<16x128xf32, #tpu.memory_space<hbm>>
      %dma_start3A_1267 = arith.constant 0 : i32
      %dma_start3A_1268 = tpu.memref_slice %arg11[%add3A_1175, %dma_start3A_1267] : memref<10240x128xf32, #tpu.memory_space<vmem_shared>> -> memref<16x128xf32, #tpu.memory_space<vmem_shared>>
      tpu.enqueue_dma source(%dma_start3A_1268 : memref<16x128xf32, #tpu.memory_space<vmem_shared>>) target(%dma_start3A_1266 : memref<16x128xf32, #tpu.memory_space<hbm>>) target_semaphore(%run_scoped3A : memref<!tpu.dma_semaphore, #tpu.memory_space<semaphore_mem>>)
      %dma_wait3A_1269 = arith.constant 0 : i32
      %dma_wait3A_1270 = tpu.memref_slice %arg5[%arg0, %add3A_1175, %dma_wait3A_1269] : memref<2x10240x128xf32, #tpu.memory_space<hbm>> -> memref<1x16x128xf32, #tpu.memory_space<hbm>>
      %dma_wait3A_1271 = tpu.memref_squeeze %dma_wait3A_1270 : memref<1x16x128xf32, #tpu.memory_space<hbm>> -> memref<16x128xf32, #tpu.memory_space<hbm>>
      %dma_wait3A_1272 = arith.constant 0 : i32
      %dma_wait3A_1273 = tpu.memref_slice %arg11[%add3A_1175, %dma_wait3A_1272] : memref<10240x128xf32, #tpu.memory_space<vmem_shared>> -> memref<16x128xf32, #tpu.memory_space<vmem_shared>>
      tpu.wait_dma2 semaphore(%run_scoped3A : memref<!tpu.dma_semaphore, #tpu.memory_space<semaphore_mem>>) src(%dma_wait3A_1273 : memref<16x128xf32, #tpu.memory_space<vmem_shared>>) dst(%dma_wait3A_1271 : memref<16x128xf32, #tpu.memory_space<hbm>>)
      tpu.yield
    }) : () -> ()
    %mul3A_1176 = arith.constant 640 : i32
    %mul3A_1177 = arith.muli %arg1, %mul3A_1176 : i32
    %add3A_1178 = arith.constant 288 : i32
    %add3A_1179 = arith.addi %mul3A_1177, %add3A_1178 : i32
    "tpu.region"() ({
      %run_scoped3A = tpu.sem_alloc : memref<!tpu.dma_semaphore, #tpu.memory_space<semaphore_mem>>
      %dma_start3A_1264 = arith.constant 0 : i32
      %dma_start3A_1265 = tpu.memref_slice %arg5[%arg0, %add3A_1179, %dma_start3A_1264] : memref<2x10240x128xf32, #tpu.memory_space<hbm>> -> memref<1x16x128xf32, #tpu.memory_space<hbm>>
      %dma_start3A_1266 = tpu.memref_squeeze %dma_start3A_1265 : memref<1x16x128xf32, #tpu.memory_space<hbm>> -> memref<16x128xf32, #tpu.memory_space<hbm>>
      %dma_start3A_1267 = arith.constant 0 : i32
      %dma_start3A_1268 = tpu.memref_slice %arg11[%add3A_1179, %dma_start3A_1267] : memref<10240x128xf32, #tpu.memory_space<vmem_shared>> -> memref<16x128xf32, #tpu.memory_space<vmem_shared>>
      tpu.enqueue_dma source(%dma_start3A_1268 : memref<16x128xf32, #tpu.memory_space<vmem_shared>>) target(%dma_start3A_1266 : memref<16x128xf32, #tpu.memory_space<hbm>>) target_semaphore(%run_scoped3A : memref<!tpu.dma_semaphore, #tpu.memory_space<semaphore_mem>>)
      %dma_wait3A_1269 = arith.constant 0 : i32
      %dma_wait3A_1270 = tpu.memref_slice %arg5[%arg0, %add3A_1179, %dma_wait3A_1269] : memref<2x10240x128xf32, #tpu.memory_space<hbm>> -> memref<1x16x128xf32, #tpu.memory_space<hbm>>
      %dma_wait3A_1271 = tpu.memref_squeeze %dma_wait3A_1270 : memref<1x16x128xf32, #tpu.memory_space<hbm>> -> memref<16x128xf32, #tpu.memory_space<hbm>>
      %dma_wait3A_1272 = arith.constant 0 : i32
      %dma_wait3A_1273 = tpu.memref_slice %arg11[%add3A_1179, %dma_wait3A_1272] : memref<10240x128xf32, #tpu.memory_space<vmem_shared>> -> memref<16x128xf32, #tpu.memory_space<vmem_shared>>
      tpu.wait_dma2 semaphore(%run_scoped3A : memref<!tpu.dma_semaphore, #tpu.memory_space<semaphore_mem>>) src(%dma_wait3A_1273 : memref<16x128xf32, #tpu.memory_space<vmem_shared>>) dst(%dma_wait3A_1271 : memref<16x128xf32, #tpu.memory_space<hbm>>)
      tpu.yield
    }) : () -> ()
    %mul3A_1180 = arith.constant 640 : i32
    %mul3A_1181 = arith.muli %arg1, %mul3A_1180 : i32
    %add3A_1182 = arith.constant 304 : i32
    %add3A_1183 = arith.addi %mul3A_1181, %add3A_1182 : i32
    "tpu.region"() ({
      %run_scoped3A = tpu.sem_alloc : memref<!tpu.dma_semaphore, #tpu.memory_space<semaphore_mem>>
      %dma_start3A_1264 = arith.constant 0 : i32
      %dma_start3A_1265 = tpu.memref_slice %arg5[%arg0, %add3A_1183, %dma_start3A_1264] : memref<2x10240x128xf32, #tpu.memory_space<hbm>> -> memref<1x16x128xf32, #tpu.memory_space<hbm>>
      %dma_start3A_1266 = tpu.memref_squeeze %dma_start3A_1265 : memref<1x16x128xf32, #tpu.memory_space<hbm>> -> memref<16x128xf32, #tpu.memory_space<hbm>>
      %dma_start3A_1267 = arith.constant 0 : i32
      %dma_start3A_1268 = tpu.memref_slice %arg11[%add3A_1183, %dma_start3A_1267] : memref<10240x128xf32, #tpu.memory_space<vmem_shared>> -> memref<16x128xf32, #tpu.memory_space<vmem_shared>>
      tpu.enqueue_dma source(%dma_start3A_1268 : memref<16x128xf32, #tpu.memory_space<vmem_shared>>) target(%dma_start3A_1266 : memref<16x128xf32, #tpu.memory_space<hbm>>) target_semaphore(%run_scoped3A : memref<!tpu.dma_semaphore, #tpu.memory_space<semaphore_mem>>)
      %dma_wait3A_1269 = arith.constant 0 : i32
      %dma_wait3A_1270 = tpu.memref_slice %arg5[%arg0, %add3A_1183, %dma_wait3A_1269] : memref<2x10240x128xf32, #tpu.memory_space<hbm>> -> memref<1x16x128xf32, #tpu.memory_space<hbm>>
      %dma_wait3A_1271 = tpu.memref_squeeze %dma_wait3A_1270 : memref<1x16x128xf32, #tpu.memory_space<hbm>> -> memref<16x128xf32, #tpu.memory_space<hbm>>
      %dma_wait3A_1272 = arith.constant 0 : i32
      %dma_wait3A_1273 = tpu.memref_slice %arg11[%add3A_1183, %dma_wait3A_1272] : memref<10240x128xf32, #tpu.memory_space<vmem_shared>> -> memref<16x128xf32, #tpu.memory_space<vmem_shared>>
      tpu.wait_dma2 semaphore(%run_scoped3A : memref<!tpu.dma_semaphore, #tpu.memory_space<semaphore_mem>>) src(%dma_wait3A_1273 : memref<16x128xf32, #tpu.memory_space<vmem_shared>>) dst(%dma_wait3A_1271 : memref<16x128xf32, #tpu.memory_space<hbm>>)
      tpu.yield
    }) : () -> ()
    %mul3A_1184 = arith.constant 640 : i32
    %mul3A_1185 = arith.muli %arg1, %mul3A_1184 : i32
    %add3A_1186 = arith.constant 320 : i32
    %add3A_1187 = arith.addi %mul3A_1185, %add3A_1186 : i32
    "tpu.region"() ({
      %run_scoped3A = tpu.sem_alloc : memref<!tpu.dma_semaphore, #tpu.memory_space<semaphore_mem>>
      %dma_start3A_1264 = arith.constant 0 : i32
      %dma_start3A_1265 = tpu.memref_slice %arg5[%arg0, %add3A_1187, %dma_start3A_1264] : memref<2x10240x128xf32, #tpu.memory_space<hbm>> -> memref<1x16x128xf32, #tpu.memory_space<hbm>>
      %dma_start3A_1266 = tpu.memref_squeeze %dma_start3A_1265 : memref<1x16x128xf32, #tpu.memory_space<hbm>> -> memref<16x128xf32, #tpu.memory_space<hbm>>
      %dma_start3A_1267 = arith.constant 0 : i32
      %dma_start3A_1268 = tpu.memref_slice %arg11[%add3A_1187, %dma_start3A_1267] : memref<10240x128xf32, #tpu.memory_space<vmem_shared>> -> memref<16x128xf32, #tpu.memory_space<vmem_shared>>
      tpu.enqueue_dma source(%dma_start3A_1268 : memref<16x128xf32, #tpu.memory_space<vmem_shared>>) target(%dma_start3A_1266 : memref<16x128xf32, #tpu.memory_space<hbm>>) target_semaphore(%run_scoped3A : memref<!tpu.dma_semaphore, #tpu.memory_space<semaphore_mem>>)
      %dma_wait3A_1269 = arith.constant 0 : i32
      %dma_wait3A_1270 = tpu.memref_slice %arg5[%arg0, %add3A_1187, %dma_wait3A_1269] : memref<2x10240x128xf32, #tpu.memory_space<hbm>> -> memref<1x16x128xf32, #tpu.memory_space<hbm>>
      %dma_wait3A_1271 = tpu.memref_squeeze %dma_wait3A_1270 : memref<1x16x128xf32, #tpu.memory_space<hbm>> -> memref<16x128xf32, #tpu.memory_space<hbm>>
      %dma_wait3A_1272 = arith.constant 0 : i32
      %dma_wait3A_1273 = tpu.memref_slice %arg11[%add3A_1187, %dma_wait3A_1272] : memref<10240x128xf32, #tpu.memory_space<vmem_shared>> -> memref<16x128xf32, #tpu.memory_space<vmem_shared>>
      tpu.wait_dma2 semaphore(%run_scoped3A : memref<!tpu.dma_semaphore, #tpu.memory_space<semaphore_mem>>) src(%dma_wait3A_1273 : memref<16x128xf32, #tpu.memory_space<vmem_shared>>) dst(%dma_wait3A_1271 : memref<16x128xf32, #tpu.memory_space<hbm>>)
      tpu.yield
    }) : () -> ()
    %mul3A_1188 = arith.constant 640 : i32
    %mul3A_1189 = arith.muli %arg1, %mul3A_1188 : i32
    %add3A_1190 = arith.constant 336 : i32
    %add3A_1191 = arith.addi %mul3A_1189, %add3A_1190 : i32
    "tpu.region"() ({
      %run_scoped3A = tpu.sem_alloc : memref<!tpu.dma_semaphore, #tpu.memory_space<semaphore_mem>>
      %dma_start3A_1264 = arith.constant 0 : i32
      %dma_start3A_1265 = tpu.memref_slice %arg5[%arg0, %add3A_1191, %dma_start3A_1264] : memref<2x10240x128xf32, #tpu.memory_space<hbm>> -> memref<1x16x128xf32, #tpu.memory_space<hbm>>
      %dma_start3A_1266 = tpu.memref_squeeze %dma_start3A_1265 : memref<1x16x128xf32, #tpu.memory_space<hbm>> -> memref<16x128xf32, #tpu.memory_space<hbm>>
      %dma_start3A_1267 = arith.constant 0 : i32
      %dma_start3A_1268 = tpu.memref_slice %arg11[%add3A_1191, %dma_start3A_1267] : memref<10240x128xf32, #tpu.memory_space<vmem_shared>> -> memref<16x128xf32, #tpu.memory_space<vmem_shared>>
      tpu.enqueue_dma source(%dma_start3A_1268 : memref<16x128xf32, #tpu.memory_space<vmem_shared>>) target(%dma_start3A_1266 : memref<16x128xf32, #tpu.memory_space<hbm>>) target_semaphore(%run_scoped3A : memref<!tpu.dma_semaphore, #tpu.memory_space<semaphore_mem>>)
      %dma_wait3A_1269 = arith.constant 0 : i32
      %dma_wait3A_1270 = tpu.memref_slice %arg5[%arg0, %add3A_1191, %dma_wait3A_1269] : memref<2x10240x128xf32, #tpu.memory_space<hbm>> -> memref<1x16x128xf32, #tpu.memory_space<hbm>>
      %dma_wait3A_1271 = tpu.memref_squeeze %dma_wait3A_1270 : memref<1x16x128xf32, #tpu.memory_space<hbm>> -> memref<16x128xf32, #tpu.memory_space<hbm>>
      %dma_wait3A_1272 = arith.constant 0 : i32
      %dma_wait3A_1273 = tpu.memref_slice %arg11[%add3A_1191, %dma_wait3A_1272] : memref<10240x128xf32, #tpu.memory_space<vmem_shared>> -> memref<16x128xf32, #tpu.memory_space<vmem_shared>>
      tpu.wait_dma2 semaphore(%run_scoped3A : memref<!tpu.dma_semaphore, #tpu.memory_space<semaphore_mem>>) src(%dma_wait3A_1273 : memref<16x128xf32, #tpu.memory_space<vmem_shared>>) dst(%dma_wait3A_1271 : memref<16x128xf32, #tpu.memory_space<hbm>>)
      tpu.yield
    }) : () -> ()
    %mul3A_1192 = arith.constant 640 : i32
    %mul3A_1193 = arith.muli %arg1, %mul3A_1192 : i32
    %add3A_1194 = arith.constant 352 : i32
    %add3A_1195 = arith.addi %mul3A_1193, %add3A_1194 : i32
    "tpu.region"() ({
      %run_scoped3A = tpu.sem_alloc : memref<!tpu.dma_semaphore, #tpu.memory_space<semaphore_mem>>
      %dma_start3A_1264 = arith.constant 0 : i32
      %dma_start3A_1265 = tpu.memref_slice %arg5[%arg0, %add3A_1195, %dma_start3A_1264] : memref<2x10240x128xf32, #tpu.memory_space<hbm>> -> memref<1x16x128xf32, #tpu.memory_space<hbm>>
      %dma_start3A_1266 = tpu.memref_squeeze %dma_start3A_1265 : memref<1x16x128xf32, #tpu.memory_space<hbm>> -> memref<16x128xf32, #tpu.memory_space<hbm>>
      %dma_start3A_1267 = arith.constant 0 : i32
      %dma_start3A_1268 = tpu.memref_slice %arg11[%add3A_1195, %dma_start3A_1267] : memref<10240x128xf32, #tpu.memory_space<vmem_shared>> -> memref<16x128xf32, #tpu.memory_space<vmem_shared>>
      tpu.enqueue_dma source(%dma_start3A_1268 : memref<16x128xf32, #tpu.memory_space<vmem_shared>>) target(%dma_start3A_1266 : memref<16x128xf32, #tpu.memory_space<hbm>>) target_semaphore(%run_scoped3A : memref<!tpu.dma_semaphore, #tpu.memory_space<semaphore_mem>>)
      %dma_wait3A_1269 = arith.constant 0 : i32
      %dma_wait3A_1270 = tpu.memref_slice %arg5[%arg0, %add3A_1195, %dma_wait3A_1269] : memref<2x10240x128xf32, #tpu.memory_space<hbm>> -> memref<1x16x128xf32, #tpu.memory_space<hbm>>
      %dma_wait3A_1271 = tpu.memref_squeeze %dma_wait3A_1270 : memref<1x16x128xf32, #tpu.memory_space<hbm>> -> memref<16x128xf32, #tpu.memory_space<hbm>>
      %dma_wait3A_1272 = arith.constant 0 : i32
      %dma_wait3A_1273 = tpu.memref_slice %arg11[%add3A_1195, %dma_wait3A_1272] : memref<10240x128xf32, #tpu.memory_space<vmem_shared>> -> memref<16x128xf32, #tpu.memory_space<vmem_shared>>
      tpu.wait_dma2 semaphore(%run_scoped3A : memref<!tpu.dma_semaphore, #tpu.memory_space<semaphore_mem>>) src(%dma_wait3A_1273 : memref<16x128xf32, #tpu.memory_space<vmem_shared>>) dst(%dma_wait3A_1271 : memref<16x128xf32, #tpu.memory_space<hbm>>)
      tpu.yield
    }) : () -> ()
    %mul3A_1196 = arith.constant 640 : i32
    %mul3A_1197 = arith.muli %arg1, %mul3A_1196 : i32
    %add3A_1198 = arith.constant 368 : i32
    %add3A_1199 = arith.addi %mul3A_1197, %add3A_1198 : i32
    "tpu.region"() ({
      %run_scoped3A = tpu.sem_alloc : memref<!tpu.dma_semaphore, #tpu.memory_space<semaphore_mem>>
      %dma_start3A_1264 = arith.constant 0 : i32
      %dma_start3A_1265 = tpu.memref_slice %arg5[%arg0, %add3A_1199, %dma_start3A_1264] : memref<2x10240x128xf32, #tpu.memory_space<hbm>> -> memref<1x16x128xf32, #tpu.memory_space<hbm>>
      %dma_start3A_1266 = tpu.memref_squeeze %dma_start3A_1265 : memref<1x16x128xf32, #tpu.memory_space<hbm>> -> memref<16x128xf32, #tpu.memory_space<hbm>>
      %dma_start3A_1267 = arith.constant 0 : i32
      %dma_start3A_1268 = tpu.memref_slice %arg11[%add3A_1199, %dma_start3A_1267] : memref<10240x128xf32, #tpu.memory_space<vmem_shared>> -> memref<16x128xf32, #tpu.memory_space<vmem_shared>>
      tpu.enqueue_dma source(%dma_start3A_1268 : memref<16x128xf32, #tpu.memory_space<vmem_shared>>) target(%dma_start3A_1266 : memref<16x128xf32, #tpu.memory_space<hbm>>) target_semaphore(%run_scoped3A : memref<!tpu.dma_semaphore, #tpu.memory_space<semaphore_mem>>)
      %dma_wait3A_1269 = arith.constant 0 : i32
      %dma_wait3A_1270 = tpu.memref_slice %arg5[%arg0, %add3A_1199, %dma_wait3A_1269] : memref<2x10240x128xf32, #tpu.memory_space<hbm>> -> memref<1x16x128xf32, #tpu.memory_space<hbm>>
      %dma_wait3A_1271 = tpu.memref_squeeze %dma_wait3A_1270 : memref<1x16x128xf32, #tpu.memory_space<hbm>> -> memref<16x128xf32, #tpu.memory_space<hbm>>
      %dma_wait3A_1272 = arith.constant 0 : i32
      %dma_wait3A_1273 = tpu.memref_slice %arg11[%add3A_1199, %dma_wait3A_1272] : memref<10240x128xf32, #tpu.memory_space<vmem_shared>> -> memref<16x128xf32, #tpu.memory_space<vmem_shared>>
      tpu.wait_dma2 semaphore(%run_scoped3A : memref<!tpu.dma_semaphore, #tpu.memory_space<semaphore_mem>>) src(%dma_wait3A_1273 : memref<16x128xf32, #tpu.memory_space<vmem_shared>>) dst(%dma_wait3A_1271 : memref<16x128xf32, #tpu.memory_space<hbm>>)
      tpu.yield
    }) : () -> ()
    %mul3A_1200 = arith.constant 640 : i32
    %mul3A_1201 = arith.muli %arg1, %mul3A_1200 : i32
    %add3A_1202 = arith.constant 384 : i32
    %add3A_1203 = arith.addi %mul3A_1201, %add3A_1202 : i32
    "tpu.region"() ({
      %run_scoped3A = tpu.sem_alloc : memref<!tpu.dma_semaphore, #tpu.memory_space<semaphore_mem>>
      %dma_start3A_1264 = arith.constant 0 : i32
      %dma_start3A_1265 = tpu.memref_slice %arg5[%arg0, %add3A_1203, %dma_start3A_1264] : memref<2x10240x128xf32, #tpu.memory_space<hbm>> -> memref<1x16x128xf32, #tpu.memory_space<hbm>>
      %dma_start3A_1266 = tpu.memref_squeeze %dma_start3A_1265 : memref<1x16x128xf32, #tpu.memory_space<hbm>> -> memref<16x128xf32, #tpu.memory_space<hbm>>
      %dma_start3A_1267 = arith.constant 0 : i32
      %dma_start3A_1268 = tpu.memref_slice %arg11[%add3A_1203, %dma_start3A_1267] : memref<10240x128xf32, #tpu.memory_space<vmem_shared>> -> memref<16x128xf32, #tpu.memory_space<vmem_shared>>
      tpu.enqueue_dma source(%dma_start3A_1268 : memref<16x128xf32, #tpu.memory_space<vmem_shared>>) target(%dma_start3A_1266 : memref<16x128xf32, #tpu.memory_space<hbm>>) target_semaphore(%run_scoped3A : memref<!tpu.dma_semaphore, #tpu.memory_space<semaphore_mem>>)
      %dma_wait3A_1269 = arith.constant 0 : i32
      %dma_wait3A_1270 = tpu.memref_slice %arg5[%arg0, %add3A_1203, %dma_wait3A_1269] : memref<2x10240x128xf32, #tpu.memory_space<hbm>> -> memref<1x16x128xf32, #tpu.memory_space<hbm>>
      %dma_wait3A_1271 = tpu.memref_squeeze %dma_wait3A_1270 : memref<1x16x128xf32, #tpu.memory_space<hbm>> -> memref<16x128xf32, #tpu.memory_space<hbm>>
      %dma_wait3A_1272 = arith.constant 0 : i32
      %dma_wait3A_1273 = tpu.memref_slice %arg11[%add3A_1203, %dma_wait3A_1272] : memref<10240x128xf32, #tpu.memory_space<vmem_shared>> -> memref<16x128xf32, #tpu.memory_space<vmem_shared>>
      tpu.wait_dma2 semaphore(%run_scoped3A : memref<!tpu.dma_semaphore, #tpu.memory_space<semaphore_mem>>) src(%dma_wait3A_1273 : memref<16x128xf32, #tpu.memory_space<vmem_shared>>) dst(%dma_wait3A_1271 : memref<16x128xf32, #tpu.memory_space<hbm>>)
      tpu.yield
    }) : () -> ()
    %mul3A_1204 = arith.constant 640 : i32
    %mul3A_1205 = arith.muli %arg1, %mul3A_1204 : i32
    %add3A_1206 = arith.constant 400 : i32
    %add3A_1207 = arith.addi %mul3A_1205, %add3A_1206 : i32
    "tpu.region"() ({
      %run_scoped3A = tpu.sem_alloc : memref<!tpu.dma_semaphore, #tpu.memory_space<semaphore_mem>>
      %dma_start3A_1264 = arith.constant 0 : i32
      %dma_start3A_1265 = tpu.memref_slice %arg5[%arg0, %add3A_1207, %dma_start3A_1264] : memref<2x10240x128xf32, #tpu.memory_space<hbm>> -> memref<1x16x128xf32, #tpu.memory_space<hbm>>
      %dma_start3A_1266 = tpu.memref_squeeze %dma_start3A_1265 : memref<1x16x128xf32, #tpu.memory_space<hbm>> -> memref<16x128xf32, #tpu.memory_space<hbm>>
      %dma_start3A_1267 = arith.constant 0 : i32
      %dma_start3A_1268 = tpu.memref_slice %arg11[%add3A_1207, %dma_start3A_1267] : memref<10240x128xf32, #tpu.memory_space<vmem_shared>> -> memref<16x128xf32, #tpu.memory_space<vmem_shared>>
      tpu.enqueue_dma source(%dma_start3A_1268 : memref<16x128xf32, #tpu.memory_space<vmem_shared>>) target(%dma_start3A_1266 : memref<16x128xf32, #tpu.memory_space<hbm>>) target_semaphore(%run_scoped3A : memref<!tpu.dma_semaphore, #tpu.memory_space<semaphore_mem>>)
      %dma_wait3A_1269 = arith.constant 0 : i32
      %dma_wait3A_1270 = tpu.memref_slice %arg5[%arg0, %add3A_1207, %dma_wait3A_1269] : memref<2x10240x128xf32, #tpu.memory_space<hbm>> -> memref<1x16x128xf32, #tpu.memory_space<hbm>>
      %dma_wait3A_1271 = tpu.memref_squeeze %dma_wait3A_1270 : memref<1x16x128xf32, #tpu.memory_space<hbm>> -> memref<16x128xf32, #tpu.memory_space<hbm>>
      %dma_wait3A_1272 = arith.constant 0 : i32
      %dma_wait3A_1273 = tpu.memref_slice %arg11[%add3A_1207, %dma_wait3A_1272] : memref<10240x128xf32, #tpu.memory_space<vmem_shared>> -> memref<16x128xf32, #tpu.memory_space<vmem_shared>>
      tpu.wait_dma2 semaphore(%run_scoped3A : memref<!tpu.dma_semaphore, #tpu.memory_space<semaphore_mem>>) src(%dma_wait3A_1273 : memref<16x128xf32, #tpu.memory_space<vmem_shared>>) dst(%dma_wait3A_1271 : memref<16x128xf32, #tpu.memory_space<hbm>>)
      tpu.yield
    }) : () -> ()
    %mul3A_1208 = arith.constant 640 : i32
    %mul3A_1209 = arith.muli %arg1, %mul3A_1208 : i32
    %add3A_1210 = arith.constant 416 : i32
    %add3A_1211 = arith.addi %mul3A_1209, %add3A_1210 : i32
    "tpu.region"() ({
      %run_scoped3A = tpu.sem_alloc : memref<!tpu.dma_semaphore, #tpu.memory_space<semaphore_mem>>
      %dma_start3A_1264 = arith.constant 0 : i32
      %dma_start3A_1265 = tpu.memref_slice %arg5[%arg0, %add3A_1211, %dma_start3A_1264] : memref<2x10240x128xf32, #tpu.memory_space<hbm>> -> memref<1x16x128xf32, #tpu.memory_space<hbm>>
      %dma_start3A_1266 = tpu.memref_squeeze %dma_start3A_1265 : memref<1x16x128xf32, #tpu.memory_space<hbm>> -> memref<16x128xf32, #tpu.memory_space<hbm>>
      %dma_start3A_1267 = arith.constant 0 : i32
      %dma_start3A_1268 = tpu.memref_slice %arg11[%add3A_1211, %dma_start3A_1267] : memref<10240x128xf32, #tpu.memory_space<vmem_shared>> -> memref<16x128xf32, #tpu.memory_space<vmem_shared>>
      tpu.enqueue_dma source(%dma_start3A_1268 : memref<16x128xf32, #tpu.memory_space<vmem_shared>>) target(%dma_start3A_1266 : memref<16x128xf32, #tpu.memory_space<hbm>>) target_semaphore(%run_scoped3A : memref<!tpu.dma_semaphore, #tpu.memory_space<semaphore_mem>>)
      %dma_wait3A_1269 = arith.constant 0 : i32
      %dma_wait3A_1270 = tpu.memref_slice %arg5[%arg0, %add3A_1211, %dma_wait3A_1269] : memref<2x10240x128xf32, #tpu.memory_space<hbm>> -> memref<1x16x128xf32, #tpu.memory_space<hbm>>
      %dma_wait3A_1271 = tpu.memref_squeeze %dma_wait3A_1270 : memref<1x16x128xf32, #tpu.memory_space<hbm>> -> memref<16x128xf32, #tpu.memory_space<hbm>>
      %dma_wait3A_1272 = arith.constant 0 : i32
      %dma_wait3A_1273 = tpu.memref_slice %arg11[%add3A_1211, %dma_wait3A_1272] : memref<10240x128xf32, #tpu.memory_space<vmem_shared>> -> memref<16x128xf32, #tpu.memory_space<vmem_shared>>
      tpu.wait_dma2 semaphore(%run_scoped3A : memref<!tpu.dma_semaphore, #tpu.memory_space<semaphore_mem>>) src(%dma_wait3A_1273 : memref<16x128xf32, #tpu.memory_space<vmem_shared>>) dst(%dma_wait3A_1271 : memref<16x128xf32, #tpu.memory_space<hbm>>)
      tpu.yield
    }) : () -> ()
    %mul3A_1212 = arith.constant 640 : i32
    %mul3A_1213 = arith.muli %arg1, %mul3A_1212 : i32
    %add3A_1214 = arith.constant 432 : i32
    %add3A_1215 = arith.addi %mul3A_1213, %add3A_1214 : i32
    "tpu.region"() ({
      %run_scoped3A = tpu.sem_alloc : memref<!tpu.dma_semaphore, #tpu.memory_space<semaphore_mem>>
      %dma_start3A_1264 = arith.constant 0 : i32
      %dma_start3A_1265 = tpu.memref_slice %arg5[%arg0, %add3A_1215, %dma_start3A_1264] : memref<2x10240x128xf32, #tpu.memory_space<hbm>> -> memref<1x16x128xf32, #tpu.memory_space<hbm>>
      %dma_start3A_1266 = tpu.memref_squeeze %dma_start3A_1265 : memref<1x16x128xf32, #tpu.memory_space<hbm>> -> memref<16x128xf32, #tpu.memory_space<hbm>>
      %dma_start3A_1267 = arith.constant 0 : i32
      %dma_start3A_1268 = tpu.memref_slice %arg11[%add3A_1215, %dma_start3A_1267] : memref<10240x128xf32, #tpu.memory_space<vmem_shared>> -> memref<16x128xf32, #tpu.memory_space<vmem_shared>>
      tpu.enqueue_dma source(%dma_start3A_1268 : memref<16x128xf32, #tpu.memory_space<vmem_shared>>) target(%dma_start3A_1266 : memref<16x128xf32, #tpu.memory_space<hbm>>) target_semaphore(%run_scoped3A : memref<!tpu.dma_semaphore, #tpu.memory_space<semaphore_mem>>)
      %dma_wait3A_1269 = arith.constant 0 : i32
      %dma_wait3A_1270 = tpu.memref_slice %arg5[%arg0, %add3A_1215, %dma_wait3A_1269] : memref<2x10240x128xf32, #tpu.memory_space<hbm>> -> memref<1x16x128xf32, #tpu.memory_space<hbm>>
      %dma_wait3A_1271 = tpu.memref_squeeze %dma_wait3A_1270 : memref<1x16x128xf32, #tpu.memory_space<hbm>> -> memref<16x128xf32, #tpu.memory_space<hbm>>
      %dma_wait3A_1272 = arith.constant 0 : i32
      %dma_wait3A_1273 = tpu.memref_slice %arg11[%add3A_1215, %dma_wait3A_1272] : memref<10240x128xf32, #tpu.memory_space<vmem_shared>> -> memref<16x128xf32, #tpu.memory_space<vmem_shared>>
      tpu.wait_dma2 semaphore(%run_scoped3A : memref<!tpu.dma_semaphore, #tpu.memory_space<semaphore_mem>>) src(%dma_wait3A_1273 : memref<16x128xf32, #tpu.memory_space<vmem_shared>>) dst(%dma_wait3A_1271 : memref<16x128xf32, #tpu.memory_space<hbm>>)
      tpu.yield
    }) : () -> ()
    %mul3A_1216 = arith.constant 640 : i32
    %mul3A_1217 = arith.muli %arg1, %mul3A_1216 : i32
    %add3A_1218 = arith.constant 448 : i32
    %add3A_1219 = arith.addi %mul3A_1217, %add3A_1218 : i32
    "tpu.region"() ({
      %run_scoped3A = tpu.sem_alloc : memref<!tpu.dma_semaphore, #tpu.memory_space<semaphore_mem>>
      %dma_start3A_1264 = arith.constant 0 : i32
      %dma_start3A_1265 = tpu.memref_slice %arg5[%arg0, %add3A_1219, %dma_start3A_1264] : memref<2x10240x128xf32, #tpu.memory_space<hbm>> -> memref<1x16x128xf32, #tpu.memory_space<hbm>>
      %dma_start3A_1266 = tpu.memref_squeeze %dma_start3A_1265 : memref<1x16x128xf32, #tpu.memory_space<hbm>> -> memref<16x128xf32, #tpu.memory_space<hbm>>
      %dma_start3A_1267 = arith.constant 0 : i32
      %dma_start3A_1268 = tpu.memref_slice %arg11[%add3A_1219, %dma_start3A_1267] : memref<10240x128xf32, #tpu.memory_space<vmem_shared>> -> memref<16x128xf32, #tpu.memory_space<vmem_shared>>
      tpu.enqueue_dma source(%dma_start3A_1268 : memref<16x128xf32, #tpu.memory_space<vmem_shared>>) target(%dma_start3A_1266 : memref<16x128xf32, #tpu.memory_space<hbm>>) target_semaphore(%run_scoped3A : memref<!tpu.dma_semaphore, #tpu.memory_space<semaphore_mem>>)
      %dma_wait3A_1269 = arith.constant 0 : i32
      %dma_wait3A_1270 = tpu.memref_slice %arg5[%arg0, %add3A_1219, %dma_wait3A_1269] : memref<2x10240x128xf32, #tpu.memory_space<hbm>> -> memref<1x16x128xf32, #tpu.memory_space<hbm>>
      %dma_wait3A_1271 = tpu.memref_squeeze %dma_wait3A_1270 : memref<1x16x128xf32, #tpu.memory_space<hbm>> -> memref<16x128xf32, #tpu.memory_space<hbm>>
      %dma_wait3A_1272 = arith.constant 0 : i32
      %dma_wait3A_1273 = tpu.memref_slice %arg11[%add3A_1219, %dma_wait3A_1272] : memref<10240x128xf32, #tpu.memory_space<vmem_shared>> -> memref<16x128xf32, #tpu.memory_space<vmem_shared>>
      tpu.wait_dma2 semaphore(%run_scoped3A : memref<!tpu.dma_semaphore, #tpu.memory_space<semaphore_mem>>) src(%dma_wait3A_1273 : memref<16x128xf32, #tpu.memory_space<vmem_shared>>) dst(%dma_wait3A_1271 : memref<16x128xf32, #tpu.memory_space<hbm>>)
      tpu.yield
    }) : () -> ()
    %mul3A_1220 = arith.constant 640 : i32
    %mul3A_1221 = arith.muli %arg1, %mul3A_1220 : i32
    %add3A_1222 = arith.constant 464 : i32
    %add3A_1223 = arith.addi %mul3A_1221, %add3A_1222 : i32
    "tpu.region"() ({
      %run_scoped3A = tpu.sem_alloc : memref<!tpu.dma_semaphore, #tpu.memory_space<semaphore_mem>>
      %dma_start3A_1264 = arith.constant 0 : i32
      %dma_start3A_1265 = tpu.memref_slice %arg5[%arg0, %add3A_1223, %dma_start3A_1264] : memref<2x10240x128xf32, #tpu.memory_space<hbm>> -> memref<1x16x128xf32, #tpu.memory_space<hbm>>
      %dma_start3A_1266 = tpu.memref_squeeze %dma_start3A_1265 : memref<1x16x128xf32, #tpu.memory_space<hbm>> -> memref<16x128xf32, #tpu.memory_space<hbm>>
      %dma_start3A_1267 = arith.constant 0 : i32
      %dma_start3A_1268 = tpu.memref_slice %arg11[%add3A_1223, %dma_start3A_1267] : memref<10240x128xf32, #tpu.memory_space<vmem_shared>> -> memref<16x128xf32, #tpu.memory_space<vmem_shared>>
      tpu.enqueue_dma source(%dma_start3A_1268 : memref<16x128xf32, #tpu.memory_space<vmem_shared>>) target(%dma_start3A_1266 : memref<16x128xf32, #tpu.memory_space<hbm>>) target_semaphore(%run_scoped3A : memref<!tpu.dma_semaphore, #tpu.memory_space<semaphore_mem>>)
      %dma_wait3A_1269 = arith.constant 0 : i32
      %dma_wait3A_1270 = tpu.memref_slice %arg5[%arg0, %add3A_1223, %dma_wait3A_1269] : memref<2x10240x128xf32, #tpu.memory_space<hbm>> -> memref<1x16x128xf32, #tpu.memory_space<hbm>>
      %dma_wait3A_1271 = tpu.memref_squeeze %dma_wait3A_1270 : memref<1x16x128xf32, #tpu.memory_space<hbm>> -> memref<16x128xf32, #tpu.memory_space<hbm>>
      %dma_wait3A_1272 = arith.constant 0 : i32
      %dma_wait3A_1273 = tpu.memref_slice %arg11[%add3A_1223, %dma_wait3A_1272] : memref<10240x128xf32, #tpu.memory_space<vmem_shared>> -> memref<16x128xf32, #tpu.memory_space<vmem_shared>>
      tpu.wait_dma2 semaphore(%run_scoped3A : memref<!tpu.dma_semaphore, #tpu.memory_space<semaphore_mem>>) src(%dma_wait3A_1273 : memref<16x128xf32, #tpu.memory_space<vmem_shared>>) dst(%dma_wait3A_1271 : memref<16x128xf32, #tpu.memory_space<hbm>>)
      tpu.yield
    }) : () -> ()
    %mul3A_1224 = arith.constant 640 : i32
    %mul3A_1225 = arith.muli %arg1, %mul3A_1224 : i32
    %add3A_1226 = arith.constant 480 : i32
    %add3A_1227 = arith.addi %mul3A_1225, %add3A_1226 : i32
    "tpu.region"() ({
      %run_scoped3A = tpu.sem_alloc : memref<!tpu.dma_semaphore, #tpu.memory_space<semaphore_mem>>
      %dma_start3A_1264 = arith.constant 0 : i32
      %dma_start3A_1265 = tpu.memref_slice %arg5[%arg0, %add3A_1227, %dma_start3A_1264] : memref<2x10240x128xf32, #tpu.memory_space<hbm>> -> memref<1x16x128xf32, #tpu.memory_space<hbm>>
      %dma_start3A_1266 = tpu.memref_squeeze %dma_start3A_1265 : memref<1x16x128xf32, #tpu.memory_space<hbm>> -> memref<16x128xf32, #tpu.memory_space<hbm>>
      %dma_start3A_1267 = arith.constant 0 : i32
      %dma_start3A_1268 = tpu.memref_slice %arg11[%add3A_1227, %dma_start3A_1267] : memref<10240x128xf32, #tpu.memory_space<vmem_shared>> -> memref<16x128xf32, #tpu.memory_space<vmem_shared>>
      tpu.enqueue_dma source(%dma_start3A_1268 : memref<16x128xf32, #tpu.memory_space<vmem_shared>>) target(%dma_start3A_1266 : memref<16x128xf32, #tpu.memory_space<hbm>>) target_semaphore(%run_scoped3A : memref<!tpu.dma_semaphore, #tpu.memory_space<semaphore_mem>>)
      %dma_wait3A_1269 = arith.constant 0 : i32
      %dma_wait3A_1270 = tpu.memref_slice %arg5[%arg0, %add3A_1227, %dma_wait3A_1269] : memref<2x10240x128xf32, #tpu.memory_space<hbm>> -> memref<1x16x128xf32, #tpu.memory_space<hbm>>
      %dma_wait3A_1271 = tpu.memref_squeeze %dma_wait3A_1270 : memref<1x16x128xf32, #tpu.memory_space<hbm>> -> memref<16x128xf32, #tpu.memory_space<hbm>>
      %dma_wait3A_1272 = arith.constant 0 : i32
      %dma_wait3A_1273 = tpu.memref_slice %arg11[%add3A_1227, %dma_wait3A_1272] : memref<10240x128xf32, #tpu.memory_space<vmem_shared>> -> memref<16x128xf32, #tpu.memory_space<vmem_shared>>
      tpu.wait_dma2 semaphore(%run_scoped3A : memref<!tpu.dma_semaphore, #tpu.memory_space<semaphore_mem>>) src(%dma_wait3A_1273 : memref<16x128xf32, #tpu.memory_space<vmem_shared>>) dst(%dma_wait3A_1271 : memref<16x128xf32, #tpu.memory_space<hbm>>)
      tpu.yield
    }) : () -> ()
    %mul3A_1228 = arith.constant 640 : i32
    %mul3A_1229 = arith.muli %arg1, %mul3A_1228 : i32
    %add3A_1230 = arith.constant 496 : i32
    %add3A_1231 = arith.addi %mul3A_1229, %add3A_1230 : i32
    "tpu.region"() ({
      %run_scoped3A = tpu.sem_alloc : memref<!tpu.dma_semaphore, #tpu.memory_space<semaphore_mem>>
      %dma_start3A_1264 = arith.constant 0 : i32
      %dma_start3A_1265 = tpu.memref_slice %arg5[%arg0, %add3A_1231, %dma_start3A_1264] : memref<2x10240x128xf32, #tpu.memory_space<hbm>> -> memref<1x16x128xf32, #tpu.memory_space<hbm>>
      %dma_start3A_1266 = tpu.memref_squeeze %dma_start3A_1265 : memref<1x16x128xf32, #tpu.memory_space<hbm>> -> memref<16x128xf32, #tpu.memory_space<hbm>>
      %dma_start3A_1267 = arith.constant 0 : i32
      %dma_start3A_1268 = tpu.memref_slice %arg11[%add3A_1231, %dma_start3A_1267] : memref<10240x128xf32, #tpu.memory_space<vmem_shared>> -> memref<16x128xf32, #tpu.memory_space<vmem_shared>>
      tpu.enqueue_dma source(%dma_start3A_1268 : memref<16x128xf32, #tpu.memory_space<vmem_shared>>) target(%dma_start3A_1266 : memref<16x128xf32, #tpu.memory_space<hbm>>) target_semaphore(%run_scoped3A : memref<!tpu.dma_semaphore, #tpu.memory_space<semaphore_mem>>)
      %dma_wait3A_1269 = arith.constant 0 : i32
      %dma_wait3A_1270 = tpu.memref_slice %arg5[%arg0, %add3A_1231, %dma_wait3A_1269] : memref<2x10240x128xf32, #tpu.memory_space<hbm>> -> memref<1x16x128xf32, #tpu.memory_space<hbm>>
      %dma_wait3A_1271 = tpu.memref_squeeze %dma_wait3A_1270 : memref<1x16x128xf32, #tpu.memory_space<hbm>> -> memref<16x128xf32, #tpu.memory_space<hbm>>
      %dma_wait3A_1272 = arith.constant 0 : i32
      %dma_wait3A_1273 = tpu.memref_slice %arg11[%add3A_1231, %dma_wait3A_1272] : memref<10240x128xf32, #tpu.memory_space<vmem_shared>> -> memref<16x128xf32, #tpu.memory_space<vmem_shared>>
      tpu.wait_dma2 semaphore(%run_scoped3A : memref<!tpu.dma_semaphore, #tpu.memory_space<semaphore_mem>>) src(%dma_wait3A_1273 : memref<16x128xf32, #tpu.memory_space<vmem_shared>>) dst(%dma_wait3A_1271 : memref<16x128xf32, #tpu.memory_space<hbm>>)
      tpu.yield
    }) : () -> ()
    %mul3A_1232 = arith.constant 640 : i32
    %mul3A_1233 = arith.muli %arg1, %mul3A_1232 : i32
    %add3A_1234 = arith.constant 512 : i32
    %add3A_1235 = arith.addi %mul3A_1233, %add3A_1234 : i32
    "tpu.region"() ({
      %run_scoped3A = tpu.sem_alloc : memref<!tpu.dma_semaphore, #tpu.memory_space<semaphore_mem>>
      %dma_start3A_1264 = arith.constant 0 : i32
      %dma_start3A_1265 = tpu.memref_slice %arg5[%arg0, %add3A_1235, %dma_start3A_1264] : memref<2x10240x128xf32, #tpu.memory_space<hbm>> -> memref<1x16x128xf32, #tpu.memory_space<hbm>>
      %dma_start3A_1266 = tpu.memref_squeeze %dma_start3A_1265 : memref<1x16x128xf32, #tpu.memory_space<hbm>> -> memref<16x128xf32, #tpu.memory_space<hbm>>
      %dma_start3A_1267 = arith.constant 0 : i32
      %dma_start3A_1268 = tpu.memref_slice %arg11[%add3A_1235, %dma_start3A_1267] : memref<10240x128xf32, #tpu.memory_space<vmem_shared>> -> memref<16x128xf32, #tpu.memory_space<vmem_shared>>
      tpu.enqueue_dma source(%dma_start3A_1268 : memref<16x128xf32, #tpu.memory_space<vmem_shared>>) target(%dma_start3A_1266 : memref<16x128xf32, #tpu.memory_space<hbm>>) target_semaphore(%run_scoped3A : memref<!tpu.dma_semaphore, #tpu.memory_space<semaphore_mem>>)
      %dma_wait3A_1269 = arith.constant 0 : i32
      %dma_wait3A_1270 = tpu.memref_slice %arg5[%arg0, %add3A_1235, %dma_wait3A_1269] : memref<2x10240x128xf32, #tpu.memory_space<hbm>> -> memref<1x16x128xf32, #tpu.memory_space<hbm>>
      %dma_wait3A_1271 = tpu.memref_squeeze %dma_wait3A_1270 : memref<1x16x128xf32, #tpu.memory_space<hbm>> -> memref<16x128xf32, #tpu.memory_space<hbm>>
      %dma_wait3A_1272 = arith.constant 0 : i32
      %dma_wait3A_1273 = tpu.memref_slice %arg11[%add3A_1235, %dma_wait3A_1272] : memref<10240x128xf32, #tpu.memory_space<vmem_shared>> -> memref<16x128xf32, #tpu.memory_space<vmem_shared>>
      tpu.wait_dma2 semaphore(%run_scoped3A : memref<!tpu.dma_semaphore, #tpu.memory_space<semaphore_mem>>) src(%dma_wait3A_1273 : memref<16x128xf32, #tpu.memory_space<vmem_shared>>) dst(%dma_wait3A_1271 : memref<16x128xf32, #tpu.memory_space<hbm>>)
      tpu.yield
    }) : () -> ()
    %mul3A_1236 = arith.constant 640 : i32
    %mul3A_1237 = arith.muli %arg1, %mul3A_1236 : i32
    %add3A_1238 = arith.constant 528 : i32
    %add3A_1239 = arith.addi %mul3A_1237, %add3A_1238 : i32
    "tpu.region"() ({
      %run_scoped3A = tpu.sem_alloc : memref<!tpu.dma_semaphore, #tpu.memory_space<semaphore_mem>>
      %dma_start3A_1264 = arith.constant 0 : i32
      %dma_start3A_1265 = tpu.memref_slice %arg5[%arg0, %add3A_1239, %dma_start3A_1264] : memref<2x10240x128xf32, #tpu.memory_space<hbm>> -> memref<1x16x128xf32, #tpu.memory_space<hbm>>
      %dma_start3A_1266 = tpu.memref_squeeze %dma_start3A_1265 : memref<1x16x128xf32, #tpu.memory_space<hbm>> -> memref<16x128xf32, #tpu.memory_space<hbm>>
      %dma_start3A_1267 = arith.constant 0 : i32
      %dma_start3A_1268 = tpu.memref_slice %arg11[%add3A_1239, %dma_start3A_1267] : memref<10240x128xf32, #tpu.memory_space<vmem_shared>> -> memref<16x128xf32, #tpu.memory_space<vmem_shared>>
      tpu.enqueue_dma source(%dma_start3A_1268 : memref<16x128xf32, #tpu.memory_space<vmem_shared>>) target(%dma_start3A_1266 : memref<16x128xf32, #tpu.memory_space<hbm>>) target_semaphore(%run_scoped3A : memref<!tpu.dma_semaphore, #tpu.memory_space<semaphore_mem>>)
      %dma_wait3A_1269 = arith.constant 0 : i32
      %dma_wait3A_1270 = tpu.memref_slice %arg5[%arg0, %add3A_1239, %dma_wait3A_1269] : memref<2x10240x128xf32, #tpu.memory_space<hbm>> -> memref<1x16x128xf32, #tpu.memory_space<hbm>>
      %dma_wait3A_1271 = tpu.memref_squeeze %dma_wait3A_1270 : memref<1x16x128xf32, #tpu.memory_space<hbm>> -> memref<16x128xf32, #tpu.memory_space<hbm>>
      %dma_wait3A_1272 = arith.constant 0 : i32
      %dma_wait3A_1273 = tpu.memref_slice %arg11[%add3A_1239, %dma_wait3A_1272] : memref<10240x128xf32, #tpu.memory_space<vmem_shared>> -> memref<16x128xf32, #tpu.memory_space<vmem_shared>>
      tpu.wait_dma2 semaphore(%run_scoped3A : memref<!tpu.dma_semaphore, #tpu.memory_space<semaphore_mem>>) src(%dma_wait3A_1273 : memref<16x128xf32, #tpu.memory_space<vmem_shared>>) dst(%dma_wait3A_1271 : memref<16x128xf32, #tpu.memory_space<hbm>>)
      tpu.yield
    }) : () -> ()
    %mul3A_1240 = arith.constant 640 : i32
    %mul3A_1241 = arith.muli %arg1, %mul3A_1240 : i32
    %add3A_1242 = arith.constant 544 : i32
    %add3A_1243 = arith.addi %mul3A_1241, %add3A_1242 : i32
    "tpu.region"() ({
      %run_scoped3A = tpu.sem_alloc : memref<!tpu.dma_semaphore, #tpu.memory_space<semaphore_mem>>
      %dma_start3A_1264 = arith.constant 0 : i32
      %dma_start3A_1265 = tpu.memref_slice %arg5[%arg0, %add3A_1243, %dma_start3A_1264] : memref<2x10240x128xf32, #tpu.memory_space<hbm>> -> memref<1x16x128xf32, #tpu.memory_space<hbm>>
      %dma_start3A_1266 = tpu.memref_squeeze %dma_start3A_1265 : memref<1x16x128xf32, #tpu.memory_space<hbm>> -> memref<16x128xf32, #tpu.memory_space<hbm>>
      %dma_start3A_1267 = arith.constant 0 : i32
      %dma_start3A_1268 = tpu.memref_slice %arg11[%add3A_1243, %dma_start3A_1267] : memref<10240x128xf32, #tpu.memory_space<vmem_shared>> -> memref<16x128xf32, #tpu.memory_space<vmem_shared>>
      tpu.enqueue_dma source(%dma_start3A_1268 : memref<16x128xf32, #tpu.memory_space<vmem_shared>>) target(%dma_start3A_1266 : memref<16x128xf32, #tpu.memory_space<hbm>>) target_semaphore(%run_scoped3A : memref<!tpu.dma_semaphore, #tpu.memory_space<semaphore_mem>>)
      %dma_wait3A_1269 = arith.constant 0 : i32
      %dma_wait3A_1270 = tpu.memref_slice %arg5[%arg0, %add3A_1243, %dma_wait3A_1269] : memref<2x10240x128xf32, #tpu.memory_space<hbm>> -> memref<1x16x128xf32, #tpu.memory_space<hbm>>
      %dma_wait3A_1271 = tpu.memref_squeeze %dma_wait3A_1270 : memref<1x16x128xf32, #tpu.memory_space<hbm>> -> memref<16x128xf32, #tpu.memory_space<hbm>>
      %dma_wait3A_1272 = arith.constant 0 : i32
      %dma_wait3A_1273 = tpu.memref_slice %arg11[%add3A_1243, %dma_wait3A_1272] : memref<10240x128xf32, #tpu.memory_space<vmem_shared>> -> memref<16x128xf32, #tpu.memory_space<vmem_shared>>
      tpu.wait_dma2 semaphore(%run_scoped3A : memref<!tpu.dma_semaphore, #tpu.memory_space<semaphore_mem>>) src(%dma_wait3A_1273 : memref<16x128xf32, #tpu.memory_space<vmem_shared>>) dst(%dma_wait3A_1271 : memref<16x128xf32, #tpu.memory_space<hbm>>)
      tpu.yield
    }) : () -> ()
    %mul3A_1244 = arith.constant 640 : i32
    %mul3A_1245 = arith.muli %arg1, %mul3A_1244 : i32
    %add3A_1246 = arith.constant 560 : i32
    %add3A_1247 = arith.addi %mul3A_1245, %add3A_1246 : i32
    "tpu.region"() ({
      %run_scoped3A = tpu.sem_alloc : memref<!tpu.dma_semaphore, #tpu.memory_space<semaphore_mem>>
      %dma_start3A_1264 = arith.constant 0 : i32
      %dma_start3A_1265 = tpu.memref_slice %arg5[%arg0, %add3A_1247, %dma_start3A_1264] : memref<2x10240x128xf32, #tpu.memory_space<hbm>> -> memref<1x16x128xf32, #tpu.memory_space<hbm>>
      %dma_start3A_1266 = tpu.memref_squeeze %dma_start3A_1265 : memref<1x16x128xf32, #tpu.memory_space<hbm>> -> memref<16x128xf32, #tpu.memory_space<hbm>>
      %dma_start3A_1267 = arith.constant 0 : i32
      %dma_start3A_1268 = tpu.memref_slice %arg11[%add3A_1247, %dma_start3A_1267] : memref<10240x128xf32, #tpu.memory_space<vmem_shared>> -> memref<16x128xf32, #tpu.memory_space<vmem_shared>>
      tpu.enqueue_dma source(%dma_start3A_1268 : memref<16x128xf32, #tpu.memory_space<vmem_shared>>) target(%dma_start3A_1266 : memref<16x128xf32, #tpu.memory_space<hbm>>) target_semaphore(%run_scoped3A : memref<!tpu.dma_semaphore, #tpu.memory_space<semaphore_mem>>)
      %dma_wait3A_1269 = arith.constant 0 : i32
      %dma_wait3A_1270 = tpu.memref_slice %arg5[%arg0, %add3A_1247, %dma_wait3A_1269] : memref<2x10240x128xf32, #tpu.memory_space<hbm>> -> memref<1x16x128xf32, #tpu.memory_space<hbm>>
      %dma_wait3A_1271 = tpu.memref_squeeze %dma_wait3A_1270 : memref<1x16x128xf32, #tpu.memory_space<hbm>> -> memref<16x128xf32, #tpu.memory_space<hbm>>
      %dma_wait3A_1272 = arith.constant 0 : i32
      %dma_wait3A_1273 = tpu.memref_slice %arg11[%add3A_1247, %dma_wait3A_1272] : memref<10240x128xf32, #tpu.memory_space<vmem_shared>> -> memref<16x128xf32, #tpu.memory_space<vmem_shared>>
      tpu.wait_dma2 semaphore(%run_scoped3A : memref<!tpu.dma_semaphore, #tpu.memory_space<semaphore_mem>>) src(%dma_wait3A_1273 : memref<16x128xf32, #tpu.memory_space<vmem_shared>>) dst(%dma_wait3A_1271 : memref<16x128xf32, #tpu.memory_space<hbm>>)
      tpu.yield
    }) : () -> ()
    %mul3A_1248 = arith.constant 640 : i32
    %mul3A_1249 = arith.muli %arg1, %mul3A_1248 : i32
    %add3A_1250 = arith.constant 576 : i32
    %add3A_1251 = arith.addi %mul3A_1249, %add3A_1250 : i32
    "tpu.region"() ({
      %run_scoped3A = tpu.sem_alloc : memref<!tpu.dma_semaphore, #tpu.memory_space<semaphore_mem>>
      %dma_start3A_1264 = arith.constant 0 : i32
      %dma_start3A_1265 = tpu.memref_slice %arg5[%arg0, %add3A_1251, %dma_start3A_1264] : memref<2x10240x128xf32, #tpu.memory_space<hbm>> -> memref<1x16x128xf32, #tpu.memory_space<hbm>>
      %dma_start3A_1266 = tpu.memref_squeeze %dma_start3A_1265 : memref<1x16x128xf32, #tpu.memory_space<hbm>> -> memref<16x128xf32, #tpu.memory_space<hbm>>
      %dma_start3A_1267 = arith.constant 0 : i32
      %dma_start3A_1268 = tpu.memref_slice %arg11[%add3A_1251, %dma_start3A_1267] : memref<10240x128xf32, #tpu.memory_space<vmem_shared>> -> memref<16x128xf32, #tpu.memory_space<vmem_shared>>
      tpu.enqueue_dma source(%dma_start3A_1268 : memref<16x128xf32, #tpu.memory_space<vmem_shared>>) target(%dma_start3A_1266 : memref<16x128xf32, #tpu.memory_space<hbm>>) target_semaphore(%run_scoped3A : memref<!tpu.dma_semaphore, #tpu.memory_space<semaphore_mem>>)
      %dma_wait3A_1269 = arith.constant 0 : i32
      %dma_wait3A_1270 = tpu.memref_slice %arg5[%arg0, %add3A_1251, %dma_wait3A_1269] : memref<2x10240x128xf32, #tpu.memory_space<hbm>> -> memref<1x16x128xf32, #tpu.memory_space<hbm>>
      %dma_wait3A_1271 = tpu.memref_squeeze %dma_wait3A_1270 : memref<1x16x128xf32, #tpu.memory_space<hbm>> -> memref<16x128xf32, #tpu.memory_space<hbm>>
      %dma_wait3A_1272 = arith.constant 0 : i32
      %dma_wait3A_1273 = tpu.memref_slice %arg11[%add3A_1251, %dma_wait3A_1272] : memref<10240x128xf32, #tpu.memory_space<vmem_shared>> -> memref<16x128xf32, #tpu.memory_space<vmem_shared>>
      tpu.wait_dma2 semaphore(%run_scoped3A : memref<!tpu.dma_semaphore, #tpu.memory_space<semaphore_mem>>) src(%dma_wait3A_1273 : memref<16x128xf32, #tpu.memory_space<vmem_shared>>) dst(%dma_wait3A_1271 : memref<16x128xf32, #tpu.memory_space<hbm>>)
      tpu.yield
    }) : () -> ()
    %mul3A_1252 = arith.constant 640 : i32
    %mul3A_1253 = arith.muli %arg1, %mul3A_1252 : i32
    %add3A_1254 = arith.constant 592 : i32
    %add3A_1255 = arith.addi %mul3A_1253, %add3A_1254 : i32
    "tpu.region"() ({
      %run_scoped3A = tpu.sem_alloc : memref<!tpu.dma_semaphore, #tpu.memory_space<semaphore_mem>>
      %dma_start3A_1264 = arith.constant 0 : i32
      %dma_start3A_1265 = tpu.memref_slice %arg5[%arg0, %add3A_1255, %dma_start3A_1264] : memref<2x10240x128xf32, #tpu.memory_space<hbm>> -> memref<1x16x128xf32, #tpu.memory_space<hbm>>
      %dma_start3A_1266 = tpu.memref_squeeze %dma_start3A_1265 : memref<1x16x128xf32, #tpu.memory_space<hbm>> -> memref<16x128xf32, #tpu.memory_space<hbm>>
      %dma_start3A_1267 = arith.constant 0 : i32
      %dma_start3A_1268 = tpu.memref_slice %arg11[%add3A_1255, %dma_start3A_1267] : memref<10240x128xf32, #tpu.memory_space<vmem_shared>> -> memref<16x128xf32, #tpu.memory_space<vmem_shared>>
      tpu.enqueue_dma source(%dma_start3A_1268 : memref<16x128xf32, #tpu.memory_space<vmem_shared>>) target(%dma_start3A_1266 : memref<16x128xf32, #tpu.memory_space<hbm>>) target_semaphore(%run_scoped3A : memref<!tpu.dma_semaphore, #tpu.memory_space<semaphore_mem>>)
      %dma_wait3A_1269 = arith.constant 0 : i32
      %dma_wait3A_1270 = tpu.memref_slice %arg5[%arg0, %add3A_1255, %dma_wait3A_1269] : memref<2x10240x128xf32, #tpu.memory_space<hbm>> -> memref<1x16x128xf32, #tpu.memory_space<hbm>>
      %dma_wait3A_1271 = tpu.memref_squeeze %dma_wait3A_1270 : memref<1x16x128xf32, #tpu.memory_space<hbm>> -> memref<16x128xf32, #tpu.memory_space<hbm>>
      %dma_wait3A_1272 = arith.constant 0 : i32
      %dma_wait3A_1273 = tpu.memref_slice %arg11[%add3A_1255, %dma_wait3A_1272] : memref<10240x128xf32, #tpu.memory_space<vmem_shared>> -> memref<16x128xf32, #tpu.memory_space<vmem_shared>>
      tpu.wait_dma2 semaphore(%run_scoped3A : memref<!tpu.dma_semaphore, #tpu.memory_space<semaphore_mem>>) src(%dma_wait3A_1273 : memref<16x128xf32, #tpu.memory_space<vmem_shared>>) dst(%dma_wait3A_1271 : memref<16x128xf32, #tpu.memory_space<hbm>>)
      tpu.yield
    }) : () -> ()
    %mul3A_1256 = arith.constant 640 : i32
    %mul3A_1257 = arith.muli %arg1, %mul3A_1256 : i32
    %add3A_1258 = arith.constant 608 : i32
    %add3A_1259 = arith.addi %mul3A_1257, %add3A_1258 : i32
    "tpu.region"() ({
      %run_scoped3A = tpu.sem_alloc : memref<!tpu.dma_semaphore, #tpu.memory_space<semaphore_mem>>
      %dma_start3A_1264 = arith.constant 0 : i32
      %dma_start3A_1265 = tpu.memref_slice %arg5[%arg0, %add3A_1259, %dma_start3A_1264] : memref<2x10240x128xf32, #tpu.memory_space<hbm>> -> memref<1x16x128xf32, #tpu.memory_space<hbm>>
      %dma_start3A_1266 = tpu.memref_squeeze %dma_start3A_1265 : memref<1x16x128xf32, #tpu.memory_space<hbm>> -> memref<16x128xf32, #tpu.memory_space<hbm>>
      %dma_start3A_1267 = arith.constant 0 : i32
      %dma_start3A_1268 = tpu.memref_slice %arg11[%add3A_1259, %dma_start3A_1267] : memref<10240x128xf32, #tpu.memory_space<vmem_shared>> -> memref<16x128xf32, #tpu.memory_space<vmem_shared>>
      tpu.enqueue_dma source(%dma_start3A_1268 : memref<16x128xf32, #tpu.memory_space<vmem_shared>>) target(%dma_start3A_1266 : memref<16x128xf32, #tpu.memory_space<hbm>>) target_semaphore(%run_scoped3A : memref<!tpu.dma_semaphore, #tpu.memory_space<semaphore_mem>>)
      %dma_wait3A_1269 = arith.constant 0 : i32
      %dma_wait3A_1270 = tpu.memref_slice %arg5[%arg0, %add3A_1259, %dma_wait3A_1269] : memref<2x10240x128xf32, #tpu.memory_space<hbm>> -> memref<1x16x128xf32, #tpu.memory_space<hbm>>
      %dma_wait3A_1271 = tpu.memref_squeeze %dma_wait3A_1270 : memref<1x16x128xf32, #tpu.memory_space<hbm>> -> memref<16x128xf32, #tpu.memory_space<hbm>>
      %dma_wait3A_1272 = arith.constant 0 : i32
      %dma_wait3A_1273 = tpu.memref_slice %arg11[%add3A_1259, %dma_wait3A_1272] : memref<10240x128xf32, #tpu.memory_space<vmem_shared>> -> memref<16x128xf32, #tpu.memory_space<vmem_shared>>
      tpu.wait_dma2 semaphore(%run_scoped3A : memref<!tpu.dma_semaphore, #tpu.memory_space<semaphore_mem>>) src(%dma_wait3A_1273 : memref<16x128xf32, #tpu.memory_space<vmem_shared>>) dst(%dma_wait3A_1271 : memref<16x128xf32, #tpu.memory_space<hbm>>)
      tpu.yield
    }) : () -> ()
    %mul3A_1260 = arith.constant 640 : i32
    %mul3A_1261 = arith.muli %arg1, %mul3A_1260 : i32
    %add3A_1262 = arith.constant 624 : i32
    %add3A_1263 = arith.addi %mul3A_1261, %add3A_1262 : i32
    "tpu.region"() ({
      %run_scoped3A = tpu.sem_alloc : memref<!tpu.dma_semaphore, #tpu.memory_space<semaphore_mem>>
      %dma_start3A_1264 = arith.constant 0 : i32
      %dma_start3A_1265 = tpu.memref_slice %arg5[%arg0, %add3A_1263, %dma_start3A_1264] : memref<2x10240x128xf32, #tpu.memory_space<hbm>> -> memref<1x16x128xf32, #tpu.memory_space<hbm>>
      %dma_start3A_1266 = tpu.memref_squeeze %dma_start3A_1265 : memref<1x16x128xf32, #tpu.memory_space<hbm>> -> memref<16x128xf32, #tpu.memory_space<hbm>>
      %dma_start3A_1267 = arith.constant 0 : i32
      %dma_start3A_1268 = tpu.memref_slice %arg11[%add3A_1263, %dma_start3A_1267] : memref<10240x128xf32, #tpu.memory_space<vmem_shared>> -> memref<16x128xf32, #tpu.memory_space<vmem_shared>>
      tpu.enqueue_dma source(%dma_start3A_1268 : memref<16x128xf32, #tpu.memory_space<vmem_shared>>) target(%dma_start3A_1266 : memref<16x128xf32, #tpu.memory_space<hbm>>) target_semaphore(%run_scoped3A : memref<!tpu.dma_semaphore, #tpu.memory_space<semaphore_mem>>)
      %dma_wait3A_1269 = arith.constant 0 : i32
      %dma_wait3A_1270 = tpu.memref_slice %arg5[%arg0, %add3A_1263, %dma_wait3A_1269] : memref<2x10240x128xf32, #tpu.memory_space<hbm>> -> memref<1x16x128xf32, #tpu.memory_space<hbm>>
      %dma_wait3A_1271 = tpu.memref_squeeze %dma_wait3A_1270 : memref<1x16x128xf32, #tpu.memory_space<hbm>> -> memref<16x128xf32, #tpu.memory_space<hbm>>
      %dma_wait3A_1272 = arith.constant 0 : i32
      %dma_wait3A_1273 = tpu.memref_slice %arg11[%add3A_1263, %dma_wait3A_1272] : memref<10240x128xf32, #tpu.memory_space<vmem_shared>> -> memref<16x128xf32, #tpu.memory_space<vmem_shared>>
      tpu.wait_dma2 semaphore(%run_scoped3A : memref<!tpu.dma_semaphore, #tpu.memory_space<semaphore_mem>>) src(%dma_wait3A_1273 : memref<16x128xf32, #tpu.memory_space<vmem_shared>>) dst(%dma_wait3A_1271 : memref<16x128xf32, #tpu.memory_space<hbm>>)
      tpu.yield
    }) : () -> ()
    return
  }
}

module attributes {stable_mosaic.version = 14 : i64} {
  func.func @body(%arg0: i32, %arg1: memref<16000x16xf32, #tpu.memory_space<vmem>>, %arg2: memref<16x128xf32, #tpu.memory_space<vmem>>, %arg3: memref<16000x128xf32, #tpu.memory_space<vmem>>) attributes {dimension_semantics = [#tpu.dimension_semantics<arbitrary>], iteration_bounds = array<i64: 20>, scalar_prefetch = 0 : i64, scratch_operands = 0 : i64, tpu.core_type = #tpu.core_type<tc>, window_params = [{transform_indices = @transform_0, window_bounds = array<i64: 16000, 16>}, {pipeline_mode = #tpu.pipeline_mode<synchronous>, transform_indices = @transform_1, window_bounds = array<i64: 16, 128>}, {transform_indices = @transform_2, window_bounds = array<i64: 16000, 128>}]} {
    %get3A = arith.constant 0 : index
    %get3A_0 = arith.constant 0 : index
    %get3A_1 = vector.load %arg1[%get3A, %get3A_0] : memref<16000x16xf32, #tpu.memory_space<vmem>>, vector<16000x16xf32>
    %get3A_2 = arith.constant 0 : index
    %get3A_3 = arith.constant 0 : index
    %get3A_4 = vector.load %arg2[%get3A_2, %get3A_3] : memref<16x128xf32, #tpu.memory_space<vmem>>, vector<16x128xf32>
    %dot_general3A = arith.constant dense<0.000000e+00> : vector<16000x128xf32>
    %dot_general3A_5 = tpu.matmul %get3A_1, %get3A_4, %dot_general3A {dimension_numbers = #tpu.dot_dimension_numbers<[1], [0], [0], [1], [0, 0, 1, 1], [], []>, transpose_lhs_hint = false} : vector<16000x16xf32>, vector<16x128xf32>, vector<16000x128xf32> -> vector<16000x128xf32>
    %swap3A = arith.constant 0 : index
    %swap3A_6 = arith.constant 0 : index
    %swap3A_7 = vector.load %arg3[%swap3A, %swap3A_6] : memref<16000x128xf32, #tpu.memory_space<vmem>>, vector<16000x128xf32>
    tpu.vector_store %arg3[%swap3A, %swap3A_6], %dot_general3A_5 {strides = array<i32>} : memref<16000x128xf32, #tpu.memory_space<vmem>>, vector<16000x128xf32>,
    return
  }
  func.func @transform_0(%arg0: i32) -> (i32, i32) {
    %add3A = arith.constant 0 : i32
    %add3A_0 = arith.addi %arg0, %add3A : i32
    %c0_i32 = arith.constant 0 : i32
    %c0_i32_1 = arith.constant 0 : i32
    return %add3A_0, %c0_i32 : i32, i32
  }
  func.func @transform_1(%arg0: i32) -> (i32, i32) {
    %c0_i32 = arith.constant 0 : i32
    %c0_i32_0 = arith.constant 0 : i32
    %c0_i32_1 = arith.constant 0 : i32
    return %c0_i32, %c0_i32_0 : i32, i32
  }
  func.func @transform_2(%arg0: i32) -> (i32, i32) {
    %c0_i32 = arith.constant 0 : i32
    %c0_i32_0 = arith.constant 0 : i32
    return %arg0, %c0_i32 : i32, i32
  }
}

module attributes {stable_mosaic.version = 14 : i64} {
  func.func @body(%arg0: i32, %arg1: memref<2x2000x128xf32, #tpu.memory_space<vmem>>, %arg2: memref<2000x128xf32, #tpu.memory_space<vmem>>, %arg3: memref<1x128xf32, #tpu.memory_space<vmem>>, %arg4: memref<1x128xf32, #tpu.memory_space<vmem>>, %arg5: memref<1x128xf32, #tpu.memory_space<vmem>>, %arg6: memref<128x512xf32, #tpu.memory_space<vmem>>, %arg7: memref<1x512xf32, #tpu.memory_space<vmem>>, %arg8: memref<512x128xf32, #tpu.memory_space<vmem>>, %arg9: memref<1x128xf32, #tpu.memory_space<vmem>>, %arg10: memref<1x128xf32, #tpu.memory_space<vmem>>, %arg11: memref<2000x128xf32, #tpu.memory_space<vmem>>) attributes {dimension_semantics = [#tpu.dimension_semantics<arbitrary>], iteration_bounds = array<i64: 5>, scalar_prefetch = 0 : i64, scratch_operands = 0 : i64, tpu.core_type = #tpu.core_type<tc>, window_params = [{transform_indices = @transform_0, window_bounds = array<i64: 2, 2000, 128>}, {transform_indices = @transform_1, window_bounds = array<i64: 2000, 128>}, {pipeline_mode = #tpu.pipeline_mode<synchronous>, transform_indices = @transform_2, window_bounds = array<i64: 1, 128>}, {pipeline_mode = #tpu.pipeline_mode<synchronous>, transform_indices = @transform_3, window_bounds = array<i64: 1, 128>}, {pipeline_mode = #tpu.pipeline_mode<synchronous>, transform_indices = @transform_4, window_bounds = array<i64: 1, 128>}, {pipeline_mode = #tpu.pipeline_mode<synchronous>, transform_indices = @transform_5, window_bounds = array<i64: 128, 512>}, {pipeline_mode = #tpu.pipeline_mode<synchronous>, transform_indices = @transform_6, window_bounds = array<i64: 1, 512>}, {pipeline_mode = #tpu.pipeline_mode<synchronous>, transform_indices = @transform_7, window_bounds = array<i64: 512, 128>}, {pipeline_mode = #tpu.pipeline_mode<synchronous>, transform_indices = @transform_8, window_bounds = array<i64: 1, 128>}, {pipeline_mode = #tpu.pipeline_mode<synchronous>, transform_indices = @transform_9, window_bounds = array<i64: 1, 128>}, {transform_indices = @transform_10, window_bounds = array<i64: 2000, 128>}]} {
    %get3A = arith.constant 0 : index
    %get3A_0 = arith.constant 0 : index
    %get3A_1 = arith.constant 0 : index
    %get3A_2 = vector.load %arg1[%get3A, %get3A_0, %get3A_1] : memref<2x2000x128xf32, #tpu.memory_space<vmem>>, vector<1x2000x128xf32>
    %get3A_3 = vector.shape_cast %get3A_2 : vector<1x2000x128xf32> to vector<2000x128xf32>
    %get3A_4 = arith.constant 1 : index
    %get3A_5 = arith.constant 0 : index
    %get3A_6 = arith.constant 0 : index
    %get3A_7 = vector.load %arg1[%get3A_4, %get3A_5, %get3A_6] : memref<2x2000x128xf32, #tpu.memory_space<vmem>>, vector<1x2000x128xf32>
    %get3A_8 = vector.shape_cast %get3A_7 : vector<1x2000x128xf32> to vector<2000x128xf32>
    %add3A = arith.addf %get3A_3, %get3A_8 : vector<2000x128xf32>
    %get3A_9 = arith.constant 0 : index
    %get3A_10 = arith.constant 0 : index
    %get3A_11 = vector.load %arg3[%get3A_9, %get3A_10] : memref<1x128xf32, #tpu.memory_space<vmem>>, vector<1x128xf32>
    %add3A_12 = vector.broadcast %get3A_11 : vector<1x128xf32> to vector<2000x128xf32>
    %add3A_13 = arith.addf %add3A, %add3A_12 : vector<2000x128xf32>
    %reduce_sum3A = arith.constant dense<0.000000e+00> : vector<2000xf32>
    %reduce_sum3A_14 = vector.multi_reduction <add>, %add3A_13, %reduce_sum3A [1] : vector<2000x128xf32> to vector<2000xf32>
    %broadcast_in_dim3A = vector.shape_cast %reduce_sum3A_14 : vector<2000xf32> to vector<2000x1xf32>
    %div3A = arith.constant 1.280000e+02 : f32
    %div3A_15 = vector.broadcast %div3A : f32 to vector<2000x1xf32>
    %div3A_16 = arith.divf %broadcast_in_dim3A, %div3A_15 : vector<2000x1xf32>
    %sub3A = vector.broadcast %div3A_16 : vector<2000x1xf32> to vector<2000x128xf32>
    %sub3A_17 = arith.subf %add3A_13, %sub3A : vector<2000x128xf32>
    %mul3A = arith.mulf %sub3A_17, %sub3A_17 : vector<2000x128xf32>
    %reduce_sum3A_18 = arith.constant dense<0.000000e+00> : vector<2000xf32>
    %reduce_sum3A_19 = vector.multi_reduction <add>, %mul3A, %reduce_sum3A_18 [1] : vector<2000x128xf32> to vector<2000xf32>
    %broadcast_in_dim3A_20 = vector.shape_cast %reduce_sum3A_19 : vector<2000xf32> to vector<2000x1xf32>
    %div3A_21 = arith.constant 1.280000e+02 : f32
    %div3A_22 = vector.broadcast %div3A_21 : f32 to vector<2000x1xf32>
    %div3A_23 = arith.divf %broadcast_in_dim3A_20, %div3A_22 : vector<2000x1xf32>
    %add3A_24 = arith.constant 9.99999974E-6 : f32
    %add3A_25 = vector.broadcast %add3A_24 : f32 to vector<2000x1xf32>
    %add3A_26 = arith.addf %div3A_23, %add3A_25 : vector<2000x1xf32>
    %rsqrt3A = math.rsqrt %add3A_26 : vector<2000x1xf32>
    %mul3A_27 = vector.broadcast %rsqrt3A : vector<2000x1xf32> to vector<2000x128xf32>
    %mul3A_28 = arith.mulf %sub3A_17, %mul3A_27 : vector<2000x128xf32>
    %get3A_29 = arith.constant 0 : index
    %get3A_30 = arith.constant 0 : index
    %get3A_31 = vector.load %arg4[%get3A_29, %get3A_30] : memref<1x128xf32, #tpu.memory_space<vmem>>, vector<1x128xf32>
    %mul3A_32 = vector.broadcast %get3A_31 : vector<1x128xf32> to vector<2000x128xf32>
    %mul3A_33 = arith.mulf %mul3A_28, %mul3A_32 : vector<2000x128xf32>
    %get3A_34 = arith.constant 0 : index
    %get3A_35 = arith.constant 0 : index
    %get3A_36 = vector.load %arg5[%get3A_34, %get3A_35] : memref<1x128xf32, #tpu.memory_space<vmem>>, vector<1x128xf32>
    %add3A_37 = vector.broadcast %get3A_36 : vector<1x128xf32> to vector<2000x128xf32>
    %add3A_38 = arith.addf %mul3A_33, %add3A_37 : vector<2000x128xf32>
    %get3A_39 = arith.constant 0 : index
    %get3A_40 = arith.constant 0 : index
    %get3A_41 = vector.load %arg6[%get3A_39, %get3A_40] : memref<128x512xf32, #tpu.memory_space<vmem>>, vector<128x512xf32>
    %dot_general3A = arith.constant dense<0.000000e+00> : vector<2000x512xf32>
    %dot_general3A_42 = tpu.matmul %add3A_38, %get3A_41, %dot_general3A {dimension_numbers = #tpu.dot_dimension_numbers<[1], [0], [0], [1], [0, 0, 1, 1], [], []>, transpose_lhs_hint = false} : vector<2000x128xf32>, vector<128x512xf32>, vector<2000x512xf32> -> vector<2000x512xf32>
    %get3A_43 = arith.constant 0 : index
    %get3A_44 = arith.constant 0 : index
    %get3A_45 = vector.load %arg7[%get3A_43, %get3A_44] : memref<1x512xf32, #tpu.memory_space<vmem>>, vector<1x512xf32>
    %add3A_46 = vector.broadcast %get3A_45 : vector<1x512xf32> to vector<2000x512xf32>
    %add3A_47 = arith.addf %dot_general3A_42, %add3A_46 : vector<2000x512xf32>
    %mul3A_48 = arith.constant 5.000000e-01 : f32
    %mul3A_49 = vector.broadcast %mul3A_48 : f32 to vector<2000x512xf32>
    %mul3A_50 = arith.mulf %mul3A_49, %add3A_47 : vector<2000x512xf32>
    %mul3A_51 = arith.constant 0.707106769 : f32
    %mul3A_52 = vector.broadcast %mul3A_51 : f32 to vector<2000x512xf32>
    %mul3A_53 = arith.mulf %add3A_47, %mul3A_52 : vector<2000x512xf32>
    %erf3A = math.erf %mul3A_53 : vector<2000x512xf32>
    %add3A_54 = arith.constant 1.000000e+00 : f32
    %add3A_55 = vector.broadcast %add3A_54 : f32 to vector<2000x512xf32>
    %add3A_56 = arith.addf %add3A_55, %erf3A : vector<2000x512xf32>
    %mul3A_57 = arith.mulf %mul3A_50, %add3A_56 : vector<2000x512xf32>
    %get3A_58 = arith.constant 0 : index
    %get3A_59 = arith.constant 0 : index
    %get3A_60 = vector.load %arg8[%get3A_58, %get3A_59] : memref<512x128xf32, #tpu.memory_space<vmem>>, vector<512x128xf32>
    %dot_general3A_61 = arith.constant dense<0.000000e+00> : vector<2000x128xf32>
    %dot_general3A_62 = tpu.matmul %mul3A_57, %get3A_60, %dot_general3A_61 {dimension_numbers = #tpu.dot_dimension_numbers<[1], [0], [0], [1], [0, 0, 1, 1], [], []>, transpose_lhs_hint = false} : vector<2000x512xf32>, vector<512x128xf32>, vector<2000x128xf32> -> vector<2000x128xf32>
    %get3A_63 = arith.constant 0 : index
    %get3A_64 = arith.constant 0 : index
    %get3A_65 = vector.load %arg9[%get3A_63, %get3A_64] : memref<1x128xf32, #tpu.memory_space<vmem>>, vector<1x128xf32>
    %add3A_66 = vector.broadcast %get3A_65 : vector<1x128xf32> to vector<2000x128xf32>
    %add3A_67 = arith.addf %dot_general3A_62, %add3A_66 : vector<2000x128xf32>
    %get3A_68 = arith.constant 0 : index
    %get3A_69 = arith.constant 0 : index
    %get3A_70 = vector.load %arg10[%get3A_68, %get3A_69] : memref<1x128xf32, #tpu.memory_space<vmem>>, vector<1x128xf32>
    %mul3A_71 = vector.broadcast %get3A_70 : vector<1x128xf32> to vector<2000x128xf32>
    %mul3A_72 = arith.mulf %mul3A_71, %add3A_67 : vector<2000x128xf32>
    %get3A_73 = arith.constant 0 : index
    %get3A_74 = arith.constant 0 : index
    %get3A_75 = vector.load %arg2[%get3A_73, %get3A_74] : memref<2000x128xf32, #tpu.memory_space<vmem>>, vector<2000x128xf32>
    %add3A_76 = arith.addf %mul3A_72, %get3A_75 : vector<2000x128xf32>
    %swap3A = arith.constant 0 : index
    %swap3A_77 = arith.constant 0 : index
    %swap3A_78 = vector.load %arg11[%swap3A, %swap3A_77] : memref<2000x128xf32, #tpu.memory_space<vmem>>, vector<2000x128xf32>
    tpu.vector_store %arg11[%swap3A, %swap3A_77], %add3A_76 {strides = array<i32>} : memref<2000x128xf32, #tpu.memory_space<vmem>>, vector<2000x128xf32>,
    return
  }
  func.func @transform_0(%arg0: i32) -> (i32, i32, i32) {
    %c0_i32 = arith.constant 0 : i32
    %c0_i32_0 = arith.constant 0 : i32
    %c0_i32_1 = arith.constant 0 : i32
    return %c0_i32, %arg0, %c0_i32_0 : i32, i32, i32
  }
  func.func @transform_1(%arg0: i32) -> (i32, i32) {
    %c0_i32 = arith.constant 0 : i32
    %c0_i32_0 = arith.constant 0 : i32
    return %arg0, %c0_i32 : i32, i32
  }
  func.func @transform_2(%arg0: i32) -> (i32, i32) {
    %c0_i32 = arith.constant 0 : i32
    %c0_i32_0 = arith.constant 0 : i32
    %c0_i32_1 = arith.constant 0 : i32
    return %c0_i32, %c0_i32_0 : i32, i32
  }
  func.func @transform_3(%arg0: i32) -> (i32, i32) {
    %c0_i32 = arith.constant 0 : i32
    %c0_i32_0 = arith.constant 0 : i32
    %c0_i32_1 = arith.constant 0 : i32
    return %c0_i32, %c0_i32_0 : i32, i32
  }
  func.func @transform_4(%arg0: i32) -> (i32, i32) {
    %c0_i32 = arith.constant 0 : i32
    %c0_i32_0 = arith.constant 0 : i32
    %c0_i32_1 = arith.constant 0 : i32
    return %c0_i32, %c0_i32_0 : i32, i32
  }
  func.func @transform_5(%arg0: i32) -> (i32, i32) {
    %c0_i32 = arith.constant 0 : i32
    %c0_i32_0 = arith.constant 0 : i32
    %c0_i32_1 = arith.constant 0 : i32
    return %c0_i32, %c0_i32_0 : i32, i32
  }
  func.func @transform_6(%arg0: i32) -> (i32, i32) {
    %c0_i32 = arith.constant 0 : i32
    %c0_i32_0 = arith.constant 0 : i32
    %c0_i32_1 = arith.constant 0 : i32
    return %c0_i32, %c0_i32_0 : i32, i32
  }
  func.func @transform_7(%arg0: i32) -> (i32, i32) {
    %c0_i32 = arith.constant 0 : i32
    %c0_i32_0 = arith.constant 0 : i32
    %c0_i32_1 = arith.constant 0 : i32
    return %c0_i32, %c0_i32_0 : i32, i32
  }
  func.func @transform_8(%arg0: i32) -> (i32, i32) {
    %c0_i32 = arith.constant 0 : i32
    %c0_i32_0 = arith.constant 0 : i32
    %c0_i32_1 = arith.constant 0 : i32
    return %c0_i32, %c0_i32_0 : i32, i32
  }
  func.func @transform_9(%arg0: i32) -> (i32, i32) {
    %c0_i32 = arith.constant 0 : i32
    %c0_i32_0 = arith.constant 0 : i32
    %c0_i32_1 = arith.constant 0 : i32
    return %c0_i32, %c0_i32_0 : i32, i32
  }
  func.func @transform_10(%arg0: i32) -> (i32, i32) {
    %c0_i32 = arith.constant 0 : i32
    %c0_i32_0 = arith.constant 0 : i32
    return %arg0, %c0_i32 : i32, i32
  }
}

</mosaic_0001>

<sc_bundles>
// kernel: kernel.5.cloned.1.call-start
scs
__scs_entry_jumppad:
0x0: {  	(pc) =	sbr.rel $0x88, $3  }
0x1: {  	(tag) =	ssettag $0x0;
	lr =	simm.s32 $0x1  }
0x2: {  	[smem:$0x3F95] =	sst lr;
	_ =	strace $0xD0000000  }
0x3: {  	_ = 	snop  }
0x4: {  	_ = 	snop  }
0x5: {  	_ = 	snop  }
0x6: {  	_ = 	snop  }
0x7: {  	_ = 	snop  }
__scs_overlays_trampoline_lowered:
0x8: {  	[smem:$0x3FA4] =	sst s0  }
0x9: {  	[smem:$0x3FA5] =	sst s1  }
0xa: {  	[smem:$0x3FA6] =	sst s2  }
0xb: {  	[smem:$0x3FA7] =	sst s3  }
0xc: {  	[smem:$0x3FA8] =	sst s4  }
0xd: {  	[smem:$0x3FA9] =	sst s5  }
0xe: {  	[smem:$0x3FAA] =	sst s6  }
0xf: {  	[smem:$0x3FAB] =	sst s7  }
0x10: {  	[smem:$0x3FAC] =	sst s8  }
0x11: {  	[smem:$0x3FAD] =	sst s9;
	s0 =	simm.s32 @!p0 $0x0  }
0x12: {  	s1 =	sld [smem:$0x3F93];
	s0 =	simm.s32 @p0 $0x1  }
0x13: {  	[smem:$0x3FAE] =	sst s0;
	s0 =	simm.s32 @!p1 $0x0  }
0x14: {  	s2 =	sld [smem:$0x3F92];
	s0 =	simm.s32 @p1 $0x1  }
0x15: {  	[smem:$0x3FAF] =	sst s0;
	s0 =	simm.s32 @!p2 $0x0  }
0x16: {  	s3 =	sld [smem:$0x3FDB];
	s0 =	simm.s32 @p2 $0x1  }
0x17: {  	s4 =	simm.s32 $0x1BF5;
	[smem:$0x3FB1] =	sst s0  }
0x18: {  	s0 =	sld [smem:$0x3F94];
	_ =	swait.ge [sflag:s4], $0x0  }
0x19: {  	s7 =	sld [smem:$0x3F95]  }
0x1a: {  	s8 =	sadd.s32 $0xFFFFE003, lr  }
0x1b: {  	s9 =	sadd.s32 $0xFFFFFEF7, lr;
	s5 =	simm.s32 $0xFFFFFFFF;
	p2 =	slt.u32 s8, $0xFFFFF086  }
0x1c: {  	p1 =	slt.u32 s9, $0xF7A;
	s5 =	simm.s32 @!p2 $0x0  }
0x1d: {  	s5 =	simm.s32 @p1 $0x1;
	p0 =	seq.s32 s7, s2  }
0x1e: {  	s7 =	smul.u32 @!p0 $0xF7A, s2;
	p2 =	seq.s32 @!p0 s5, $0x0  }
0x1f: {  	s9 =	smul.u32 $0xF7A, s1;
	s8 =	simm.s32 @!p0 $0x1BF5;
	p2 =	por !p2, p0  }
0x20: {  	[sflag:s8] =	ssyncset.s32 @!p0 $0xFFFFF086;
	s6 =	sadd.s32 @!p0 s3, s7;
	s7 =	simm.s32 @!p0 $0x108  }
0x21: {  	s3 =	sadd.s32 s3, s9;
	s6 =	sadd.s32 @!p0 $0x88, s6;
	s7 =	simm.s32 @p2 $0x1082  }
0x22: {  	[simem:s7], [sflag:s8] =	dma.local @!p0 [hbm:s6], $0xF7A  }
0x23: {  	s9 =	sor.u32 $0xD0000000, s2;
	s6 =	simm.s32 $0x108;
	_ =	swait.ge @!p0 [sflag:s8], $0x0  }
0x24: {  	s3 =	sadd.s32 $0x88, s3;
	s6 =	simm.s32 @!p1 $0x1082;
	[sflag:s4] =	ssyncset.s32 $0xFFFFF086  }
0x25: {  	[simem:s6], [sflag:s4] =	dma.local [hbm:s3], $0xF7A  }
0x26: {  	[smem:$0x3F95] =	sst s1;
	(tag) =	ssettag s2;
	_ =	strace s9  }
0x27: {  	s1 =	sld [smem:$0x3FA5]  }
0x28: {  	s2 =	sld [smem:$0x3FA6]  }
0x29: {  	s4 =	sld [smem:$0x3FA8]  }
0x2a: {  	p0 =	seq.s32 s5, $0x0;
	s5 =	sld [smem:$0x3FA9]  }
0x2b: {  	s6 =	sld [smem:$0x3FAA]  }
0x2c: {  	s7 =	sld [smem:$0x3FAB]  }
0x2d: {  	s3 =	simm.s32 $0x108;
	s8 =	sld [smem:$0x3FAC]  }
0x2e: {  	s3 =	simm.s32 @!p0 $0x1082;
	s9 =	sld [smem:$0x3FAD]  }
0x2f: {  	lr =	sadd.s32 s0, s3;
	s0 =	sld [smem:$0x3FA4]  }
0x30: {  	s3 =	sld [smem:$0x3FA7]  }
0x31: {  	[smem:$0x3FB0] =	sst s10  }
0x32: {  	s10 =	sld [smem:$0x3FAE];
	_ =	sdelay $0x3  }
0x33: {  	p0 =	seq.s32 s10, $0x1;
	s10 =	sld [smem:$0x3FB0];
	_ =	sdelay $0x3  }
0x34: {  	[smem:$0x3FB0] =	sst s10  }
0x35: {  	s10 =	sld [smem:$0x3FAF];
	_ =	sdelay $0x3  }
0x36: {  	p1 =	seq.s32 s10, $0x1;
	s10 =	sld [smem:$0x3FB0];
	_ =	sdelay $0x3  }
0x37: {  	[smem:$0x3FB0] =	sst s10  }
0x38: {  	s10 =	sld [smem:$0x3FB1]  }
0x39: {  	_ = 	snop;
	(pc) =	sbr.ind lr, $3  }
0x3a: {  	_ = 	snop  }
0x3b: {  	_ = 	snop  }
0x3c: {  	p2 =	seq.s32 s10, $0x1;
	s10 =	sld [smem:$0x3FB0]  }
0x3d: {  	_ =	shalt  }
0x3e: {  	_ =	shalt  }
0x3f: {  	_ =	shalt  }
0x40: {  	_ =	shalt  }
0x41: {  	_ =	shalt  }
0x42: {  	_ =	shalt  }
0x43: {  	_ =	shalt  }
0x44: {  	_ =	shalt  }
0x45: {  	_ =	shalt  }
0x46: {  	_ =	shalt  }
0x47: {  	_ =	shalt  }
0x48: {  	_ =	shalt  }
0x49: {  	_ =	shalt  }
0x4a: {  	_ =	shalt  }
0x4b: {  	_ =	shalt  }
0x4c: {  	_ =	shalt  }
0x4d: {  	_ =	shalt  }
0x4e: {  	_ =	shalt  }
0x4f: {  	_ =	shalt  }
0x50: {  	_ =	shalt  }
0x51: {  	_ =	shalt  }
0x52: {  	_ =	shalt  }
0x53: {  	_ =	shalt  }
0x54: {  	_ =	shalt  }
0x55: {  	_ =	shalt  }
0x56: {  	_ =	shalt  }
0x57: {  	_ =	shalt  }
0x58: {  	_ =	shalt  }
0x59: {  	_ =	shalt  }
0x5a: {  	_ =	shalt  }
0x5b: {  	_ =	shalt  }
0x5c: {  	_ =	shalt  }
0x5d: {  	_ =	shalt  }
0x5e: {  	_ =	shalt  }
0x5f: {  	_ =	shalt  }
0x60: {  	_ =	shalt  }
0x61: {  	_ =	shalt  }
0x62: {  	_ =	shalt  }
0x63: {  	_ =	shalt  }
0x64: {  	_ =	shalt  }
0x65: {  	_ =	shalt  }
0x66: {  	_ =	shalt  }
0x67: {  	_ =	shalt  }
0x68: {  	_ =	shalt  }
0x69: {  	_ =	shalt  }
0x6a: {  	_ =	shalt  }
0x6b: {  	_ =	shalt  }
0x6c: {  	_ =	shalt  }
0x6d: {  	_ =	shalt  }
0x6e: {  	_ =	shalt  }
0x6f: {  	_ =	shalt  }
0x70: {  	_ =	shalt  }
0x71: {  	_ =	shalt  }
0x72: {  	_ =	shalt  }
0x73: {  	_ =	shalt  }
0x74: {  	_ =	shalt  }
0x75: {  	_ =	shalt  }
0x76: {  	_ =	shalt  }
0x77: {  	_ =	shalt  }
0x78: {  	_ =	shalt  }
0x79: {  	_ =	shalt  }
0x7a: {  	_ =	shalt  }
0x7b: {  	_ =	shalt  }
0x7c: {  	_ =	shalt  }
0x7d: {  	_ =	shalt  }
0x7e: {  	_ =	shalt  }
0x7f: {  	_ =	shalt  }
0x80: {  	_ =	shalt  }
0x81: {  	_ =	shalt  }
0x82: {  	_ =	shalt  }
0x83: {  	_ =	shalt  }
0x84: {  	_ =	shalt  }
0x85: {  	_ =	shalt  }
0x86: {  	_ =	shalt  }
0x87: {  	_ =	shalt  }
.Lfunc_end0:
.L_simem_size_0:
called_computation_lowered:
.L_overlay_start_0:
0x88: {  	s2 =	sld [smem:$0x3FD9]  }
0x89: {  	s3 =	sld [smem:$0x3FFE];
	_ =	sdelay $0x1  }
0x8a: {  	s1 =	srdreg.scid  }
0x8b: {  	s0 =	sand.u32 $0x1, s1  }
0x8c: {  	s17 =	sshll.u32 s0, $0xA;
	s2 =	sadd.s32 s3, s2  }
0x8d: {  	s2 =	sadd.s32 s2, s17  }
0x8e: {  	[smem:$0x3FBC] =	sst s2  }
0x8f: {  	_ = 	snop  }
0x90: {  	s2 =	sld [smem:$0x3FC9]  }
0x91: {  	s18 =	sld [smem:$0x3FD0];
	(tm) =	ssettm $0x1  }
0x92: {  	s4 =	sld [smem:$0x3FFB];
	_ =	sdelay $0x3  }
0x93: {  	_ =	strace s4  }
0x94: {  	s4 =	sld [smem:$0x3FFC];
	_ =	sdelay $0x3  }
0x95: {  	_ =	strace s4  }
0x96: {  	s4 =	sld [smem:$0x3FFD];
	_ =	sdelay $0x3  }
0x97: {  	_ =	strace s4  }
0x98: {  	_ =	strace $0x8FFFFFFF  }
0x99: {  	s19 =	sld [smem:$0x3FDB];
	_ =	sdelay $0x1  }
0x9a: {  	s5 =	simm.s32 $_scs_section_size  }
0x9b: {  	s6 =	simm.s32 $_size__tile_overlayer_lowered;
	s7 =	simm.s32 $_tile_overlayer_lowered  }
0x9c: {  	s22 =	simm.s32 $0x1BFF;
	s21 =	sshll.u32 s7, $0x1;
	s4 =	sadd.s32 s5, s19  }
0x9d: {  	s8 =	simm.s32 $0x0;
	s20 =	sshll.u32 s6, $0x1;
	s6 =	sadd.s32 s21, s4  }
0x9e: {  	[timem:s8], [sflag:s22] =	dma.local [hbm:s6], s20  }
0x9f: {  	_ =	swait.ge [sflag:s22], s20  }
0xa0: {  	s5 =	ssub.s32 $0x0, s20;
	[sflag:s22] =	ssyncset.done $0x0  }
0xa1: {  	[sflag:s22] =	ssyncadd.s32 s5;
	_ =	sdelay $0x1  }
0xa2: {  	s23 =	simm.s32 $0x1B8B  }
0xa3: {  	_ =	swait.ge [sflag:s23], $0x1  }
0xa4: {  	[sflag:s23] =	ssyncset.done $0x0  }
0xa5: {  	s25 =	simm.s32 $0x1B8E;
	s24 =	sld [smem:$0x3FFE];
	[sflag:s23] =	ssyncadd.s32 $0xFFFFFFFF  }
0xa6: {  	s26 =	simm.s32 $execute0_lowered;
	[smem:$0x3FD2] =	sst s25  }
0xa7: {  	s6 =	sshll.u32 s26, $0x1;
	_ =	strace $0x80000046;
	[dreg:$0x1] =	wrdreg $0xFFFFFFFF  }
0xa8: {  	s28 =	simm.s32 $_size_execute0_lowered;
	s4 =	sadd.s32 s4, s6;
	[dreg:$0x0] =	wrdreg $0x0  }
0xa9: {  	s6 =	sshll.u32 s28, $0x1;
	[dreg:$0x2] =	wrdreg s4  }
0xaa: {  	[dreg:$0x3] =	wrdreg s6  }
0xab: {  	[dreg:$0x4] =	wrdreg $0xC0  }
0xac: {  	_ =	task [dreg:s8], $0x5FFFF  }
0xad: {  	[dreg:$0x1] =	wrdreg $0xFFFFFFFF  }
0xae: {  	[dreg:$0x0] =	wrdreg $0x60  }
0xaf: {  	[dreg:$0x2] =	wrdreg s2  }
0xb0: {  	[dreg:$0x3] =	wrdreg s24  }
0xb1: {  	[dreg:$0x4] =	wrdreg s18  }
0xb2: {  	[dreg:$0x5] =	wrdreg $0xAC000  }
0xb3: {  	[dreg:$0x6] =	wrdreg $0x9  }
0xb4: {  	_ =	task.clear_ibuf [dreg:s8], $0x7FFFF;
	_ =	strace $0x90000046  }
0xb5: {  	s29 =	simm.s32 $0x9;
	_ =	strace $0x80000048  }
0xb6: {  	_ =	swait.ge [sflag:s29], $0x1  }
0xb7: {  	[sflag:s29] =	ssyncadd.s32 $0xFFFFFFFF  }
0xb8: {  	_ =	strace $0x90000048  }
0xb9: {  	_ =	sfence  }
0xba: {  	s30 =	sld [smem:$0x0];
	_ =	sdelay $0x2  }
0xbb: {  	s31 =	sshll.u32 s1, $0xD;
	s1 =	sshrl.u32 s1, $0x2  }
0xbc: {  	s3 =	sand.u32 $0x4000, s31;
	s1 =	sadd.s32 s1, s30  }
0xbd: {  	s0 =	sor.u32 s3, s0;
	s1 =	sshll.u32 s1, $0x11  }
0xbe: {  	s0 =	sor.u32 s1, s0  }
0xbf: {  	s0 =	sadd.s32 $0x8F2B, s0  }
0xc0: {  	[sflag:s0] =	ssyncadd.remote.s32 $0x1  }
0xc1: {  	_ =	sfence.sel $0xFFFF  }
0xc2: {  	[dreg:$0x0] =	wrdreg $0xFFFFFFFF;
	(pc) =	sbr.abs _section_cstart, $3  }
0xc3: {  	[dreg:$0x1] =	wrdreg $0xFFFFFFFF  }
0xc4: {  	_ =	task.clear_ibuf [dreg:s8], $0x2FFFF;
	_ =	strace $0x9FFFFFFF  }
0xc5: {  	(tm) =	ssettm $0x7FFFFFFF  }
tec
execute0_lowered:
.L_overlay_start_1:
0x0: {  	(tag) =	ssettag $0x1  }
0x1: {  	s5 =	stileid.u32  }
0x2: {  	s9 =	smul.u32 $0x14000, s5  }
0x3: {  	s4 =	rddreg [dreg:$0x1];
	s1 =	simm.s32 $0x0  }
0x4: {  	[smem:$0x7FF] =	sst s1;
	s15 =	sadd.s32 $0x1C00, s4;
	s4 =	sor.u32 $0x1800, s9  }
0x5: {  	s25 =	sshll.u32 s5, $0x1;
	s5 =	sor.u32 $0x2000, s9;
	[smem:$0x7C0] =	sst s4  }
0x6: {  	s6 =	sor.u32 $0x3000, s9;
	[smem:$0x7C1] =	sst s5  }
0x7: {  	s8 =	sor.u32 $0x3800, s9;
	[smem:$0x7C2] =	sst s6  }
0x8: {  	s13 =	sadd.s32 $0x4000, s9;
	[smem:$0x7C3] =	sst s8  }
0x9: {  	s10 =	sadd.s32 $0x4800, s9;
	[smem:$0x7C5] =	sst s13  }
0xa: {  	s14 =	sadd.s32 $0x5000, s9;
	[smem:$0x7C7] =	sst s10  }
0xb: {  	s16 =	sadd.s32 $0x5800, s9;
	[smem:$0x7C9] =	sst s14  }
0xc: {  	s17 =	sadd.s32 $0x7800, s9;
	[smem:$0x7CB] =	sst s16  }
0xd: {  	s21 =	sadd.s32 $0x8000, s9;
	[smem:$0x7D0] =	sst s17  }
0xe: {  	s18 =	sadd.s32 $0x8800, s9;
	[smem:$0x7D2] =	sst s21  }
0xf: {  	s28 =	sadd.s32 $0x9800, s9;
	[smem:$0x7D4] =	sst s18  }
0x10: {  	s23 =	sadd.s32 $0xA000, s9;
	[smem:$0x7D8] =	sst s28  }
0x11: {  	s22 =	sadd.s32 $0xA800, s9;
	[smem:$0x7DA] =	sst s23  }
0x12: {  	s0 =	srdreg.scid;
	s19 =	sadd.s32 $0xB000, s9;
	[smem:$0x7DC] =	sst s22  }
0x13: {  	s0 =	sand.u32 $0x1, s0;
	s20 =	sadd.s32 $0xB800, s9;
	[smem:$0x7DE] =	sst s19  }
0x14: {  	s2 =	ssub.s32 $0x2, s0;
	s26 =	sadd.s32 $0xC000, s9;
	[smem:$0x7E0] =	sst s20  }
0x15: {  	s3 =	sshrl.u32 s2, $0x1;
	s24 =	sadd.s32 $0xC800, s9;
	[smem:$0x7A5] =	sst s26  }
0x16: {  	s2 =	ssub.s32 s2, s3;
	[smem:$0x7A6] =	sst s24  }
0x17: {  	s3 =	sor.u32 $0x1000, s9;
	[smem:$0x7F2] =	sst s2  }
0x18: {  	s26 =	sadd.s32 $0xD000, s9;
	[smem:$0x7BF] =	sst s3  }
0x19: {  	s24 =	sadd.s32 $0xD800, s9;
	[smem:$0x7A7] =	sst s26  }
0x1a: {  	s2 =	sor.u32 s0, s25;
	[smem:$0x7A8] =	sst s24  }
0x1b: {  	s12 =	smul.u32 $0x140000, s0;
	s25 =	sadd.s32 $0x9000, s9;
	[smem:$0x7E4] =	sst s2  }
0x1c: {  	s7 =	sor.u32 $0x2800, s9;
	s26 =	sadd.s32 $0xE000, s9;
	[smem:$0x7D6] =	sst s25  }
0x1d: {  	s30 =	sadd.s32 $0x6000, s9;
	s24 =	sadd.s32 $0xF000, s9;
	[smem:$0x7AA] =	sst s26  }
0x1e: {  	s29 =	sadd.s32 $0x6800, s9;
	s2 =	sor.u32 $0x800, s9;
	[smem:$0x7AB] =	sst s24  }
0x1f: {  	s0 =	sadd.s32 s9, s12;
	s24 =	sadd.s32 $0xF800, s9;
	[smem:$0x7BE] =	sst s2  }
0x20: {  	s11 =	sshrl.u32 s0, $0x3;
	s0 =	sadd.s32 $0x10800, s9;
	[smem:$0x7AF] =	sst s24  }
0x21: {  	s31 =	sadd.s32 $0x7000, s9;
	[smem:$0x7B0] =	sst s0;
	s0 =	sadd.s32 $0x11000, s9  }
0x22: {  	s4 =	sadd.s32 s12, s4;
	s11 =	sadd.s32 s15, s11;
	[smem:$0x7E5] =	sst s0  }
0x23: {  	s26 =	sadd.s32 $0xE800, s9;
	s0 =	sadd.s32 $0x11800, s9;
	[dreg:$0x5] =	wrdreg s11  }
0x24: {  	s24 =	sadd.s32 $0x10000, s9;
	[smem:$0x7B4] =	sst s0;
	s0 =	sadd.s32 $0x12000, s9  }
0x25: {  	s2 =	sadd.s32 s12, s2;
	[smem:$0x7B5] =	sst s0;
	s0 =	sadd.s32 $0x12800, s9  }
0x26: {  	[smem:$0x7B9] =	sst s0;
	s0 =	sadd.s32 $0x13000, s9;
	s9 =	sadd.s32 $0x13800, s9  }
0x27: {  	s3 =	sadd.s32 s12, s3;
	[smem:$0x7BB] =	sst s9;
	s9 =	sshrl.u32 s2, $0x3  }
0x28: {  	[smem:$0x7EA] =	sst s0;
	s2 =	sshrl.u32 s3, $0x3;
	s9 =	sadd.s32 s15, s9  }
0x29: {  	s0 =	sshrl.u32 s4, $0x3;
	s3 =	sadd.s32 s15, s2;
	[dreg:$0x6] =	wrdreg s9  }
0x2a: {  	s4 =	sadd.s32 s12, s5;
	s0 =	sadd.s32 s15, s0;
	[dreg:$0x7] =	wrdreg s3  }
0x2b: {  	s5 =	sadd.s32 s12, s7;
	[dreg:$0x8] =	wrdreg s0;
	s0 =	sshrl.u32 s4, $0x3  }
0x2c: {  	s4 =	smov.u32 s7;
	s7 =	sadd.s32 s12, s6;
	s9 =	sshrl.u32 s5, $0x3  }
0x2d: {  	s3 =	sadd.s32 s12, s8;
	s5 =	sadd.s32 s12, s13;
	s6 =	sadd.s32 s12, s10  }
0x2e: {  	s10 =	sadd.s32 s12, s14;
	s13 =	sadd.s32 s12, s30;
	s0 =	sadd.s32 s15, s0  }
0x2f: {  	s11 =	sshrl.u32 s7, $0x3;
	s8 =	sshrl.u32 s6, $0x3;
	s6 =	sadd.s32 s12, s17  }
0x30: {  	[dreg:$0x9] =	wrdreg s0;
	s0 =	sadd.s32 s15, s9;
	s2 =	sadd.s32 s15, s11  }
0x31: {  	s9 =	sadd.s32 s15, s8;
	s11 =	sadd.s32 s12, s16;
	[dreg:$0xa] =	wrdreg s0  }
0x32: {  	s16 =	sshrl.u32 s13, $0x3;
	s8 =	sshrl.u32 s6, $0x3;
	[dreg:$0xb] =	wrdreg s2  }
0x33: {  	s13 =	sadd.s32 s12, s25;
	[dreg:$0xe] =	wrdreg s9;
	s14 =	sshrl.u32 s11, $0x3  }
0x34: {  	s2 =	sadd.s32 s15, s16;
	s16 =	sshrl.u32 s13, $0x3;
	s13 =	sld [smem:$0x7A5]  }
0x35: {  	s11 =	sadd.s32 s12, s18;
	s18 =	sadd.s32 s12, s28;
	s28 =	rddreg [dreg:$0x2]  }
0x36: {  	s22 =	sadd.s32 s12, s22;
	s9 =	sadd.s32 s15, s8;
	[dreg:$0x11] =	wrdreg s2  }
0x37: {  	s25 =	sshrl.u32 s22, $0x3;
	s0 =	sshrl.u32 s3, $0x3;
	[dreg:$0x14] =	wrdreg s9  }
0x38: {  	s0 =	sadd.s32 s15, s0;
	s2 =	sadd.s32 s15, s25;
	s25 =	sld [smem:$0x7AB]  }
0x39: {  	s7 =	sshrl.u32 s5, $0x3;
	s17 =	sadd.s32 s15, s16;
	[dreg:$0xc] =	wrdreg s0  }
0x3a: {  	s5 =	sadd.s32 s12, s31;
	s0 =	sadd.s32 s15, s7;
	[dreg:$0x17] =	wrdreg s17  }
0x3b: {  	s3 =	sadd.s32 s12, s29;
	[dreg:$0xd] =	wrdreg s0;
	s0 =	sshrl.u32 s10, $0x3  }
0x3c: {  	s7 =	sshrl.u32 s5, $0x3;
	[dreg:$0x1a] =	wrdreg s2;
	s0 =	sadd.s32 s15, s0  }
0x3d: {  	s5 =	sadd.s32 s12, s20;
	[dreg:$0xf] =	wrdreg s0;
	s0 =	sadd.s32 s15, s14  }
0x3e: {  	s20 =	sadd.s32 s12, s26;
	[dreg:$0x10] =	wrdreg s0;
	s0 =	sshrl.u32 s3, $0x3  }
0x3f: {  	s10 =	sadd.s32 s12, s21;
	s21 =	sadd.s32 s12, s23;
	s0 =	sadd.s32 s15, s0  }
0x40: {  	s6 =	sadd.s32 s12, s13;
	[dreg:$0x12] =	wrdreg s0;
	s0 =	sadd.s32 s15, s7  }
0x41: {  	s22 =	sshrl.u32 s20, $0x3;
	[dreg:$0x13] =	wrdreg s0;
	s0 =	sshrl.u32 s10, $0x3  }
0x42: {  	s20 =	sld [smem:$0x7E5];
	s14 =	sshrl.u32 s11, $0x3;
	s0 =	sadd.s32 s15, s0  }
0x43: {  	s23 =	sshrl.u32 s21, $0x3;
	[dreg:$0x15] =	wrdreg s0;
	s0 =	sadd.s32 s15, s14  }
0x44: {  	s8 =	sshrl.u32 s6, $0x3;
	[dreg:$0x16] =	wrdreg s0;
	s0 =	sshrl.u32 s18, $0x3  }
0x45: {  	s9 =	sadd.s32 s15, s8;
	s8 =	sld [smem:$0x7A6];
	s0 =	sadd.s32 s15, s0  }
0x46: {  	s3 =	sadd.s32 s12, s19;
	[dreg:$0x18] =	wrdreg s0;
	s0 =	sadd.s32 s15, s23  }
0x47: {  	[dreg:$0x19] =	wrdreg s0;
	s0 =	sshrl.u32 s3, $0x3  }
0x48: {  	s6 =	sld [smem:$0x7A8];
	s7 =	sshrl.u32 s5, $0x3;
	s0 =	sadd.s32 s15, s0  }
0x49: {  	[dreg:$0x1b] =	wrdreg s0;
	s0 =	sadd.s32 s15, s7  }
0x4a: {  	s10 =	sadd.s32 s12, s8;
	[dreg:$0x1c] =	wrdreg s0  }
0x4b: {  	s14 =	sadd.s32 s12, s6;
	s0 =	sshrl.u32 s10, $0x3;
	s10 =	sld [smem:$0x7A7]  }
0x4c: {  	s21 =	sadd.s32 s12, s25;
	[dreg:$0x1d] =	wrdreg s9;
	s17 =	sshrl.u32 s14, $0x3  }
0x4d: {  	s5 =	smov.u32 s24;
	s14 =	sld [smem:$0x7AA];
	s18 =	sadd.s32 s15, s17  }
0x4e: {  	[smem:$0x7A9] =	sst s18;
	s3 =	sadd.s32 s12, s24;
	s11 =	sadd.s32 s12, s10  }
0x4f: {  	s24 =	sld [smem:$0x7B0];
	s0 =	sadd.s32 s15, s0;
	s16 =	sshrl.u32 s11, $0x3  }
0x50: {  	s23 =	sshrl.u32 s21, $0x3;
	[dreg:$0x1e] =	wrdreg s0;
	s0 =	sadd.s32 s15, s16  }
0x51: {  	s16 =	smov.u32 s26;
	s26 =	sadd.s32 s15, s23;
	s23 =	sld [smem:$0x7B4]  }
0x52: {  	[dreg:$0x1f] =	wrdreg s0  }
0x53: {  	s7 =	sadd.s32 s12, s24;
	[smem:$0x7AE] =	sst s26  }
0x54: {  	s19 =	sadd.s32 s12, s14;
	s18 =	sshrl.u32 s7, $0x3;
	s26 =	sld [smem:$0x7AF]  }
0x55: {  	s0 =	sshrl.u32 s19, $0x3;
	s19 =	sadd.s32 s15, s18;
	s18 =	sld [smem:$0x7EA]  }
0x56: {  	s0 =	sadd.s32 s15, s0;
	[smem:$0x7B3] =	sst s19  }
0x57: {  	s17 =	sshrl.u32 s3, $0x3;
	[smem:$0x7AC] =	sst s0;
	s0 =	sadd.s32 s15, s22  }
0x58: {  	s21 =	sadd.s32 s12, s23;
	s22 =	sld [smem:$0x7B5];
	s2 =	sadd.s32 s12, s26  }
0x59: {  	[smem:$0x7AD] =	sst s0;
	s3 =	sshrl.u32 s21, $0x3;
	s0 =	sshrl.u32 s2, $0x3  }
0x5a: {  	s21 =	sld [smem:$0x7B9];
	s19 =	sadd.s32 s12, s18;
	s0 =	sadd.s32 s15, s0  }
0x5b: {  	s2 =	sadd.s32 s12, s22;
	[smem:$0x7B1] =	sst s0;
	s0 =	sadd.s32 s15, s17  }
0x5c: {  	s7 =	sshrl.u32 s2, $0x3;
	[smem:$0x7B2] =	sst s0;
	s0 =	sadd.s32 s12, s20  }
0x5d: {  	s11 =	sadd.s32 s15, s7;
	s7 =	sld [smem:$0x7BB];
	s0 =	sshrl.u32 s0, $0x3  }
0x5e: {  	s17 =	sadd.s32 s12, s21;
	[smem:$0x7B8] =	sst s11;
	s0 =	sadd.s32 s15, s0  }
0x5f: {  	s2 =	sshrl.u32 s19, $0x3;
	[smem:$0x7B6] =	sst s0;
	s0 =	sadd.s32 s15, s3  }
0x60: {  	s2 =	sadd.s32 s15, s2;
	[smem:$0x7B7] =	sst s0;
	s0 =	sshrl.u32 s17, $0x3  }
0x61: {  	[smem:$0x7BC] =	sst s2;
	s20 =	sadd.s32 s12, s7;
	s0 =	sadd.s32 s15, s0  }
0x62: {  	[smem:$0x7BA] =	sst s0;
	s0 =	sshrl.u32 s20, $0x3  }
0x63: {  	s12 =	rddreg [dreg:$0x3];
	s0 =	sadd.s32 s15, s0  }
0x64: {  	s13 =	sadd.s32 s13, s12;
	[smem:$0x7BD] =	sst s0  }
0x65: {  	s8 =	sadd.s32 s8, s12;
	_ =	strace $0x80000047;
	[smem:$0x7E2] =	sst s13  }
0x66: {  	s10 =	sadd.s32 s10, s12;
	[smem:$0x7F6] =	sst s8  }
0x67: {  	s6 =	sadd.s32 s6, s12;
	[smem:$0x7F7] =	sst s10  }
0x68: {  	[smem:$0x7F8] =	sst s6  }
0x69: {  	s15 =	rddreg [dreg:$0x1]  }
0x6a: {  	s17 =	sld [smem:$0x7BE]  }
0x6b: {  	s9 =	stileid.u32;
	s18 =	sld [smem:$0x7BF]  }
0x6c: {  	s3 =	smul.u32 $0x50000, s9;
	s19 =	sld [smem:$0x7C0]  }
0x6d: {  	s20 =	sld [smem:$0x7C1]  }
0x6e: {  	s11 =	sshrl.u32 s3, $0x2;
	s9 =	sld [smem:$0x7C2]  }
0x6f: {  	s0 =	sadd.s32 s11, s12;
	s11 =	sld [smem:$0x7C3]  }
0x70: {  	s2 =	sadd.s32 s17, s12;
	s3 =	sadd.s32 s18, s12;
	s17 =	sadd.s32 s19, s12  }
0x71: {  	s18 =	sadd.s32 s20, s12;
	s20 =	sadd.s32 s9, s12;
	s9 =	sld [smem:$0x7C5]  }
0x72: {  	s19 =	sadd.s32 s4, s12;
	s4 =	sadd.s32 s11, s12;
	s11 =	sld [smem:$0x7C7]  }
0x73: {  	[smem:$0x7C4] =	sst s4  }
0x74: {  	s4 =	sadd.s32 s9, s12;
	s9 =	sld [smem:$0x7C9]  }
0x75: {  	[smem:$0x7C6] =	sst s4  }
0x76: {  	s4 =	sadd.s32 s11, s12;
	s11 =	sld [smem:$0x7CB]  }
0x77: {  	[smem:$0x7C8] =	sst s4;
	s4 =	sadd.s32 s9, s12  }
0x78: {  	s9 =	sadd.s32 s30, s12;
	s30 =	sadd.s32 s16, s12;
	[smem:$0x7CA] =	sst s4  }
0x79: {  	s16 =	smov.u32 s3;
	s3 =	sadd.s32 s22, s12;
	[smem:$0x7CD] =	sst s9  }
0x7a: {  	s9 =	sadd.s32 s31, s12;
	s31 =	sadd.s32 s5, s12;
	s5 =	sld [smem:$0x7E4]  }
0x7b: {  	s22 =	sadd.s32 s21, s12;
	[smem:$0x7E8] =	sst s3  }
0x7c: {  	[smem:$0x7E9] =	sst s22  }
0x7d: {  	s4 =	sadd.s32 s11, s12;
	[smem:$0x7FA] =	sst s30  }
0x7e: {  	s11 =	sadd.s32 s29, s12;
	[smem:$0x7CC] =	sst s4  }
0x7f: {  	[smem:$0x7CE] =	sst s11  }
0x80: {  	[smem:$0x7CF] =	sst s9  }
0x81: {  	s11 =	sld [smem:$0x7D0]  }
0x82: {  	s9 =	sld [smem:$0x7D2]  }
0x83: {  	[smem:$0x7FD] =	sst s31  }
0x84: {  	s4 =	sadd.s32 s11, s12;
	s11 =	sld [smem:$0x7D4]  }
0x85: {  	[smem:$0x7D1] =	sst s4  }
0x86: {  	s4 =	sadd.s32 s9, s12;
	s9 =	sld [smem:$0x7D6]  }
0x87: {  	[smem:$0x7D3] =	sst s4  }
0x88: {  	s4 =	sadd.s32 s11, s12;
	s11 =	sld [smem:$0x7D8]  }
0x89: {  	[smem:$0x7D5] =	sst s4  }
0x8a: {  	s4 =	sadd.s32 s9, s12;
	s9 =	sld [smem:$0x7DA]  }
0x8b: {  	[smem:$0x7D7] =	sst s4  }
0x8c: {  	s4 =	sadd.s32 s11, s12;
	s11 =	sld [smem:$0x7DC]  }
0x8d: {  	[smem:$0x7D9] =	sst s4  }
0x8e: {  	s4 =	sadd.s32 s9, s12;
	s9 =	sld [smem:$0x7DE]  }
0x8f: {  	[smem:$0x7DB] =	sst s4  }
0x90: {  	s4 =	sadd.s32 s11, s12;
	s11 =	sld [smem:$0x7E0]  }
0x91: {  	[smem:$0x7DD] =	sst s4;
	s4 =	sadd.s32 s9, s12;
	s9 =	sadd.s32 s14, s12  }
0x92: {  	s14 =	smov.u32 s2;
	s2 =	sadd.s32 s23, s12;
	s23 =	sld [smem:$0x7EA]  }
0x93: {  	[smem:$0x7DF] =	sst s4  }
0x94: {  	[smem:$0x7E7] =	sst s2  }
0x95: {  	[smem:$0x7F9] =	sst s9;
	s4 =	sadd.s32 s11, s12  }
0x96: {  	s11 =	sadd.s32 s25, s12;
	s25 =	sadd.s32 s24, s12;
	[smem:$0x7E1] =	sst s4  }
0x97: {  	s13 =	smov.u32 s0;
	s24 =	smul.u32 $0x2710, s5;
	[smem:$0x7E3] =	sst s25  }
0x98: {  	s15 =	sadd.s32 $0x4E3C00, s15;
	s4 =	sadd.s32 s26, s12;
	s26 =	sld [smem:$0x7E5]  }
0x99: {  	s29 =	smov.u32 s20;
	[smem:$0x7FB] =	sst s11;
	s25 =	sshrl.u32 s24, $0x3  }
0x9a: {  	s2 =	sadd.s32 $0x4E200, s24;
	s21 =	sadd.s32 $0x50, s24;
	[smem:$0x7FC] =	sst s4  }
0x9b: {  	[smem:$0x7ED] =	sst s2;
	s3 =	sshrl.u32 s2, $0x3;
	s0 =	sadd.s32 s26, s12  }
0x9c: {  	s22 =	sshrl.u32 s21, $0x3;
	s26 =	sadd.s32 s7, s12;
	[smem:$0x7E6] =	sst s0  }
0x9d: {  	s7 =	smul.u32 $0x27100, s5;
	s3 =	sadd.s32 s28, s3;
	[smem:$0x7EC] =	sst s26  }
0x9e: {  	s5 =	sshll.u32 s21, $0x4;
	s21 =	smov.u32 s13;
	[smem:$0x7EE] =	sst s3  }
0x9f: {  	s0 =	sadd.s32 s23, s12;
	s23 =	sadd.s32 s28, s22;
	s26 =	sld [smem:$0x7F2]  }
0xa0: {  	s3 =	simm.s32 $0xB;
	s22 =	smov.u32 s14;
	[smem:$0x7EB] =	sst s0  }
0xa1: {  	s0 =	sadd.s32 s28, s25;
	s2 =	sadd.s32 s15, s7;
	[smem:$0x7F0] =	sst s23  }
0xa2: {  	s25 =	sadd.s32 s15, s5;
	s5 =	simm.s32 $0x50;
	[smem:$0x7EF] =	sst s2  }
0xa3: {  	s7 =	simm.s32 $0x0;
	s23 =	smov.u32 s16;
	[smem:$0x7F1] =	sst s25  }
0xa4: {  	s28 =	smov.u32 s19;
	[smem:$0x7F4] =	sst s0;
	s0 =	sadd.s32 $0x9C4A, s0  }
0xa5: {  	s25 =	smov.u32 s17;
	s2 =	smax.u32 s26, $0x1;
	[smem:$0x7F5] =	sst s0  }
0xa6: {  	v0 =	vimm.f32 $0.0e+00;
	s26 =	smov.u32 s18;
	[smem:$0x7F3] =	sst s2;
	s2 =	simm.s32 $0xA400  }
.LBB2_1:
0xa7: {  	[tilespmem:$0xA400] =	vst v0  }
0xa8: {  	[tilespmem:$0xA410] =	vst v0  }
0xa9: {  	[tilespmem:$0xA420] =	vst v0  }
0xaa: {  	[tilespmem:$0xA430] =	vst v0  }
0xab: {  	[tilespmem:$0xA440] =	vst v0  }
0xac: {  	[tilespmem:$0xA450] =	vst v0  }
0xad: {  	[tilespmem:$0xA460] =	vst v0  }
0xae: {  	[tilespmem:$0xA470] =	vst v0  }
0xaf: {  	[tilespmem:$0xA480] =	vst v0  }
0xb0: {  	[tilespmem:$0xA490] =	vst v0  }
0xb1: {  	[tilespmem:$0xA4A0] =	vst v0  }
0xb2: {  	[tilespmem:$0xA4B0] =	vst v0  }
0xb3: {  	[tilespmem:$0xA4C0] =	vst v0  }
0xb4: {  	[tilespmem:$0xA4D0] =	vst v0  }
0xb5: {  	[tilespmem:$0xA4E0] =	vst v0  }
0xb6: {  	[tilespmem:$0xA4F0] =	vst v0  }
0xb7: {  	[tilespmem:$0xA500] =	vst v0  }
0xb8: {  	[tilespmem:$0xA510] =	vst v0  }
0xb9: {  	[tilespmem:$0xA520] =	vst v0  }
0xba: {  	[tilespmem:$0xA530] =	vst v0  }
0xbb: {  	[tilespmem:$0xA540] =	vst v0  }
0xbc: {  	[tilespmem:$0xA550] =	vst v0  }
0xbd: {  	[tilespmem:$0xA560] =	vst v0  }
0xbe: {  	[tilespmem:$0xA570] =	vst v0  }
0xbf: {  	[tilespmem:$0xA580] =	vst v0  }
0xc0: {  	[tilespmem:$0xA590] =	vst v0  }
0xc1: {  	[tilespmem:$0xA5A0] =	vst v0  }
0xc2: {  	[tilespmem:$0xA5B0] =	vst v0  }
0xc3: {  	[tilespmem:$0xA5C0] =	vst v0  }
0xc4: {  	[tilespmem:$0xA5D0] =	vst v0  }
0xc5: {  	[tilespmem:$0xA5E0] =	vst v0  }
0xc6: {  	[tilespmem:$0xA5F0] =	vst v0  }
0xc7: {  	[tilespmem:$0xA600] =	vst v0  }
0xc8: {  	[tilespmem:$0xA610] =	vst v0  }
0xc9: {  	[tilespmem:$0xA620] =	vst v0  }
0xca: {  	[tilespmem:$0xA630] =	vst v0  }
0xcb: {  	[tilespmem:$0xA640] =	vst v0  }
0xcc: {  	[tilespmem:$0xA650] =	vst v0  }
0xcd: {  	[tilespmem:$0xA660] =	vst v0  }
0xce: {  	[tilespmem:$0xA670] =	vst v0  }
0xcf: {  	[tilespmem:$0xA680] =	vst v0  }
0xd0: {  	[tilespmem:$0xA690] =	vst v0  }
0xd1: {  	[tilespmem:$0xA6A0] =	vst v0  }
0xd2: {  	[tilespmem:$0xA6B0] =	vst v0  }
0xd3: {  	[tilespmem:$0xA6C0] =	vst v0  }
0xd4: {  	[tilespmem:$0xA6D0] =	vst v0  }
0xd5: {  	[tilespmem:$0xA6E0] =	vst v0  }
0xd6: {  	[tilespmem:$0xA6F0] =	vst v0  }
0xd7: {  	[tilespmem:$0xA700] =	vst v0  }
0xd8: {  	[tilespmem:$0xA710] =	vst v0  }
0xd9: {  	[tilespmem:$0xA720] =	vst v0  }
0xda: {  	[tilespmem:$0xA730] =	vst v0  }
0xdb: {  	[tilespmem:$0xA740] =	vst v0  }
0xdc: {  	[tilespmem:$0xA750] =	vst v0  }
0xdd: {  	[tilespmem:$0xA760] =	vst v0  }
0xde: {  	[tilespmem:$0xA770] =	vst v0  }
0xdf: {  	[tilespmem:$0xA780] =	vst v0  }
0xe0: {  	[tilespmem:$0xA790] =	vst v0  }
0xe1: {  	[tilespmem:$0xA7A0] =	vst v0  }
0xe2: {  	[tilespmem:$0xA7B0] =	vst v0  }
0xe3: {  	[tilespmem:$0xA7C0] =	vst v0  }
0xe4: {  	[tilespmem:$0xA7D0] =	vst v0  }
0xe5: {  	[tilespmem:$0xA7E0] =	vst v0  }
0xe6: {  	[tilespmem:$0xA7F0] =	vst v0  }
0xe7: {  	[tilespmem:$0xA800] =	vst v0  }
0xe8: {  	[tilespmem:$0xA810] =	vst v0  }
0xe9: {  	[tilespmem:$0xA820] =	vst v0  }
0xea: {  	[tilespmem:$0xA830] =	vst v0  }
0xeb: {  	[tilespmem:$0xA840] =	vst v0  }
0xec: {  	[tilespmem:$0xA850] =	vst v0  }
0xed: {  	[tilespmem:$0xA860] =	vst v0  }
0xee: {  	[tilespmem:$0xA870] =	vst v0  }
0xef: {  	[tilespmem:$0xA880] =	vst v0  }
0xf0: {  	[tilespmem:$0xA890] =	vst v0  }
0xf1: {  	[tilespmem:$0xA8A0] =	vst v0  }
0xf2: {  	[tilespmem:$0xA8B0] =	vst v0  }
0xf3: {  	[tilespmem:$0xA8C0] =	vst v0  }
0xf4: {  	[tilespmem:$0xA8D0] =	vst v0  }
0xf5: {  	[tilespmem:$0xA8E0] =	vst v0  }
0xf6: {  	[tilespmem:$0xA8F0] =	vst v0  }
0xf7: {  	[tilespmem:$0xA900] =	vst v0  }
0xf8: {  	[tilespmem:$0xA910] =	vst v0  }
0xf9: {  	[tilespmem:$0xA920] =	vst v0  }
0xfa: {  	[tilespmem:$0xA930] =	vst v0  }
0xfb: {  	[tilespmem:$0xA940] =	vst v0  }
0xfc: {  	[tilespmem:$0xA950] =	vst v0  }
0xfd: {  	[tilespmem:$0xA960] =	vst v0  }
0xfe: {  	[tilespmem:$0xA970] =	vst v0  }
0xff: {  	[tilespmem:$0xA980] =	vst v0  }
0x100: {  	[tilespmem:$0xA990] =	vst v0  }
0x101: {  	[tilespmem:$0xA9A0] =	vst v0  }
0x102: {  	[tilespmem:$0xA9B0] =	vst v0  }
0x103: {  	[tilespmem:$0xA9C0] =	vst v0  }
0x104: {  	[tilespmem:$0xA9D0] =	vst v0  }
0x105: {  	[tilespmem:$0xA9E0] =	vst v0  }
0x106: {  	[tilespmem:$0xA9F0] =	vst v0  }
0x107: {  	[tilespmem:$0xAA00] =	vst v0  }
0x108: {  	[tilespmem:$0xAA10] =	vst v0  }
0x109: {  	[tilespmem:$0xAA20] =	vst v0  }
0x10a: {  	[tilespmem:$0xAA30] =	vst v0  }
0x10b: {  	[tilespmem:$0xAA40] =	vst v0  }
0x10c: {  	[tilespmem:$0xAA50] =	vst v0  }
0x10d: {  	[tilespmem:$0xAA60] =	vst v0  }
0x10e: {  	[tilespmem:$0xAA70] =	vst v0  }
0x10f: {  	[tilespmem:$0xAA80] =	vst v0  }
0x110: {  	[tilespmem:$0xAA90] =	vst v0  }
0x111: {  	[tilespmem:$0xAAA0] =	vst v0  }
0x112: {  	[tilespmem:$0xAAB0] =	vst v0  }
0x113: {  	[tilespmem:$0xAAC0] =	vst v0  }
0x114: {  	[tilespmem:$0xAAD0] =	vst v0  }
0x115: {  	[tilespmem:$0xAAE0] =	vst v0  }
0x116: {  	[tilespmem:$0xAAF0] =	vst v0  }
0x117: {  	[tilespmem:$0xAB00] =	vst v0  }
0x118: {  	[tilespmem:$0xAB10] =	vst v0  }
0x119: {  	[tilespmem:$0xAB20] =	vst v0  }
0x11a: {  	[tilespmem:$0xAB30] =	vst v0  }
0x11b: {  	[tilespmem:$0xAB40] =	vst v0  }
0x11c: {  	[tilespmem:$0xAB50] =	vst v0  }
0x11d: {  	[tilespmem:$0xAB60] =	vst v0  }
0x11e: {  	[tilespmem:$0xAB70] =	vst v0  }
0x11f: {  	[tilespmem:$0xAB80] =	vst v0  }
0x120: {  	[tilespmem:$0xAB90] =	vst v0  }
0x121: {  	[tilespmem:$0xABA0] =	vst v0  }
0x122: {  	[tilespmem:$0xABB0] =	vst v0  }
0x123: {  	[tilespmem:$0xABC0] =	vst v0  }
0x124: {  	[tilespmem:$0xABD0] =	vst v0  }
0x125: {  	[tilespmem:$0xABE0] =	vst v0  }
0x126: {  	[smem:$0x7A4] =	sst s7;
	[tilespmem:$0xABF0] =	vst v0  }
0x127: {  	[spmem:s13] =	stream.linear.scatter [tilespmem:s2], [sflag:$0xB], $0x800, $0x38;
	[tilespmem:$0x1EC00] =	vst v63  }
0x128: {  	_ =	swait.ge [sflag:s3], $0x800  }
0x129: {  	[sflag:s3] =	ssyncset.done $0x0  }
0x12a: {  	[sflag:s3] =	ssyncadd.s32 $0xFFFFF800  }
0x12b: {  	[spmem:s14] =	stream.linear.scatter [tilespmem:s2], [sflag:$0xB], $0x800, $0x38;
	[tilespmem:$0x1EC00] =	vst v63  }
0x12c: {  	_ =	swait.ge [sflag:s3], $0x800  }
0x12d: {  	[sflag:s3] =	ssyncset.done $0x0  }
0x12e: {  	[sflag:s3] =	ssyncadd.s32 $0xFFFFF800  }
0x12f: {  	[spmem:s16] =	stream.linear.scatter [tilespmem:s2], [sflag:$0xB], $0x800, $0x38;
	[tilespmem:$0x1EC00] =	vst v63  }
0x130: {  	_ =	swait.ge [sflag:s3], $0x800  }
0x131: {  	[sflag:s3] =	ssyncset.done $0x0  }
0x132: {  	[sflag:s3] =	ssyncadd.s32 $0xFFFFF800  }
0x133: {  	[spmem:s17] =	stream.linear.scatter [tilespmem:s2], [sflag:$0xB], $0x800, $0x38;
	[tilespmem:$0x1EC00] =	vst v63  }
0x134: {  	_ =	swait.ge [sflag:s3], $0x800  }
0x135: {  	[sflag:s3] =	ssyncset.done $0x0  }
0x136: {  	[sflag:s3] =	ssyncadd.s32 $0xFFFFF800  }
0x137: {  	[spmem:s18] =	stream.linear.scatter [tilespmem:s2], [sflag:$0xB], $0x800, $0x38;
	[tilespmem:$0x1EC00] =	vst v63  }
0x138: {  	_ =	swait.ge [sflag:s3], $0x800  }
0x139: {  	[sflag:s3] =	ssyncset.done $0x0  }
0x13a: {  	[sflag:s3] =	ssyncadd.s32 $0xFFFFF800  }
0x13b: {  	[spmem:s19] =	stream.linear.scatter [tilespmem:s2], [sflag:$0xB], $0x800, $0x38;
	[tilespmem:$0x1EC00] =	vst v63  }
0x13c: {  	_ =	swait.ge [sflag:s3], $0x800  }
0x13d: {  	[sflag:s3] =	ssyncset.done $0x0  }
0x13e: {  	[sflag:s3] =	ssyncadd.s32 $0xFFFFF800  }
0x13f: {  	[spmem:s20] =	stream.linear.scatter [tilespmem:s2], [sflag:$0xB], $0x800, $0x38;
	[tilespmem:$0x1EC00] =	vst v63  }
0x140: {  	_ =	swait.ge [sflag:s3], $0x800  }
0x141: {  	s0 =	sld [smem:$0x7C4]  }
0x142: {  	[sflag:s3] =	ssyncset.done $0x0  }
0x143: {  	[sflag:s3] =	ssyncadd.s32 $0xFFFFF800  }
0x144: {  	[spmem:s0] =	stream.linear.scatter [tilespmem:s2], [sflag:$0xB], $0x800, $0x38;
	[tilespmem:$0x1EC00] =	vst v63  }
0x145: {  	_ =	swait.ge [sflag:s3], $0x800  }
0x146: {  	s18 =	sld [smem:$0x7C6]  }
0x147: {  	[sflag:s3] =	ssyncset.done $0x0  }
0x148: {  	[sflag:s3] =	ssyncadd.s32 $0xFFFFF800  }
0x149: {  	[spmem:s18] =	stream.linear.scatter [tilespmem:s2], [sflag:$0xB], $0x800, $0x38;
	[tilespmem:$0x1EC00] =	vst v63  }
0x14a: {  	_ =	swait.ge [sflag:s3], $0x800  }
0x14b: {  	s19 =	sld [smem:$0x7C8]  }
0x14c: {  	[sflag:s3] =	ssyncset.done $0x0  }
0x14d: {  	[sflag:s3] =	ssyncadd.s32 $0xFFFFF800  }
0x14e: {  	[spmem:s19] =	stream.linear.scatter [tilespmem:s2], [sflag:$0xB], $0x800, $0x38;
	[tilespmem:$0x1EC00] =	vst v63  }
0x14f: {  	_ =	swait.ge [sflag:s3], $0x800  }
0x150: {  	s20 =	sld [smem:$0x7CA]  }
0x151: {  	[sflag:s3] =	ssyncset.done $0x0  }
0x152: {  	[sflag:s3] =	ssyncadd.s32 $0xFFFFF800  }
0x153: {  	[spmem:s20] =	stream.linear.scatter [tilespmem:s2], [sflag:$0xB], $0x800, $0x38;
	[tilespmem:$0x1EC00] =	vst v63  }
0x154: {  	_ =	swait.ge [sflag:s3], $0x800  }
0x155: {  	s7 =	sld [smem:$0x7CC]  }
0x156: {  	[sflag:s3] =	ssyncset.done $0x0  }
0x157: {  	[sflag:s3] =	ssyncadd.s32 $0xFFFFF800  }
0x158: {  	[spmem:s7] =	stream.linear.scatter [tilespmem:s2], [sflag:$0xB], $0x800, $0x38;
	[tilespmem:$0x1EC00] =	vst v63  }
0x159: {  	_ =	swait.ge [sflag:s3], $0x800  }
0x15a: {  	s13 =	sld [smem:$0x7CD]  }
0x15b: {  	[sflag:s3] =	ssyncset.done $0x0  }
0x15c: {  	[sflag:s3] =	ssyncadd.s32 $0xFFFFF800  }
0x15d: {  	[spmem:s13] =	stream.linear.scatter [tilespmem:s2], [sflag:$0xB], $0x800, $0x38;
	[tilespmem:$0x1EC00] =	vst v63  }
0x15e: {  	_ =	swait.ge [sflag:s3], $0x800  }
0x15f: {  	s14 =	sld [smem:$0x7CE]  }
0x160: {  	[sflag:s3] =	ssyncset.done $0x0  }
0x161: {  	[sflag:s3] =	ssyncadd.s32 $0xFFFFF800  }
0x162: {  	[spmem:s14] =	stream.linear.scatter [tilespmem:s2], [sflag:$0xB], $0x800, $0x38;
	[tilespmem:$0x1EC00] =	vst v63  }
0x163: {  	_ =	swait.ge [sflag:s3], $0x800  }
0x164: {  	s16 =	sld [smem:$0x7CF]  }
0x165: {  	[sflag:s3] =	ssyncset.done $0x0  }
0x166: {  	[sflag:s3] =	ssyncadd.s32 $0xFFFFF800  }
0x167: {  	[spmem:s16] =	stream.linear.scatter [tilespmem:s2], [sflag:$0xB], $0x800, $0x38;
	[tilespmem:$0x1EC00] =	vst v63  }
0x168: {  	_ =	swait.ge [sflag:s3], $0x800  }
0x169: {  	s17 =	sld [smem:$0x7D1]  }
0x16a: {  	[sflag:s3] =	ssyncset.done $0x0  }
0x16b: {  	[sflag:s3] =	ssyncadd.s32 $0xFFFFF800  }
0x16c: {  	[spmem:s17] =	stream.linear.scatter [tilespmem:s2], [sflag:$0xB], $0x800, $0x38;
	[tilespmem:$0x1EC00] =	vst v63  }
0x16d: {  	_ =	swait.ge [sflag:s3], $0x800  }
0x16e: {  	s18 =	sld [smem:$0x7D3]  }
0x16f: {  	[sflag:s3] =	ssyncset.done $0x0  }
0x170: {  	[sflag:s3] =	ssyncadd.s32 $0xFFFFF800  }
0x171: {  	[spmem:s18] =	stream.linear.scatter [tilespmem:s2], [sflag:$0xB], $0x800, $0x38;
	[tilespmem:$0x1EC00] =	vst v63  }
0x172: {  	_ =	swait.ge [sflag:s3], $0x800  }
0x173: {  	s19 =	sld [smem:$0x7D5]  }
0x174: {  	[sflag:s3] =	ssyncset.done $0x0  }
0x175: {  	[sflag:s3] =	ssyncadd.s32 $0xFFFFF800  }
0x176: {  	[spmem:s19] =	stream.linear.scatter [tilespmem:s2], [sflag:$0xB], $0x800, $0x38;
	[tilespmem:$0x1EC00] =	vst v63  }
0x177: {  	_ =	swait.ge [sflag:s3], $0x800  }
0x178: {  	s20 =	sld [smem:$0x7D7]  }
0x179: {  	[sflag:s3] =	ssyncset.done $0x0  }
0x17a: {  	[sflag:s3] =	ssyncadd.s32 $0xFFFFF800  }
0x17b: {  	[spmem:s20] =	stream.linear.scatter [tilespmem:s2], [sflag:$0xB], $0x800, $0x38;
	[tilespmem:$0x1EC00] =	vst v63  }
0x17c: {  	_ =	swait.ge [sflag:s3], $0x800  }
0x17d: {  	s7 =	sld [smem:$0x7D9]  }
0x17e: {  	[sflag:s3] =	ssyncset.done $0x0  }
0x17f: {  	[sflag:s3] =	ssyncadd.s32 $0xFFFFF800  }
0x180: {  	[spmem:s7] =	stream.linear.scatter [tilespmem:s2], [sflag:$0xB], $0x800, $0x38;
	[tilespmem:$0x1EC00] =	vst v63  }
0x181: {  	_ =	swait.ge [sflag:s3], $0x800  }
0x182: {  	s13 =	sld [smem:$0x7DB]  }
0x183: {  	[sflag:s3] =	ssyncset.done $0x0  }
0x184: {  	[sflag:s3] =	ssyncadd.s32 $0xFFFFF800  }
0x185: {  	[spmem:s13] =	stream.linear.scatter [tilespmem:s2], [sflag:$0xB], $0x800, $0x38;
	[tilespmem:$0x1EC00] =	vst v63  }
0x186: {  	_ =	swait.ge [sflag:s3], $0x800  }
0x187: {  	s14 =	sld [smem:$0x7DD]  }
0x188: {  	[sflag:s3] =	ssyncset.done $0x0  }
0x189: {  	[sflag:s3] =	ssyncadd.s32 $0xFFFFF800  }
0x18a: {  	[spmem:s14] =	stream.linear.scatter [tilespmem:s2], [sflag:$0xB], $0x800, $0x38;
	[tilespmem:$0x1EC00] =	vst v63  }
0x18b: {  	_ =	swait.ge [sflag:s3], $0x800  }
0x18c: {  	s16 =	sld [smem:$0x7DF]  }
0x18d: {  	[sflag:s3] =	ssyncset.done $0x0  }
0x18e: {  	[sflag:s3] =	ssyncadd.s32 $0xFFFFF800  }
0x18f: {  	[spmem:s16] =	stream.linear.scatter [tilespmem:s2], [sflag:$0xB], $0x800, $0x38;
	[tilespmem:$0x1EC00] =	vst v63  }
0x190: {  	_ =	swait.ge [sflag:s3], $0x800  }
0x191: {  	s17 =	sld [smem:$0x7E1]  }
0x192: {  	[sflag:s3] =	ssyncset.done $0x0  }
0x193: {  	[sflag:s3] =	ssyncadd.s32 $0xFFFFF800  }
0x194: {  	[spmem:s17] =	stream.linear.scatter [tilespmem:s2], [sflag:$0xB], $0x800, $0x38;
	[tilespmem:$0x1EC00] =	vst v63  }
0x195: {  	_ =	swait.ge [sflag:s3], $0x800  }
0x196: {  	s18 =	sld [smem:$0x7E2]  }
0x197: {  	[sflag:s3] =	ssyncset.done $0x0  }
0x198: {  	[sflag:s3] =	ssyncadd.s32 $0xFFFFF800  }
0x199: {  	[spmem:s18] =	stream.linear.scatter [tilespmem:s2], [sflag:$0xB], $0x800, $0x38;
	[tilespmem:$0x1EC00] =	vst v63  }
0x19a: {  	_ =	swait.ge [sflag:s3], $0x800  }
0x19b: {  	[sflag:s3] =	ssyncset.done $0x0  }
0x19c: {  	[sflag:s3] =	ssyncadd.s32 $0xFFFFF800  }
0x19d: {  	[spmem:s8] =	stream.linear.scatter [tilespmem:s2], [sflag:$0xB], $0x800, $0x38;
	[tilespmem:$0x1EC00] =	vst v63  }
0x19e: {  	_ =	swait.ge [sflag:s3], $0x800  }
0x19f: {  	[sflag:s3] =	ssyncset.done $0x0  }
0x1a0: {  	[sflag:s3] =	ssyncadd.s32 $0xFFFFF800  }
0x1a1: {  	[spmem:s10] =	stream.linear.scatter [tilespmem:s2], [sflag:$0xB], $0x800, $0x38;
	[tilespmem:$0x1EC00] =	vst v63  }
0x1a2: {  	_ =	swait.ge [sflag:s3], $0x800  }
0x1a3: {  	[sflag:s3] =	ssyncset.done $0x0  }
0x1a4: {  	[sflag:s3] =	ssyncadd.s32 $0xFFFFF800  }
0x1a5: {  	[spmem:s6] =	stream.linear.scatter [tilespmem:s2], [sflag:$0xB], $0x800, $0x38;
	[tilespmem:$0x1EC00] =	vst v63  }
0x1a6: {  	_ =	swait.ge [sflag:s3], $0x800  }
0x1a7: {  	[sflag:s3] =	ssyncset.done $0x0  }
0x1a8: {  	[sflag:s3] =	ssyncadd.s32 $0xFFFFF800  }
0x1a9: {  	[spmem:s9] =	stream.linear.scatter [tilespmem:s2], [sflag:$0xB], $0x800, $0x38;
	[tilespmem:$0x1EC00] =	vst v63  }
0x1aa: {  	_ =	swait.ge [sflag:s3], $0x800  }
0x1ab: {  	[sflag:s3] =	ssyncset.done $0x0  }
0x1ac: {  	[sflag:s3] =	ssyncadd.s32 $0xFFFFF800  }
0x1ad: {  	[spmem:s30] =	stream.linear.scatter [tilespmem:s2], [sflag:$0xB], $0x800, $0x38;
	[tilespmem:$0x1EC00] =	vst v63  }
0x1ae: {  	_ =	swait.ge [sflag:s3], $0x800  }
0x1af: {  	[sflag:s3] =	ssyncset.done $0x0  }
0x1b0: {  	[sflag:s3] =	ssyncadd.s32 $0xFFFFF800  }
0x1b1: {  	[spmem:s11] =	stream.linear.scatter [tilespmem:s2], [sflag:$0xB], $0x800, $0x38;
	[tilespmem:$0x1EC00] =	vst v63  }
0x1b2: {  	_ =	swait.ge [sflag:s3], $0x800  }
0x1b3: {  	[sflag:s3] =	ssyncset.done $0x0  }
0x1b4: {  	[sflag:s3] =	ssyncadd.s32 $0xFFFFF800  }
0x1b5: {  	[spmem:s4] =	stream.linear.scatter [tilespmem:s2], [sflag:$0xB], $0x800, $0x38;
	[tilespmem:$0x1EC00] =	vst v63  }
0x1b6: {  	_ =	swait.ge [sflag:s3], $0x800  }
0x1b7: {  	[sflag:s3] =	ssyncset.done $0x0  }
0x1b8: {  	[sflag:s3] =	ssyncadd.s32 $0xFFFFF800  }
0x1b9: {  	[spmem:s31] =	stream.linear.scatter [tilespmem:s2], [sflag:$0xB], $0x800, $0x38;
	[tilespmem:$0x1EC00] =	vst v63  }
0x1ba: {  	_ =	swait.ge [sflag:s3], $0x800  }
0x1bb: {  	s19 =	sld [smem:$0x7E3]  }
0x1bc: {  	[sflag:s3] =	ssyncset.done $0x0  }
0x1bd: {  	[sflag:s3] =	ssyncadd.s32 $0xFFFFF800  }
0x1be: {  	[spmem:s19] =	stream.linear.scatter [tilespmem:s2], [sflag:$0xB], $0x800, $0x38;
	[tilespmem:$0x1EC00] =	vst v63  }
0x1bf: {  	_ =	swait.ge [sflag:s3], $0x800  }
0x1c0: {  	s20 =	sld [smem:$0x7E6]  }
0x1c1: {  	[sflag:s3] =	ssyncset.done $0x0  }
0x1c2: {  	[sflag:s3] =	ssyncadd.s32 $0xFFFFF800  }
0x1c3: {  	[spmem:s20] =	stream.linear.scatter [tilespmem:s2], [sflag:$0xB], $0x800, $0x38;
	[tilespmem:$0x1EC00] =	vst v63  }
0x1c4: {  	_ =	swait.ge [sflag:s3], $0x800  }
0x1c5: {  	s30 =	sld [smem:$0x7E7]  }
0x1c6: {  	[sflag:s3] =	ssyncset.done $0x0  }
0x1c7: {  	[sflag:s3] =	ssyncadd.s32 $0xFFFFF800  }
0x1c8: {  	[spmem:s30] =	stream.linear.scatter [tilespmem:s2], [sflag:$0xB], $0x800, $0x38;
	[tilespmem:$0x1EC00] =	vst v63  }
0x1c9: {  	_ =	swait.ge [sflag:s3], $0x800  }
0x1ca: {  	s31 =	sld [smem:$0x7E8]  }
0x1cb: {  	[sflag:s3] =	ssyncset.done $0x0  }
0x1cc: {  	[sflag:s3] =	ssyncadd.s32 $0xFFFFF800  }
0x1cd: {  	[spmem:s31] =	stream.linear.scatter [tilespmem:s2], [sflag:$0xB], $0x800, $0x38;
	[tilespmem:$0x1EC00] =	vst v63  }
0x1ce: {  	_ =	swait.ge [sflag:s3], $0x800  }
0x1cf: {  	s4 =	sld [smem:$0x7E9]  }
0x1d0: {  	[sflag:s3] =	ssyncset.done $0x0  }
0x1d1: {  	[sflag:s3] =	ssyncadd.s32 $0xFFFFF800  }
0x1d2: {  	[spmem:s4] =	stream.linear.scatter [tilespmem:s2], [sflag:$0xB], $0x800, $0x38;
	[tilespmem:$0x1EC00] =	vst v63  }
0x1d3: {  	_ =	swait.ge [sflag:s3], $0x800  }
0x1d4: {  	s6 =	sld [smem:$0x7EB]  }
0x1d5: {  	[sflag:s3] =	ssyncset.done $0x0  }
0x1d6: {  	[sflag:s3] =	ssyncadd.s32 $0xFFFFF800  }
0x1d7: {  	[spmem:s6] =	stream.linear.scatter [tilespmem:s2], [sflag:$0xB], $0x800, $0x38;
	[tilespmem:$0x1EC00] =	vst v63  }
0x1d8: {  	_ =	swait.ge [sflag:s3], $0x800  }
0x1d9: {  	s7 =	sld [smem:$0x7EC]  }
0x1da: {  	[sflag:s3] =	ssyncset.done $0x0  }
0x1db: {  	[sflag:s3] =	ssyncadd.s32 $0xFFFFF800  }
0x1dc: {  	[spmem:s7] =	stream.linear.scatter [tilespmem:s2], [sflag:$0xB], $0x800, $0x38;
	[tilespmem:$0x1EC00] =	vst v63  }
0x1dd: {  	_ =	swait.ge [sflag:s3], $0x800  }
0x1de: {  	[sflag:s3] =	ssyncset.done $0x0  }
0x1df: {  	[sflag:s3] =	ssyncadd.s32 $0xFFFFF800  }
0x1e0: {  	[bflag:$0x0] =	sbarrier.arrive $0xFFFF  }
0x1e1: {  	s8 =	sld [smem:$0x7F4];
	_ =	sdelay $0x1  }
0x1e2: {  	s9 =	sld [smem:$0x7EE]  }
0x1e3: {  	[tilespmem:s1], [sflag:$0x1] =	stream.linear.gather [hbm4b:s8+s1], $0x50, $0x38;
	[tilespmem:$0x1EC00] =	vst v63  }
0x1e4: {  	s10 =	simm.s32 $0x200;
	s11 =	sld [smem:$0x7EF]  }
0x1e5: {  	[tilespmem:s10], [sflag:$0x1] =	stream.linear.gather [hbm4b:s9+s1], $0x50, $0x38;
	[tilespmem:$0x1EC00] =	vst v63  }
0x1e6: {  	s13 =	simm.s32 $0x5400;
	s14 =	sld [smem:$0x7F0]  }
0x1e7: {  	[tilespmem:s13], [sflag:$0x5] =	stream.linear.gather [hbm4b:s11+s1], $0x2800, $0x38;
	[tilespmem:$0x1EC00] =	vst v63  }
0x1e8: {  	s16 =	simm.s32 $0x80;
	s17 =	sld [smem:$0x7F5]  }
0x1e9: {  	[tilespmem:s16], [sflag:$0x2] =	stream.linear.gather [hbm4b:s14+s1], $0x50, $0x38;
	[tilespmem:$0x1EC00] =	vst v63  }
0x1ea: {  	s18 =	simm.s32 $0x280;
	s19 =	sld [smem:$0x7F1]  }
0x1eb: {  	[tilespmem:s18], [sflag:$0x2] =	stream.linear.gather [hbm4b:s17+s1], $0x50, $0x38;
	[tilespmem:$0x1EC00] =	vst v63  }
0x1ec: {  	s20 =	simm.s32 $0x7C00;
	s30 =	simm.s32 $0x1  }
0x1ed: {  	[tilespmem:s20], [sflag:$0x6] =	stream.linear.gather [hbm4b:s19+s1], $0x2800, $0x38;
	[tilespmem:$0x1EC00] =	vst v63  }
0x1ee: {  	_ =	swait.ge [sflag:s30], $0x50  }
0x1ef: {  	[sflag:s30] =	ssyncset.done $0x0  }
0x1f0: {  	[sflag:s30] =	ssyncadd.s32 $0xFFFFFFB0  }
0x1f1: {  	_ =	swait.ge [sflag:s30], $0x50  }
0x1f2: {  	[sflag:s30] =	ssyncset.done $0x0  }
0x1f3: {  	s0 =	sld [smem:$0x7ED];
	[sflag:s30] =	ssyncadd.s32 $0xFFFFFFB0  }
0x1f4: {  	p0 =	por $0x0, $0x0;
	s4 =	rddreg [dreg:$0x0]  }
0x1f5: {  	s31 =	simm.s32 $0x400;
	s7 =	simm.s32 $0x0;
	s6 =	rddreg [dreg:$0x2]  }
0x1f6: {  	[tilespmem:s31], [sflag:$0x7] =	stream.indirect.gather [hbm4b:s4+s5], $0x80, s1, s5, $0xb8;
	[tilespmem:$0x1EC00] =	vst v63  }
.LBB2_2:
0x1f7: {  	p1 =	sgt.u32 s7, $0x7A  }
.Ltmp0:
0x1f8: {  	_ = 	snop;
	(pc) =	sbr.rel @p1 .LBB2_4-.Ltmp0, $2  }
0x1f9: {  	_ =	sdelay $0x2  }
0x1fa: {  	s8 =	sadd.s32 $0x1, s7;
	s10 =	sadd.s32 $0x2, s7  }
0x1fb: {  	s13 =	smul.u32 $0x50, s10  }
0x1fc: {  	s16 =	sand.u32 $0x3, s10  }
0x1fd: {  	s17 =	sadd.s32 $0x1, s16;
	s14 =	sadd.s32 s24, s13  }
.Ltmp1:
0x1fe: {  	s13 =	sadd.s32 s0, s13;
	s14 =	sshrl.u32 s14, $0x3;
	(pc) =	sbr.rel .LBB2_5-.Ltmp1, $4  }
0x1ff: {  	s16 =	sshll.u32 s16, $0x7;
	s13 =	sshrl.u32 s13, $0x3;
	s14 =	sadd.s32 s6, s14  }
0x200: {  	[tilespmem:s16], [sflag:s17] =	stream.linear.gather [hbm4b:s14+s1], $0x50, $0x38;
	[tilespmem:$0x1EC00] =	vst v63  }
0x201: {  	s31 =	sor.u32 $0x200, s16;
	s13 =	sadd.s32 s6, s13  }
0x202: {  	[tilespmem:s31], [sflag:s17] =	stream.linear.gather [hbm4b:s13+s1], $0x50, $0x38;
	[tilespmem:$0x1EC00] =	vst v63  }
.LBB2_4:
0x203: {  	p2 =	seq.s32 s7, $0x7C  }
.Ltmp2:
0x204: {  	_ = 	snop;
	(pc) =	sbr.rel @p2 .LBB2_6-.Ltmp2, $1  }
0x205: {  	_ =	sdelay $0x3  }
.LBB2_5:
0x206: {  	s13 =	sand.u32 $0x3, s8  }
0x207: {  	s14 =	sadd.s32 $0x1, s13  }
0x208: {  	_ =	swait.ge [sflag:s14], $0x50  }
0x209: {  	[sflag:s14] =	ssyncset.done $0x0  }
0x20a: {  	[sflag:s14] =	ssyncadd.s32 $0xFFFFFFB0  }
0x20b: {  	_ =	swait.ge [sflag:s14], $0x50  }
0x20c: {  	s16 =	sand.u32 $0x1, s8;
	p2 =	seq.s32 s7, $0x0;
	[sflag:s14] =	ssyncset.done $0x0  }
0x20d: {  	s17 =	smul.u32 $0xA000, s16;
	[sflag:s14] =	ssyncadd.s32 $0xFFFFFFB0;
	s14 =	sadd.s32 @!p2 $0x9, s16  }
0x20e: {  	_ =	swait.ge @!p2 [sflag:s14], $0x2800  }
0x20f: {  	s13 =	sshll.u32 s13, $0x7;
	s31 =	sshrl.u32 s17, $0x2;
	[sflag:s14] =	ssyncset.done @!p2 $0x0  }
0x210: {  	s16 =	sadd.s32 $0x7, s16;
	[sflag:s14] =	ssyncadd.s32 @!p2 $0xFFFFD800;
	s14 =	sor.u32 $0x400, s31  }
0x211: {  	[tilespmem:s14], [sflag:s16] =	stream.indirect.gather [hbm4b:s4+s5], $0x80, s13, s5, $0xb8;
	[tilespmem:$0x1EC00] =	vst v63  }
.LBB2_6:
0x212: {  	s13 =	sand.u32 $0x1, s7  }
0x213: {  	s14 =	sadd.s32 $0x5, s13  }
0x214: {  	s16 =	simm.s32 $0x1;
	_ =	swait.ge [sflag:s14], $0x2800  }
0x215: {  	s16 =	simm.s32 @!p0 $0x0;
	[sflag:s14] =	ssyncset.done $0x0  }
0x216: {  	s17 =	sadd.s32 $0x7, s13;
	s16 =	smul.u32 $0xA000, s16;
	[sflag:s14] =	ssyncadd.s32 $0xFFFFD800  }
0x217: {  	_ =	swait.ge [sflag:s17], $0x2800  }
0x218: {  	s18 =	sshrl.u32 s16, $0x2;
	[sflag:s17] =	ssyncset.done $0x0  }
0x219: {  	s16 =	sor.u32 $0x500, s18;
	[sflag:s17] =	ssyncadd.s32 $0xFFFFD800  }
0x21a: {  	s17 =	sadd.s32 $0x5500, s18;
	v1 =	vld [tilespmem:s16+$0x80]  }
0x21b: {  	v2 =	vld [tilespmem:s17+$0x80]  }
0x21c: {  	v3 =	vld [tilespmem:s16+$0xFFFFFF80]  }
0x21d: {  	v4 =	vld [tilespmem:s17+$0xFFFFFF80]  }
0x21e: {  	v5 =	vld [tilespmem:s16+$0x0]  }
0x21f: {  	v6 =	vld [tilespmem:s17+$0x0]  }
0x220: {  	v7 =	vld [tilespmem:s16+$0xFFFFFF00];
	v1 =	vmul.f32 v2, v1  }
0x221: {  	v2 =	vld [tilespmem:s17+$0xFFFFFF00]  }
0x222: {  	[tilespmem:s16+$0x80] =	vst v1;
	v1 =	vld [tilespmem:s16+$0x90]  }
0x223: {  	v3 =	vmul.f32 v4, v3;
	v4 =	vld [tilespmem:s17+$0x90]  }
0x224: {  	v8 =	vld [tilespmem:s16+$0xFFFFFF10]  }
0x225: {  	[tilespmem:s16+$0xFFFFFF80] =	vst v3;
	v3 =	vmul.f32 v6, v5;
	v5 =	vld [tilespmem:s16+$0xFFFFFF90]  }
0x226: {  	v6 =	vld [tilespmem:s17+$0xFFFFFF90];
	v2 =	vmul.f32 v2, v7  }
0x227: {  	[tilespmem:s16+$0x0] =	vst v3;
	v3 =	vld [tilespmem:s16+$0x10]  }
0x228: {  	v7 =	vld [tilespmem:s17+$0x10];
	[tilespmem:s16+$0xFFFFFF00] =	vst v2;
	v1 =	vmul.f32 v4, v1  }
0x229: {  	v2 =	vld [tilespmem:s17+$0xFFFFFF10]  }
0x22a: {  	[tilespmem:s16+$0x90] =	vst v1;
	v1 =	vld [tilespmem:s16+$0xA0]  }
0x22b: {  	v4 =	vmul.f32 v6, v5;
	v5 =	vld [tilespmem:s17+$0xA0]  }
0x22c: {  	v6 =	vld [tilespmem:s16+$0xFFFFFF20]  }
0x22d: {  	[tilespmem:s16+$0xFFFFFF90] =	vst v4;
	v3 =	vmul.f32 v7, v3;
	v4 =	vld [tilespmem:s16+$0xFFFFFFA0]  }
0x22e: {  	v7 =	vld [tilespmem:s17+$0xFFFFFFA0];
	v2 =	vmul.f32 v2, v8  }
0x22f: {  	[tilespmem:s16+$0x10] =	vst v3;
	v3 =	vld [tilespmem:s16+$0x20]  }
0x230: {  	v8 =	vld [tilespmem:s17+$0x20];
	[tilespmem:s16+$0xFFFFFF10] =	vst v2;
	v1 =	vmul.f32 v5, v1  }
0x231: {  	v2 =	vld [tilespmem:s17+$0xFFFFFF20]  }
0x232: {  	[tilespmem:s16+$0xA0] =	vst v1;
	v1 =	vld [tilespmem:s16+$0xB0]  }
0x233: {  	v4 =	vmul.f32 v7, v4;
	v5 =	vld [tilespmem:s17+$0xB0]  }
0x234: {  	v7 =	vld [tilespmem:s16+$0xFFFFFF30]  }
0x235: {  	[tilespmem:s16+$0xFFFFFFA0] =	vst v4;
	v3 =	vmul.f32 v8, v3;
	v4 =	vld [tilespmem:s16+$0xFFFFFFB0]  }
0x236: {  	v8 =	vld [tilespmem:s17+$0xFFFFFFB0];
	v2 =	vmul.f32 v2, v6  }
0x237: {  	[tilespmem:s16+$0x20] =	vst v3;
	v3 =	vld [tilespmem:s16+$0x30]  }
0x238: {  	v6 =	vld [tilespmem:s17+$0x30];
	[tilespmem:s16+$0xFFFFFF20] =	vst v2;
	v1 =	vmul.f32 v5, v1  }
0x239: {  	v2 =	vld [tilespmem:s17+$0xFFFFFF30]  }
0x23a: {  	[tilespmem:s16+$0xB0] =	vst v1;
	v1 =	vld [tilespmem:s16+$0xC0]  }
0x23b: {  	v4 =	vmul.f32 v8, v4;
	v5 =	vld [tilespmem:s17+$0xC0]  }
0x23c: {  	v8 =	vld [tilespmem:s16+$0xFFFFFF40]  }
0x23d: {  	[tilespmem:s16+$0xFFFFFFB0] =	vst v4;
	v3 =	vmul.f32 v6, v3;
	v4 =	vld [tilespmem:s16+$0xFFFFFFC0]  }
0x23e: {  	v6 =	vld [tilespmem:s17+$0xFFFFFFC0];
	v2 =	vmul.f32 v2, v7  }
0x23f: {  	[tilespmem:s16+$0x30] =	vst v3;
	v3 =	vld [tilespmem:s16+$0x40]  }
0x240: {  	v7 =	vld [tilespmem:s17+$0x40];
	[tilespmem:s16+$0xFFFFFF30] =	vst v2;
	v1 =	vmul.f32 v5, v1  }
0x241: {  	v2 =	vld [tilespmem:s17+$0xFFFFFF40]  }
0x242: {  	[tilespmem:s16+$0xC0] =	vst v1;
	v1 =	vld [tilespmem:s16+$0xD0]  }
0x243: {  	v4 =	vmul.f32 v6, v4;
	v5 =	vld [tilespmem:s17+$0xD0]  }
0x244: {  	v6 =	vld [tilespmem:s16+$0xFFFFFF50]  }
0x245: {  	[tilespmem:s16+$0xFFFFFFC0] =	vst v4;
	v3 =	vmul.f32 v7, v3;
	v4 =	vld [tilespmem:s16+$0xFFFFFFD0]  }
0x246: {  	v7 =	vld [tilespmem:s17+$0xFFFFFFD0];
	v2 =	vmul.f32 v2, v8  }
0x247: {  	[tilespmem:s16+$0x40] =	vst v3;
	v3 =	vld [tilespmem:s16+$0x50]  }
0x248: {  	v8 =	vld [tilespmem:s17+$0x50];
	[tilespmem:s16+$0xFFFFFF40] =	vst v2;
	v1 =	vmul.f32 v5, v1  }
0x249: {  	v2 =	vld [tilespmem:s17+$0xFFFFFF50]  }
0x24a: {  	[tilespmem:s16+$0xD0] =	vst v1;
	v1 =	vld [tilespmem:s16+$0xE0]  }
0x24b: {  	v4 =	vmul.f32 v7, v4;
	v5 =	vld [tilespmem:s17+$0xE0]  }
0x24c: {  	v7 =	vld [tilespmem:s16+$0xFFFFFF60]  }
0x24d: {  	[tilespmem:s16+$0xFFFFFFD0] =	vst v4;
	v3 =	vmul.f32 v8, v3;
	v4 =	vld [tilespmem:s16+$0xFFFFFFE0]  }
0x24e: {  	v8 =	vld [tilespmem:s17+$0xFFFFFFE0];
	v2 =	vmul.f32 v2, v6  }
0x24f: {  	[tilespmem:s16+$0x50] =	vst v3;
	v3 =	vld [tilespmem:s16+$0x60]  }
0x250: {  	v6 =	vld [tilespmem:s17+$0x60];
	[tilespmem:s16+$0xFFFFFF50] =	vst v2;
	v1 =	vmul.f32 v5, v1  }
0x251: {  	v5 =	vld [tilespmem:s17+$0xFFFFFF60]  }
0x252: {  	v9 =	vld [tilespmem:s16+$0xF0];
	[tilespmem:s16+$0xE0] =	vst v1  }
0x253: {  	v2 =	vmul.f32 v8, v4;
	v8 =	vld [tilespmem:s17+$0xF0]  }
0x254: {  	v1 =	vld [tilespmem:s16+$0xFFFFFF70]  }
0x255: {  	[tilespmem:s16+$0xFFFFFFE0] =	vst v2;
	v3 =	vmul.f32 v6, v3;
	v2 =	vld [tilespmem:s16+$0xFFFFFFF0]  }
0x256: {  	v4 =	vld [tilespmem:s17+$0xFFFFFFF0];
	v5 =	vmul.f32 v5, v7  }
0x257: {  	[tilespmem:s16+$0x60] =	vst v3;
	v3 =	vld [tilespmem:s16+$0x70]  }
0x258: {  	[tilespmem:s16+$0xFFFFFF60] =	vst v5;
	v5 =	vld [tilespmem:s17+$0x70];
	v7 =	vmul.f32 v8, v9  }
0x259: {  	s19 =	simm.s32 $0x0;
	s20 =	sadd.s32 $0x200, s16;
	s18 =	smul.u32 $0x2800, s13;
	v6 =	vld [tilespmem:s17+$0xFFFFFF70]  }
.LBB2_7:
0x25a: {  	v8 =	vld [tilespmem:s20+$0x80];
	[tilespmem:s16+$0xF0] =	vst v7;
	s17 =	sadd.s32 $0x200, s17  }
0x25b: {  	s19 =	sadd.s32 $0x4, s19;
	v7 =	vld [tilespmem:s17+$0x80];
	v2 =	vmul.f32 v4, v2  }
0x25c: {  	p2 =	slt.u32 s19, $0x4C;
	v4 =	vld [tilespmem:s17+$0xFFFFFF00]  }
0x25d: {  	v9 =	vld [tilespmem:s20+$0xFFFFFF80];
	[tilespmem:s16+$0xFFFFFFF0] =	vst v2;
	v2 =	vmul.f32 v5, v3  }
0x25e: {  	v3 =	vld [tilespmem:s17+$0xFFFFFF80];
	v1 =	vmul.f32 v6, v1  }
0x25f: {  	v5 =	vld [tilespmem:s20+$0x0];
	[tilespmem:s16+$0x70] =	vst v2  }
0x260: {  	v2 =	vld [tilespmem:s17+$0x0];
	v6 =	vmul.f32 v7, v8;
	[tilespmem:s16+$0xFFFFFF70] =	vst v1;
	s16 =	smov.u32 s20  }
0x261: {  	v1 =	vld [tilespmem:s20+$0xFFFFFF00]  }
0x262: {  	[tilespmem:s20+$0x80] =	vst v6;
	v6 =	vld [tilespmem:s20+$0x90]  }
0x263: {  	v3 =	vmul.f32 v3, v9;
	v7 =	vld [tilespmem:s17+$0x90]  }
0x264: {  	v8 =	vld [tilespmem:s20+$0xFFFFFF10]  }
0x265: {  	[tilespmem:s20+$0xFFFFFF80] =	vst v3;
	v3 =	vld [tilespmem:s20+$0xFFFFFF90];
	v2 =	vmul.f32 v2, v5  }
0x266: {  	v1 =	vmul.f32 v4, v1;
	v4 =	vld [tilespmem:s17+$0xFFFFFF90]  }
0x267: {  	[tilespmem:s20+$0x0] =	vst v2;
	v2 =	vld [tilespmem:s20+$0x10]  }
0x268: {  	[tilespmem:s20+$0xFFFFFF00] =	vst v1;
	v1 =	vld [tilespmem:s17+$0x10];
	v5 =	vmul.f32 v7, v6  }
0x269: {  	v6 =	vld [tilespmem:s17+$0xFFFFFF10]  }
0x26a: {  	[tilespmem:s20+$0x90] =	vst v5;
	v5 =	vld [tilespmem:s20+$0xA0]  }
0x26b: {  	v3 =	vmul.f32 v4, v3;
	v4 =	vld [tilespmem:s17+$0xA0]  }
0x26c: {  	v7 =	vld [tilespmem:s20+$0xFFFFFF20]  }
0x26d: {  	[tilespmem:s20+$0xFFFFFF90] =	vst v3;
	v3 =	vld [tilespmem:s20+$0xFFFFFFA0];
	v1 =	vmul.f32 v1, v2  }
0x26e: {  	v2 =	vmul.f32 v6, v8;
	v6 =	vld [tilespmem:s17+$0xFFFFFFA0]  }
0x26f: {  	[tilespmem:s20+$0x10] =	vst v1;
	v1 =	vld [tilespmem:s20+$0x20]  }
0x270: {  	[tilespmem:s20+$0xFFFFFF10] =	vst v2;
	v2 =	vld [tilespmem:s17+$0x20];
	v4 =	vmul.f32 v4, v5  }
0x271: {  	v5 =	vld [tilespmem:s17+$0xFFFFFF20]  }
0x272: {  	[tilespmem:s20+$0xA0] =	vst v4;
	v4 =	vld [tilespmem:s20+$0xB0]  }
0x273: {  	v3 =	vmul.f32 v6, v3;
	v6 =	vld [tilespmem:s17+$0xB0]  }
0x274: {  	v8 =	vld [tilespmem:s20+$0xFFFFFF30]  }
0x275: {  	[tilespmem:s20+$0xFFFFFFA0] =	vst v3;
	v3 =	vld [tilespmem:s20+$0xFFFFFFB0];
	v1 =	vmul.f32 v2, v1  }
0x276: {  	v2 =	vmul.f32 v5, v7;
	v5 =	vld [tilespmem:s17+$0xFFFFFFB0]  }
0x277: {  	[tilespmem:s20+$0x20] =	vst v1;
	v1 =	vld [tilespmem:s20+$0x30]  }
0x278: {  	[tilespmem:s20+$0xFFFFFF20] =	vst v2;
	v2 =	vld [tilespmem:s17+$0x30];
	v4 =	vmul.f32 v6, v4  }
0x279: {  	v6 =	vld [tilespmem:s17+$0xFFFFFF30]  }
0x27a: {  	[tilespmem:s20+$0xB0] =	vst v4;
	v4 =	vld [tilespmem:s20+$0xC0]  }
0x27b: {  	v3 =	vmul.f32 v5, v3;
	v5 =	vld [tilespmem:s17+$0xC0]  }
0x27c: {  	v7 =	vld [tilespmem:s20+$0xFFFFFF40]  }
0x27d: {  	[tilespmem:s20+$0xFFFFFFB0] =	vst v3;
	v3 =	vld [tilespmem:s20+$0xFFFFFFC0];
	v1 =	vmul.f32 v2, v1  }
0x27e: {  	v2 =	vmul.f32 v6, v8;
	v6 =	vld [tilespmem:s17+$0xFFFFFFC0]  }
0x27f: {  	[tilespmem:s20+$0x30] =	vst v1;
	v1 =	vld [tilespmem:s20+$0x40]  }
0x280: {  	[tilespmem:s20+$0xFFFFFF30] =	vst v2;
	v2 =	vld [tilespmem:s17+$0x40];
	v4 =	vmul.f32 v5, v4  }
0x281: {  	v5 =	vld [tilespmem:s17+$0xFFFFFF40]  }
0x282: {  	[tilespmem:s20+$0xC0] =	vst v4;
	v4 =	vld [tilespmem:s20+$0xD0]  }
0x283: {  	v3 =	vmul.f32 v6, v3;
	v6 =	vld [tilespmem:s17+$0xD0]  }
0x284: {  	v8 =	vld [tilespmem:s20+$0xFFFFFF50]  }
0x285: {  	[tilespmem:s20+$0xFFFFFFC0] =	vst v3;
	v3 =	vld [tilespmem:s20+$0xFFFFFFD0];
	v1 =	vmul.f32 v2, v1  }
0x286: {  	v2 =	vmul.f32 v5, v7;
	v5 =	vld [tilespmem:s17+$0xFFFFFFD0]  }
0x287: {  	[tilespmem:s20+$0x40] =	vst v1;
	v1 =	vld [tilespmem:s20+$0x50]  }
0x288: {  	[tilespmem:s20+$0xFFFFFF40] =	vst v2;
	v2 =	vld [tilespmem:s17+$0x50];
	v4 =	vmul.f32 v6, v4  }
0x289: {  	v6 =	vld [tilespmem:s17+$0xFFFFFF50]  }
0x28a: {  	[tilespmem:s20+$0xD0] =	vst v4;
	v4 =	vld [tilespmem:s20+$0xE0]  }
0x28b: {  	v3 =	vmul.f32 v5, v3;
	v5 =	vld [tilespmem:s17+$0xE0]  }
0x28c: {  	v7 =	vld [tilespmem:s20+$0xFFFFFF60]  }
0x28d: {  	[tilespmem:s20+$0xFFFFFFD0] =	vst v3;
	v3 =	vld [tilespmem:s20+$0xFFFFFFE0];
	v1 =	vmul.f32 v2, v1  }
0x28e: {  	v2 =	vmul.f32 v6, v8;
	v6 =	vld [tilespmem:s17+$0xFFFFFFE0]  }
0x28f: {  	[tilespmem:s20+$0x50] =	vst v1;
	v8 =	vld [tilespmem:s20+$0x60]  }
0x290: {  	[tilespmem:s20+$0xFFFFFF50] =	vst v2;
	v9 =	vld [tilespmem:s17+$0x60];
	v1 =	vmul.f32 v5, v4  }
0x291: {  	v4 =	vld [tilespmem:s17+$0xFFFFFF60]  }
0x292: {  	[tilespmem:s20+$0xE0] =	vst v1;
	v10 =	vld [tilespmem:s20+$0xF0]  }
0x293: {  	v2 =	vmul.f32 v6, v3;
	v6 =	vld [tilespmem:s17+$0xF0]  }
0x294: {  	v1 =	vld [tilespmem:s20+$0xFFFFFF70]  }
.Ltmp3:
0x295: {  	[tilespmem:s20+$0xFFFFFFE0] =	vst v2;
	v2 =	vld [tilespmem:s20+$0xFFFFFFF0];
	v3 =	vmul.f32 v9, v8;
	(pc) =	sbr.rel @p2 .LBB2_7-.Ltmp3, $4  }
0x296: {  	v5 =	vmul.f32 v4, v7;
	v4 =	vld [tilespmem:s17+$0xFFFFFFF0]  }
0x297: {  	[tilespmem:s20+$0x60] =	vst v3;
	v3 =	vld [tilespmem:s20+$0x70]  }
0x298: {  	[tilespmem:s20+$0xFFFFFF60] =	vst v5;
	v5 =	vld [tilespmem:s17+$0x70];
	v7 =	vmul.f32 v6, v10  }
0x299: {  	s20 =	sadd.s32 $0x200, s20;
	v6 =	vld [tilespmem:s17+$0xFFFFFF70]  }
0x29a: {  	_ =	sdelay $0x1  }
0x29b: {  	s10 =	smul.u32 @!p1 $0x50, s10;
	v2 =	vmul.f32 v4, v2  }
0x29c: {  	[tilespmem:s16+$0xF0] =	vst v7;
	v3 =	vmul.f32 v5, v3  }
0x29d: {  	s10 =	sadd.s32 @!p1 s24, s10;
	[tilespmem:s16+$0xFFFFFFF0] =	vst v2;
	v1 =	vmul.f32 v6, v1  }
0x29e: {  	s10 =	sshll.u32 @!p1 s10, $0x4;
	[tilespmem:s16+$0x70] =	vst v3  }
0x29f: {  	s17 =	simm.s32 @!p1 $0x0;
	s10 =	sadd.s32 @!p1 s15, s10;
	[tilespmem:s16+$0xFFFFFF70] =	vst v1;
	s16 =	sadd.s32 @!p1 $0x5400, s18  }
0x2a0: {  	[tilespmem:s16], [sflag:s14] =	stream.linear.gather @!p1 [hbm4b:s10+s17], $0x2800, $0x38;
	[tilespmem:$0x1EC00] =	vst v63  }
0x2a1: {  	p1 =	sne.s32 s8, $0x7D  }
.Ltmp4:
0x2a2: {  	s7 =	sshll.u32 s7, $0x7;
	(pc) =	sbr.rel @p1 .LBB2_2-.Ltmp4, $4  }
0x2a3: {  	s7 =	sand.u32 $0x180, s7  }
0x2a4: {  	s31 =	sadd.s32 $0x400, s18;
	s13 =	sadd.s32 $0x9, s13;
	s7 =	sor.u32 $0x200, s7  }
0x2a5: {  	[spmem:s12] =	stream.indirect.scatter.add.f32 [tilespmem:s31], [sflag:s13], $0x80, s7, s5, $0xb8;
	[tilespmem:$0x1EC00] =	vst v63  }
0x2a6: {  	p0 =	por !p0, !p0;
	s7 =	smov.u32 s8  }
0x2a7: {  	s0 =	simm.s32 $0xA  }
0x2a8: {  	_ =	swait.ge [sflag:s0], $0x2800  }
0x2a9: {  	[sflag:s0] =	ssyncset.done $0x0  }
0x2aa: {  	s4 =	simm.s32 $0x9;
	[sflag:s0] =	ssyncadd.s32 $0xFFFFD800  }
0x2ab: {  	_ =	swait.ge [sflag:s4], $0x2800  }
0x2ac: {  	[sflag:s4] =	ssyncset.done $0x0  }
0x2ad: {  	s7 =	stileid.u32;
	[sflag:s4] =	ssyncadd.s32 $0xFFFFD800  }
0x2ae: {  	s7 =	sshll.u32 s7, $0x6;
	[bflag:$0x0] =	sbarrier.arrive $0xFFFF  }
0x2af: {  	s8 =	sshrl.u32 s21, $0x3;
	s7 =	sor.u32 $0x1C0B, s7;
	s10 =	rddreg [dreg:$0x5]  }
0x2b0: {  	[hbm:s10], [sflag:s7] =	dma.local [spmem:s8], $0x100  }
0x2b1: {  	_ =	swait.ge [sflag:s3], $0x100  }
0x2b2: {  	[sflag:s3] =	ssyncset.done $0x0  }
0x2b3: {  	s6 =	sshrl.u32 s22, $0x3;
	s9 =	rddreg [dreg:$0x6];
	[sflag:s3] =	ssyncadd.s32 $0xFFFFFF00  }
0x2b4: {  	[hbm:s9], [sflag:s7] =	dma.local [spmem:s6], $0x100  }
0x2b5: {  	_ =	swait.ge [sflag:s3], $0x100  }
0x2b6: {  	[sflag:s3] =	ssyncset.done $0x0  }
0x2b7: {  	s11 =	sshrl.u32 s23, $0x3;
	s0 =	rddreg [dreg:$0x7];
	[sflag:s3] =	ssyncadd.s32 $0xFFFFFF00  }
0x2b8: {  	[hbm:s0], [sflag:s7] =	dma.local [spmem:s11], $0x100  }
0x2b9: {  	_ =	swait.ge [sflag:s3], $0x100  }
0x2ba: {  	[sflag:s3] =	ssyncset.done $0x0  }
0x2bb: {  	s1 =	sshrl.u32 s25, $0x3;
	s4 =	rddreg [dreg:$0x8];
	[sflag:s3] =	ssyncadd.s32 $0xFFFFFF00  }
0x2bc: {  	[hbm:s4], [sflag:s7] =	dma.local [spmem:s1], $0x100  }
0x2bd: {  	_ =	swait.ge [sflag:s3], $0x100  }
0x2be: {  	[sflag:s3] =	ssyncset.done $0x0  }
0x2bf: {  	s6 =	sshrl.u32 s26, $0x3;
	s9 =	rddreg [dreg:$0x9];
	[sflag:s3] =	ssyncadd.s32 $0xFFFFFF00  }
0x2c0: {  	[hbm:s9], [sflag:s7] =	dma.local [spmem:s6], $0x100  }
0x2c1: {  	_ =	swait.ge [sflag:s3], $0x100  }
0x2c2: {  	[sflag:s3] =	ssyncset.done $0x0  }
0x2c3: {  	s10 =	sshrl.u32 s28, $0x3;
	s11 =	rddreg [dreg:$0xa];
	[sflag:s3] =	ssyncadd.s32 $0xFFFFFF00  }
0x2c4: {  	[hbm:s11], [sflag:s7] =	dma.local [spmem:s10], $0x100  }
0x2c5: {  	_ =	swait.ge [sflag:s3], $0x100  }
0x2c6: {  	[sflag:s3] =	ssyncset.done $0x0  }
0x2c7: {  	s0 =	sshrl.u32 s29, $0x3;
	s1 =	rddreg [dreg:$0xb];
	[sflag:s3] =	ssyncadd.s32 $0xFFFFFF00  }
0x2c8: {  	[hbm:s1], [sflag:s7] =	dma.local [spmem:s0], $0x100  }
0x2c9: {  	_ =	swait.ge [sflag:s3], $0x100  }
0x2ca: {  	s4 =	sld [smem:$0x7C4];
	_ =	sdelay $0x1  }
0x2cb: {  	[sflag:s3] =	ssyncset.done $0x0  }
0x2cc: {  	s9 =	rddreg [dreg:$0xc];
	[sflag:s3] =	ssyncadd.s32 $0xFFFFFF00;
	s6 =	sshrl.u32 s4, $0x3  }
0x2cd: {  	[hbm:s9], [sflag:s7] =	dma.local [spmem:s6], $0x100  }
0x2ce: {  	_ =	swait.ge [sflag:s3], $0x100  }
0x2cf: {  	s11 =	sld [smem:$0x7C6];
	_ =	sdelay $0x1  }
0x2d0: {  	[sflag:s3] =	ssyncset.done $0x0  }
0x2d1: {  	s1 =	rddreg [dreg:$0xd];
	[sflag:s3] =	ssyncadd.s32 $0xFFFFFF00;
	s0 =	sshrl.u32 s11, $0x3  }
0x2d2: {  	[hbm:s1], [sflag:s7] =	dma.local [spmem:s0], $0x100  }
0x2d3: {  	_ =	swait.ge [sflag:s3], $0x100  }
0x2d4: {  	s4 =	sld [smem:$0x7C8];
	_ =	sdelay $0x1  }
0x2d5: {  	[sflag:s3] =	ssyncset.done $0x0  }
0x2d6: {  	s9 =	rddreg [dreg:$0xe];
	[sflag:s3] =	ssyncadd.s32 $0xFFFFFF00;
	s6 =	sshrl.u32 s4, $0x3  }
0x2d7: {  	[hbm:s9], [sflag:s7] =	dma.local [spmem:s6], $0x100  }
0x2d8: {  	_ =	swait.ge [sflag:s3], $0x100  }
0x2d9: {  	s11 =	sld [smem:$0x7CA];
	_ =	sdelay $0x1  }
0x2da: {  	[sflag:s3] =	ssyncset.done $0x0  }
0x2db: {  	s1 =	rddreg [dreg:$0xf];
	[sflag:s3] =	ssyncadd.s32 $0xFFFFFF00;
	s0 =	sshrl.u32 s11, $0x3  }
0x2dc: {  	[hbm:s1], [sflag:s7] =	dma.local [spmem:s0], $0x100  }
0x2dd: {  	_ =	swait.ge [sflag:s3], $0x100  }
0x2de: {  	s4 =	sld [smem:$0x7CC];
	_ =	sdelay $0x1  }
0x2df: {  	[sflag:s3] =	ssyncset.done $0x0  }
0x2e0: {  	s9 =	rddreg [dreg:$0x10];
	[sflag:s3] =	ssyncadd.s32 $0xFFFFFF00;
	s6 =	sshrl.u32 s4, $0x3  }
0x2e1: {  	[hbm:s9], [sflag:s7] =	dma.local [spmem:s6], $0x100  }
0x2e2: {  	_ =	swait.ge [sflag:s3], $0x100  }
0x2e3: {  	s11 =	sld [smem:$0x7CD];
	_ =	sdelay $0x1  }
0x2e4: {  	[sflag:s3] =	ssyncset.done $0x0  }
0x2e5: {  	s1 =	rddreg [dreg:$0x11];
	[sflag:s3] =	ssyncadd.s32 $0xFFFFFF00;
	s0 =	sshrl.u32 s11, $0x3  }
0x2e6: {  	[hbm:s1], [sflag:s7] =	dma.local [spmem:s0], $0x100  }
0x2e7: {  	_ =	swait.ge [sflag:s3], $0x100  }
0x2e8: {  	s4 =	sld [smem:$0x7CE];
	_ =	sdelay $0x1  }
0x2e9: {  	[sflag:s3] =	ssyncset.done $0x0  }
0x2ea: {  	s9 =	rddreg [dreg:$0x12];
	[sflag:s3] =	ssyncadd.s32 $0xFFFFFF00;
	s6 =	sshrl.u32 s4, $0x3  }
0x2eb: {  	[hbm:s9], [sflag:s7] =	dma.local [spmem:s6], $0x100  }
0x2ec: {  	_ =	swait.ge [sflag:s3], $0x100  }
0x2ed: {  	s11 =	sld [smem:$0x7CF];
	_ =	sdelay $0x1  }
0x2ee: {  	[sflag:s3] =	ssyncset.done $0x0  }
0x2ef: {  	s1 =	rddreg [dreg:$0x13];
	[sflag:s3] =	ssyncadd.s32 $0xFFFFFF00;
	s0 =	sshrl.u32 s11, $0x3  }
0x2f0: {  	[hbm:s1], [sflag:s7] =	dma.local [spmem:s0], $0x100  }
0x2f1: {  	_ =	swait.ge [sflag:s3], $0x100  }
0x2f2: {  	s4 =	sld [smem:$0x7D1];
	_ =	sdelay $0x1  }
0x2f3: {  	[sflag:s3] =	ssyncset.done $0x0  }
0x2f4: {  	s9 =	rddreg [dreg:$0x14];
	[sflag:s3] =	ssyncadd.s32 $0xFFFFFF00;
	s6 =	sshrl.u32 s4, $0x3  }
0x2f5: {  	[hbm:s9], [sflag:s7] =	dma.local [spmem:s6], $0x100  }
0x2f6: {  	_ =	swait.ge [sflag:s3], $0x100  }
0x2f7: {  	s11 =	sld [smem:$0x7D3];
	_ =	sdelay $0x1  }
0x2f8: {  	[sflag:s3] =	ssyncset.done $0x0  }
0x2f9: {  	s1 =	rddreg [dreg:$0x15];
	[sflag:s3] =	ssyncadd.s32 $0xFFFFFF00;
	s0 =	sshrl.u32 s11, $0x3  }
0x2fa: {  	[hbm:s1], [sflag:s7] =	dma.local [spmem:s0], $0x100  }
0x2fb: {  	_ =	swait.ge [sflag:s3], $0x100  }
0x2fc: {  	s4 =	sld [smem:$0x7D5];
	_ =	sdelay $0x1  }
0x2fd: {  	[sflag:s3] =	ssyncset.done $0x0  }
0x2fe: {  	s9 =	rddreg [dreg:$0x16];
	[sflag:s3] =	ssyncadd.s32 $0xFFFFFF00;
	s6 =	sshrl.u32 s4, $0x3  }
0x2ff: {  	[hbm:s9], [sflag:s7] =	dma.local [spmem:s6], $0x100  }
0x300: {  	_ =	swait.ge [sflag:s3], $0x100  }
0x301: {  	s11 =	sld [smem:$0x7D7];
	_ =	sdelay $0x1  }
0x302: {  	[sflag:s3] =	ssyncset.done $0x0  }
0x303: {  	s1 =	rddreg [dreg:$0x17];
	[sflag:s3] =	ssyncadd.s32 $0xFFFFFF00;
	s0 =	sshrl.u32 s11, $0x3  }
0x304: {  	[hbm:s1], [sflag:s7] =	dma.local [spmem:s0], $0x100  }
0x305: {  	_ =	swait.ge [sflag:s3], $0x100  }
0x306: {  	s4 =	sld [smem:$0x7D9];
	_ =	sdelay $0x1  }
0x307: {  	[sflag:s3] =	ssyncset.done $0x0  }
0x308: {  	s9 =	rddreg [dreg:$0x18];
	[sflag:s3] =	ssyncadd.s32 $0xFFFFFF00;
	s6 =	sshrl.u32 s4, $0x3  }
0x309: {  	[hbm:s9], [sflag:s7] =	dma.local [spmem:s6], $0x100  }
0x30a: {  	_ =	swait.ge [sflag:s3], $0x100  }
0x30b: {  	s11 =	sld [smem:$0x7DB];
	_ =	sdelay $0x1  }
0x30c: {  	[sflag:s3] =	ssyncset.done $0x0  }
0x30d: {  	s1 =	rddreg [dreg:$0x19];
	[sflag:s3] =	ssyncadd.s32 $0xFFFFFF00;
	s0 =	sshrl.u32 s11, $0x3  }
0x30e: {  	[hbm:s1], [sflag:s7] =	dma.local [spmem:s0], $0x100  }
0x30f: {  	_ =	swait.ge [sflag:s3], $0x100  }
0x310: {  	s4 =	sld [smem:$0x7DD];
	_ =	sdelay $0x1  }
0x311: {  	[sflag:s3] =	ssyncset.done $0x0  }
0x312: {  	s9 =	rddreg [dreg:$0x1a];
	[sflag:s3] =	ssyncadd.s32 $0xFFFFFF00;
	s6 =	sshrl.u32 s4, $0x3  }
0x313: {  	[hbm:s9], [sflag:s7] =	dma.local [spmem:s6], $0x100  }
0x314: {  	_ =	swait.ge [sflag:s3], $0x100  }
0x315: {  	s11 =	sld [smem:$0x7DF];
	_ =	sdelay $0x1  }
0x316: {  	[sflag:s3] =	ssyncset.done $0x0  }
0x317: {  	s1 =	rddreg [dreg:$0x1b];
	[sflag:s3] =	ssyncadd.s32 $0xFFFFFF00;
	s0 =	sshrl.u32 s11, $0x3  }
0x318: {  	[hbm:s1], [sflag:s7] =	dma.local [spmem:s0], $0x100  }
0x319: {  	_ =	swait.ge [sflag:s3], $0x100  }
0x31a: {  	s4 =	sld [smem:$0x7E1];
	_ =	sdelay $0x1  }
0x31b: {  	[sflag:s3] =	ssyncset.done $0x0  }
0x31c: {  	s9 =	rddreg [dreg:$0x1c];
	[sflag:s3] =	ssyncadd.s32 $0xFFFFFF00;
	s6 =	sshrl.u32 s4, $0x3  }
0x31d: {  	[hbm:s9], [sflag:s7] =	dma.local [spmem:s6], $0x100  }
0x31e: {  	_ =	swait.ge [sflag:s3], $0x100  }
0x31f: {  	s11 =	sld [smem:$0x7E2];
	_ =	sdelay $0x1  }
0x320: {  	[sflag:s3] =	ssyncset.done $0x0  }
0x321: {  	s4 =	rddreg [dreg:$0x1d];
	[sflag:s3] =	ssyncadd.s32 $0xFFFFFF00;
	s1 =	sshrl.u32 s11, $0x3  }
0x322: {  	[hbm:s4], [sflag:s7] =	dma.local [spmem:s1], $0x100  }
0x323: {  	_ =	swait.ge [sflag:s3], $0x100  }
0x324: {  	s0 =	sld [smem:$0x7F6];
	_ =	sdelay $0x1  }
0x325: {  	[sflag:s3] =	ssyncset.done $0x0  }
0x326: {  	s9 =	rddreg [dreg:$0x1e];
	[sflag:s3] =	ssyncadd.s32 $0xFFFFFF00;
	s6 =	sshrl.u32 s0, $0x3  }
0x327: {  	[hbm:s9], [sflag:s7] =	dma.local [spmem:s6], $0x100  }
0x328: {  	_ =	swait.ge [sflag:s3], $0x100  }
0x329: {  	s1 =	smov.u32 s12;
	s12 =	sld [smem:$0x7F7];
	_ =	sdelay $0x1  }
0x32a: {  	[sflag:s3] =	ssyncset.done $0x0  }
0x32b: {  	s11 =	rddreg [dreg:$0x1f];
	[sflag:s3] =	ssyncadd.s32 $0xFFFFFF00;
	s10 =	sshrl.u32 s12, $0x3  }
0x32c: {  	[hbm:s11], [sflag:s7] =	dma.local [spmem:s10], $0x100  }
0x32d: {  	_ =	swait.ge [sflag:s3], $0x100  }
0x32e: {  	s6 =	sld [smem:$0x7F8]  }
0x32f: {  	s9 =	sld [smem:$0x7A9]  }
0x330: {  	[sflag:s3] =	ssyncset.done $0x0  }
0x331: {  	[sflag:s3] =	ssyncadd.s32 $0xFFFFFF00;
	s4 =	sshrl.u32 s6, $0x3  }
0x332: {  	[hbm:s9], [sflag:s7] =	dma.local [spmem:s4], $0x100  }
0x333: {  	_ =	swait.ge [sflag:s3], $0x100  }
0x334: {  	s9 =	sld [smem:$0x7F9]  }
0x335: {  	s4 =	sld [smem:$0x7AC]  }
0x336: {  	[sflag:s3] =	ssyncset.done $0x0  }
0x337: {  	[sflag:s3] =	ssyncadd.s32 $0xFFFFFF00;
	s11 =	sshrl.u32 s9, $0x3  }
0x338: {  	[hbm:s4], [sflag:s7] =	dma.local [spmem:s11], $0x100  }
0x339: {  	_ =	swait.ge [sflag:s3], $0x100  }
0x33a: {  	s30 =	sld [smem:$0x7FA]  }
0x33b: {  	s4 =	sld [smem:$0x7AD]  }
0x33c: {  	[sflag:s3] =	ssyncset.done $0x0  }
0x33d: {  	[sflag:s3] =	ssyncadd.s32 $0xFFFFFF00;
	s11 =	sshrl.u32 s30, $0x3  }
0x33e: {  	[hbm:s4], [sflag:s7] =	dma.local [spmem:s11], $0x100  }
0x33f: {  	_ =	swait.ge [sflag:s3], $0x100  }
0x340: {  	s11 =	sld [smem:$0x7FB]  }
0x341: {  	s4 =	sld [smem:$0x7AE]  }
0x342: {  	[sflag:s3] =	ssyncset.done $0x0  }
0x343: {  	[sflag:s3] =	ssyncadd.s32 $0xFFFFFF00;
	s10 =	sshrl.u32 s11, $0x3  }
0x344: {  	[hbm:s4], [sflag:s7] =	dma.local [spmem:s10], $0x100  }
0x345: {  	_ =	swait.ge [sflag:s3], $0x100  }
0x346: {  	s4 =	sld [smem:$0x7FC]  }
0x347: {  	s10 =	sld [smem:$0x7B1]  }
0x348: {  	[sflag:s3] =	ssyncset.done $0x0  }
0x349: {  	[sflag:s3] =	ssyncadd.s32 $0xFFFFFF00;
	s8 =	sshrl.u32 s4, $0x3  }
0x34a: {  	[hbm:s10], [sflag:s7] =	dma.local [spmem:s8], $0x100  }
0x34b: {  	_ =	swait.ge [sflag:s3], $0x100  }
0x34c: {  	s31 =	sld [smem:$0x7FD]  }
0x34d: {  	s10 =	sld [smem:$0x7B2]  }
0x34e: {  	[sflag:s3] =	ssyncset.done $0x0  }
0x34f: {  	[sflag:s3] =	ssyncadd.s32 $0xFFFFFF00;
	s8 =	sshrl.u32 s31, $0x3  }
0x350: {  	[hbm:s10], [sflag:s7] =	dma.local [spmem:s8], $0x100  }
0x351: {  	_ =	swait.ge [sflag:s3], $0x100  }
0x352: {  	s10 =	sld [smem:$0x7E3];
	_ =	sdelay $0x2  }
0x353: {  	s8 =	sshrl.u32 s10, $0x3;
	s10 =	sld [smem:$0x7B3]  }
0x354: {  	[sflag:s3] =	ssyncset.done $0x0  }
0x355: {  	[sflag:s3] =	ssyncadd.s32 $0xFFFFFF00  }
0x356: {  	[hbm:s10], [sflag:s7] =	dma.local [spmem:s8], $0x100  }
0x357: {  	_ =	swait.ge [sflag:s3], $0x100  }
0x358: {  	s10 =	sld [smem:$0x7E6];
	_ =	sdelay $0x2  }
0x359: {  	s8 =	sshrl.u32 s10, $0x3;
	s10 =	sld [smem:$0x7B6]  }
0x35a: {  	[sflag:s3] =	ssyncset.done $0x0  }
0x35b: {  	[sflag:s3] =	ssyncadd.s32 $0xFFFFFF00  }
0x35c: {  	[hbm:s10], [sflag:s7] =	dma.local [spmem:s8], $0x100  }
0x35d: {  	_ =	swait.ge [sflag:s3], $0x100  }
0x35e: {  	s10 =	sld [smem:$0x7E7];
	_ =	sdelay $0x2  }
0x35f: {  	s8 =	sshrl.u32 s10, $0x3;
	s10 =	sld [smem:$0x7B7]  }
0x360: {  	[sflag:s3] =	ssyncset.done $0x0  }
0x361: {  	[sflag:s3] =	ssyncadd.s32 $0xFFFFFF00  }
0x362: {  	[hbm:s10], [sflag:s7] =	dma.local [spmem:s8], $0x100  }
0x363: {  	_ =	swait.ge [sflag:s3], $0x100  }
0x364: {  	s10 =	sld [smem:$0x7E8];
	_ =	sdelay $0x2  }
0x365: {  	s8 =	sshrl.u32 s10, $0x3;
	s10 =	sld [smem:$0x7B8]  }
0x366: {  	[sflag:s3] =	ssyncset.done $0x0  }
0x367: {  	[sflag:s3] =	ssyncadd.s32 $0xFFFFFF00  }
0x368: {  	[hbm:s10], [sflag:s7] =	dma.local [spmem:s8], $0x100  }
0x369: {  	_ =	swait.ge [sflag:s3], $0x100  }
0x36a: {  	s10 =	sld [smem:$0x7E9];
	_ =	sdelay $0x2  }
0x36b: {  	s8 =	sshrl.u32 s10, $0x3;
	s10 =	sld [smem:$0x7BA]  }
0x36c: {  	[sflag:s3] =	ssyncset.done $0x0  }
0x36d: {  	[sflag:s3] =	ssyncadd.s32 $0xFFFFFF00  }
0x36e: {  	[hbm:s10], [sflag:s7] =	dma.local [spmem:s8], $0x100  }
0x36f: {  	_ =	swait.ge [sflag:s3], $0x100  }
0x370: {  	s10 =	sld [smem:$0x7EB];
	_ =	sdelay $0x2  }
0x371: {  	s8 =	sshrl.u32 s10, $0x3;
	s10 =	sld [smem:$0x7BC]  }
0x372: {  	[sflag:s3] =	ssyncset.done $0x0  }
0x373: {  	[sflag:s3] =	ssyncadd.s32 $0xFFFFFF00  }
0x374: {  	[hbm:s10], [sflag:s7] =	dma.local [spmem:s8], $0x100  }
0x375: {  	_ =	swait.ge [sflag:s3], $0x100  }
0x376: {  	s10 =	sld [smem:$0x7EC];
	_ =	sdelay $0x2  }
0x377: {  	s8 =	sshrl.u32 s10, $0x3;
	s10 =	sld [smem:$0x7BD]  }
0x378: {  	[sflag:s3] =	ssyncset.done $0x0  }
0x379: {  	[sflag:s3] =	ssyncadd.s32 $0xFFFFFF00  }
0x37a: {  	[hbm:s10], [sflag:s7] =	dma.local [spmem:s8], $0x100  }
0x37b: {  	_ =	swait.ge [sflag:s3], $0x100  }
0x37c: {  	s8 =	smov.u32 s0;
	s0 =	sld [smem:$0x7A4];
	_ =	sdelay $0x2  }
0x37d: {  	s7 =	sadd.s32 $0x1, s0;
	s0 =	sld [smem:$0x7F3];
	_ =	sdelay $0x2  }
0x37e: {  	p0 =	sne.s32 s7, s0  }
.Ltmp5:
0x37f: {  	_ = 	snop;
	(pc) =	sbr.rel @p0 .LBB2_1-.Ltmp5, $4  }
0x380: {  	s13 =	smov.u32 s21;
	s14 =	smov.u32 s22;
	s16 =	smov.u32 s23  }
0x381: {  	s17 =	smov.u32 s25;
	s18 =	smov.u32 s26;
	s19 =	smov.u32 s28  }
0x382: {  	s20 =	smov.u32 s29;
	s10 =	smov.u32 s12;
	[sflag:s3] =	ssyncset.done $0x0  }
0x383: {  	s12 =	smov.u32 s1;
	s1 =	simm.s32 $0x0;
	[sflag:s3] =	ssyncadd.s32 $0xFFFFFF00  }
0x384: {  	_ =	sfence.sel $0x180000  }
0x385: {  	[bflag:$0x0] =	sbarrier.arrive $0xFFFF  }
0x386: {  	_ =	strace $0x90000047  }
0x387: {  	s0 =	stileid.u32;
	[bflag:$0x2] =	sbarrier.arrive $0xFFFF  }
0x388: {  	p0 =	sne.s32 s0, $0x0;
	s0 =	rddreg [dreg:$0x4]  }
0x389: {  	s0 =	sadd.s32 @!p0 $0x100000, s0  }
0x38a: {  	[sflag:s0] =	ssyncadd.tile.s32 @!p0 $0x1;
	_ =	shalt  }
.Lfunc_end2:
_tile_overlayer_lowered:
.L_overlay_start_2:
0x38b: {  	(tag) =	ssettag $0x2  }
0x38c: {  	s0 =	rddreg [dreg:$0x0];
	s2 =	stileid.u32  }
0x38d: {  	s1 =	rddreg [dreg:$0x1];
	p0 =	sne.s32 s2, $0x0  }
0x38e: {  	s3 =	rddreg [dreg:$0x2];
	[bflag:$0x3] =	sbarrier.arrive $0xFFFF;
	s2 =	simm.s32 @!p0 $0x1C0B  }
0x38f: {  	[timem:s3], [sflag:s2] =	dma.local @!p0 [hbm:s0], s1  }
0x390: {  	s0 =	simm.s32 @!p0 $0xB  }
0x391: {  	_ =	swait.ge @!p0 [sflag:s0], s1  }
0x392: {  	s1 =	ssub.s32 @!p0 $0x0, s1;
	[sflag:s0] =	ssyncset.done @!p0 $0x0  }
0x393: {  	[sflag:s0] =	ssyncadd.s32 @!p0 s1  }
0x394: {  	[bflag:$0x3] =	sbarrier.arrive $0xFFFF  }
0x395: {  	_ =	shalt  }

</sc_bundles>
